<compile_context>
chip_gen: v7x
topology: tpu7x:2x2x1
jax: 0.10.2.dev20260603
libtpu: 0.0.44.dev20260713+nightly
codegen_flags: <defaults>
</compile_context>

<pallas_src>
import jax
import jax.numpy as jnp
from jax import lax
from jax.experimental import pallas as pl
from jax.experimental.pallas import tpu as pltpu
from jax.experimental.pallas import tpu_sc as plsc

BATCH = 16384
DIM = 32
LANES = 16
NUM_WORKERS = 32
ROWS_PER_W = BATCH // NUM_WORKERS
NGROUP = ROWS_PER_W // LANES
RING = 8
LAG = 8


def _sc_body(uidx_hbm, iidx_hbm, ttu_hbm, tti_hbm, w_hbm, b_hbm, dummy_hbm,
             out_hbm,
             uidx_v, iidx_v, ubufw, ibufw, wv_v, bv_v, tbuf, outv,
             *sems):
    nc = 2
    wid = lax.axis_index("s") * nc + lax.axis_index("c")

    pltpu.sync_copy(uidx_hbm.at[pl.ds(wid * 4, 4)], uidx_v)
    pltpu.sync_copy(iidx_hbm.at[pl.ds(wid * 4, 4)], iidx_v)
    pltpu.sync_copy(w_hbm, wv_v)
    pltpu.sync_copy(b_hbm, bv_v)

    lanes = lax.iota(jnp.int32, LANES)
    wv0 = wv_v[pl.ds(0, LANES)]
    wv1 = wv_v[pl.ds(LANES, LANES)]

    def issue(slot, ur, ir):
        uc0 = pl.multiple_of((ur // 128) * 128, 128)
        ic0 = pl.multiple_of((ir // 128) * 128, 128)
        pltpu.async_copy(ttu_hbm.at[:, pl.ds(uc0, 128)],
                         ubufw.at[slot], sems[slot])
        pltpu.async_copy(tti_hbm.at[:, pl.ds(ic0, 128)],
                         ibufw.at[slot], sems[slot])

    def finish(slot, f, ur, ir):
        pltpu.make_async_copy(dummy_hbm, ubufw.at[slot], sems[slot]).wait()
        pltpu.make_async_copy(dummy_hbm, ibufw.at[slot], sems[slot]).wait()
        sv = jnp.full((LANES,), slot, jnp.int32)
        cu = jnp.full((LANES,), lax.rem(ur, 128), jnp.int32)
        ci = jnp.full((LANES,), lax.rem(ir, 128), jnp.int32)
        gu0 = plsc.load_gather(ubufw, [sv, lanes, cu])
        gu1 = plsc.load_gather(ubufw, [sv, lanes + LANES, cu])
        gi0 = plsc.load_gather(ibufw, [sv, lanes, ci])
        gi1 = plsc.load_gather(ibufw, [sv, lanes + LANES, ci])
        t = gu0 * gi0 * wv0 + gu1 * gi1 * wv1
        tbuf[f // 8, pl.ds(lax.rem(f, 8) * LANES, LANES)] = t

    def group_body(g, carry):
        puvec, pivec = carry
        f0 = g * LANES
        row = f0 // 128
        col = lax.rem(f0, 128)
        uvec = uidx_v[row, pl.ds(col, LANES)]
        ivec = iidx_v[row, pl.ds(col, LANES)]
        for k in range(LANES):
            slot = k % RING
            fslot = (k - LAG) % RING
            if k >= LAG:
                finish(fslot, f0 + k - LAG, uvec[k - LAG], ivec[k - LAG])
            else:
                @pl.when(g > 0)
                def _fin(fslot=fslot, k=k, puvec=puvec, pivec=pivec):
                    finish(fslot, f0 + k - LAG,
                           puvec[LANES - LAG + k], pivec[LANES - LAG + k])
            issue(slot, uvec[k], ivec[k])
        return uvec, ivec

    zero16 = jnp.zeros((LANES,), jnp.int32)
    luvec, livec = lax.fori_loop(0, NGROUP, group_body, (zero16, zero16))

    for k in range(LAG):
        finish((LANES - LAG + k) % RING, ROWS_PER_W - LAG + k,
               luvec[LANES - LAG + k], livec[LANES - LAG + k])

    def sig_body(j, carry):
        rows = j * LANES + lanes
        rr = rows // 8
        rc = lax.rem(rows, 8) * LANES
        x = bv_v[:]
        for l in range(LANES):
            x = x + plsc.load_gather(tbuf, [rr, rc + l])
        outv[pl.ds(j * LANES, LANES)] = 1.0 / (1.0 + jnp.exp(-x))
        return carry

    lax.fori_loop(0, ROWS_PER_W // LANES, sig_body, 0)

    pltpu.sync_copy(outv, out_hbm.at[pl.ds(wid * ROWS_PER_W, ROWS_PER_W)])


@jax.jit
def _run(uidx2, iidx2, ttu, tti, w32, b16, dummy):
    mesh = plsc.VectorSubcoreMesh(core_axis_name="c", subcore_axis_name="s",
                                  num_cores=2, num_subcores=16)
    scratch = [
        pltpu.VMEM((4, 128), jnp.int32),
        pltpu.VMEM((4, 128), jnp.int32),
        pltpu.VMEM((RING, DIM, 128), jnp.float32),
        pltpu.VMEM((RING, DIM, 128), jnp.float32),
        pltpu.VMEM((DIM,), jnp.float32),
        pltpu.VMEM((LANES,), jnp.float32),
        pltpu.VMEM((ROWS_PER_W // 8, 128), jnp.float32),
        pltpu.VMEM((ROWS_PER_W,), jnp.float32),
    ] + [pltpu.SemaphoreType.DMA] * RING
    fn = pl.kernel(
        _sc_body,
        out_type=jax.ShapeDtypeStruct((BATCH,), jnp.float32),
        mesh=mesh,
        scratch_types=scratch,
        compiler_params=pltpu.CompilerParams(needs_layout_passes=False),
    )
    return fn(uidx2, iidx2, ttu, tti, w32, b16, dummy)


def kernel(user_indices, item_indices, user_table, item_table, W, b):
    uidx2 = user_indices.astype(jnp.int32).reshape(128, 128)
    iidx2 = item_indices.astype(jnp.int32).reshape(128, 128)
    ttu = user_table.T
    tti = item_table.T
    w32 = W.reshape(DIM)
    b16 = jnp.broadcast_to(b.reshape(1), (LANES,)).astype(jnp.float32)
    dummy = jnp.zeros((DIM, 128), jnp.float32)
    out = _run(uidx2, iidx2, ttu, tti, w32, b16, dummy)
    return out.reshape(BATCH, 1)

# --- scband reference (transcript-rebuilt; emitter-appended) ---
"""Pipeline reference for scband-matrix-factorization-84421877170764 (READ-ONLY COPY).

The authoritative reference and input builder live on the scoring server;
editing this copy changes nothing except your own understanding.
"""

import jax, jax.numpy as jnp
import numpy as np

NUM_USERS = 1000000
NUM_ITEMS = 1000000
DIM_MF = 32
BATCH = 16384

def setup_inputs(seed: int = 0) -> dict:
    key = jax.random.key(seed)
    k1, k2, k3, k4, k5, k6 = jax.random.split(key, 6)
    user_indices = jax.random.randint(k1, (BATCH,), 0, NUM_USERS, dtype=jnp.int64 if jax.config.jax_enable_x64 else jnp.int32)
    item_indices = jax.random.randint(k2, (BATCH,), 0, NUM_ITEMS, dtype=jnp.int64 if jax.config.jax_enable_x64 else jnp.int32)
    user_table = jax.random.normal(k3, (NUM_USERS, DIM_MF), dtype=jnp.float32)
    item_table = jax.random.normal(k4, (NUM_ITEMS, DIM_MF), dtype=jnp.float32)
    # nn.Linear(dim_mf, 1): weight [1, dim_mf], bias [1]
    bound = 1.0 / np.sqrt(DIM_MF)
    W = jax.random.uniform(k5, (1, DIM_MF), minval=-bound, maxval=bound, dtype=jnp.float32)
    b = jax.random.uniform(k6, (1,), minval=-bound, maxval=bound, dtype=jnp.float32)
    return {"user_indices": user_indices, "item_indices": item_indices,
            "user_table": user_table, "item_table": item_table, "W": W, "b": b}

def reference(user_indices, item_indices, user_table, item_table, W, b):
    user_embedding = jnp.take(user_table, user_indices, axis=0)
    item_embedding = jnp.take(item_table, item_indices, axis=0)
    element_product = user_embedding * item_embedding
    output = element_product @ W.T + b
    output = jax.nn.sigmoid(output)
    return output

if __name__ == "__main__":
    import jax
    _d = setup_inputs()
    print(jax.jit(kernel)(*tuple(_d.values())))

</pallas_src>

<mosaic_0001>
#map = affine_map<(d0, d1) -> (0, 0)>
#map1 = affine_map<(d0, d1) -> (0)>
module attributes {stable_mosaic.version = 14 : i64} {
  func.func @_sc_body(%arg0: i32, %arg1: i32, %arg2: memref<128x128xi32, #tpu.memory_space<hbm>>, %arg3: memref<128x128xi32, #tpu.memory_space<hbm>>, %arg4: memref<32x1000000xf32, #tpu.memory_space<hbm>>, %arg5: memref<32x1000000xf32, #tpu.memory_space<hbm>>, %arg6: memref<32xf32, #tpu.memory_space<hbm>>, %arg7: memref<16xf32, #tpu.memory_space<hbm>>, %arg8: memref<32x128xf32, #tpu.memory_space<hbm>>, %arg9: memref<16384xf32, #tpu.memory_space<hbm>>, %arg10: memref<4x128xi32, #tpu.memory_space<vmem>>, %arg11: memref<4x128xi32, #tpu.memory_space<vmem>>, %arg12: memref<8x32x128xf32, #tpu.memory_space<vmem>>, %arg13: memref<8x32x128xf32, #tpu.memory_space<vmem>>, %arg14: memref<32xf32, #tpu.memory_space<vmem>>, %arg15: memref<16xf32, #tpu.memory_space<vmem>>, %arg16: memref<64x128xf32, #tpu.memory_space<vmem>>, %arg17: memref<512xf32, #tpu.memory_space<vmem>>, %arg18: memref<!tpu.dma_semaphore, #tpu.memory_space<semaphore_mem>>, %arg19: memref<!tpu.dma_semaphore, #tpu.memory_space<semaphore_mem>>, %arg20: memref<!tpu.dma_semaphore, #tpu.memory_space<semaphore_mem>>, %arg21: memref<!tpu.dma_semaphore, #tpu.memory_space<semaphore_mem>>, %arg22: memref<!tpu.dma_semaphore, #tpu.memory_space<semaphore_mem>>, %arg23: memref<!tpu.dma_semaphore, #tpu.memory_space<semaphore_mem>>, %arg24: memref<!tpu.dma_semaphore, #tpu.memory_space<semaphore_mem>>, %arg25: memref<!tpu.dma_semaphore, #tpu.memory_space<semaphore_mem>>) attributes {dimension_semantics = [#tpu.dimension_semantics<core_parallel>, #tpu.dimension_semantics<subcore_parallel>], iteration_bounds = array<i64: 2, 16>, scalar_prefetch = 0 : i64, scratch_operands = 16 : i64, tpu.core_type = #tpu.core_type<sc_vector_subcore>, window_params = [{transform_indices = #map}, {transform_indices = #map}, {transform_indices = #map}, {transform_indices = #map}, {transform_indices = #map1}, {transform_indices = #map1}, {transform_indices = #map}, {transform_indices = #map1}]} {
    %mul3A = arith.constant 2 : i32
    %mul3A_0 = arith.muli %arg1, %mul3A : i32
    %add3A = arith.addi %mul3A_0, %arg0 : i32
    %mul3A_1 = arith.constant 4 : i32
    %mul3A_2 = arith.muli %add3A, %mul3A_1 : i32
    "tpu.region"() ({
      %run_scoped3A = tpu.sem_alloc : memref<!tpu.dma_semaphore, #tpu.memory_space<semaphore_mem>>
      %dma_start3A = arith.constant 0 : i32
      %dma_start3A_448 = tpu.memref_slice %arg2[%mul3A_2, %dma_start3A] : memref<128x128xi32, #tpu.memory_space<hbm>> -> memref<4x128xi32, #tpu.memory_space<hbm>>
      %dma_start3A_449 = arith.constant 0 : i32
      %dma_start3A_450 = tpu.memref_slice %arg2[%mul3A_2, %dma_start3A_449] : memref<128x128xi32, #tpu.memory_space<hbm>> -> memref<4x128xi32, #tpu.memory_space<hbm>>
      tpu.enqueue_dma source(%dma_start3A_450 : memref<4x128xi32, #tpu.memory_space<hbm>>) target(%arg10 : memref<4x128xi32, #tpu.memory_space<vmem>>) target_semaphore(%run_scoped3A : memref<!tpu.dma_semaphore, #tpu.memory_space<semaphore_mem>>)
      %dma_wait3A_451 = arith.constant 0 : i32
      %dma_wait3A_452 = tpu.memref_slice %arg2[%mul3A_2, %dma_wait3A_451] : memref<128x128xi32, #tpu.memory_space<hbm>> -> memref<4x128xi32, #tpu.memory_space<hbm>>
      %dma_wait3A_453 = arith.constant 0 : i32
      %dma_wait3A_454 = tpu.memref_slice %arg2[%mul3A_2, %dma_wait3A_453] : memref<128x128xi32, #tpu.memory_space<hbm>> -> memref<4x128xi32, #tpu.memory_space<hbm>>
      tpu.wait_dma2 semaphore(%run_scoped3A : memref<!tpu.dma_semaphore, #tpu.memory_space<semaphore_mem>>) src(%dma_wait3A_454 : memref<4x128xi32, #tpu.memory_space<hbm>>) dst(%arg10 : memref<4x128xi32, #tpu.memory_space<vmem>>)
      tpu.yield
    }) : () -> ()
    %mul3A_3 = arith.constant 4 : i32
    %mul3A_4 = arith.muli %add3A, %mul3A_3 : i32
    "tpu.region"() ({
      %run_scoped3A = tpu.sem_alloc : memref<!tpu.dma_semaphore, #tpu.memory_space<semaphore_mem>>
      %dma_start3A = arith.constant 0 : i32
      %dma_start3A_448 = tpu.memref_slice %arg3[%mul3A_4, %dma_start3A] : memref<128x128xi32, #tpu.memory_space<hbm>> -> memref<4x128xi32, #tpu.memory_space<hbm>>
      %dma_start3A_449 = arith.constant 0 : i32
      %dma_start3A_450 = tpu.memref_slice %arg3[%mul3A_4, %dma_start3A_449] : memref<128x128xi32, #tpu.memory_space<hbm>> -> memref<4x128xi32, #tpu.memory_space<hbm>>
      tpu.enqueue_dma source(%dma_start3A_450 : memref<4x128xi32, #tpu.memory_space<hbm>>) target(%arg11 : memref<4x128xi32, #tpu.memory_space<vmem>>) target_semaphore(%run_scoped3A : memref<!tpu.dma_semaphore, #tpu.memory_space<semaphore_mem>>)
      %dma_wait3A_451 = arith.constant 0 : i32
      %dma_wait3A_452 = tpu.memref_slice %arg3[%mul3A_4, %dma_wait3A_451] : memref<128x128xi32, #tpu.memory_space<hbm>> -> memref<4x128xi32, #tpu.memory_space<hbm>>
      %dma_wait3A_453 = arith.constant 0 : i32
      %dma_wait3A_454 = tpu.memref_slice %arg3[%mul3A_4, %dma_wait3A_453] : memref<128x128xi32, #tpu.memory_space<hbm>> -> memref<4x128xi32, #tpu.memory_space<hbm>>
      tpu.wait_dma2 semaphore(%run_scoped3A : memref<!tpu.dma_semaphore, #tpu.memory_space<semaphore_mem>>) src(%dma_wait3A_454 : memref<4x128xi32, #tpu.memory_space<hbm>>) dst(%arg11 : memref<4x128xi32, #tpu.memory_space<vmem>>)
      tpu.yield
    }) : () -> ()
    "tpu.region"() ({
      %run_scoped3A = tpu.sem_alloc : memref<!tpu.dma_semaphore, #tpu.memory_space<semaphore_mem>>
      tpu.enqueue_dma source(%arg6 : memref<32xf32, #tpu.memory_space<hbm>>) target(%arg14 : memref<32xf32, #tpu.memory_space<vmem>>) target_semaphore(%run_scoped3A : memref<!tpu.dma_semaphore, #tpu.memory_space<semaphore_mem>>)
      tpu.wait_dma2 semaphore(%run_scoped3A : memref<!tpu.dma_semaphore, #tpu.memory_space<semaphore_mem>>) src(%arg6 : memref<32xf32, #tpu.memory_space<hbm>>) dst(%arg14 : memref<32xf32, #tpu.memory_space<vmem>>)
      tpu.yield
    }) : () -> ()
    "tpu.region"() ({
      %run_scoped3A = tpu.sem_alloc : memref<!tpu.dma_semaphore, #tpu.memory_space<semaphore_mem>>
      tpu.enqueue_dma source(%arg7 : memref<16xf32, #tpu.memory_space<hbm>>) target(%arg15 : memref<16xf32, #tpu.memory_space<vmem>>) target_semaphore(%run_scoped3A : memref<!tpu.dma_semaphore, #tpu.memory_space<semaphore_mem>>)
      tpu.wait_dma2 semaphore(%run_scoped3A : memref<!tpu.dma_semaphore, #tpu.memory_space<semaphore_mem>>) src(%arg7 : memref<16xf32, #tpu.memory_space<hbm>>) dst(%arg15 : memref<16xf32, #tpu.memory_space<vmem>>)
      tpu.yield
    }) : () -> ()
    %iota3A = tpu.iota {dimensions = array<i32: 0>} : vector<16xi32>
    %get3A = arith.constant 0 : index
    %get3A_5 = tpu.vector_load %arg14[%get3A] {strides = array<i32>} : memref<32xf32, #tpu.memory_space<vmem>>, vector<16xf32>,
    %get3A_6 = arith.constant 16 : index
    %get3A_7 = tpu.vector_load %arg14[%get3A_6] {strides = array<i32>} : memref<32xf32, #tpu.memory_space<vmem>>, vector<16xf32>,
    %broadcast_in_dim3A = arith.constant 0 : i32
    %broadcast_in_dim3A_8 = vector.broadcast %broadcast_in_dim3A : i32 to vector<16xi32>
    %scan3A = arith.constant 0 : i32
    %scan3A_9 = arith.constant 32 : i32
    %scan3A_10 = arith.addi %scan3A, %scan3A_9 : i32
    %scan3A_11 = arith.constant 1 : i32
    %scan3A_12:2 = scf.for %scan3A_448 = %scan3A to %scan3A_10 step %scan3A_11 iter_args(%scan3A_449 = %broadcast_in_dim3A_8, %scan3A_450 = %broadcast_in_dim3A_8) -> (vector<16xi32>, vector<16xi32>)  : i32 {
      %mul3A_451 = arith.constant 16 : i32
      %mul3A_452 = arith.muli %scan3A_448, %mul3A_451 : i32
      %jit3A = arith.constant 128 : i32
      %div3A = arith.divsi %mul3A_452, %jit3A : i32
      %sign3A = arith.constant 0 : i32
      %sign3A_453 = arith.cmpi sgt, %mul3A_452, %sign3A : i32
      %sign3A_454 = arith.extui %sign3A_453 : i1 to i32
      %sign3A_455 = arith.constant 0 : i32
      %sign3A_456 = arith.cmpi slt, %mul3A_452, %sign3A_455 : i32
      %sign3A_457 = arith.extui %sign3A_456 : i1 to i32
      %sign3A_458 = arith.subi %sign3A_454, %sign3A_457 : i32
      %sign3A_459 = arith.constant 0 : i32
      %sign3A_460 = arith.cmpi sgt, %jit3A, %sign3A_459 : i32
      %sign3A_461 = arith.extui %sign3A_460 : i1 to i32
      %sign3A_462 = arith.constant 0 : i32
      %sign3A_463 = arith.cmpi slt, %jit3A, %sign3A_462 : i32
      %sign3A_464 = arith.extui %sign3A_463 : i1 to i32
      %sign3A_465 = arith.subi %sign3A_461, %sign3A_464 : i32
      %ne3A = arith.cmpi ne, %sign3A_458, %sign3A_465 : i32
      %rem3A_466 = arith.remsi %mul3A_452, %jit3A : i32
      %ne3A_467 = arith.constant 0 : i32
      %ne3A_468 = arith.cmpi ne, %rem3A_466, %ne3A_467 : i32
      %and3A = arith.andi %ne3A, %ne3A_468 : i1
      %sub3A = arith.constant 1 : i32
      %sub3A_469 = arith.subi %div3A, %sub3A : i32
      %select_n3A = arith.select %and3A, %sub3A_469, %div3A : i32
      %rem3A_470 = arith.constant 128 : i32
      %rem3A_471 = arith.remsi %mul3A_452, %rem3A_470 : i32
      %get3A_472 = arith.index_cast %select_n3A : i32 to index
      %get3A_473 = arith.index_cast %rem3A_471 : i32 to index
      %get3A_474 = tpu.vector_load %arg10[%get3A_472, %get3A_473] {strides = array<i32>} : memref<4x128xi32, #tpu.memory_space<vmem>>, vector<16xi32>,
      %get3A_475 = arith.index_cast %select_n3A : i32 to index
      %get3A_476 = arith.index_cast %rem3A_471 : i32 to index
      %get3A_477 = tpu.vector_load %arg11[%get3A_475, %get3A_476] {strides = array<i32>} : memref<4x128xi32, #tpu.memory_space<vmem>>, vector<16xi32>,
      %gt3A = arith.constant 0 : i32
      %gt3A_478 = arith.cmpi sgt, %scan3A_448, %gt3A : i32
      %convert_element_type3A = arith.extui %gt3A_478 : i1 to i32
      %cond3A = arith.constant 0 : i32
      %cond3A_479 = arith.cmpi ne, %convert_element_type3A, %cond3A : i32
      scf.if %cond3A_479 {
        %add3A_2497 = arith.constant 0 : i32
        %add3A_2498 = arith.addi %mul3A_452, %add3A_2497 : i32
        %sub3A_2499 = arith.constant 8 : i32
        %sub3A_2500 = arith.subi %add3A_2498, %sub3A_2499 : i32
        %slice3A_2501 = vector.extract_strided_slice %scan3A_449 {offsets = [8], sizes = [1], strides = [1]} : vector<16xi32> to vector<1xi32>
        %squeeze3A_2502 = vector.extract %slice3A_2501[0] : i32 from vector<1xi32>
        %slice3A_2503 = vector.extract_strided_slice %scan3A_450 {offsets = [8], sizes = [1], strides = [1]} : vector<16xi32> to vector<1xi32>
        %squeeze3A_2504 = vector.extract %slice3A_2503[0] : i32 from vector<1xi32>
        %dma_wait3A_2505 = arith.constant 0 : i32
        %dma_wait3A_2506 = arith.constant 0 : i32
        %dma_wait3A_2507 = arith.constant 0 : i32
        %dma_wait3A_2508 = tpu.memref_slice %arg12[%dma_wait3A_2505, %dma_wait3A_2506, %dma_wait3A_2507] : memref<8x32x128xf32, #tpu.memory_space<vmem>> -> memref<1x32x128xf32, #tpu.memory_space<vmem>>
        %dma_wait3A_2509 = tpu.memref_squeeze %dma_wait3A_2508 : memref<1x32x128xf32, #tpu.memory_space<vmem>> -> memref<32x128xf32, #tpu.memory_space<vmem>>
        %dma_wait3A_2510 = arith.constant 0 : i32
        %dma_wait3A_2511 = arith.constant 0 : i32
        %dma_wait3A_2512 = tpu.memref_slice %arg12[%dma_wait3A_2505, %dma_wait3A_2510, %dma_wait3A_2511] : memref<8x32x128xf32, #tpu.memory_space<vmem>> -> memref<1x32x128xf32, #tpu.memory_space<vmem>>
        %dma_wait3A_2513 = tpu.memref_squeeze %dma_wait3A_2512 : memref<1x32x128xf32, #tpu.memory_space<vmem>> -> memref<32x128xf32, #tpu.memory_space<vmem>>
        tpu.wait_dma2 semaphore(%arg18 : memref<!tpu.dma_semaphore, #tpu.memory_space<semaphore_mem>>) src(%arg8 : memref<32x128xf32, #tpu.memory_space<hbm>>) dst(%dma_wait3A_2513 : memref<32x128xf32, #tpu.memory_space<vmem>>)
        %dma_wait3A_2514 = arith.constant 0 : i32
        %dma_wait3A_2515 = arith.constant 0 : i32
        %dma_wait3A_2516 = arith.constant 0 : i32
        %dma_wait3A_2517 = tpu.memref_slice %arg13[%dma_wait3A_2514, %dma_wait3A_2515, %dma_wait3A_2516] : memref<8x32x128xf32, #tpu.memory_space<vmem>> -> memref<1x32x128xf32, #tpu.memory_space<vmem>>
        %dma_wait3A_2518 = tpu.memref_squeeze %dma_wait3A_2517 : memref<1x32x128xf32, #tpu.memory_space<vmem>> -> memref<32x128xf32, #tpu.memory_space<vmem>>
        %dma_wait3A_2519 = arith.constant 0 : i32
        %dma_wait3A_2520 = arith.constant 0 : i32
        %dma_wait3A_2521 = tpu.memref_slice %arg13[%dma_wait3A_2514, %dma_wait3A_2519, %dma_wait3A_2520] : memref<8x32x128xf32, #tpu.memory_space<vmem>> -> memref<1x32x128xf32, #tpu.memory_space<vmem>>
        %dma_wait3A_2522 = tpu.memref_squeeze %dma_wait3A_2521 : memref<1x32x128xf32, #tpu.memory_space<vmem>> -> memref<32x128xf32, #tpu.memory_space<vmem>>
        tpu.wait_dma2 semaphore(%arg18 : memref<!tpu.dma_semaphore, #tpu.memory_space<semaphore_mem>>) src(%arg8 : memref<32x128xf32, #tpu.memory_space<hbm>>) dst(%dma_wait3A_2522 : memref<32x128xf32, #tpu.memory_space<vmem>>)
        %broadcast_in_dim3A_2523 = arith.constant 0 : i32
        %broadcast_in_dim3A_2524 = vector.broadcast %broadcast_in_dim3A_2523 : i32 to vector<16xi32>
        %rem3A_2525 = arith.constant 128 : i32
        %rem3A_2526 = arith.remsi %squeeze3A_2502, %rem3A_2525 : i32
        %broadcast_in_dim3A_2527 = vector.broadcast %rem3A_2526 : i32 to vector<16xi32>
        %rem3A_2528 = arith.constant 128 : i32
        %rem3A_2529 = arith.remsi %squeeze3A_2504, %rem3A_2528 : i32
        %broadcast_in_dim3A_2530 = vector.broadcast %rem3A_2529 : i32 to vector<16xi32>
        %gather3A_2531 = tpu.vector_load_idx %arg12[%broadcast_in_dim3A_2524, %iota3A, %broadcast_in_dim3A_2527] : memref<8x32x128xf32, #tpu.memory_space<vmem>>[vector<16xi32>, vector<16xi32>, vector<16xi32>], vector<16xf32>,
        %add3A_2532 = arith.constant 16 : i32
        %add3A_2533 = vector.broadcast %add3A_2532 : i32 to vector<16xi32>
        %add3A_2534 = arith.addi %iota3A, %add3A_2533 : vector<16xi32>
        %gather3A_2535 = tpu.vector_load_idx %arg12[%broadcast_in_dim3A_2524, %add3A_2534, %broadcast_in_dim3A_2527] : memref<8x32x128xf32, #tpu.memory_space<vmem>>[vector<16xi32>, vector<16xi32>, vector<16xi32>], vector<16xf32>,
        %gather3A_2536 = tpu.vector_load_idx %arg13[%broadcast_in_dim3A_2524, %iota3A, %broadcast_in_dim3A_2530] : memref<8x32x128xf32, #tpu.memory_space<vmem>>[vector<16xi32>, vector<16xi32>, vector<16xi32>], vector<16xf32>,
        %add3A_2537 = arith.constant 16 : i32
        %add3A_2538 = vector.broadcast %add3A_2537 : i32 to vector<16xi32>
        %add3A_2539 = arith.addi %iota3A, %add3A_2538 : vector<16xi32>
        %gather3A_2540 = tpu.vector_load_idx %arg13[%broadcast_in_dim3A_2524, %add3A_2539, %broadcast_in_dim3A_2530] : memref<8x32x128xf32, #tpu.memory_space<vmem>>[vector<16xi32>, vector<16xi32>, vector<16xi32>], vector<16xf32>,
        %mul3A_2541 = arith.mulf %gather3A_2531, %gather3A_2536 : vector<16xf32>
        %mul3A_2542 = arith.mulf %mul3A_2541, %get3A_5 : vector<16xf32>
        %mul3A_2543 = arith.mulf %gather3A_2535, %gather3A_2540 : vector<16xf32>
        %mul3A_2544 = arith.mulf %mul3A_2543, %get3A_7 : vector<16xf32>
        %add3A_2545 = arith.addf %mul3A_2542, %mul3A_2544 : vector<16xf32>
        %jit3A_2546 = arith.constant 8 : i32
        %div3A_2547 = arith.divsi %sub3A_2500, %jit3A_2546 : i32
        %sign3A_2548 = arith.constant 0 : i32
        %sign3A_2549 = arith.cmpi sgt, %sub3A_2500, %sign3A_2548 : i32
        %sign3A_2550 = arith.extui %sign3A_2549 : i1 to i32
        %sign3A_2551 = arith.constant 0 : i32
        %sign3A_2552 = arith.cmpi slt, %sub3A_2500, %sign3A_2551 : i32
        %sign3A_2553 = arith.extui %sign3A_2552 : i1 to i32
        %sign3A_2554 = arith.subi %sign3A_2550, %sign3A_2553 : i32
        %sign3A_2555 = arith.constant 0 : i32
        %sign3A_2556 = arith.cmpi sgt, %jit3A_2546, %sign3A_2555 : i32
        %sign3A_2557 = arith.extui %sign3A_2556 : i1 to i32
        %sign3A_2558 = arith.constant 0 : i32
        %sign3A_2559 = arith.cmpi slt, %jit3A_2546, %sign3A_2558 : i32
        %sign3A_2560 = arith.extui %sign3A_2559 : i1 to i32
        %sign3A_2561 = arith.subi %sign3A_2557, %sign3A_2560 : i32
        %ne3A_2562 = arith.cmpi ne, %sign3A_2554, %sign3A_2561 : i32
        %rem3A_2563 = arith.remsi %sub3A_2500, %jit3A_2546 : i32
        %ne3A_2564 = arith.constant 0 : i32
        %ne3A_2565 = arith.cmpi ne, %rem3A_2563, %ne3A_2564 : i32
        %and3A_2566 = arith.andi %ne3A_2562, %ne3A_2565 : i1
        %sub3A_2567 = arith.constant 1 : i32
        %sub3A_2568 = arith.subi %div3A_2547, %sub3A_2567 : i32
        %select_n3A_2569 = arith.select %and3A_2566, %sub3A_2568, %div3A_2547 : i32
        %rem3A_2570 = arith.constant 8 : i32
        %rem3A_2571 = arith.remsi %sub3A_2500, %rem3A_2570 : i32
        %mul3A_2572 = arith.constant 16 : i32
        %mul3A_2573 = arith.muli %rem3A_2571, %mul3A_2572 : i32
        %swap3A_2574 = arith.index_cast %select_n3A_2569 : i32 to index
        %swap3A_2575 = arith.index_cast %mul3A_2573 : i32 to index
        %swap3A_2576 = tpu.vector_load %arg16[%swap3A_2574, %swap3A_2575] {strides = array<i32>} : memref<64x128xf32, #tpu.memory_space<vmem>>, vector<16xf32>,
        tpu.vector_store %arg16[%swap3A_2574, %swap3A_2575], %add3A_2545 {strides = array<i32>} : memref<64x128xf32, #tpu.memory_space<vmem>>, vector<16xf32>,
      } else {
      }
      %slice3A_480 = vector.extract_strided_slice %get3A_474 {offsets = [0], sizes = [1], strides = [1]} : vector<16xi32> to vector<1xi32>
      %squeeze3A_481 = vector.extract %slice3A_480[0] : i32 from vector<1xi32>
      %slice3A_482 = vector.extract_strided_slice %get3A_477 {offsets = [0], sizes = [1], strides = [1]} : vector<16xi32> to vector<1xi32>
      %squeeze3A_483 = vector.extract %slice3A_482[0] : i32 from vector<1xi32>
      %jit3A_484 = arith.constant 128 : i32
      %div3A_485 = arith.divsi %squeeze3A_481, %jit3A_484 : i32
      %sign3A_486 = arith.constant 0 : i32
      %sign3A_487 = arith.cmpi sgt, %squeeze3A_481, %sign3A_486 : i32
      %sign3A_488 = arith.extui %sign3A_487 : i1 to i32
      %sign3A_489 = arith.constant 0 : i32
      %sign3A_490 = arith.cmpi slt, %squeeze3A_481, %sign3A_489 : i32
      %sign3A_491 = arith.extui %sign3A_490 : i1 to i32
      %sign3A_492 = arith.subi %sign3A_488, %sign3A_491 : i32
      %sign3A_493 = arith.constant 0 : i32
      %sign3A_494 = arith.cmpi sgt, %jit3A_484, %sign3A_493 : i32
      %sign3A_495 = arith.extui %sign3A_494 : i1 to i32
      %sign3A_496 = arith.constant 0 : i32
      %sign3A_497 = arith.cmpi slt, %jit3A_484, %sign3A_496 : i32
      %sign3A_498 = arith.extui %sign3A_497 : i1 to i32
      %sign3A_499 = arith.subi %sign3A_495, %sign3A_498 : i32
      %ne3A_500 = arith.cmpi ne, %sign3A_492, %sign3A_499 : i32
      %rem3A_501 = arith.remsi %squeeze3A_481, %jit3A_484 : i32
      %ne3A_502 = arith.constant 0 : i32
      %ne3A_503 = arith.cmpi ne, %rem3A_501, %ne3A_502 : i32
      %and3A_504 = arith.andi %ne3A_500, %ne3A_503 : i1
      %sub3A_505 = arith.constant 1 : i32
      %sub3A_506 = arith.subi %div3A_485, %sub3A_505 : i32
      %select_n3A_507 = arith.select %and3A_504, %sub3A_506, %div3A_485 : i32
      %mul3A_508 = arith.constant 128 : i32
      %mul3A_509 = arith.muli %select_n3A_507, %mul3A_508 : i32
      %multiple_of3A = tpu.assume_multiple %mul3A_509, 128 : i32
      %jit3A_510 = arith.constant 128 : i32
      %div3A_511 = arith.divsi %squeeze3A_483, %jit3A_510 : i32
      %sign3A_512 = arith.constant 0 : i32
      %sign3A_513 = arith.cmpi sgt, %squeeze3A_483, %sign3A_512 : i32
      %sign3A_514 = arith.extui %sign3A_513 : i1 to i32
      %sign3A_515 = arith.constant 0 : i32
      %sign3A_516 = arith.cmpi slt, %squeeze3A_483, %sign3A_515 : i32
      %sign3A_517 = arith.extui %sign3A_516 : i1 to i32
      %sign3A_518 = arith.subi %sign3A_514, %sign3A_517 : i32
      %sign3A_519 = arith.constant 0 : i32
      %sign3A_520 = arith.cmpi sgt, %jit3A_510, %sign3A_519 : i32
      %sign3A_521 = arith.extui %sign3A_520 : i1 to i32
      %sign3A_522 = arith.constant 0 : i32
      %sign3A_523 = arith.cmpi slt, %jit3A_510, %sign3A_522 : i32
      %sign3A_524 = arith.extui %sign3A_523 : i1 to i32
      %sign3A_525 = arith.subi %sign3A_521, %sign3A_524 : i32
      %ne3A_526 = arith.cmpi ne, %sign3A_518, %sign3A_525 : i32
      %rem3A_527 = arith.remsi %squeeze3A_483, %jit3A_510 : i32
      %ne3A_528 = arith.constant 0 : i32
      %ne3A_529 = arith.cmpi ne, %rem3A_527, %ne3A_528 : i32
      %and3A_530 = arith.andi %ne3A_526, %ne3A_529 : i1
      %sub3A_531 = arith.constant 1 : i32
      %sub3A_532 = arith.subi %div3A_511, %sub3A_531 : i32
      %select_n3A_533 = arith.select %and3A_530, %sub3A_532, %div3A_511 : i32
      %mul3A_534 = arith.constant 128 : i32
      %mul3A_535 = arith.muli %select_n3A_533, %mul3A_534 : i32
      %multiple_of3A_536 = tpu.assume_multiple %mul3A_535, 128 : i32
      %dma_start3A = arith.constant 0 : i32
      %dma_start3A_537 = arith.constant 0 : i32
      %dma_start3A_538 = arith.constant 0 : i32
      %dma_start3A_539 = tpu.memref_slice %arg12[%dma_start3A, %dma_start3A_537, %dma_start3A_538] : memref<8x32x128xf32, #tpu.memory_space<vmem>> -> memref<1x32x128xf32, #tpu.memory_space<vmem>>
      %dma_start3A_540 = tpu.memref_squeeze %dma_start3A_539 : memref<1x32x128xf32, #tpu.memory_space<vmem>> -> memref<32x128xf32, #tpu.memory_space<vmem>>
      %dma_start3A_541 = arith.constant 0 : i32
      %dma_start3A_542 = tpu.memref_slice %arg4[%dma_start3A_541, %multiple_of3A] : memref<32x1000000xf32, #tpu.memory_space<hbm>> -> memref<32x128xf32, #tpu.memory_space<hbm>>
      %dma_start3A_543 = arith.constant 0 : i32
      %dma_start3A_544 = arith.constant 0 : i32
      %dma_start3A_545 = tpu.memref_slice %arg12[%dma_start3A, %dma_start3A_543, %dma_start3A_544] : memref<8x32x128xf32, #tpu.memory_space<vmem>> -> memref<1x32x128xf32, #tpu.memory_space<vmem>>
      %dma_start3A_546 = tpu.memref_squeeze %dma_start3A_545 : memref<1x32x128xf32, #tpu.memory_space<vmem>> -> memref<32x128xf32, #tpu.memory_space<vmem>>
      %dma_start3A_547 = arith.constant 0 : i32
      %dma_start3A_548 = tpu.memref_slice %arg4[%dma_start3A_547, %multiple_of3A] : memref<32x1000000xf32, #tpu.memory_space<hbm>> -> memref<32x128xf32, #tpu.memory_space<hbm>>
      tpu.enqueue_dma source(%dma_start3A_548 : memref<32x128xf32, #tpu.memory_space<hbm>>) target(%dma_start3A_546 : memref<32x128xf32, #tpu.memory_space<vmem>>) target_semaphore(%arg18 : memref<!tpu.dma_semaphore, #tpu.memory_space<semaphore_mem>>)
      %dma_start3A_549 = arith.constant 0 : i32
      %dma_start3A_550 = arith.constant 0 : i32
      %dma_start3A_551 = arith.constant 0 : i32
      %dma_start3A_552 = tpu.memref_slice %arg13[%dma_start3A_549, %dma_start3A_550, %dma_start3A_551] : memref<8x32x128xf32, #tpu.memory_space<vmem>> -> memref<1x32x128xf32, #tpu.memory_space<vmem>>
      %dma_start3A_553 = tpu.memref_squeeze %dma_start3A_552 : memref<1x32x128xf32, #tpu.memory_space<vmem>> -> memref<32x128xf32, #tpu.memory_space<vmem>>
      %dma_start3A_554 = arith.constant 0 : i32
      %dma_start3A_555 = tpu.memref_slice %arg5[%dma_start3A_554, %multiple_of3A_536] : memref<32x1000000xf32, #tpu.memory_space<hbm>> -> memref<32x128xf32, #tpu.memory_space<hbm>>
      %dma_start3A_556 = arith.constant 0 : i32
      %dma_start3A_557 = arith.constant 0 : i32
      %dma_start3A_558 = tpu.memref_slice %arg13[%dma_start3A_549, %dma_start3A_556, %dma_start3A_557] : memref<8x32x128xf32, #tpu.memory_space<vmem>> -> memref<1x32x128xf32, #tpu.memory_space<vmem>>
      %dma_start3A_559 = tpu.memref_squeeze %dma_start3A_558 : memref<1x32x128xf32, #tpu.memory_space<vmem>> -> memref<32x128xf32, #tpu.memory_space<vmem>>
      %dma_start3A_560 = arith.constant 0 : i32
      %dma_start3A_561 = tpu.memref_slice %arg5[%dma_start3A_560, %multiple_of3A_536] : memref<32x1000000xf32, #tpu.memory_space<hbm>> -> memref<32x128xf32, #tpu.memory_space<hbm>>
      tpu.enqueue_dma source(%dma_start3A_561 : memref<32x128xf32, #tpu.memory_space<hbm>>) target(%dma_start3A_559 : memref<32x128xf32, #tpu.memory_space<vmem>>) target_semaphore(%arg18 : memref<!tpu.dma_semaphore, #tpu.memory_space<semaphore_mem>>)
      %gt3A_562 = arith.constant 0 : i32
      %gt3A_563 = arith.cmpi sgt, %scan3A_448, %gt3A_562 : i32
      %convert_element_type3A_564 = arith.extui %gt3A_563 : i1 to i32
      %cond3A_565 = arith.constant 0 : i32
      %cond3A_566 = arith.cmpi ne, %convert_element_type3A_564, %cond3A_565 : i32
      scf.if %cond3A_566 {
        %add3A_2497 = arith.constant 1 : i32
        %add3A_2498 = arith.addi %mul3A_452, %add3A_2497 : i32
        %sub3A_2499 = arith.constant 8 : i32
        %sub3A_2500 = arith.subi %add3A_2498, %sub3A_2499 : i32
        %slice3A_2501 = vector.extract_strided_slice %scan3A_449 {offsets = [9], sizes = [1], strides = [1]} : vector<16xi32> to vector<1xi32>
        %squeeze3A_2502 = vector.extract %slice3A_2501[0] : i32 from vector<1xi32>
        %slice3A_2503 = vector.extract_strided_slice %scan3A_450 {offsets = [9], sizes = [1], strides = [1]} : vector<16xi32> to vector<1xi32>
        %squeeze3A_2504 = vector.extract %slice3A_2503[0] : i32 from vector<1xi32>
        %dma_wait3A_2505 = arith.constant 1 : i32
        %dma_wait3A_2506 = arith.constant 0 : i32
        %dma_wait3A_2507 = arith.constant 0 : i32
        %dma_wait3A_2508 = tpu.memref_slice %arg12[%dma_wait3A_2505, %dma_wait3A_2506, %dma_wait3A_2507] : memref<8x32x128xf32, #tpu.memory_space<vmem>> -> memref<1x32x128xf32, #tpu.memory_space<vmem>>
        %dma_wait3A_2509 = tpu.memref_squeeze %dma_wait3A_2508 : memref<1x32x128xf32, #tpu.memory_space<vmem>> -> memref<32x128xf32, #tpu.memory_space<vmem>>
        %dma_wait3A_2510 = arith.constant 0 : i32
        %dma_wait3A_2511 = arith.constant 0 : i32
        %dma_wait3A_2512 = tpu.memref_slice %arg12[%dma_wait3A_2505, %dma_wait3A_2510, %dma_wait3A_2511] : memref<8x32x128xf32, #tpu.memory_space<vmem>> -> memref<1x32x128xf32, #tpu.memory_space<vmem>>
        %dma_wait3A_2513 = tpu.memref_squeeze %dma_wait3A_2512 : memref<1x32x128xf32, #tpu.memory_space<vmem>> -> memref<32x128xf32, #tpu.memory_space<vmem>>
        tpu.wait_dma2 semaphore(%arg19 : memref<!tpu.dma_semaphore, #tpu.memory_space<semaphore_mem>>) src(%arg8 : memref<32x128xf32, #tpu.memory_space<hbm>>) dst(%dma_wait3A_2513 : memref<32x128xf32, #tpu.memory_space<vmem>>)
        %dma_wait3A_2514 = arith.constant 1 : i32
        %dma_wait3A_2515 = arith.constant 0 : i32
        %dma_wait3A_2516 = arith.constant 0 : i32
        %dma_wait3A_2517 = tpu.memref_slice %arg13[%dma_wait3A_2514, %dma_wait3A_2515, %dma_wait3A_2516] : memref<8x32x128xf32, #tpu.memory_space<vmem>> -> memref<1x32x128xf32, #tpu.memory_space<vmem>>
        %dma_wait3A_2518 = tpu.memref_squeeze %dma_wait3A_2517 : memref<1x32x128xf32, #tpu.memory_space<vmem>> -> memref<32x128xf32, #tpu.memory_space<vmem>>
        %dma_wait3A_2519 = arith.constant 0 : i32
        %dma_wait3A_2520 = arith.constant 0 : i32
        %dma_wait3A_2521 = tpu.memref_slice %arg13[%dma_wait3A_2514, %dma_wait3A_2519, %dma_wait3A_2520] : memref<8x32x128xf32, #tpu.memory_space<vmem>> -> memref<1x32x128xf32, #tpu.memory_space<vmem>>
        %dma_wait3A_2522 = tpu.memref_squeeze %dma_wait3A_2521 : memref<1x32x128xf32, #tpu.memory_space<vmem>> -> memref<32x128xf32, #tpu.memory_space<vmem>>
        tpu.wait_dma2 semaphore(%arg19 : memref<!tpu.dma_semaphore, #tpu.memory_space<semaphore_mem>>) src(%arg8 : memref<32x128xf32, #tpu.memory_space<hbm>>) dst(%dma_wait3A_2522 : memref<32x128xf32, #tpu.memory_space<vmem>>)
        %broadcast_in_dim3A_2523 = arith.constant 1 : i32
        %broadcast_in_dim3A_2524 = vector.broadcast %broadcast_in_dim3A_2523 : i32 to vector<16xi32>
        %rem3A_2525 = arith.constant 128 : i32
        %rem3A_2526 = arith.remsi %squeeze3A_2502, %rem3A_2525 : i32
        %broadcast_in_dim3A_2527 = vector.broadcast %rem3A_2526 : i32 to vector<16xi32>
        %rem3A_2528 = arith.constant 128 : i32
        %rem3A_2529 = arith.remsi %squeeze3A_2504, %rem3A_2528 : i32
        %broadcast_in_dim3A_2530 = vector.broadcast %rem3A_2529 : i32 to vector<16xi32>
        %gather3A_2531 = tpu.vector_load_idx %arg12[%broadcast_in_dim3A_2524, %iota3A, %broadcast_in_dim3A_2527] : memref<8x32x128xf32, #tpu.memory_space<vmem>>[vector<16xi32>, vector<16xi32>, vector<16xi32>], vector<16xf32>,
        %add3A_2532 = arith.constant 16 : i32
        %add3A_2533 = vector.broadcast %add3A_2532 : i32 to vector<16xi32>
        %add3A_2534 = arith.addi %iota3A, %add3A_2533 : vector<16xi32>
        %gather3A_2535 = tpu.vector_load_idx %arg12[%broadcast_in_dim3A_2524, %add3A_2534, %broadcast_in_dim3A_2527] : memref<8x32x128xf32, #tpu.memory_space<vmem>>[vector<16xi32>, vector<16xi32>, vector<16xi32>], vector<16xf32>,
        %gather3A_2536 = tpu.vector_load_idx %arg13[%broadcast_in_dim3A_2524, %iota3A, %broadcast_in_dim3A_2530] : memref<8x32x128xf32, #tpu.memory_space<vmem>>[vector<16xi32>, vector<16xi32>, vector<16xi32>], vector<16xf32>,
        %add3A_2537 = arith.constant 16 : i32
        %add3A_2538 = vector.broadcast %add3A_2537 : i32 to vector<16xi32>
        %add3A_2539 = arith.addi %iota3A, %add3A_2538 : vector<16xi32>
        %gather3A_2540 = tpu.vector_load_idx %arg13[%broadcast_in_dim3A_2524, %add3A_2539, %broadcast_in_dim3A_2530] : memref<8x32x128xf32, #tpu.memory_space<vmem>>[vector<16xi32>, vector<16xi32>, vector<16xi32>], vector<16xf32>,
        %mul3A_2541 = arith.mulf %gather3A_2531, %gather3A_2536 : vector<16xf32>
        %mul3A_2542 = arith.mulf %mul3A_2541, %get3A_5 : vector<16xf32>
        %mul3A_2543 = arith.mulf %gather3A_2535, %gather3A_2540 : vector<16xf32>
        %mul3A_2544 = arith.mulf %mul3A_2543, %get3A_7 : vector<16xf32>
        %add3A_2545 = arith.addf %mul3A_2542, %mul3A_2544 : vector<16xf32>
        %jit3A_2546 = arith.constant 8 : i32
        %div3A_2547 = arith.divsi %sub3A_2500, %jit3A_2546 : i32
        %sign3A_2548 = arith.constant 0 : i32
        %sign3A_2549 = arith.cmpi sgt, %sub3A_2500, %sign3A_2548 : i32
        %sign3A_2550 = arith.extui %sign3A_2549 : i1 to i32
        %sign3A_2551 = arith.constant 0 : i32
        %sign3A_2552 = arith.cmpi slt, %sub3A_2500, %sign3A_2551 : i32
        %sign3A_2553 = arith.extui %sign3A_2552 : i1 to i32
        %sign3A_2554 = arith.subi %sign3A_2550, %sign3A_2553 : i32
        %sign3A_2555 = arith.constant 0 : i32
        %sign3A_2556 = arith.cmpi sgt, %jit3A_2546, %sign3A_2555 : i32
        %sign3A_2557 = arith.extui %sign3A_2556 : i1 to i32
        %sign3A_2558 = arith.constant 0 : i32
        %sign3A_2559 = arith.cmpi slt, %jit3A_2546, %sign3A_2558 : i32
        %sign3A_2560 = arith.extui %sign3A_2559 : i1 to i32
        %sign3A_2561 = arith.subi %sign3A_2557, %sign3A_2560 : i32
        %ne3A_2562 = arith.cmpi ne, %sign3A_2554, %sign3A_2561 : i32
        %rem3A_2563 = arith.remsi %sub3A_2500, %jit3A_2546 : i32
        %ne3A_2564 = arith.constant 0 : i32
        %ne3A_2565 = arith.cmpi ne, %rem3A_2563, %ne3A_2564 : i32
        %and3A_2566 = arith.andi %ne3A_2562, %ne3A_2565 : i1
        %sub3A_2567 = arith.constant 1 : i32
        %sub3A_2568 = arith.subi %div3A_2547, %sub3A_2567 : i32
        %select_n3A_2569 = arith.select %and3A_2566, %sub3A_2568, %div3A_2547 : i32
        %rem3A_2570 = arith.constant 8 : i32
        %rem3A_2571 = arith.remsi %sub3A_2500, %rem3A_2570 : i32
        %mul3A_2572 = arith.constant 16 : i32
        %mul3A_2573 = arith.muli %rem3A_2571, %mul3A_2572 : i32
        %swap3A_2574 = arith.index_cast %select_n3A_2569 : i32 to index
        %swap3A_2575 = arith.index_cast %mul3A_2573 : i32 to index
        %swap3A_2576 = tpu.vector_load %arg16[%swap3A_2574, %swap3A_2575] {strides = array<i32>} : memref<64x128xf32, #tpu.memory_space<vmem>>, vector<16xf32>,
        tpu.vector_store %arg16[%swap3A_2574, %swap3A_2575], %add3A_2545 {strides = array<i32>} : memref<64x128xf32, #tpu.memory_space<vmem>>, vector<16xf32>,
      } else {
      }
      %slice3A_567 = vector.extract_strided_slice %get3A_474 {offsets = [1], sizes = [1], strides = [1]} : vector<16xi32> to vector<1xi32>
      %squeeze3A_568 = vector.extract %slice3A_567[0] : i32 from vector<1xi32>
      %slice3A_569 = vector.extract_strided_slice %get3A_477 {offsets = [1], sizes = [1], strides = [1]} : vector<16xi32> to vector<1xi32>
      %squeeze3A_570 = vector.extract %slice3A_569[0] : i32 from vector<1xi32>
      %jit3A_571 = arith.constant 128 : i32
      %div3A_572 = arith.divsi %squeeze3A_568, %jit3A_571 : i32
      %sign3A_573 = arith.constant 0 : i32
      %sign3A_574 = arith.cmpi sgt, %squeeze3A_568, %sign3A_573 : i32
      %sign3A_575 = arith.extui %sign3A_574 : i1 to i32
      %sign3A_576 = arith.constant 0 : i32
      %sign3A_577 = arith.cmpi slt, %squeeze3A_568, %sign3A_576 : i32
      %sign3A_578 = arith.extui %sign3A_577 : i1 to i32
      %sign3A_579 = arith.subi %sign3A_575, %sign3A_578 : i32
      %sign3A_580 = arith.constant 0 : i32
      %sign3A_581 = arith.cmpi sgt, %jit3A_571, %sign3A_580 : i32
      %sign3A_582 = arith.extui %sign3A_581 : i1 to i32
      %sign3A_583 = arith.constant 0 : i32
      %sign3A_584 = arith.cmpi slt, %jit3A_571, %sign3A_583 : i32
      %sign3A_585 = arith.extui %sign3A_584 : i1 to i32
      %sign3A_586 = arith.subi %sign3A_582, %sign3A_585 : i32
      %ne3A_587 = arith.cmpi ne, %sign3A_579, %sign3A_586 : i32
      %rem3A_588 = arith.remsi %squeeze3A_568, %jit3A_571 : i32
      %ne3A_589 = arith.constant 0 : i32
      %ne3A_590 = arith.cmpi ne, %rem3A_588, %ne3A_589 : i32
      %and3A_591 = arith.andi %ne3A_587, %ne3A_590 : i1
      %sub3A_592 = arith.constant 1 : i32
      %sub3A_593 = arith.subi %div3A_572, %sub3A_592 : i32
      %select_n3A_594 = arith.select %and3A_591, %sub3A_593, %div3A_572 : i32
      %mul3A_595 = arith.constant 128 : i32
      %mul3A_596 = arith.muli %select_n3A_594, %mul3A_595 : i32
      %multiple_of3A_597 = tpu.assume_multiple %mul3A_596, 128 : i32
      %jit3A_598 = arith.constant 128 : i32
      %div3A_599 = arith.divsi %squeeze3A_570, %jit3A_598 : i32
      %sign3A_600 = arith.constant 0 : i32
      %sign3A_601 = arith.cmpi sgt, %squeeze3A_570, %sign3A_600 : i32
      %sign3A_602 = arith.extui %sign3A_601 : i1 to i32
      %sign3A_603 = arith.constant 0 : i32
      %sign3A_604 = arith.cmpi slt, %squeeze3A_570, %sign3A_603 : i32
      %sign3A_605 = arith.extui %sign3A_604 : i1 to i32
      %sign3A_606 = arith.subi %sign3A_602, %sign3A_605 : i32
      %sign3A_607 = arith.constant 0 : i32
      %sign3A_608 = arith.cmpi sgt, %jit3A_598, %sign3A_607 : i32
      %sign3A_609 = arith.extui %sign3A_608 : i1 to i32
      %sign3A_610 = arith.constant 0 : i32
      %sign3A_611 = arith.cmpi slt, %jit3A_598, %sign3A_610 : i32
      %sign3A_612 = arith.extui %sign3A_611 : i1 to i32
      %sign3A_613 = arith.subi %sign3A_609, %sign3A_612 : i32
      %ne3A_614 = arith.cmpi ne, %sign3A_606, %sign3A_613 : i32
      %rem3A_615 = arith.remsi %squeeze3A_570, %jit3A_598 : i32
      %ne3A_616 = arith.constant 0 : i32
      %ne3A_617 = arith.cmpi ne, %rem3A_615, %ne3A_616 : i32
      %and3A_618 = arith.andi %ne3A_614, %ne3A_617 : i1
      %sub3A_619 = arith.constant 1 : i32
      %sub3A_620 = arith.subi %div3A_599, %sub3A_619 : i32
      %select_n3A_621 = arith.select %and3A_618, %sub3A_620, %div3A_599 : i32
      %mul3A_622 = arith.constant 128 : i32
      %mul3A_623 = arith.muli %select_n3A_621, %mul3A_622 : i32
      %multiple_of3A_624 = tpu.assume_multiple %mul3A_623, 128 : i32
      %dma_start3A_625 = arith.constant 1 : i32
      %dma_start3A_626 = arith.constant 0 : i32
      %dma_start3A_627 = arith.constant 0 : i32
      %dma_start3A_628 = tpu.memref_slice %arg12[%dma_start3A_625, %dma_start3A_626, %dma_start3A_627] : memref<8x32x128xf32, #tpu.memory_space<vmem>> -> memref<1x32x128xf32, #tpu.memory_space<vmem>>
      %dma_start3A_629 = tpu.memref_squeeze %dma_start3A_628 : memref<1x32x128xf32, #tpu.memory_space<vmem>> -> memref<32x128xf32, #tpu.memory_space<vmem>>
      %dma_start3A_630 = arith.constant 0 : i32
      %dma_start3A_631 = tpu.memref_slice %arg4[%dma_start3A_630, %multiple_of3A_597] : memref<32x1000000xf32, #tpu.memory_space<hbm>> -> memref<32x128xf32, #tpu.memory_space<hbm>>
      %dma_start3A_632 = arith.constant 0 : i32
      %dma_start3A_633 = arith.constant 0 : i32
      %dma_start3A_634 = tpu.memref_slice %arg12[%dma_start3A_625, %dma_start3A_632, %dma_start3A_633] : memref<8x32x128xf32, #tpu.memory_space<vmem>> -> memref<1x32x128xf32, #tpu.memory_space<vmem>>
      %dma_start3A_635 = tpu.memref_squeeze %dma_start3A_634 : memref<1x32x128xf32, #tpu.memory_space<vmem>> -> memref<32x128xf32, #tpu.memory_space<vmem>>
      %dma_start3A_636 = arith.constant 0 : i32
      %dma_start3A_637 = tpu.memref_slice %arg4[%dma_start3A_636, %multiple_of3A_597] : memref<32x1000000xf32, #tpu.memory_space<hbm>> -> memref<32x128xf32, #tpu.memory_space<hbm>>
      tpu.enqueue_dma source(%dma_start3A_637 : memref<32x128xf32, #tpu.memory_space<hbm>>) target(%dma_start3A_635 : memref<32x128xf32, #tpu.memory_space<vmem>>) target_semaphore(%arg19 : memref<!tpu.dma_semaphore, #tpu.memory_space<semaphore_mem>>)
      %dma_start3A_638 = arith.constant 1 : i32
      %dma_start3A_639 = arith.constant 0 : i32
      %dma_start3A_640 = arith.constant 0 : i32
      %dma_start3A_641 = tpu.memref_slice %arg13[%dma_start3A_638, %dma_start3A_639, %dma_start3A_640] : memref<8x32x128xf32, #tpu.memory_space<vmem>> -> memref<1x32x128xf32, #tpu.memory_space<vmem>>
      %dma_start3A_642 = tpu.memref_squeeze %dma_start3A_641 : memref<1x32x128xf32, #tpu.memory_space<vmem>> -> memref<32x128xf32, #tpu.memory_space<vmem>>
      %dma_start3A_643 = arith.constant 0 : i32
      %dma_start3A_644 = tpu.memref_slice %arg5[%dma_start3A_643, %multiple_of3A_624] : memref<32x1000000xf32, #tpu.memory_space<hbm>> -> memref<32x128xf32, #tpu.memory_space<hbm>>
      %dma_start3A_645 = arith.constant 0 : i32
      %dma_start3A_646 = arith.constant 0 : i32
      %dma_start3A_647 = tpu.memref_slice %arg13[%dma_start3A_638, %dma_start3A_645, %dma_start3A_646] : memref<8x32x128xf32, #tpu.memory_space<vmem>> -> memref<1x32x128xf32, #tpu.memory_space<vmem>>
      %dma_start3A_648 = tpu.memref_squeeze %dma_start3A_647 : memref<1x32x128xf32, #tpu.memory_space<vmem>> -> memref<32x128xf32, #tpu.memory_space<vmem>>
      %dma_start3A_649 = arith.constant 0 : i32
      %dma_start3A_650 = tpu.memref_slice %arg5[%dma_start3A_649, %multiple_of3A_624] : memref<32x1000000xf32, #tpu.memory_space<hbm>> -> memref<32x128xf32, #tpu.memory_space<hbm>>
      tpu.enqueue_dma source(%dma_start3A_650 : memref<32x128xf32, #tpu.memory_space<hbm>>) target(%dma_start3A_648 : memref<32x128xf32, #tpu.memory_space<vmem>>) target_semaphore(%arg19 : memref<!tpu.dma_semaphore, #tpu.memory_space<semaphore_mem>>)
      %gt3A_651 = arith.constant 0 : i32
      %gt3A_652 = arith.cmpi sgt, %scan3A_448, %gt3A_651 : i32
      %convert_element_type3A_653 = arith.extui %gt3A_652 : i1 to i32
      %cond3A_654 = arith.constant 0 : i32
      %cond3A_655 = arith.cmpi ne, %convert_element_type3A_653, %cond3A_654 : i32
      scf.if %cond3A_655 {
        %add3A_2497 = arith.constant 2 : i32
        %add3A_2498 = arith.addi %mul3A_452, %add3A_2497 : i32
        %sub3A_2499 = arith.constant 8 : i32
        %sub3A_2500 = arith.subi %add3A_2498, %sub3A_2499 : i32
        %slice3A_2501 = vector.extract_strided_slice %scan3A_449 {offsets = [10], sizes = [1], strides = [1]} : vector<16xi32> to vector<1xi32>
        %squeeze3A_2502 = vector.extract %slice3A_2501[0] : i32 from vector<1xi32>
        %slice3A_2503 = vector.extract_strided_slice %scan3A_450 {offsets = [10], sizes = [1], strides = [1]} : vector<16xi32> to vector<1xi32>
        %squeeze3A_2504 = vector.extract %slice3A_2503[0] : i32 from vector<1xi32>
        %dma_wait3A_2505 = arith.constant 2 : i32
        %dma_wait3A_2506 = arith.constant 0 : i32
        %dma_wait3A_2507 = arith.constant 0 : i32
        %dma_wait3A_2508 = tpu.memref_slice %arg12[%dma_wait3A_2505, %dma_wait3A_2506, %dma_wait3A_2507] : memref<8x32x128xf32, #tpu.memory_space<vmem>> -> memref<1x32x128xf32, #tpu.memory_space<vmem>>
        %dma_wait3A_2509 = tpu.memref_squeeze %dma_wait3A_2508 : memref<1x32x128xf32, #tpu.memory_space<vmem>> -> memref<32x128xf32, #tpu.memory_space<vmem>>
        %dma_wait3A_2510 = arith.constant 0 : i32
        %dma_wait3A_2511 = arith.constant 0 : i32
        %dma_wait3A_2512 = tpu.memref_slice %arg12[%dma_wait3A_2505, %dma_wait3A_2510, %dma_wait3A_2511] : memref<8x32x128xf32, #tpu.memory_space<vmem>> -> memref<1x32x128xf32, #tpu.memory_space<vmem>>
        %dma_wait3A_2513 = tpu.memref_squeeze %dma_wait3A_2512 : memref<1x32x128xf32, #tpu.memory_space<vmem>> -> memref<32x128xf32, #tpu.memory_space<vmem>>
        tpu.wait_dma2 semaphore(%arg20 : memref<!tpu.dma_semaphore, #tpu.memory_space<semaphore_mem>>) src(%arg8 : memref<32x128xf32, #tpu.memory_space<hbm>>) dst(%dma_wait3A_2513 : memref<32x128xf32, #tpu.memory_space<vmem>>)
        %dma_wait3A_2514 = arith.constant 2 : i32
        %dma_wait3A_2515 = arith.constant 0 : i32
        %dma_wait3A_2516 = arith.constant 0 : i32
        %dma_wait3A_2517 = tpu.memref_slice %arg13[%dma_wait3A_2514, %dma_wait3A_2515, %dma_wait3A_2516] : memref<8x32x128xf32, #tpu.memory_space<vmem>> -> memref<1x32x128xf32, #tpu.memory_space<vmem>>
        %dma_wait3A_2518 = tpu.memref_squeeze %dma_wait3A_2517 : memref<1x32x128xf32, #tpu.memory_space<vmem>> -> memref<32x128xf32, #tpu.memory_space<vmem>>
        %dma_wait3A_2519 = arith.constant 0 : i32
        %dma_wait3A_2520 = arith.constant 0 : i32
        %dma_wait3A_2521 = tpu.memref_slice %arg13[%dma_wait3A_2514, %dma_wait3A_2519, %dma_wait3A_2520] : memref<8x32x128xf32, #tpu.memory_space<vmem>> -> memref<1x32x128xf32, #tpu.memory_space<vmem>>
        %dma_wait3A_2522 = tpu.memref_squeeze %dma_wait3A_2521 : memref<1x32x128xf32, #tpu.memory_space<vmem>> -> memref<32x128xf32, #tpu.memory_space<vmem>>
        tpu.wait_dma2 semaphore(%arg20 : memref<!tpu.dma_semaphore, #tpu.memory_space<semaphore_mem>>) src(%arg8 : memref<32x128xf32, #tpu.memory_space<hbm>>) dst(%dma_wait3A_2522 : memref<32x128xf32, #tpu.memory_space<vmem>>)
        %broadcast_in_dim3A_2523 = arith.constant 2 : i32
        %broadcast_in_dim3A_2524 = vector.broadcast %broadcast_in_dim3A_2523 : i32 to vector<16xi32>
        %rem3A_2525 = arith.constant 128 : i32
        %rem3A_2526 = arith.remsi %squeeze3A_2502, %rem3A_2525 : i32
        %broadcast_in_dim3A_2527 = vector.broadcast %rem3A_2526 : i32 to vector<16xi32>
        %rem3A_2528 = arith.constant 128 : i32
        %rem3A_2529 = arith.remsi %squeeze3A_2504, %rem3A_2528 : i32
        %broadcast_in_dim3A_2530 = vector.broadcast %rem3A_2529 : i32 to vector<16xi32>
        %gather3A_2531 = tpu.vector_load_idx %arg12[%broadcast_in_dim3A_2524, %iota3A, %broadcast_in_dim3A_2527] : memref<8x32x128xf32, #tpu.memory_space<vmem>>[vector<16xi32>, vector<16xi32>, vector<16xi32>], vector<16xf32>,
        %add3A_2532 = arith.constant 16 : i32
        %add3A_2533 = vector.broadcast %add3A_2532 : i32 to vector<16xi32>
        %add3A_2534 = arith.addi %iota3A, %add3A_2533 : vector<16xi32>
        %gather3A_2535 = tpu.vector_load_idx %arg12[%broadcast_in_dim3A_2524, %add3A_2534, %broadcast_in_dim3A_2527] : memref<8x32x128xf32, #tpu.memory_space<vmem>>[vector<16xi32>, vector<16xi32>, vector<16xi32>], vector<16xf32>,
        %gather3A_2536 = tpu.vector_load_idx %arg13[%broadcast_in_dim3A_2524, %iota3A, %broadcast_in_dim3A_2530] : memref<8x32x128xf32, #tpu.memory_space<vmem>>[vector<16xi32>, vector<16xi32>, vector<16xi32>], vector<16xf32>,
        %add3A_2537 = arith.constant 16 : i32
        %add3A_2538 = vector.broadcast %add3A_2537 : i32 to vector<16xi32>
        %add3A_2539 = arith.addi %iota3A, %add3A_2538 : vector<16xi32>
        %gather3A_2540 = tpu.vector_load_idx %arg13[%broadcast_in_dim3A_2524, %add3A_2539, %broadcast_in_dim3A_2530] : memref<8x32x128xf32, #tpu.memory_space<vmem>>[vector<16xi32>, vector<16xi32>, vector<16xi32>], vector<16xf32>,
        %mul3A_2541 = arith.mulf %gather3A_2531, %gather3A_2536 : vector<16xf32>
        %mul3A_2542 = arith.mulf %mul3A_2541, %get3A_5 : vector<16xf32>
        %mul3A_2543 = arith.mulf %gather3A_2535, %gather3A_2540 : vector<16xf32>
        %mul3A_2544 = arith.mulf %mul3A_2543, %get3A_7 : vector<16xf32>
        %add3A_2545 = arith.addf %mul3A_2542, %mul3A_2544 : vector<16xf32>
        %jit3A_2546 = arith.constant 8 : i32
        %div3A_2547 = arith.divsi %sub3A_2500, %jit3A_2546 : i32
        %sign3A_2548 = arith.constant 0 : i32
        %sign3A_2549 = arith.cmpi sgt, %sub3A_2500, %sign3A_2548 : i32
        %sign3A_2550 = arith.extui %sign3A_2549 : i1 to i32
        %sign3A_2551 = arith.constant 0 : i32
        %sign3A_2552 = arith.cmpi slt, %sub3A_2500, %sign3A_2551 : i32
        %sign3A_2553 = arith.extui %sign3A_2552 : i1 to i32
        %sign3A_2554 = arith.subi %sign3A_2550, %sign3A_2553 : i32
        %sign3A_2555 = arith.constant 0 : i32
        %sign3A_2556 = arith.cmpi sgt, %jit3A_2546, %sign3A_2555 : i32
        %sign3A_2557 = arith.extui %sign3A_2556 : i1 to i32
        %sign3A_2558 = arith.constant 0 : i32
        %sign3A_2559 = arith.cmpi slt, %jit3A_2546, %sign3A_2558 : i32
        %sign3A_2560 = arith.extui %sign3A_2559 : i1 to i32
        %sign3A_2561 = arith.subi %sign3A_2557, %sign3A_2560 : i32
        %ne3A_2562 = arith.cmpi ne, %sign3A_2554, %sign3A_2561 : i32
        %rem3A_2563 = arith.remsi %sub3A_2500, %jit3A_2546 : i32
        %ne3A_2564 = arith.constant 0 : i32
        %ne3A_2565 = arith.cmpi ne, %rem3A_2563, %ne3A_2564 : i32
        %and3A_2566 = arith.andi %ne3A_2562, %ne3A_2565 : i1
        %sub3A_2567 = arith.constant 1 : i32
        %sub3A_2568 = arith.subi %div3A_2547, %sub3A_2567 : i32
        %select_n3A_2569 = arith.select %and3A_2566, %sub3A_2568, %div3A_2547 : i32
        %rem3A_2570 = arith.constant 8 : i32
        %rem3A_2571 = arith.remsi %sub3A_2500, %rem3A_2570 : i32
        %mul3A_2572 = arith.constant 16 : i32
        %mul3A_2573 = arith.muli %rem3A_2571, %mul3A_2572 : i32
        %swap3A_2574 = arith.index_cast %select_n3A_2569 : i32 to index
        %swap3A_2575 = arith.index_cast %mul3A_2573 : i32 to index
        %swap3A_2576 = tpu.vector_load %arg16[%swap3A_2574, %swap3A_2575] {strides = array<i32>} : memref<64x128xf32, #tpu.memory_space<vmem>>, vector<16xf32>,
        tpu.vector_store %arg16[%swap3A_2574, %swap3A_2575], %add3A_2545 {strides = array<i32>} : memref<64x128xf32, #tpu.memory_space<vmem>>, vector<16xf32>,
      } else {
      }
      %slice3A_656 = vector.extract_strided_slice %get3A_474 {offsets = [2], sizes = [1], strides = [1]} : vector<16xi32> to vector<1xi32>
      %squeeze3A_657 = vector.extract %slice3A_656[0] : i32 from vector<1xi32>
      %slice3A_658 = vector.extract_strided_slice %get3A_477 {offsets = [2], sizes = [1], strides = [1]} : vector<16xi32> to vector<1xi32>
      %squeeze3A_659 = vector.extract %slice3A_658[0] : i32 from vector<1xi32>
      %jit3A_660 = arith.constant 128 : i32
      %div3A_661 = arith.divsi %squeeze3A_657, %jit3A_660 : i32
      %sign3A_662 = arith.constant 0 : i32
      %sign3A_663 = arith.cmpi sgt, %squeeze3A_657, %sign3A_662 : i32
      %sign3A_664 = arith.extui %sign3A_663 : i1 to i32
      %sign3A_665 = arith.constant 0 : i32
      %sign3A_666 = arith.cmpi slt, %squeeze3A_657, %sign3A_665 : i32
      %sign3A_667 = arith.extui %sign3A_666 : i1 to i32
      %sign3A_668 = arith.subi %sign3A_664, %sign3A_667 : i32
      %sign3A_669 = arith.constant 0 : i32
      %sign3A_670 = arith.cmpi sgt, %jit3A_660, %sign3A_669 : i32
      %sign3A_671 = arith.extui %sign3A_670 : i1 to i32
      %sign3A_672 = arith.constant 0 : i32
      %sign3A_673 = arith.cmpi slt, %jit3A_660, %sign3A_672 : i32
      %sign3A_674 = arith.extui %sign3A_673 : i1 to i32
      %sign3A_675 = arith.subi %sign3A_671, %sign3A_674 : i32
      %ne3A_676 = arith.cmpi ne, %sign3A_668, %sign3A_675 : i32
      %rem3A_677 = arith.remsi %squeeze3A_657, %jit3A_660 : i32
      %ne3A_678 = arith.constant 0 : i32
      %ne3A_679 = arith.cmpi ne, %rem3A_677, %ne3A_678 : i32
      %and3A_680 = arith.andi %ne3A_676, %ne3A_679 : i1
      %sub3A_681 = arith.constant 1 : i32
      %sub3A_682 = arith.subi %div3A_661, %sub3A_681 : i32
      %select_n3A_683 = arith.select %and3A_680, %sub3A_682, %div3A_661 : i32
      %mul3A_684 = arith.constant 128 : i32
      %mul3A_685 = arith.muli %select_n3A_683, %mul3A_684 : i32
      %multiple_of3A_686 = tpu.assume_multiple %mul3A_685, 128 : i32
      %jit3A_687 = arith.constant 128 : i32
      %div3A_688 = arith.divsi %squeeze3A_659, %jit3A_687 : i32
      %sign3A_689 = arith.constant 0 : i32
      %sign3A_690 = arith.cmpi sgt, %squeeze3A_659, %sign3A_689 : i32
      %sign3A_691 = arith.extui %sign3A_690 : i1 to i32
      %sign3A_692 = arith.constant 0 : i32
      %sign3A_693 = arith.cmpi slt, %squeeze3A_659, %sign3A_692 : i32
      %sign3A_694 = arith.extui %sign3A_693 : i1 to i32
      %sign3A_695 = arith.subi %sign3A_691, %sign3A_694 : i32
      %sign3A_696 = arith.constant 0 : i32
      %sign3A_697 = arith.cmpi sgt, %jit3A_687, %sign3A_696 : i32
      %sign3A_698 = arith.extui %sign3A_697 : i1 to i32
      %sign3A_699 = arith.constant 0 : i32
      %sign3A_700 = arith.cmpi slt, %jit3A_687, %sign3A_699 : i32
      %sign3A_701 = arith.extui %sign3A_700 : i1 to i32
      %sign3A_702 = arith.subi %sign3A_698, %sign3A_701 : i32
      %ne3A_703 = arith.cmpi ne, %sign3A_695, %sign3A_702 : i32
      %rem3A_704 = arith.remsi %squeeze3A_659, %jit3A_687 : i32
      %ne3A_705 = arith.constant 0 : i32
      %ne3A_706 = arith.cmpi ne, %rem3A_704, %ne3A_705 : i32
      %and3A_707 = arith.andi %ne3A_703, %ne3A_706 : i1
      %sub3A_708 = arith.constant 1 : i32
      %sub3A_709 = arith.subi %div3A_688, %sub3A_708 : i32
      %select_n3A_710 = arith.select %and3A_707, %sub3A_709, %div3A_688 : i32
      %mul3A_711 = arith.constant 128 : i32
      %mul3A_712 = arith.muli %select_n3A_710, %mul3A_711 : i32
      %multiple_of3A_713 = tpu.assume_multiple %mul3A_712, 128 : i32
      %dma_start3A_714 = arith.constant 2 : i32
      %dma_start3A_715 = arith.constant 0 : i32
      %dma_start3A_716 = arith.constant 0 : i32
      %dma_start3A_717 = tpu.memref_slice %arg12[%dma_start3A_714, %dma_start3A_715, %dma_start3A_716] : memref<8x32x128xf32, #tpu.memory_space<vmem>> -> memref<1x32x128xf32, #tpu.memory_space<vmem>>
      %dma_start3A_718 = tpu.memref_squeeze %dma_start3A_717 : memref<1x32x128xf32, #tpu.memory_space<vmem>> -> memref<32x128xf32, #tpu.memory_space<vmem>>
      %dma_start3A_719 = arith.constant 0 : i32
      %dma_start3A_720 = tpu.memref_slice %arg4[%dma_start3A_719, %multiple_of3A_686] : memref<32x1000000xf32, #tpu.memory_space<hbm>> -> memref<32x128xf32, #tpu.memory_space<hbm>>
      %dma_start3A_721 = arith.constant 0 : i32
      %dma_start3A_722 = arith.constant 0 : i32
      %dma_start3A_723 = tpu.memref_slice %arg12[%dma_start3A_714, %dma_start3A_721, %dma_start3A_722] : memref<8x32x128xf32, #tpu.memory_space<vmem>> -> memref<1x32x128xf32, #tpu.memory_space<vmem>>
      %dma_start3A_724 = tpu.memref_squeeze %dma_start3A_723 : memref<1x32x128xf32, #tpu.memory_space<vmem>> -> memref<32x128xf32, #tpu.memory_space<vmem>>
      %dma_start3A_725 = arith.constant 0 : i32
      %dma_start3A_726 = tpu.memref_slice %arg4[%dma_start3A_725, %multiple_of3A_686] : memref<32x1000000xf32, #tpu.memory_space<hbm>> -> memref<32x128xf32, #tpu.memory_space<hbm>>
      tpu.enqueue_dma source(%dma_start3A_726 : memref<32x128xf32, #tpu.memory_space<hbm>>) target(%dma_start3A_724 : memref<32x128xf32, #tpu.memory_space<vmem>>) target_semaphore(%arg20 : memref<!tpu.dma_semaphore, #tpu.memory_space<semaphore_mem>>)
      %dma_start3A_727 = arith.constant 2 : i32
      %dma_start3A_728 = arith.constant 0 : i32
      %dma_start3A_729 = arith.constant 0 : i32
      %dma_start3A_730 = tpu.memref_slice %arg13[%dma_start3A_727, %dma_start3A_728, %dma_start3A_729] : memref<8x32x128xf32, #tpu.memory_space<vmem>> -> memref<1x32x128xf32, #tpu.memory_space<vmem>>
      %dma_start3A_731 = tpu.memref_squeeze %dma_start3A_730 : memref<1x32x128xf32, #tpu.memory_space<vmem>> -> memref<32x128xf32, #tpu.memory_space<vmem>>
      %dma_start3A_732 = arith.constant 0 : i32
      %dma_start3A_733 = tpu.memref_slice %arg5[%dma_start3A_732, %multiple_of3A_713] : memref<32x1000000xf32, #tpu.memory_space<hbm>> -> memref<32x128xf32, #tpu.memory_space<hbm>>
      %dma_start3A_734 = arith.constant 0 : i32
      %dma_start3A_735 = arith.constant 0 : i32
      %dma_start3A_736 = tpu.memref_slice %arg13[%dma_start3A_727, %dma_start3A_734, %dma_start3A_735] : memref<8x32x128xf32, #tpu.memory_space<vmem>> -> memref<1x32x128xf32, #tpu.memory_space<vmem>>
      %dma_start3A_737 = tpu.memref_squeeze %dma_start3A_736 : memref<1x32x128xf32, #tpu.memory_space<vmem>> -> memref<32x128xf32, #tpu.memory_space<vmem>>
      %dma_start3A_738 = arith.constant 0 : i32
      %dma_start3A_739 = tpu.memref_slice %arg5[%dma_start3A_738, %multiple_of3A_713] : memref<32x1000000xf32, #tpu.memory_space<hbm>> -> memref<32x128xf32, #tpu.memory_space<hbm>>
      tpu.enqueue_dma source(%dma_start3A_739 : memref<32x128xf32, #tpu.memory_space<hbm>>) target(%dma_start3A_737 : memref<32x128xf32, #tpu.memory_space<vmem>>) target_semaphore(%arg20 : memref<!tpu.dma_semaphore, #tpu.memory_space<semaphore_mem>>)
      %gt3A_740 = arith.constant 0 : i32
      %gt3A_741 = arith.cmpi sgt, %scan3A_448, %gt3A_740 : i32
      %convert_element_type3A_742 = arith.extui %gt3A_741 : i1 to i32
      %cond3A_743 = arith.constant 0 : i32
      %cond3A_744 = arith.cmpi ne, %convert_element_type3A_742, %cond3A_743 : i32
      scf.if %cond3A_744 {
        %add3A_2497 = arith.constant 3 : i32
        %add3A_2498 = arith.addi %mul3A_452, %add3A_2497 : i32
        %sub3A_2499 = arith.constant 8 : i32
        %sub3A_2500 = arith.subi %add3A_2498, %sub3A_2499 : i32
        %slice3A_2501 = vector.extract_strided_slice %scan3A_449 {offsets = [11], sizes = [1], strides = [1]} : vector<16xi32> to vector<1xi32>
        %squeeze3A_2502 = vector.extract %slice3A_2501[0] : i32 from vector<1xi32>
        %slice3A_2503 = vector.extract_strided_slice %scan3A_450 {offsets = [11], sizes = [1], strides = [1]} : vector<16xi32> to vector<1xi32>
        %squeeze3A_2504 = vector.extract %slice3A_2503[0] : i32 from vector<1xi32>
        %dma_wait3A_2505 = arith.constant 3 : i32
        %dma_wait3A_2506 = arith.constant 0 : i32
        %dma_wait3A_2507 = arith.constant 0 : i32
        %dma_wait3A_2508 = tpu.memref_slice %arg12[%dma_wait3A_2505, %dma_wait3A_2506, %dma_wait3A_2507] : memref<8x32x128xf32, #tpu.memory_space<vmem>> -> memref<1x32x128xf32, #tpu.memory_space<vmem>>
        %dma_wait3A_2509 = tpu.memref_squeeze %dma_wait3A_2508 : memref<1x32x128xf32, #tpu.memory_space<vmem>> -> memref<32x128xf32, #tpu.memory_space<vmem>>
        %dma_wait3A_2510 = arith.constant 0 : i32
        %dma_wait3A_2511 = arith.constant 0 : i32
        %dma_wait3A_2512 = tpu.memref_slice %arg12[%dma_wait3A_2505, %dma_wait3A_2510, %dma_wait3A_2511] : memref<8x32x128xf32, #tpu.memory_space<vmem>> -> memref<1x32x128xf32, #tpu.memory_space<vmem>>
        %dma_wait3A_2513 = tpu.memref_squeeze %dma_wait3A_2512 : memref<1x32x128xf32, #tpu.memory_space<vmem>> -> memref<32x128xf32, #tpu.memory_space<vmem>>
        tpu.wait_dma2 semaphore(%arg21 : memref<!tpu.dma_semaphore, #tpu.memory_space<semaphore_mem>>) src(%arg8 : memref<32x128xf32, #tpu.memory_space<hbm>>) dst(%dma_wait3A_2513 : memref<32x128xf32, #tpu.memory_space<vmem>>)
        %dma_wait3A_2514 = arith.constant 3 : i32
        %dma_wait3A_2515 = arith.constant 0 : i32
        %dma_wait3A_2516 = arith.constant 0 : i32
        %dma_wait3A_2517 = tpu.memref_slice %arg13[%dma_wait3A_2514, %dma_wait3A_2515, %dma_wait3A_2516] : memref<8x32x128xf32, #tpu.memory_space<vmem>> -> memref<1x32x128xf32, #tpu.memory_space<vmem>>
        %dma_wait3A_2518 = tpu.memref_squeeze %dma_wait3A_2517 : memref<1x32x128xf32, #tpu.memory_space<vmem>> -> memref<32x128xf32, #tpu.memory_space<vmem>>
        %dma_wait3A_2519 = arith.constant 0 : i32
        %dma_wait3A_2520 = arith.constant 0 : i32
        %dma_wait3A_2521 = tpu.memref_slice %arg13[%dma_wait3A_2514, %dma_wait3A_2519, %dma_wait3A_2520] : memref<8x32x128xf32, #tpu.memory_space<vmem>> -> memref<1x32x128xf32, #tpu.memory_space<vmem>>
        %dma_wait3A_2522 = tpu.memref_squeeze %dma_wait3A_2521 : memref<1x32x128xf32, #tpu.memory_space<vmem>> -> memref<32x128xf32, #tpu.memory_space<vmem>>
        tpu.wait_dma2 semaphore(%arg21 : memref<!tpu.dma_semaphore, #tpu.memory_space<semaphore_mem>>) src(%arg8 : memref<32x128xf32, #tpu.memory_space<hbm>>) dst(%dma_wait3A_2522 : memref<32x128xf32, #tpu.memory_space<vmem>>)
        %broadcast_in_dim3A_2523 = arith.constant 3 : i32
        %broadcast_in_dim3A_2524 = vector.broadcast %broadcast_in_dim3A_2523 : i32 to vector<16xi32>
        %rem3A_2525 = arith.constant 128 : i32
        %rem3A_2526 = arith.remsi %squeeze3A_2502, %rem3A_2525 : i32
        %broadcast_in_dim3A_2527 = vector.broadcast %rem3A_2526 : i32 to vector<16xi32>
        %rem3A_2528 = arith.constant 128 : i32
        %rem3A_2529 = arith.remsi %squeeze3A_2504, %rem3A_2528 : i32
        %broadcast_in_dim3A_2530 = vector.broadcast %rem3A_2529 : i32 to vector<16xi32>
        %gather3A_2531 = tpu.vector_load_idx %arg12[%broadcast_in_dim3A_2524, %iota3A, %broadcast_in_dim3A_2527] : memref<8x32x128xf32, #tpu.memory_space<vmem>>[vector<16xi32>, vector<16xi32>, vector<16xi32>], vector<16xf32>,
        %add3A_2532 = arith.constant 16 : i32
        %add3A_2533 = vector.broadcast %add3A_2532 : i32 to vector<16xi32>
        %add3A_2534 = arith.addi %iota3A, %add3A_2533 : vector<16xi32>
        %gather3A_2535 = tpu.vector_load_idx %arg12[%broadcast_in_dim3A_2524, %add3A_2534, %broadcast_in_dim3A_2527] : memref<8x32x128xf32, #tpu.memory_space<vmem>>[vector<16xi32>, vector<16xi32>, vector<16xi32>], vector<16xf32>,
        %gather3A_2536 = tpu.vector_load_idx %arg13[%broadcast_in_dim3A_2524, %iota3A, %broadcast_in_dim3A_2530] : memref<8x32x128xf32, #tpu.memory_space<vmem>>[vector<16xi32>, vector<16xi32>, vector<16xi32>], vector<16xf32>,
        %add3A_2537 = arith.constant 16 : i32
        %add3A_2538 = vector.broadcast %add3A_2537 : i32 to vector<16xi32>
        %add3A_2539 = arith.addi %iota3A, %add3A_2538 : vector<16xi32>
        %gather3A_2540 = tpu.vector_load_idx %arg13[%broadcast_in_dim3A_2524, %add3A_2539, %broadcast_in_dim3A_2530] : memref<8x32x128xf32, #tpu.memory_space<vmem>>[vector<16xi32>, vector<16xi32>, vector<16xi32>], vector<16xf32>,
        %mul3A_2541 = arith.mulf %gather3A_2531, %gather3A_2536 : vector<16xf32>
        %mul3A_2542 = arith.mulf %mul3A_2541, %get3A_5 : vector<16xf32>
        %mul3A_2543 = arith.mulf %gather3A_2535, %gather3A_2540 : vector<16xf32>
        %mul3A_2544 = arith.mulf %mul3A_2543, %get3A_7 : vector<16xf32>
        %add3A_2545 = arith.addf %mul3A_2542, %mul3A_2544 : vector<16xf32>
        %jit3A_2546 = arith.constant 8 : i32
        %div3A_2547 = arith.divsi %sub3A_2500, %jit3A_2546 : i32
        %sign3A_2548 = arith.constant 0 : i32
        %sign3A_2549 = arith.cmpi sgt, %sub3A_2500, %sign3A_2548 : i32
        %sign3A_2550 = arith.extui %sign3A_2549 : i1 to i32
        %sign3A_2551 = arith.constant 0 : i32
        %sign3A_2552 = arith.cmpi slt, %sub3A_2500, %sign3A_2551 : i32
        %sign3A_2553 = arith.extui %sign3A_2552 : i1 to i32
        %sign3A_2554 = arith.subi %sign3A_2550, %sign3A_2553 : i32
        %sign3A_2555 = arith.constant 0 : i32
        %sign3A_2556 = arith.cmpi sgt, %jit3A_2546, %sign3A_2555 : i32
        %sign3A_2557 = arith.extui %sign3A_2556 : i1 to i32
        %sign3A_2558 = arith.constant 0 : i32
        %sign3A_2559 = arith.cmpi slt, %jit3A_2546, %sign3A_2558 : i32
        %sign3A_2560 = arith.extui %sign3A_2559 : i1 to i32
        %sign3A_2561 = arith.subi %sign3A_2557, %sign3A_2560 : i32
        %ne3A_2562 = arith.cmpi ne, %sign3A_2554, %sign3A_2561 : i32
        %rem3A_2563 = arith.remsi %sub3A_2500, %jit3A_2546 : i32
        %ne3A_2564 = arith.constant 0 : i32
        %ne3A_2565 = arith.cmpi ne, %rem3A_2563, %ne3A_2564 : i32
        %and3A_2566 = arith.andi %ne3A_2562, %ne3A_2565 : i1
        %sub3A_2567 = arith.constant 1 : i32
        %sub3A_2568 = arith.subi %div3A_2547, %sub3A_2567 : i32
        %select_n3A_2569 = arith.select %and3A_2566, %sub3A_2568, %div3A_2547 : i32
        %rem3A_2570 = arith.constant 8 : i32
        %rem3A_2571 = arith.remsi %sub3A_2500, %rem3A_2570 : i32
        %mul3A_2572 = arith.constant 16 : i32
        %mul3A_2573 = arith.muli %rem3A_2571, %mul3A_2572 : i32
        %swap3A_2574 = arith.index_cast %select_n3A_2569 : i32 to index
        %swap3A_2575 = arith.index_cast %mul3A_2573 : i32 to index
        %swap3A_2576 = tpu.vector_load %arg16[%swap3A_2574, %swap3A_2575] {strides = array<i32>} : memref<64x128xf32, #tpu.memory_space<vmem>>, vector<16xf32>,
        tpu.vector_store %arg16[%swap3A_2574, %swap3A_2575], %add3A_2545 {strides = array<i32>} : memref<64x128xf32, #tpu.memory_space<vmem>>, vector<16xf32>,
      } else {
      }
      %slice3A_745 = vector.extract_strided_slice %get3A_474 {offsets = [3], sizes = [1], strides = [1]} : vector<16xi32> to vector<1xi32>
      %squeeze3A_746 = vector.extract %slice3A_745[0] : i32 from vector<1xi32>
      %slice3A_747 = vector.extract_strided_slice %get3A_477 {offsets = [3], sizes = [1], strides = [1]} : vector<16xi32> to vector<1xi32>
      %squeeze3A_748 = vector.extract %slice3A_747[0] : i32 from vector<1xi32>
      %jit3A_749 = arith.constant 128 : i32
      %div3A_750 = arith.divsi %squeeze3A_746, %jit3A_749 : i32
      %sign3A_751 = arith.constant 0 : i32
      %sign3A_752 = arith.cmpi sgt, %squeeze3A_746, %sign3A_751 : i32
      %sign3A_753 = arith.extui %sign3A_752 : i1 to i32
      %sign3A_754 = arith.constant 0 : i32
      %sign3A_755 = arith.cmpi slt, %squeeze3A_746, %sign3A_754 : i32
      %sign3A_756 = arith.extui %sign3A_755 : i1 to i32
      %sign3A_757 = arith.subi %sign3A_753, %sign3A_756 : i32
      %sign3A_758 = arith.constant 0 : i32
      %sign3A_759 = arith.cmpi sgt, %jit3A_749, %sign3A_758 : i32
      %sign3A_760 = arith.extui %sign3A_759 : i1 to i32
      %sign3A_761 = arith.constant 0 : i32
      %sign3A_762 = arith.cmpi slt, %jit3A_749, %sign3A_761 : i32
      %sign3A_763 = arith.extui %sign3A_762 : i1 to i32
      %sign3A_764 = arith.subi %sign3A_760, %sign3A_763 : i32
      %ne3A_765 = arith.cmpi ne, %sign3A_757, %sign3A_764 : i32
      %rem3A_766 = arith.remsi %squeeze3A_746, %jit3A_749 : i32
      %ne3A_767 = arith.constant 0 : i32
      %ne3A_768 = arith.cmpi ne, %rem3A_766, %ne3A_767 : i32
      %and3A_769 = arith.andi %ne3A_765, %ne3A_768 : i1
      %sub3A_770 = arith.constant 1 : i32
      %sub3A_771 = arith.subi %div3A_750, %sub3A_770 : i32
      %select_n3A_772 = arith.select %and3A_769, %sub3A_771, %div3A_750 : i32
      %mul3A_773 = arith.constant 128 : i32
      %mul3A_774 = arith.muli %select_n3A_772, %mul3A_773 : i32
      %multiple_of3A_775 = tpu.assume_multiple %mul3A_774, 128 : i32
      %jit3A_776 = arith.constant 128 : i32
      %div3A_777 = arith.divsi %squeeze3A_748, %jit3A_776 : i32
      %sign3A_778 = arith.constant 0 : i32
      %sign3A_779 = arith.cmpi sgt, %squeeze3A_748, %sign3A_778 : i32
      %sign3A_780 = arith.extui %sign3A_779 : i1 to i32
      %sign3A_781 = arith.constant 0 : i32
      %sign3A_782 = arith.cmpi slt, %squeeze3A_748, %sign3A_781 : i32
      %sign3A_783 = arith.extui %sign3A_782 : i1 to i32
      %sign3A_784 = arith.subi %sign3A_780, %sign3A_783 : i32
      %sign3A_785 = arith.constant 0 : i32
      %sign3A_786 = arith.cmpi sgt, %jit3A_776, %sign3A_785 : i32
      %sign3A_787 = arith.extui %sign3A_786 : i1 to i32
      %sign3A_788 = arith.constant 0 : i32
      %sign3A_789 = arith.cmpi slt, %jit3A_776, %sign3A_788 : i32
      %sign3A_790 = arith.extui %sign3A_789 : i1 to i32
      %sign3A_791 = arith.subi %sign3A_787, %sign3A_790 : i32
      %ne3A_792 = arith.cmpi ne, %sign3A_784, %sign3A_791 : i32
      %rem3A_793 = arith.remsi %squeeze3A_748, %jit3A_776 : i32
      %ne3A_794 = arith.constant 0 : i32
      %ne3A_795 = arith.cmpi ne, %rem3A_793, %ne3A_794 : i32
      %and3A_796 = arith.andi %ne3A_792, %ne3A_795 : i1
      %sub3A_797 = arith.constant 1 : i32
      %sub3A_798 = arith.subi %div3A_777, %sub3A_797 : i32
      %select_n3A_799 = arith.select %and3A_796, %sub3A_798, %div3A_777 : i32
      %mul3A_800 = arith.constant 128 : i32
      %mul3A_801 = arith.muli %select_n3A_799, %mul3A_800 : i32
      %multiple_of3A_802 = tpu.assume_multiple %mul3A_801, 128 : i32
      %dma_start3A_803 = arith.constant 3 : i32
      %dma_start3A_804 = arith.constant 0 : i32
      %dma_start3A_805 = arith.constant 0 : i32
      %dma_start3A_806 = tpu.memref_slice %arg12[%dma_start3A_803, %dma_start3A_804, %dma_start3A_805] : memref<8x32x128xf32, #tpu.memory_space<vmem>> -> memref<1x32x128xf32, #tpu.memory_space<vmem>>
      %dma_start3A_807 = tpu.memref_squeeze %dma_start3A_806 : memref<1x32x128xf32, #tpu.memory_space<vmem>> -> memref<32x128xf32, #tpu.memory_space<vmem>>
      %dma_start3A_808 = arith.constant 0 : i32
      %dma_start3A_809 = tpu.memref_slice %arg4[%dma_start3A_808, %multiple_of3A_775] : memref<32x1000000xf32, #tpu.memory_space<hbm>> -> memref<32x128xf32, #tpu.memory_space<hbm>>
      %dma_start3A_810 = arith.constant 0 : i32
      %dma_start3A_811 = arith.constant 0 : i32
      %dma_start3A_812 = tpu.memref_slice %arg12[%dma_start3A_803, %dma_start3A_810, %dma_start3A_811] : memref<8x32x128xf32, #tpu.memory_space<vmem>> -> memref<1x32x128xf32, #tpu.memory_space<vmem>>
      %dma_start3A_813 = tpu.memref_squeeze %dma_start3A_812 : memref<1x32x128xf32, #tpu.memory_space<vmem>> -> memref<32x128xf32, #tpu.memory_space<vmem>>
      %dma_start3A_814 = arith.constant 0 : i32
      %dma_start3A_815 = tpu.memref_slice %arg4[%dma_start3A_814, %multiple_of3A_775] : memref<32x1000000xf32, #tpu.memory_space<hbm>> -> memref<32x128xf32, #tpu.memory_space<hbm>>
      tpu.enqueue_dma source(%dma_start3A_815 : memref<32x128xf32, #tpu.memory_space<hbm>>) target(%dma_start3A_813 : memref<32x128xf32, #tpu.memory_space<vmem>>) target_semaphore(%arg21 : memref<!tpu.dma_semaphore, #tpu.memory_space<semaphore_mem>>)
      %dma_start3A_816 = arith.constant 3 : i32
      %dma_start3A_817 = arith.constant 0 : i32
      %dma_start3A_818 = arith.constant 0 : i32
      %dma_start3A_819 = tpu.memref_slice %arg13[%dma_start3A_816, %dma_start3A_817, %dma_start3A_818] : memref<8x32x128xf32, #tpu.memory_space<vmem>> -> memref<1x32x128xf32, #tpu.memory_space<vmem>>
      %dma_start3A_820 = tpu.memref_squeeze %dma_start3A_819 : memref<1x32x128xf32, #tpu.memory_space<vmem>> -> memref<32x128xf32, #tpu.memory_space<vmem>>
      %dma_start3A_821 = arith.constant 0 : i32
      %dma_start3A_822 = tpu.memref_slice %arg5[%dma_start3A_821, %multiple_of3A_802] : memref<32x1000000xf32, #tpu.memory_space<hbm>> -> memref<32x128xf32, #tpu.memory_space<hbm>>
      %dma_start3A_823 = arith.constant 0 : i32
      %dma_start3A_824 = arith.constant 0 : i32
      %dma_start3A_825 = tpu.memref_slice %arg13[%dma_start3A_816, %dma_start3A_823, %dma_start3A_824] : memref<8x32x128xf32, #tpu.memory_space<vmem>> -> memref<1x32x128xf32, #tpu.memory_space<vmem>>
      %dma_start3A_826 = tpu.memref_squeeze %dma_start3A_825 : memref<1x32x128xf32, #tpu.memory_space<vmem>> -> memref<32x128xf32, #tpu.memory_space<vmem>>
      %dma_start3A_827 = arith.constant 0 : i32
      %dma_start3A_828 = tpu.memref_slice %arg5[%dma_start3A_827, %multiple_of3A_802] : memref<32x1000000xf32, #tpu.memory_space<hbm>> -> memref<32x128xf32, #tpu.memory_space<hbm>>
      tpu.enqueue_dma source(%dma_start3A_828 : memref<32x128xf32, #tpu.memory_space<hbm>>) target(%dma_start3A_826 : memref<32x128xf32, #tpu.memory_space<vmem>>) target_semaphore(%arg21 : memref<!tpu.dma_semaphore, #tpu.memory_space<semaphore_mem>>)
      %gt3A_829 = arith.constant 0 : i32
      %gt3A_830 = arith.cmpi sgt, %scan3A_448, %gt3A_829 : i32
      %convert_element_type3A_831 = arith.extui %gt3A_830 : i1 to i32
      %cond3A_832 = arith.constant 0 : i32
      %cond3A_833 = arith.cmpi ne, %convert_element_type3A_831, %cond3A_832 : i32
      scf.if %cond3A_833 {
        %add3A_2497 = arith.constant 4 : i32
        %add3A_2498 = arith.addi %mul3A_452, %add3A_2497 : i32
        %sub3A_2499 = arith.constant 8 : i32
        %sub3A_2500 = arith.subi %add3A_2498, %sub3A_2499 : i32
        %slice3A_2501 = vector.extract_strided_slice %scan3A_449 {offsets = [12], sizes = [1], strides = [1]} : vector<16xi32> to vector<1xi32>
        %squeeze3A_2502 = vector.extract %slice3A_2501[0] : i32 from vector<1xi32>
        %slice3A_2503 = vector.extract_strided_slice %scan3A_450 {offsets = [12], sizes = [1], strides = [1]} : vector<16xi32> to vector<1xi32>
        %squeeze3A_2504 = vector.extract %slice3A_2503[0] : i32 from vector<1xi32>
        %dma_wait3A_2505 = arith.constant 4 : i32
        %dma_wait3A_2506 = arith.constant 0 : i32
        %dma_wait3A_2507 = arith.constant 0 : i32
        %dma_wait3A_2508 = tpu.memref_slice %arg12[%dma_wait3A_2505, %dma_wait3A_2506, %dma_wait3A_2507] : memref<8x32x128xf32, #tpu.memory_space<vmem>> -> memref<1x32x128xf32, #tpu.memory_space<vmem>>
        %dma_wait3A_2509 = tpu.memref_squeeze %dma_wait3A_2508 : memref<1x32x128xf32, #tpu.memory_space<vmem>> -> memref<32x128xf32, #tpu.memory_space<vmem>>
        %dma_wait3A_2510 = arith.constant 0 : i32
        %dma_wait3A_2511 = arith.constant 0 : i32
        %dma_wait3A_2512 = tpu.memref_slice %arg12[%dma_wait3A_2505, %dma_wait3A_2510, %dma_wait3A_2511] : memref<8x32x128xf32, #tpu.memory_space<vmem>> -> memref<1x32x128xf32, #tpu.memory_space<vmem>>
        %dma_wait3A_2513 = tpu.memref_squeeze %dma_wait3A_2512 : memref<1x32x128xf32, #tpu.memory_space<vmem>> -> memref<32x128xf32, #tpu.memory_space<vmem>>
        tpu.wait_dma2 semaphore(%arg22 : memref<!tpu.dma_semaphore, #tpu.memory_space<semaphore_mem>>) src(%arg8 : memref<32x128xf32, #tpu.memory_space<hbm>>) dst(%dma_wait3A_2513 : memref<32x128xf32, #tpu.memory_space<vmem>>)
        %dma_wait3A_2514 = arith.constant 4 : i32
        %dma_wait3A_2515 = arith.constant 0 : i32
        %dma_wait3A_2516 = arith.constant 0 : i32
        %dma_wait3A_2517 = tpu.memref_slice %arg13[%dma_wait3A_2514, %dma_wait3A_2515, %dma_wait3A_2516] : memref<8x32x128xf32, #tpu.memory_space<vmem>> -> memref<1x32x128xf32, #tpu.memory_space<vmem>>
        %dma_wait3A_2518 = tpu.memref_squeeze %dma_wait3A_2517 : memref<1x32x128xf32, #tpu.memory_space<vmem>> -> memref<32x128xf32, #tpu.memory_space<vmem>>
        %dma_wait3A_2519 = arith.constant 0 : i32
        %dma_wait3A_2520 = arith.constant 0 : i32
        %dma_wait3A_2521 = tpu.memref_slice %arg13[%dma_wait3A_2514, %dma_wait3A_2519, %dma_wait3A_2520] : memref<8x32x128xf32, #tpu.memory_space<vmem>> -> memref<1x32x128xf32, #tpu.memory_space<vmem>>
        %dma_wait3A_2522 = tpu.memref_squeeze %dma_wait3A_2521 : memref<1x32x128xf32, #tpu.memory_space<vmem>> -> memref<32x128xf32, #tpu.memory_space<vmem>>
        tpu.wait_dma2 semaphore(%arg22 : memref<!tpu.dma_semaphore, #tpu.memory_space<semaphore_mem>>) src(%arg8 : memref<32x128xf32, #tpu.memory_space<hbm>>) dst(%dma_wait3A_2522 : memref<32x128xf32, #tpu.memory_space<vmem>>)
        %broadcast_in_dim3A_2523 = arith.constant 4 : i32
        %broadcast_in_dim3A_2524 = vector.broadcast %broadcast_in_dim3A_2523 : i32 to vector<16xi32>
        %rem3A_2525 = arith.constant 128 : i32
        %rem3A_2526 = arith.remsi %squeeze3A_2502, %rem3A_2525 : i32
        %broadcast_in_dim3A_2527 = vector.broadcast %rem3A_2526 : i32 to vector<16xi32>
        %rem3A_2528 = arith.constant 128 : i32
        %rem3A_2529 = arith.remsi %squeeze3A_2504, %rem3A_2528 : i32
        %broadcast_in_dim3A_2530 = vector.broadcast %rem3A_2529 : i32 to vector<16xi32>
        %gather3A_2531 = tpu.vector_load_idx %arg12[%broadcast_in_dim3A_2524, %iota3A, %broadcast_in_dim3A_2527] : memref<8x32x128xf32, #tpu.memory_space<vmem>>[vector<16xi32>, vector<16xi32>, vector<16xi32>], vector<16xf32>,
        %add3A_2532 = arith.constant 16 : i32
        %add3A_2533 = vector.broadcast %add3A_2532 : i32 to vector<16xi32>
        %add3A_2534 = arith.addi %iota3A, %add3A_2533 : vector<16xi32>
        %gather3A_2535 = tpu.vector_load_idx %arg12[%broadcast_in_dim3A_2524, %add3A_2534, %broadcast_in_dim3A_2527] : memref<8x32x128xf32, #tpu.memory_space<vmem>>[vector<16xi32>, vector<16xi32>, vector<16xi32>], vector<16xf32>,
        %gather3A_2536 = tpu.vector_load_idx %arg13[%broadcast_in_dim3A_2524, %iota3A, %broadcast_in_dim3A_2530] : memref<8x32x128xf32, #tpu.memory_space<vmem>>[vector<16xi32>, vector<16xi32>, vector<16xi32>], vector<16xf32>,
        %add3A_2537 = arith.constant 16 : i32
        %add3A_2538 = vector.broadcast %add3A_2537 : i32 to vector<16xi32>
        %add3A_2539 = arith.addi %iota3A, %add3A_2538 : vector<16xi32>
        %gather3A_2540 = tpu.vector_load_idx %arg13[%broadcast_in_dim3A_2524, %add3A_2539, %broadcast_in_dim3A_2530] : memref<8x32x128xf32, #tpu.memory_space<vmem>>[vector<16xi32>, vector<16xi32>, vector<16xi32>], vector<16xf32>,
        %mul3A_2541 = arith.mulf %gather3A_2531, %gather3A_2536 : vector<16xf32>
        %mul3A_2542 = arith.mulf %mul3A_2541, %get3A_5 : vector<16xf32>
        %mul3A_2543 = arith.mulf %gather3A_2535, %gather3A_2540 : vector<16xf32>
        %mul3A_2544 = arith.mulf %mul3A_2543, %get3A_7 : vector<16xf32>
        %add3A_2545 = arith.addf %mul3A_2542, %mul3A_2544 : vector<16xf32>
        %jit3A_2546 = arith.constant 8 : i32
        %div3A_2547 = arith.divsi %sub3A_2500, %jit3A_2546 : i32
        %sign3A_2548 = arith.constant 0 : i32
        %sign3A_2549 = arith.cmpi sgt, %sub3A_2500, %sign3A_2548 : i32
        %sign3A_2550 = arith.extui %sign3A_2549 : i1 to i32
        %sign3A_2551 = arith.constant 0 : i32
        %sign3A_2552 = arith.cmpi slt, %sub3A_2500, %sign3A_2551 : i32
        %sign3A_2553 = arith.extui %sign3A_2552 : i1 to i32
        %sign3A_2554 = arith.subi %sign3A_2550, %sign3A_2553 : i32
        %sign3A_2555 = arith.constant 0 : i32
        %sign3A_2556 = arith.cmpi sgt, %jit3A_2546, %sign3A_2555 : i32
        %sign3A_2557 = arith.extui %sign3A_2556 : i1 to i32
        %sign3A_2558 = arith.constant 0 : i32
        %sign3A_2559 = arith.cmpi slt, %jit3A_2546, %sign3A_2558 : i32
        %sign3A_2560 = arith.extui %sign3A_2559 : i1 to i32
        %sign3A_2561 = arith.subi %sign3A_2557, %sign3A_2560 : i32
        %ne3A_2562 = arith.cmpi ne, %sign3A_2554, %sign3A_2561 : i32
        %rem3A_2563 = arith.remsi %sub3A_2500, %jit3A_2546 : i32
        %ne3A_2564 = arith.constant 0 : i32
        %ne3A_2565 = arith.cmpi ne, %rem3A_2563, %ne3A_2564 : i32
        %and3A_2566 = arith.andi %ne3A_2562, %ne3A_2565 : i1
        %sub3A_2567 = arith.constant 1 : i32
        %sub3A_2568 = arith.subi %div3A_2547, %sub3A_2567 : i32
        %select_n3A_2569 = arith.select %and3A_2566, %sub3A_2568, %div3A_2547 : i32
        %rem3A_2570 = arith.constant 8 : i32
        %rem3A_2571 = arith.remsi %sub3A_2500, %rem3A_2570 : i32
        %mul3A_2572 = arith.constant 16 : i32
        %mul3A_2573 = arith.muli %rem3A_2571, %mul3A_2572 : i32
        %swap3A_2574 = arith.index_cast %select_n3A_2569 : i32 to index
        %swap3A_2575 = arith.index_cast %mul3A_2573 : i32 to index
        %swap3A_2576 = tpu.vector_load %arg16[%swap3A_2574, %swap3A_2575] {strides = array<i32>} : memref<64x128xf32, #tpu.memory_space<vmem>>, vector<16xf32>,
        tpu.vector_store %arg16[%swap3A_2574, %swap3A_2575], %add3A_2545 {strides = array<i32>} : memref<64x128xf32, #tpu.memory_space<vmem>>, vector<16xf32>,
      } else {
      }
      %slice3A_834 = vector.extract_strided_slice %get3A_474 {offsets = [4], sizes = [1], strides = [1]} : vector<16xi32> to vector<1xi32>
      %squeeze3A_835 = vector.extract %slice3A_834[0] : i32 from vector<1xi32>
      %slice3A_836 = vector.extract_strided_slice %get3A_477 {offsets = [4], sizes = [1], strides = [1]} : vector<16xi32> to vector<1xi32>
      %squeeze3A_837 = vector.extract %slice3A_836[0] : i32 from vector<1xi32>
      %jit3A_838 = arith.constant 128 : i32
      %div3A_839 = arith.divsi %squeeze3A_835, %jit3A_838 : i32
      %sign3A_840 = arith.constant 0 : i32
      %sign3A_841 = arith.cmpi sgt, %squeeze3A_835, %sign3A_840 : i32
      %sign3A_842 = arith.extui %sign3A_841 : i1 to i32
      %sign3A_843 = arith.constant 0 : i32
      %sign3A_844 = arith.cmpi slt, %squeeze3A_835, %sign3A_843 : i32
      %sign3A_845 = arith.extui %sign3A_844 : i1 to i32
      %sign3A_846 = arith.subi %sign3A_842, %sign3A_845 : i32
      %sign3A_847 = arith.constant 0 : i32
      %sign3A_848 = arith.cmpi sgt, %jit3A_838, %sign3A_847 : i32
      %sign3A_849 = arith.extui %sign3A_848 : i1 to i32
      %sign3A_850 = arith.constant 0 : i32
      %sign3A_851 = arith.cmpi slt, %jit3A_838, %sign3A_850 : i32
      %sign3A_852 = arith.extui %sign3A_851 : i1 to i32
      %sign3A_853 = arith.subi %sign3A_849, %sign3A_852 : i32
      %ne3A_854 = arith.cmpi ne, %sign3A_846, %sign3A_853 : i32
      %rem3A_855 = arith.remsi %squeeze3A_835, %jit3A_838 : i32
      %ne3A_856 = arith.constant 0 : i32
      %ne3A_857 = arith.cmpi ne, %rem3A_855, %ne3A_856 : i32
      %and3A_858 = arith.andi %ne3A_854, %ne3A_857 : i1
      %sub3A_859 = arith.constant 1 : i32
      %sub3A_860 = arith.subi %div3A_839, %sub3A_859 : i32
      %select_n3A_861 = arith.select %and3A_858, %sub3A_860, %div3A_839 : i32
      %mul3A_862 = arith.constant 128 : i32
      %mul3A_863 = arith.muli %select_n3A_861, %mul3A_862 : i32
      %multiple_of3A_864 = tpu.assume_multiple %mul3A_863, 128 : i32
      %jit3A_865 = arith.constant 128 : i32
      %div3A_866 = arith.divsi %squeeze3A_837, %jit3A_865 : i32
      %sign3A_867 = arith.constant 0 : i32
      %sign3A_868 = arith.cmpi sgt, %squeeze3A_837, %sign3A_867 : i32
      %sign3A_869 = arith.extui %sign3A_868 : i1 to i32
      %sign3A_870 = arith.constant 0 : i32
      %sign3A_871 = arith.cmpi slt, %squeeze3A_837, %sign3A_870 : i32
      %sign3A_872 = arith.extui %sign3A_871 : i1 to i32
      %sign3A_873 = arith.subi %sign3A_869, %sign3A_872 : i32
      %sign3A_874 = arith.constant 0 : i32
      %sign3A_875 = arith.cmpi sgt, %jit3A_865, %sign3A_874 : i32
      %sign3A_876 = arith.extui %sign3A_875 : i1 to i32
      %sign3A_877 = arith.constant 0 : i32
      %sign3A_878 = arith.cmpi slt, %jit3A_865, %sign3A_877 : i32
      %sign3A_879 = arith.extui %sign3A_878 : i1 to i32
      %sign3A_880 = arith.subi %sign3A_876, %sign3A_879 : i32
      %ne3A_881 = arith.cmpi ne, %sign3A_873, %sign3A_880 : i32
      %rem3A_882 = arith.remsi %squeeze3A_837, %jit3A_865 : i32
      %ne3A_883 = arith.constant 0 : i32
      %ne3A_884 = arith.cmpi ne, %rem3A_882, %ne3A_883 : i32
      %and3A_885 = arith.andi %ne3A_881, %ne3A_884 : i1
      %sub3A_886 = arith.constant 1 : i32
      %sub3A_887 = arith.subi %div3A_866, %sub3A_886 : i32
      %select_n3A_888 = arith.select %and3A_885, %sub3A_887, %div3A_866 : i32
      %mul3A_889 = arith.constant 128 : i32
      %mul3A_890 = arith.muli %select_n3A_888, %mul3A_889 : i32
      %multiple_of3A_891 = tpu.assume_multiple %mul3A_890, 128 : i32
      %dma_start3A_892 = arith.constant 4 : i32
      %dma_start3A_893 = arith.constant 0 : i32
      %dma_start3A_894 = arith.constant 0 : i32
      %dma_start3A_895 = tpu.memref_slice %arg12[%dma_start3A_892, %dma_start3A_893, %dma_start3A_894] : memref<8x32x128xf32, #tpu.memory_space<vmem>> -> memref<1x32x128xf32, #tpu.memory_space<vmem>>
      %dma_start3A_896 = tpu.memref_squeeze %dma_start3A_895 : memref<1x32x128xf32, #tpu.memory_space<vmem>> -> memref<32x128xf32, #tpu.memory_space<vmem>>
      %dma_start3A_897 = arith.constant 0 : i32
      %dma_start3A_898 = tpu.memref_slice %arg4[%dma_start3A_897, %multiple_of3A_864] : memref<32x1000000xf32, #tpu.memory_space<hbm>> -> memref<32x128xf32, #tpu.memory_space<hbm>>
      %dma_start3A_899 = arith.constant 0 : i32
      %dma_start3A_900 = arith.constant 0 : i32
      %dma_start3A_901 = tpu.memref_slice %arg12[%dma_start3A_892, %dma_start3A_899, %dma_start3A_900] : memref<8x32x128xf32, #tpu.memory_space<vmem>> -> memref<1x32x128xf32, #tpu.memory_space<vmem>>
      %dma_start3A_902 = tpu.memref_squeeze %dma_start3A_901 : memref<1x32x128xf32, #tpu.memory_space<vmem>> -> memref<32x128xf32, #tpu.memory_space<vmem>>
      %dma_start3A_903 = arith.constant 0 : i32
      %dma_start3A_904 = tpu.memref_slice %arg4[%dma_start3A_903, %multiple_of3A_864] : memref<32x1000000xf32, #tpu.memory_space<hbm>> -> memref<32x128xf32, #tpu.memory_space<hbm>>
      tpu.enqueue_dma source(%dma_start3A_904 : memref<32x128xf32, #tpu.memory_space<hbm>>) target(%dma_start3A_902 : memref<32x128xf32, #tpu.memory_space<vmem>>) target_semaphore(%arg22 : memref<!tpu.dma_semaphore, #tpu.memory_space<semaphore_mem>>)
      %dma_start3A_905 = arith.constant 4 : i32
      %dma_start3A_906 = arith.constant 0 : i32
      %dma_start3A_907 = arith.constant 0 : i32
      %dma_start3A_908 = tpu.memref_slice %arg13[%dma_start3A_905, %dma_start3A_906, %dma_start3A_907] : memref<8x32x128xf32, #tpu.memory_space<vmem>> -> memref<1x32x128xf32, #tpu.memory_space<vmem>>
      %dma_start3A_909 = tpu.memref_squeeze %dma_start3A_908 : memref<1x32x128xf32, #tpu.memory_space<vmem>> -> memref<32x128xf32, #tpu.memory_space<vmem>>
      %dma_start3A_910 = arith.constant 0 : i32
      %dma_start3A_911 = tpu.memref_slice %arg5[%dma_start3A_910, %multiple_of3A_891] : memref<32x1000000xf32, #tpu.memory_space<hbm>> -> memref<32x128xf32, #tpu.memory_space<hbm>>
      %dma_start3A_912 = arith.constant 0 : i32
      %dma_start3A_913 = arith.constant 0 : i32
      %dma_start3A_914 = tpu.memref_slice %arg13[%dma_start3A_905, %dma_start3A_912, %dma_start3A_913] : memref<8x32x128xf32, #tpu.memory_space<vmem>> -> memref<1x32x128xf32, #tpu.memory_space<vmem>>
      %dma_start3A_915 = tpu.memref_squeeze %dma_start3A_914 : memref<1x32x128xf32, #tpu.memory_space<vmem>> -> memref<32x128xf32, #tpu.memory_space<vmem>>
      %dma_start3A_916 = arith.constant 0 : i32
      %dma_start3A_917 = tpu.memref_slice %arg5[%dma_start3A_916, %multiple_of3A_891] : memref<32x1000000xf32, #tpu.memory_space<hbm>> -> memref<32x128xf32, #tpu.memory_space<hbm>>
      tpu.enqueue_dma source(%dma_start3A_917 : memref<32x128xf32, #tpu.memory_space<hbm>>) target(%dma_start3A_915 : memref<32x128xf32, #tpu.memory_space<vmem>>) target_semaphore(%arg22 : memref<!tpu.dma_semaphore, #tpu.memory_space<semaphore_mem>>)
      %gt3A_918 = arith.constant 0 : i32
      %gt3A_919 = arith.cmpi sgt, %scan3A_448, %gt3A_918 : i32
      %convert_element_type3A_920 = arith.extui %gt3A_919 : i1 to i32
      %cond3A_921 = arith.constant 0 : i32
      %cond3A_922 = arith.cmpi ne, %convert_element_type3A_920, %cond3A_921 : i32
      scf.if %cond3A_922 {
        %add3A_2497 = arith.constant 5 : i32
        %add3A_2498 = arith.addi %mul3A_452, %add3A_2497 : i32
        %sub3A_2499 = arith.constant 8 : i32
        %sub3A_2500 = arith.subi %add3A_2498, %sub3A_2499 : i32
        %slice3A_2501 = vector.extract_strided_slice %scan3A_449 {offsets = [13], sizes = [1], strides = [1]} : vector<16xi32> to vector<1xi32>
        %squeeze3A_2502 = vector.extract %slice3A_2501[0] : i32 from vector<1xi32>
        %slice3A_2503 = vector.extract_strided_slice %scan3A_450 {offsets = [13], sizes = [1], strides = [1]} : vector<16xi32> to vector<1xi32>
        %squeeze3A_2504 = vector.extract %slice3A_2503[0] : i32 from vector<1xi32>
        %dma_wait3A_2505 = arith.constant 5 : i32
        %dma_wait3A_2506 = arith.constant 0 : i32
        %dma_wait3A_2507 = arith.constant 0 : i32
        %dma_wait3A_2508 = tpu.memref_slice %arg12[%dma_wait3A_2505, %dma_wait3A_2506, %dma_wait3A_2507] : memref<8x32x128xf32, #tpu.memory_space<vmem>> -> memref<1x32x128xf32, #tpu.memory_space<vmem>>
        %dma_wait3A_2509 = tpu.memref_squeeze %dma_wait3A_2508 : memref<1x32x128xf32, #tpu.memory_space<vmem>> -> memref<32x128xf32, #tpu.memory_space<vmem>>
        %dma_wait3A_2510 = arith.constant 0 : i32
        %dma_wait3A_2511 = arith.constant 0 : i32
        %dma_wait3A_2512 = tpu.memref_slice %arg12[%dma_wait3A_2505, %dma_wait3A_2510, %dma_wait3A_2511] : memref<8x32x128xf32, #tpu.memory_space<vmem>> -> memref<1x32x128xf32, #tpu.memory_space<vmem>>
        %dma_wait3A_2513 = tpu.memref_squeeze %dma_wait3A_2512 : memref<1x32x128xf32, #tpu.memory_space<vmem>> -> memref<32x128xf32, #tpu.memory_space<vmem>>
        tpu.wait_dma2 semaphore(%arg23 : memref<!tpu.dma_semaphore, #tpu.memory_space<semaphore_mem>>) src(%arg8 : memref<32x128xf32, #tpu.memory_space<hbm>>) dst(%dma_wait3A_2513 : memref<32x128xf32, #tpu.memory_space<vmem>>)
        %dma_wait3A_2514 = arith.constant 5 : i32
        %dma_wait3A_2515 = arith.constant 0 : i32
        %dma_wait3A_2516 = arith.constant 0 : i32
        %dma_wait3A_2517 = tpu.memref_slice %arg13[%dma_wait3A_2514, %dma_wait3A_2515, %dma_wait3A_2516] : memref<8x32x128xf32, #tpu.memory_space<vmem>> -> memref<1x32x128xf32, #tpu.memory_space<vmem>>
        %dma_wait3A_2518 = tpu.memref_squeeze %dma_wait3A_2517 : memref<1x32x128xf32, #tpu.memory_space<vmem>> -> memref<32x128xf32, #tpu.memory_space<vmem>>
        %dma_wait3A_2519 = arith.constant 0 : i32
        %dma_wait3A_2520 = arith.constant 0 : i32
        %dma_wait3A_2521 = tpu.memref_slice %arg13[%dma_wait3A_2514, %dma_wait3A_2519, %dma_wait3A_2520] : memref<8x32x128xf32, #tpu.memory_space<vmem>> -> memref<1x32x128xf32, #tpu.memory_space<vmem>>
        %dma_wait3A_2522 = tpu.memref_squeeze %dma_wait3A_2521 : memref<1x32x128xf32, #tpu.memory_space<vmem>> -> memref<32x128xf32, #tpu.memory_space<vmem>>
        tpu.wait_dma2 semaphore(%arg23 : memref<!tpu.dma_semaphore, #tpu.memory_space<semaphore_mem>>) src(%arg8 : memref<32x128xf32, #tpu.memory_space<hbm>>) dst(%dma_wait3A_2522 : memref<32x128xf32, #tpu.memory_space<vmem>>)
        %broadcast_in_dim3A_2523 = arith.constant 5 : i32
        %broadcast_in_dim3A_2524 = vector.broadcast %broadcast_in_dim3A_2523 : i32 to vector<16xi32>
        %rem3A_2525 = arith.constant 128 : i32
        %rem3A_2526 = arith.remsi %squeeze3A_2502, %rem3A_2525 : i32
        %broadcast_in_dim3A_2527 = vector.broadcast %rem3A_2526 : i32 to vector<16xi32>
        %rem3A_2528 = arith.constant 128 : i32
        %rem3A_2529 = arith.remsi %squeeze3A_2504, %rem3A_2528 : i32
        %broadcast_in_dim3A_2530 = vector.broadcast %rem3A_2529 : i32 to vector<16xi32>
        %gather3A_2531 = tpu.vector_load_idx %arg12[%broadcast_in_dim3A_2524, %iota3A, %broadcast_in_dim3A_2527] : memref<8x32x128xf32, #tpu.memory_space<vmem>>[vector<16xi32>, vector<16xi32>, vector<16xi32>], vector<16xf32>,
        %add3A_2532 = arith.constant 16 : i32
        %add3A_2533 = vector.broadcast %add3A_2532 : i32 to vector<16xi32>
        %add3A_2534 = arith.addi %iota3A, %add3A_2533 : vector<16xi32>
        %gather3A_2535 = tpu.vector_load_idx %arg12[%broadcast_in_dim3A_2524, %add3A_2534, %broadcast_in_dim3A_2527] : memref<8x32x128xf32, #tpu.memory_space<vmem>>[vector<16xi32>, vector<16xi32>, vector<16xi32>], vector<16xf32>,
        %gather3A_2536 = tpu.vector_load_idx %arg13[%broadcast_in_dim3A_2524, %iota3A, %broadcast_in_dim3A_2530] : memref<8x32x128xf32, #tpu.memory_space<vmem>>[vector<16xi32>, vector<16xi32>, vector<16xi32>], vector<16xf32>,
        %add3A_2537 = arith.constant 16 : i32
        %add3A_2538 = vector.broadcast %add3A_2537 : i32 to vector<16xi32>
        %add3A_2539 = arith.addi %iota3A, %add3A_2538 : vector<16xi32>
        %gather3A_2540 = tpu.vector_load_idx %arg13[%broadcast_in_dim3A_2524, %add3A_2539, %broadcast_in_dim3A_2530] : memref<8x32x128xf32, #tpu.memory_space<vmem>>[vector<16xi32>, vector<16xi32>, vector<16xi32>], vector<16xf32>,
        %mul3A_2541 = arith.mulf %gather3A_2531, %gather3A_2536 : vector<16xf32>
        %mul3A_2542 = arith.mulf %mul3A_2541, %get3A_5 : vector<16xf32>
        %mul3A_2543 = arith.mulf %gather3A_2535, %gather3A_2540 : vector<16xf32>
        %mul3A_2544 = arith.mulf %mul3A_2543, %get3A_7 : vector<16xf32>
        %add3A_2545 = arith.addf %mul3A_2542, %mul3A_2544 : vector<16xf32>
        %jit3A_2546 = arith.constant 8 : i32
        %div3A_2547 = arith.divsi %sub3A_2500, %jit3A_2546 : i32
        %sign3A_2548 = arith.constant 0 : i32
        %sign3A_2549 = arith.cmpi sgt, %sub3A_2500, %sign3A_2548 : i32
        %sign3A_2550 = arith.extui %sign3A_2549 : i1 to i32
        %sign3A_2551 = arith.constant 0 : i32
        %sign3A_2552 = arith.cmpi slt, %sub3A_2500, %sign3A_2551 : i32
        %sign3A_2553 = arith.extui %sign3A_2552 : i1 to i32
        %sign3A_2554 = arith.subi %sign3A_2550, %sign3A_2553 : i32
        %sign3A_2555 = arith.constant 0 : i32
        %sign3A_2556 = arith.cmpi sgt, %jit3A_2546, %sign3A_2555 : i32
        %sign3A_2557 = arith.extui %sign3A_2556 : i1 to i32
        %sign3A_2558 = arith.constant 0 : i32
        %sign3A_2559 = arith.cmpi slt, %jit3A_2546, %sign3A_2558 : i32
        %sign3A_2560 = arith.extui %sign3A_2559 : i1 to i32
        %sign3A_2561 = arith.subi %sign3A_2557, %sign3A_2560 : i32
        %ne3A_2562 = arith.cmpi ne, %sign3A_2554, %sign3A_2561 : i32
        %rem3A_2563 = arith.remsi %sub3A_2500, %jit3A_2546 : i32
        %ne3A_2564 = arith.constant 0 : i32
        %ne3A_2565 = arith.cmpi ne, %rem3A_2563, %ne3A_2564 : i32
        %and3A_2566 = arith.andi %ne3A_2562, %ne3A_2565 : i1
        %sub3A_2567 = arith.constant 1 : i32
        %sub3A_2568 = arith.subi %div3A_2547, %sub3A_2567 : i32
        %select_n3A_2569 = arith.select %and3A_2566, %sub3A_2568, %div3A_2547 : i32
        %rem3A_2570 = arith.constant 8 : i32
        %rem3A_2571 = arith.remsi %sub3A_2500, %rem3A_2570 : i32
        %mul3A_2572 = arith.constant 16 : i32
        %mul3A_2573 = arith.muli %rem3A_2571, %mul3A_2572 : i32
        %swap3A_2574 = arith.index_cast %select_n3A_2569 : i32 to index
        %swap3A_2575 = arith.index_cast %mul3A_2573 : i32 to index
        %swap3A_2576 = tpu.vector_load %arg16[%swap3A_2574, %swap3A_2575] {strides = array<i32>} : memref<64x128xf32, #tpu.memory_space<vmem>>, vector<16xf32>,
        tpu.vector_store %arg16[%swap3A_2574, %swap3A_2575], %add3A_2545 {strides = array<i32>} : memref<64x128xf32, #tpu.memory_space<vmem>>, vector<16xf32>,
      } else {
      }
      %slice3A_923 = vector.extract_strided_slice %get3A_474 {offsets = [5], sizes = [1], strides = [1]} : vector<16xi32> to vector<1xi32>
      %squeeze3A_924 = vector.extract %slice3A_923[0] : i32 from vector<1xi32>
      %slice3A_925 = vector.extract_strided_slice %get3A_477 {offsets = [5], sizes = [1], strides = [1]} : vector<16xi32> to vector<1xi32>
      %squeeze3A_926 = vector.extract %slice3A_925[0] : i32 from vector<1xi32>
      %jit3A_927 = arith.constant 128 : i32
      %div3A_928 = arith.divsi %squeeze3A_924, %jit3A_927 : i32
      %sign3A_929 = arith.constant 0 : i32
      %sign3A_930 = arith.cmpi sgt, %squeeze3A_924, %sign3A_929 : i32
      %sign3A_931 = arith.extui %sign3A_930 : i1 to i32
      %sign3A_932 = arith.constant 0 : i32
      %sign3A_933 = arith.cmpi slt, %squeeze3A_924, %sign3A_932 : i32
      %sign3A_934 = arith.extui %sign3A_933 : i1 to i32
      %sign3A_935 = arith.subi %sign3A_931, %sign3A_934 : i32
      %sign3A_936 = arith.constant 0 : i32
      %sign3A_937 = arith.cmpi sgt, %jit3A_927, %sign3A_936 : i32
      %sign3A_938 = arith.extui %sign3A_937 : i1 to i32
      %sign3A_939 = arith.constant 0 : i32
      %sign3A_940 = arith.cmpi slt, %jit3A_927, %sign3A_939 : i32
      %sign3A_941 = arith.extui %sign3A_940 : i1 to i32
      %sign3A_942 = arith.subi %sign3A_938, %sign3A_941 : i32
      %ne3A_943 = arith.cmpi ne, %sign3A_935, %sign3A_942 : i32
      %rem3A_944 = arith.remsi %squeeze3A_924, %jit3A_927 : i32
      %ne3A_945 = arith.constant 0 : i32
      %ne3A_946 = arith.cmpi ne, %rem3A_944, %ne3A_945 : i32
      %and3A_947 = arith.andi %ne3A_943, %ne3A_946 : i1
      %sub3A_948 = arith.constant 1 : i32
      %sub3A_949 = arith.subi %div3A_928, %sub3A_948 : i32
      %select_n3A_950 = arith.select %and3A_947, %sub3A_949, %div3A_928 : i32
      %mul3A_951 = arith.constant 128 : i32
      %mul3A_952 = arith.muli %select_n3A_950, %mul3A_951 : i32
      %multiple_of3A_953 = tpu.assume_multiple %mul3A_952, 128 : i32
      %jit3A_954 = arith.constant 128 : i32
      %div3A_955 = arith.divsi %squeeze3A_926, %jit3A_954 : i32
      %sign3A_956 = arith.constant 0 : i32
      %sign3A_957 = arith.cmpi sgt, %squeeze3A_926, %sign3A_956 : i32
      %sign3A_958 = arith.extui %sign3A_957 : i1 to i32
      %sign3A_959 = arith.constant 0 : i32
      %sign3A_960 = arith.cmpi slt, %squeeze3A_926, %sign3A_959 : i32
      %sign3A_961 = arith.extui %sign3A_960 : i1 to i32
      %sign3A_962 = arith.subi %sign3A_958, %sign3A_961 : i32
      %sign3A_963 = arith.constant 0 : i32
      %sign3A_964 = arith.cmpi sgt, %jit3A_954, %sign3A_963 : i32
      %sign3A_965 = arith.extui %sign3A_964 : i1 to i32
      %sign3A_966 = arith.constant 0 : i32
      %sign3A_967 = arith.cmpi slt, %jit3A_954, %sign3A_966 : i32
      %sign3A_968 = arith.extui %sign3A_967 : i1 to i32
      %sign3A_969 = arith.subi %sign3A_965, %sign3A_968 : i32
      %ne3A_970 = arith.cmpi ne, %sign3A_962, %sign3A_969 : i32
      %rem3A_971 = arith.remsi %squeeze3A_926, %jit3A_954 : i32
      %ne3A_972 = arith.constant 0 : i32
      %ne3A_973 = arith.cmpi ne, %rem3A_971, %ne3A_972 : i32
      %and3A_974 = arith.andi %ne3A_970, %ne3A_973 : i1
      %sub3A_975 = arith.constant 1 : i32
      %sub3A_976 = arith.subi %div3A_955, %sub3A_975 : i32
      %select_n3A_977 = arith.select %and3A_974, %sub3A_976, %div3A_955 : i32
      %mul3A_978 = arith.constant 128 : i32
      %mul3A_979 = arith.muli %select_n3A_977, %mul3A_978 : i32
      %multiple_of3A_980 = tpu.assume_multiple %mul3A_979, 128 : i32
      %dma_start3A_981 = arith.constant 5 : i32
      %dma_start3A_982 = arith.constant 0 : i32
      %dma_start3A_983 = arith.constant 0 : i32
      %dma_start3A_984 = tpu.memref_slice %arg12[%dma_start3A_981, %dma_start3A_982, %dma_start3A_983] : memref<8x32x128xf32, #tpu.memory_space<vmem>> -> memref<1x32x128xf32, #tpu.memory_space<vmem>>
      %dma_start3A_985 = tpu.memref_squeeze %dma_start3A_984 : memref<1x32x128xf32, #tpu.memory_space<vmem>> -> memref<32x128xf32, #tpu.memory_space<vmem>>
      %dma_start3A_986 = arith.constant 0 : i32
      %dma_start3A_987 = tpu.memref_slice %arg4[%dma_start3A_986, %multiple_of3A_953] : memref<32x1000000xf32, #tpu.memory_space<hbm>> -> memref<32x128xf32, #tpu.memory_space<hbm>>
      %dma_start3A_988 = arith.constant 0 : i32
      %dma_start3A_989 = arith.constant 0 : i32
      %dma_start3A_990 = tpu.memref_slice %arg12[%dma_start3A_981, %dma_start3A_988, %dma_start3A_989] : memref<8x32x128xf32, #tpu.memory_space<vmem>> -> memref<1x32x128xf32, #tpu.memory_space<vmem>>
      %dma_start3A_991 = tpu.memref_squeeze %dma_start3A_990 : memref<1x32x128xf32, #tpu.memory_space<vmem>> -> memref<32x128xf32, #tpu.memory_space<vmem>>
      %dma_start3A_992 = arith.constant 0 : i32
      %dma_start3A_993 = tpu.memref_slice %arg4[%dma_start3A_992, %multiple_of3A_953] : memref<32x1000000xf32, #tpu.memory_space<hbm>> -> memref<32x128xf32, #tpu.memory_space<hbm>>
      tpu.enqueue_dma source(%dma_start3A_993 : memref<32x128xf32, #tpu.memory_space<hbm>>) target(%dma_start3A_991 : memref<32x128xf32, #tpu.memory_space<vmem>>) target_semaphore(%arg23 : memref<!tpu.dma_semaphore, #tpu.memory_space<semaphore_mem>>)
      %dma_start3A_994 = arith.constant 5 : i32
      %dma_start3A_995 = arith.constant 0 : i32
      %dma_start3A_996 = arith.constant 0 : i32
      %dma_start3A_997 = tpu.memref_slice %arg13[%dma_start3A_994, %dma_start3A_995, %dma_start3A_996] : memref<8x32x128xf32, #tpu.memory_space<vmem>> -> memref<1x32x128xf32, #tpu.memory_space<vmem>>
      %dma_start3A_998 = tpu.memref_squeeze %dma_start3A_997 : memref<1x32x128xf32, #tpu.memory_space<vmem>> -> memref<32x128xf32, #tpu.memory_space<vmem>>
      %dma_start3A_999 = arith.constant 0 : i32
      %dma_start3A_1000 = tpu.memref_slice %arg5[%dma_start3A_999, %multiple_of3A_980] : memref<32x1000000xf32, #tpu.memory_space<hbm>> -> memref<32x128xf32, #tpu.memory_space<hbm>>
      %dma_start3A_1001 = arith.constant 0 : i32
      %dma_start3A_1002 = arith.constant 0 : i32
      %dma_start3A_1003 = tpu.memref_slice %arg13[%dma_start3A_994, %dma_start3A_1001, %dma_start3A_1002] : memref<8x32x128xf32, #tpu.memory_space<vmem>> -> memref<1x32x128xf32, #tpu.memory_space<vmem>>
      %dma_start3A_1004 = tpu.memref_squeeze %dma_start3A_1003 : memref<1x32x128xf32, #tpu.memory_space<vmem>> -> memref<32x128xf32, #tpu.memory_space<vmem>>
      %dma_start3A_1005 = arith.constant 0 : i32
      %dma_start3A_1006 = tpu.memref_slice %arg5[%dma_start3A_1005, %multiple_of3A_980] : memref<32x1000000xf32, #tpu.memory_space<hbm>> -> memref<32x128xf32, #tpu.memory_space<hbm>>
      tpu.enqueue_dma source(%dma_start3A_1006 : memref<32x128xf32, #tpu.memory_space<hbm>>) target(%dma_start3A_1004 : memref<32x128xf32, #tpu.memory_space<vmem>>) target_semaphore(%arg23 : memref<!tpu.dma_semaphore, #tpu.memory_space<semaphore_mem>>)
      %gt3A_1007 = arith.constant 0 : i32
      %gt3A_1008 = arith.cmpi sgt, %scan3A_448, %gt3A_1007 : i32
      %convert_element_type3A_1009 = arith.extui %gt3A_1008 : i1 to i32
      %cond3A_1010 = arith.constant 0 : i32
      %cond3A_1011 = arith.cmpi ne, %convert_element_type3A_1009, %cond3A_1010 : i32
      scf.if %cond3A_1011 {
        %add3A_2497 = arith.constant 6 : i32
        %add3A_2498 = arith.addi %mul3A_452, %add3A_2497 : i32
        %sub3A_2499 = arith.constant 8 : i32
        %sub3A_2500 = arith.subi %add3A_2498, %sub3A_2499 : i32
        %slice3A_2501 = vector.extract_strided_slice %scan3A_449 {offsets = [14], sizes = [1], strides = [1]} : vector<16xi32> to vector<1xi32>
        %squeeze3A_2502 = vector.extract %slice3A_2501[0] : i32 from vector<1xi32>
        %slice3A_2503 = vector.extract_strided_slice %scan3A_450 {offsets = [14], sizes = [1], strides = [1]} : vector<16xi32> to vector<1xi32>
        %squeeze3A_2504 = vector.extract %slice3A_2503[0] : i32 from vector<1xi32>
        %dma_wait3A_2505 = arith.constant 6 : i32
        %dma_wait3A_2506 = arith.constant 0 : i32
        %dma_wait3A_2507 = arith.constant 0 : i32
        %dma_wait3A_2508 = tpu.memref_slice %arg12[%dma_wait3A_2505, %dma_wait3A_2506, %dma_wait3A_2507] : memref<8x32x128xf32, #tpu.memory_space<vmem>> -> memref<1x32x128xf32, #tpu.memory_space<vmem>>
        %dma_wait3A_2509 = tpu.memref_squeeze %dma_wait3A_2508 : memref<1x32x128xf32, #tpu.memory_space<vmem>> -> memref<32x128xf32, #tpu.memory_space<vmem>>
        %dma_wait3A_2510 = arith.constant 0 : i32
        %dma_wait3A_2511 = arith.constant 0 : i32
        %dma_wait3A_2512 = tpu.memref_slice %arg12[%dma_wait3A_2505, %dma_wait3A_2510, %dma_wait3A_2511] : memref<8x32x128xf32, #tpu.memory_space<vmem>> -> memref<1x32x128xf32, #tpu.memory_space<vmem>>
        %dma_wait3A_2513 = tpu.memref_squeeze %dma_wait3A_2512 : memref<1x32x128xf32, #tpu.memory_space<vmem>> -> memref<32x128xf32, #tpu.memory_space<vmem>>
        tpu.wait_dma2 semaphore(%arg24 : memref<!tpu.dma_semaphore, #tpu.memory_space<semaphore_mem>>) src(%arg8 : memref<32x128xf32, #tpu.memory_space<hbm>>) dst(%dma_wait3A_2513 : memref<32x128xf32, #tpu.memory_space<vmem>>)
        %dma_wait3A_2514 = arith.constant 6 : i32
        %dma_wait3A_2515 = arith.constant 0 : i32
        %dma_wait3A_2516 = arith.constant 0 : i32
        %dma_wait3A_2517 = tpu.memref_slice %arg13[%dma_wait3A_2514, %dma_wait3A_2515, %dma_wait3A_2516] : memref<8x32x128xf32, #tpu.memory_space<vmem>> -> memref<1x32x128xf32, #tpu.memory_space<vmem>>
        %dma_wait3A_2518 = tpu.memref_squeeze %dma_wait3A_2517 : memref<1x32x128xf32, #tpu.memory_space<vmem>> -> memref<32x128xf32, #tpu.memory_space<vmem>>
        %dma_wait3A_2519 = arith.constant 0 : i32
        %dma_wait3A_2520 = arith.constant 0 : i32
        %dma_wait3A_2521 = tpu.memref_slice %arg13[%dma_wait3A_2514, %dma_wait3A_2519, %dma_wait3A_2520] : memref<8x32x128xf32, #tpu.memory_space<vmem>> -> memref<1x32x128xf32, #tpu.memory_space<vmem>>
        %dma_wait3A_2522 = tpu.memref_squeeze %dma_wait3A_2521 : memref<1x32x128xf32, #tpu.memory_space<vmem>> -> memref<32x128xf32, #tpu.memory_space<vmem>>
        tpu.wait_dma2 semaphore(%arg24 : memref<!tpu.dma_semaphore, #tpu.memory_space<semaphore_mem>>) src(%arg8 : memref<32x128xf32, #tpu.memory_space<hbm>>) dst(%dma_wait3A_2522 : memref<32x128xf32, #tpu.memory_space<vmem>>)
        %broadcast_in_dim3A_2523 = arith.constant 6 : i32
        %broadcast_in_dim3A_2524 = vector.broadcast %broadcast_in_dim3A_2523 : i32 to vector<16xi32>
        %rem3A_2525 = arith.constant 128 : i32
        %rem3A_2526 = arith.remsi %squeeze3A_2502, %rem3A_2525 : i32
        %broadcast_in_dim3A_2527 = vector.broadcast %rem3A_2526 : i32 to vector<16xi32>
        %rem3A_2528 = arith.constant 128 : i32
        %rem3A_2529 = arith.remsi %squeeze3A_2504, %rem3A_2528 : i32
        %broadcast_in_dim3A_2530 = vector.broadcast %rem3A_2529 : i32 to vector<16xi32>
        %gather3A_2531 = tpu.vector_load_idx %arg12[%broadcast_in_dim3A_2524, %iota3A, %broadcast_in_dim3A_2527] : memref<8x32x128xf32, #tpu.memory_space<vmem>>[vector<16xi32>, vector<16xi32>, vector<16xi32>], vector<16xf32>,
        %add3A_2532 = arith.constant 16 : i32
        %add3A_2533 = vector.broadcast %add3A_2532 : i32 to vector<16xi32>
        %add3A_2534 = arith.addi %iota3A, %add3A_2533 : vector<16xi32>
        %gather3A_2535 = tpu.vector_load_idx %arg12[%broadcast_in_dim3A_2524, %add3A_2534, %broadcast_in_dim3A_2527] : memref<8x32x128xf32, #tpu.memory_space<vmem>>[vector<16xi32>, vector<16xi32>, vector<16xi32>], vector<16xf32>,
        %gather3A_2536 = tpu.vector_load_idx %arg13[%broadcast_in_dim3A_2524, %iota3A, %broadcast_in_dim3A_2530] : memref<8x32x128xf32, #tpu.memory_space<vmem>>[vector<16xi32>, vector<16xi32>, vector<16xi32>], vector<16xf32>,
        %add3A_2537 = arith.constant 16 : i32
        %add3A_2538 = vector.broadcast %add3A_2537 : i32 to vector<16xi32>
        %add3A_2539 = arith.addi %iota3A, %add3A_2538 : vector<16xi32>
        %gather3A_2540 = tpu.vector_load_idx %arg13[%broadcast_in_dim3A_2524, %add3A_2539, %broadcast_in_dim3A_2530] : memref<8x32x128xf32, #tpu.memory_space<vmem>>[vector<16xi32>, vector<16xi32>, vector<16xi32>], vector<16xf32>,
        %mul3A_2541 = arith.mulf %gather3A_2531, %gather3A_2536 : vector<16xf32>
        %mul3A_2542 = arith.mulf %mul3A_2541, %get3A_5 : vector<16xf32>
        %mul3A_2543 = arith.mulf %gather3A_2535, %gather3A_2540 : vector<16xf32>
        %mul3A_2544 = arith.mulf %mul3A_2543, %get3A_7 : vector<16xf32>
        %add3A_2545 = arith.addf %mul3A_2542, %mul3A_2544 : vector<16xf32>
        %jit3A_2546 = arith.constant 8 : i32
        %div3A_2547 = arith.divsi %sub3A_2500, %jit3A_2546 : i32
        %sign3A_2548 = arith.constant 0 : i32
        %sign3A_2549 = arith.cmpi sgt, %sub3A_2500, %sign3A_2548 : i32
        %sign3A_2550 = arith.extui %sign3A_2549 : i1 to i32
        %sign3A_2551 = arith.constant 0 : i32
        %sign3A_2552 = arith.cmpi slt, %sub3A_2500, %sign3A_2551 : i32
        %sign3A_2553 = arith.extui %sign3A_2552 : i1 to i32
        %sign3A_2554 = arith.subi %sign3A_2550, %sign3A_2553 : i32
        %sign3A_2555 = arith.constant 0 : i32
        %sign3A_2556 = arith.cmpi sgt, %jit3A_2546, %sign3A_2555 : i32
        %sign3A_2557 = arith.extui %sign3A_2556 : i1 to i32
        %sign3A_2558 = arith.constant 0 : i32
        %sign3A_2559 = arith.cmpi slt, %jit3A_2546, %sign3A_2558 : i32
        %sign3A_2560 = arith.extui %sign3A_2559 : i1 to i32
        %sign3A_2561 = arith.subi %sign3A_2557, %sign3A_2560 : i32
        %ne3A_2562 = arith.cmpi ne, %sign3A_2554, %sign3A_2561 : i32
        %rem3A_2563 = arith.remsi %sub3A_2500, %jit3A_2546 : i32
        %ne3A_2564 = arith.constant 0 : i32
        %ne3A_2565 = arith.cmpi ne, %rem3A_2563, %ne3A_2564 : i32
        %and3A_2566 = arith.andi %ne3A_2562, %ne3A_2565 : i1
        %sub3A_2567 = arith.constant 1 : i32
        %sub3A_2568 = arith.subi %div3A_2547, %sub3A_2567 : i32
        %select_n3A_2569 = arith.select %and3A_2566, %sub3A_2568, %div3A_2547 : i32
        %rem3A_2570 = arith.constant 8 : i32
        %rem3A_2571 = arith.remsi %sub3A_2500, %rem3A_2570 : i32
        %mul3A_2572 = arith.constant 16 : i32
        %mul3A_2573 = arith.muli %rem3A_2571, %mul3A_2572 : i32
        %swap3A_2574 = arith.index_cast %select_n3A_2569 : i32 to index
        %swap3A_2575 = arith.index_cast %mul3A_2573 : i32 to index
        %swap3A_2576 = tpu.vector_load %arg16[%swap3A_2574, %swap3A_2575] {strides = array<i32>} : memref<64x128xf32, #tpu.memory_space<vmem>>, vector<16xf32>,
        tpu.vector_store %arg16[%swap3A_2574, %swap3A_2575], %add3A_2545 {strides = array<i32>} : memref<64x128xf32, #tpu.memory_space<vmem>>, vector<16xf32>,
      } else {
      }
      %slice3A_1012 = vector.extract_strided_slice %get3A_474 {offsets = [6], sizes = [1], strides = [1]} : vector<16xi32> to vector<1xi32>
      %squeeze3A_1013 = vector.extract %slice3A_1012[0] : i32 from vector<1xi32>
      %slice3A_1014 = vector.extract_strided_slice %get3A_477 {offsets = [6], sizes = [1], strides = [1]} : vector<16xi32> to vector<1xi32>
      %squeeze3A_1015 = vector.extract %slice3A_1014[0] : i32 from vector<1xi32>
      %jit3A_1016 = arith.constant 128 : i32
      %div3A_1017 = arith.divsi %squeeze3A_1013, %jit3A_1016 : i32
      %sign3A_1018 = arith.constant 0 : i32
      %sign3A_1019 = arith.cmpi sgt, %squeeze3A_1013, %sign3A_1018 : i32
      %sign3A_1020 = arith.extui %sign3A_1019 : i1 to i32
      %sign3A_1021 = arith.constant 0 : i32
      %sign3A_1022 = arith.cmpi slt, %squeeze3A_1013, %sign3A_1021 : i32
      %sign3A_1023 = arith.extui %sign3A_1022 : i1 to i32
      %sign3A_1024 = arith.subi %sign3A_1020, %sign3A_1023 : i32
      %sign3A_1025 = arith.constant 0 : i32
      %sign3A_1026 = arith.cmpi sgt, %jit3A_1016, %sign3A_1025 : i32
      %sign3A_1027 = arith.extui %sign3A_1026 : i1 to i32
      %sign3A_1028 = arith.constant 0 : i32
      %sign3A_1029 = arith.cmpi slt, %jit3A_1016, %sign3A_1028 : i32
      %sign3A_1030 = arith.extui %sign3A_1029 : i1 to i32
      %sign3A_1031 = arith.subi %sign3A_1027, %sign3A_1030 : i32
      %ne3A_1032 = arith.cmpi ne, %sign3A_1024, %sign3A_1031 : i32
      %rem3A_1033 = arith.remsi %squeeze3A_1013, %jit3A_1016 : i32
      %ne3A_1034 = arith.constant 0 : i32
      %ne3A_1035 = arith.cmpi ne, %rem3A_1033, %ne3A_1034 : i32
      %and3A_1036 = arith.andi %ne3A_1032, %ne3A_1035 : i1
      %sub3A_1037 = arith.constant 1 : i32
      %sub3A_1038 = arith.subi %div3A_1017, %sub3A_1037 : i32
      %select_n3A_1039 = arith.select %and3A_1036, %sub3A_1038, %div3A_1017 : i32
      %mul3A_1040 = arith.constant 128 : i32
      %mul3A_1041 = arith.muli %select_n3A_1039, %mul3A_1040 : i32
      %multiple_of3A_1042 = tpu.assume_multiple %mul3A_1041, 128 : i32
      %jit3A_1043 = arith.constant 128 : i32
      %div3A_1044 = arith.divsi %squeeze3A_1015, %jit3A_1043 : i32
      %sign3A_1045 = arith.constant 0 : i32
      %sign3A_1046 = arith.cmpi sgt, %squeeze3A_1015, %sign3A_1045 : i32
      %sign3A_1047 = arith.extui %sign3A_1046 : i1 to i32
      %sign3A_1048 = arith.constant 0 : i32
      %sign3A_1049 = arith.cmpi slt, %squeeze3A_1015, %sign3A_1048 : i32
      %sign3A_1050 = arith.extui %sign3A_1049 : i1 to i32
      %sign3A_1051 = arith.subi %sign3A_1047, %sign3A_1050 : i32
      %sign3A_1052 = arith.constant 0 : i32
      %sign3A_1053 = arith.cmpi sgt, %jit3A_1043, %sign3A_1052 : i32
      %sign3A_1054 = arith.extui %sign3A_1053 : i1 to i32
      %sign3A_1055 = arith.constant 0 : i32
      %sign3A_1056 = arith.cmpi slt, %jit3A_1043, %sign3A_1055 : i32
      %sign3A_1057 = arith.extui %sign3A_1056 : i1 to i32
      %sign3A_1058 = arith.subi %sign3A_1054, %sign3A_1057 : i32
      %ne3A_1059 = arith.cmpi ne, %sign3A_1051, %sign3A_1058 : i32
      %rem3A_1060 = arith.remsi %squeeze3A_1015, %jit3A_1043 : i32
      %ne3A_1061 = arith.constant 0 : i32
      %ne3A_1062 = arith.cmpi ne, %rem3A_1060, %ne3A_1061 : i32
      %and3A_1063 = arith.andi %ne3A_1059, %ne3A_1062 : i1
      %sub3A_1064 = arith.constant 1 : i32
      %sub3A_1065 = arith.subi %div3A_1044, %sub3A_1064 : i32
      %select_n3A_1066 = arith.select %and3A_1063, %sub3A_1065, %div3A_1044 : i32
      %mul3A_1067 = arith.constant 128 : i32
      %mul3A_1068 = arith.muli %select_n3A_1066, %mul3A_1067 : i32
      %multiple_of3A_1069 = tpu.assume_multiple %mul3A_1068, 128 : i32
      %dma_start3A_1070 = arith.constant 6 : i32
      %dma_start3A_1071 = arith.constant 0 : i32
      %dma_start3A_1072 = arith.constant 0 : i32
      %dma_start3A_1073 = tpu.memref_slice %arg12[%dma_start3A_1070, %dma_start3A_1071, %dma_start3A_1072] : memref<8x32x128xf32, #tpu.memory_space<vmem>> -> memref<1x32x128xf32, #tpu.memory_space<vmem>>
      %dma_start3A_1074 = tpu.memref_squeeze %dma_start3A_1073 : memref<1x32x128xf32, #tpu.memory_space<vmem>> -> memref<32x128xf32, #tpu.memory_space<vmem>>
      %dma_start3A_1075 = arith.constant 0 : i32
      %dma_start3A_1076 = tpu.memref_slice %arg4[%dma_start3A_1075, %multiple_of3A_1042] : memref<32x1000000xf32, #tpu.memory_space<hbm>> -> memref<32x128xf32, #tpu.memory_space<hbm>>
      %dma_start3A_1077 = arith.constant 0 : i32
      %dma_start3A_1078 = arith.constant 0 : i32
      %dma_start3A_1079 = tpu.memref_slice %arg12[%dma_start3A_1070, %dma_start3A_1077, %dma_start3A_1078] : memref<8x32x128xf32, #tpu.memory_space<vmem>> -> memref<1x32x128xf32, #tpu.memory_space<vmem>>
      %dma_start3A_1080 = tpu.memref_squeeze %dma_start3A_1079 : memref<1x32x128xf32, #tpu.memory_space<vmem>> -> memref<32x128xf32, #tpu.memory_space<vmem>>
      %dma_start3A_1081 = arith.constant 0 : i32
      %dma_start3A_1082 = tpu.memref_slice %arg4[%dma_start3A_1081, %multiple_of3A_1042] : memref<32x1000000xf32, #tpu.memory_space<hbm>> -> memref<32x128xf32, #tpu.memory_space<hbm>>
      tpu.enqueue_dma source(%dma_start3A_1082 : memref<32x128xf32, #tpu.memory_space<hbm>>) target(%dma_start3A_1080 : memref<32x128xf32, #tpu.memory_space<vmem>>) target_semaphore(%arg24 : memref<!tpu.dma_semaphore, #tpu.memory_space<semaphore_mem>>)
      %dma_start3A_1083 = arith.constant 6 : i32
      %dma_start3A_1084 = arith.constant 0 : i32
      %dma_start3A_1085 = arith.constant 0 : i32
      %dma_start3A_1086 = tpu.memref_slice %arg13[%dma_start3A_1083, %dma_start3A_1084, %dma_start3A_1085] : memref<8x32x128xf32, #tpu.memory_space<vmem>> -> memref<1x32x128xf32, #tpu.memory_space<vmem>>
      %dma_start3A_1087 = tpu.memref_squeeze %dma_start3A_1086 : memref<1x32x128xf32, #tpu.memory_space<vmem>> -> memref<32x128xf32, #tpu.memory_space<vmem>>
      %dma_start3A_1088 = arith.constant 0 : i32
      %dma_start3A_1089 = tpu.memref_slice %arg5[%dma_start3A_1088, %multiple_of3A_1069] : memref<32x1000000xf32, #tpu.memory_space<hbm>> -> memref<32x128xf32, #tpu.memory_space<hbm>>
      %dma_start3A_1090 = arith.constant 0 : i32
      %dma_start3A_1091 = arith.constant 0 : i32
      %dma_start3A_1092 = tpu.memref_slice %arg13[%dma_start3A_1083, %dma_start3A_1090, %dma_start3A_1091] : memref<8x32x128xf32, #tpu.memory_space<vmem>> -> memref<1x32x128xf32, #tpu.memory_space<vmem>>
      %dma_start3A_1093 = tpu.memref_squeeze %dma_start3A_1092 : memref<1x32x128xf32, #tpu.memory_space<vmem>> -> memref<32x128xf32, #tpu.memory_space<vmem>>
      %dma_start3A_1094 = arith.constant 0 : i32
      %dma_start3A_1095 = tpu.memref_slice %arg5[%dma_start3A_1094, %multiple_of3A_1069] : memref<32x1000000xf32, #tpu.memory_space<hbm>> -> memref<32x128xf32, #tpu.memory_space<hbm>>
      tpu.enqueue_dma source(%dma_start3A_1095 : memref<32x128xf32, #tpu.memory_space<hbm>>) target(%dma_start3A_1093 : memref<32x128xf32, #tpu.memory_space<vmem>>) target_semaphore(%arg24 : memref<!tpu.dma_semaphore, #tpu.memory_space<semaphore_mem>>)
      %gt3A_1096 = arith.constant 0 : i32
      %gt3A_1097 = arith.cmpi sgt, %scan3A_448, %gt3A_1096 : i32
      %convert_element_type3A_1098 = arith.extui %gt3A_1097 : i1 to i32
      %cond3A_1099 = arith.constant 0 : i32
      %cond3A_1100 = arith.cmpi ne, %convert_element_type3A_1098, %cond3A_1099 : i32
      scf.if %cond3A_1100 {
        %add3A_2497 = arith.constant 7 : i32
        %add3A_2498 = arith.addi %mul3A_452, %add3A_2497 : i32
        %sub3A_2499 = arith.constant 8 : i32
        %sub3A_2500 = arith.subi %add3A_2498, %sub3A_2499 : i32
        %slice3A_2501 = vector.extract_strided_slice %scan3A_449 {offsets = [15], sizes = [1], strides = [1]} : vector<16xi32> to vector<1xi32>
        %squeeze3A_2502 = vector.extract %slice3A_2501[0] : i32 from vector<1xi32>
        %slice3A_2503 = vector.extract_strided_slice %scan3A_450 {offsets = [15], sizes = [1], strides = [1]} : vector<16xi32> to vector<1xi32>
        %squeeze3A_2504 = vector.extract %slice3A_2503[0] : i32 from vector<1xi32>
        %dma_wait3A_2505 = arith.constant 7 : i32
        %dma_wait3A_2506 = arith.constant 0 : i32
        %dma_wait3A_2507 = arith.constant 0 : i32
        %dma_wait3A_2508 = tpu.memref_slice %arg12[%dma_wait3A_2505, %dma_wait3A_2506, %dma_wait3A_2507] : memref<8x32x128xf32, #tpu.memory_space<vmem>> -> memref<1x32x128xf32, #tpu.memory_space<vmem>>
        %dma_wait3A_2509 = tpu.memref_squeeze %dma_wait3A_2508 : memref<1x32x128xf32, #tpu.memory_space<vmem>> -> memref<32x128xf32, #tpu.memory_space<vmem>>
        %dma_wait3A_2510 = arith.constant 0 : i32
        %dma_wait3A_2511 = arith.constant 0 : i32
        %dma_wait3A_2512 = tpu.memref_slice %arg12[%dma_wait3A_2505, %dma_wait3A_2510, %dma_wait3A_2511] : memref<8x32x128xf32, #tpu.memory_space<vmem>> -> memref<1x32x128xf32, #tpu.memory_space<vmem>>
        %dma_wait3A_2513 = tpu.memref_squeeze %dma_wait3A_2512 : memref<1x32x128xf32, #tpu.memory_space<vmem>> -> memref<32x128xf32, #tpu.memory_space<vmem>>
        tpu.wait_dma2 semaphore(%arg25 : memref<!tpu.dma_semaphore, #tpu.memory_space<semaphore_mem>>) src(%arg8 : memref<32x128xf32, #tpu.memory_space<hbm>>) dst(%dma_wait3A_2513 : memref<32x128xf32, #tpu.memory_space<vmem>>)
        %dma_wait3A_2514 = arith.constant 7 : i32
        %dma_wait3A_2515 = arith.constant 0 : i32
        %dma_wait3A_2516 = arith.constant 0 : i32
        %dma_wait3A_2517 = tpu.memref_slice %arg13[%dma_wait3A_2514, %dma_wait3A_2515, %dma_wait3A_2516] : memref<8x32x128xf32, #tpu.memory_space<vmem>> -> memref<1x32x128xf32, #tpu.memory_space<vmem>>
        %dma_wait3A_2518 = tpu.memref_squeeze %dma_wait3A_2517 : memref<1x32x128xf32, #tpu.memory_space<vmem>> -> memref<32x128xf32, #tpu.memory_space<vmem>>
        %dma_wait3A_2519 = arith.constant 0 : i32
        %dma_wait3A_2520 = arith.constant 0 : i32
        %dma_wait3A_2521 = tpu.memref_slice %arg13[%dma_wait3A_2514, %dma_wait3A_2519, %dma_wait3A_2520] : memref<8x32x128xf32, #tpu.memory_space<vmem>> -> memref<1x32x128xf32, #tpu.memory_space<vmem>>
        %dma_wait3A_2522 = tpu.memref_squeeze %dma_wait3A_2521 : memref<1x32x128xf32, #tpu.memory_space<vmem>> -> memref<32x128xf32, #tpu.memory_space<vmem>>
        tpu.wait_dma2 semaphore(%arg25 : memref<!tpu.dma_semaphore, #tpu.memory_space<semaphore_mem>>) src(%arg8 : memref<32x128xf32, #tpu.memory_space<hbm>>) dst(%dma_wait3A_2522 : memref<32x128xf32, #tpu.memory_space<vmem>>)
        %broadcast_in_dim3A_2523 = arith.constant 7 : i32
        %broadcast_in_dim3A_2524 = vector.broadcast %broadcast_in_dim3A_2523 : i32 to vector<16xi32>
        %rem3A_2525 = arith.constant 128 : i32
        %rem3A_2526 = arith.remsi %squeeze3A_2502, %rem3A_2525 : i32
        %broadcast_in_dim3A_2527 = vector.broadcast %rem3A_2526 : i32 to vector<16xi32>
        %rem3A_2528 = arith.constant 128 : i32
        %rem3A_2529 = arith.remsi %squeeze3A_2504, %rem3A_2528 : i32
        %broadcast_in_dim3A_2530 = vector.broadcast %rem3A_2529 : i32 to vector<16xi32>
        %gather3A_2531 = tpu.vector_load_idx %arg12[%broadcast_in_dim3A_2524, %iota3A, %broadcast_in_dim3A_2527] : memref<8x32x128xf32, #tpu.memory_space<vmem>>[vector<16xi32>, vector<16xi32>, vector<16xi32>], vector<16xf32>,
        %add3A_2532 = arith.constant 16 : i32
        %add3A_2533 = vector.broadcast %add3A_2532 : i32 to vector<16xi32>
        %add3A_2534 = arith.addi %iota3A, %add3A_2533 : vector<16xi32>
        %gather3A_2535 = tpu.vector_load_idx %arg12[%broadcast_in_dim3A_2524, %add3A_2534, %broadcast_in_dim3A_2527] : memref<8x32x128xf32, #tpu.memory_space<vmem>>[vector<16xi32>, vector<16xi32>, vector<16xi32>], vector<16xf32>,
        %gather3A_2536 = tpu.vector_load_idx %arg13[%broadcast_in_dim3A_2524, %iota3A, %broadcast_in_dim3A_2530] : memref<8x32x128xf32, #tpu.memory_space<vmem>>[vector<16xi32>, vector<16xi32>, vector<16xi32>], vector<16xf32>,
        %add3A_2537 = arith.constant 16 : i32
        %add3A_2538 = vector.broadcast %add3A_2537 : i32 to vector<16xi32>
        %add3A_2539 = arith.addi %iota3A, %add3A_2538 : vector<16xi32>
        %gather3A_2540 = tpu.vector_load_idx %arg13[%broadcast_in_dim3A_2524, %add3A_2539, %broadcast_in_dim3A_2530] : memref<8x32x128xf32, #tpu.memory_space<vmem>>[vector<16xi32>, vector<16xi32>, vector<16xi32>], vector<16xf32>,
        %mul3A_2541 = arith.mulf %gather3A_2531, %gather3A_2536 : vector<16xf32>
        %mul3A_2542 = arith.mulf %mul3A_2541, %get3A_5 : vector<16xf32>
        %mul3A_2543 = arith.mulf %gather3A_2535, %gather3A_2540 : vector<16xf32>
        %mul3A_2544 = arith.mulf %mul3A_2543, %get3A_7 : vector<16xf32>
        %add3A_2545 = arith.addf %mul3A_2542, %mul3A_2544 : vector<16xf32>
        %jit3A_2546 = arith.constant 8 : i32
        %div3A_2547 = arith.divsi %sub3A_2500, %jit3A_2546 : i32
        %sign3A_2548 = arith.constant 0 : i32
        %sign3A_2549 = arith.cmpi sgt, %sub3A_2500, %sign3A_2548 : i32
        %sign3A_2550 = arith.extui %sign3A_2549 : i1 to i32
        %sign3A_2551 = arith.constant 0 : i32
        %sign3A_2552 = arith.cmpi slt, %sub3A_2500, %sign3A_2551 : i32
        %sign3A_2553 = arith.extui %sign3A_2552 : i1 to i32
        %sign3A_2554 = arith.subi %sign3A_2550, %sign3A_2553 : i32
        %sign3A_2555 = arith.constant 0 : i32
        %sign3A_2556 = arith.cmpi sgt, %jit3A_2546, %sign3A_2555 : i32
        %sign3A_2557 = arith.extui %sign3A_2556 : i1 to i32
        %sign3A_2558 = arith.constant 0 : i32
        %sign3A_2559 = arith.cmpi slt, %jit3A_2546, %sign3A_2558 : i32
        %sign3A_2560 = arith.extui %sign3A_2559 : i1 to i32
        %sign3A_2561 = arith.subi %sign3A_2557, %sign3A_2560 : i32
        %ne3A_2562 = arith.cmpi ne, %sign3A_2554, %sign3A_2561 : i32
        %rem3A_2563 = arith.remsi %sub3A_2500, %jit3A_2546 : i32
        %ne3A_2564 = arith.constant 0 : i32
        %ne3A_2565 = arith.cmpi ne, %rem3A_2563, %ne3A_2564 : i32
        %and3A_2566 = arith.andi %ne3A_2562, %ne3A_2565 : i1
        %sub3A_2567 = arith.constant 1 : i32
        %sub3A_2568 = arith.subi %div3A_2547, %sub3A_2567 : i32
        %select_n3A_2569 = arith.select %and3A_2566, %sub3A_2568, %div3A_2547 : i32
        %rem3A_2570 = arith.constant 8 : i32
        %rem3A_2571 = arith.remsi %sub3A_2500, %rem3A_2570 : i32
        %mul3A_2572 = arith.constant 16 : i32
        %mul3A_2573 = arith.muli %rem3A_2571, %mul3A_2572 : i32
        %swap3A_2574 = arith.index_cast %select_n3A_2569 : i32 to index
        %swap3A_2575 = arith.index_cast %mul3A_2573 : i32 to index
        %swap3A_2576 = tpu.vector_load %arg16[%swap3A_2574, %swap3A_2575] {strides = array<i32>} : memref<64x128xf32, #tpu.memory_space<vmem>>, vector<16xf32>,
        tpu.vector_store %arg16[%swap3A_2574, %swap3A_2575], %add3A_2545 {strides = array<i32>} : memref<64x128xf32, #tpu.memory_space<vmem>>, vector<16xf32>,
      } else {
      }
      %slice3A_1101 = vector.extract_strided_slice %get3A_474 {offsets = [7], sizes = [1], strides = [1]} : vector<16xi32> to vector<1xi32>
      %squeeze3A_1102 = vector.extract %slice3A_1101[0] : i32 from vector<1xi32>
      %slice3A_1103 = vector.extract_strided_slice %get3A_477 {offsets = [7], sizes = [1], strides = [1]} : vector<16xi32> to vector<1xi32>
      %squeeze3A_1104 = vector.extract %slice3A_1103[0] : i32 from vector<1xi32>
      %jit3A_1105 = arith.constant 128 : i32
      %div3A_1106 = arith.divsi %squeeze3A_1102, %jit3A_1105 : i32
      %sign3A_1107 = arith.constant 0 : i32
      %sign3A_1108 = arith.cmpi sgt, %squeeze3A_1102, %sign3A_1107 : i32
      %sign3A_1109 = arith.extui %sign3A_1108 : i1 to i32
      %sign3A_1110 = arith.constant 0 : i32
      %sign3A_1111 = arith.cmpi slt, %squeeze3A_1102, %sign3A_1110 : i32
      %sign3A_1112 = arith.extui %sign3A_1111 : i1 to i32
      %sign3A_1113 = arith.subi %sign3A_1109, %sign3A_1112 : i32
      %sign3A_1114 = arith.constant 0 : i32
      %sign3A_1115 = arith.cmpi sgt, %jit3A_1105, %sign3A_1114 : i32
      %sign3A_1116 = arith.extui %sign3A_1115 : i1 to i32
      %sign3A_1117 = arith.constant 0 : i32
      %sign3A_1118 = arith.cmpi slt, %jit3A_1105, %sign3A_1117 : i32
      %sign3A_1119 = arith.extui %sign3A_1118 : i1 to i32
      %sign3A_1120 = arith.subi %sign3A_1116, %sign3A_1119 : i32
      %ne3A_1121 = arith.cmpi ne, %sign3A_1113, %sign3A_1120 : i32
      %rem3A_1122 = arith.remsi %squeeze3A_1102, %jit3A_1105 : i32
      %ne3A_1123 = arith.constant 0 : i32
      %ne3A_1124 = arith.cmpi ne, %rem3A_1122, %ne3A_1123 : i32
      %and3A_1125 = arith.andi %ne3A_1121, %ne3A_1124 : i1
      %sub3A_1126 = arith.constant 1 : i32
      %sub3A_1127 = arith.subi %div3A_1106, %sub3A_1126 : i32
      %select_n3A_1128 = arith.select %and3A_1125, %sub3A_1127, %div3A_1106 : i32
      %mul3A_1129 = arith.constant 128 : i32
      %mul3A_1130 = arith.muli %select_n3A_1128, %mul3A_1129 : i32
      %multiple_of3A_1131 = tpu.assume_multiple %mul3A_1130, 128 : i32
      %jit3A_1132 = arith.constant 128 : i32
      %div3A_1133 = arith.divsi %squeeze3A_1104, %jit3A_1132 : i32
      %sign3A_1134 = arith.constant 0 : i32
      %sign3A_1135 = arith.cmpi sgt, %squeeze3A_1104, %sign3A_1134 : i32
      %sign3A_1136 = arith.extui %sign3A_1135 : i1 to i32
      %sign3A_1137 = arith.constant 0 : i32
      %sign3A_1138 = arith.cmpi slt, %squeeze3A_1104, %sign3A_1137 : i32
      %sign3A_1139 = arith.extui %sign3A_1138 : i1 to i32
      %sign3A_1140 = arith.subi %sign3A_1136, %sign3A_1139 : i32
      %sign3A_1141 = arith.constant 0 : i32
      %sign3A_1142 = arith.cmpi sgt, %jit3A_1132, %sign3A_1141 : i32
      %sign3A_1143 = arith.extui %sign3A_1142 : i1 to i32
      %sign3A_1144 = arith.constant 0 : i32
      %sign3A_1145 = arith.cmpi slt, %jit3A_1132, %sign3A_1144 : i32
      %sign3A_1146 = arith.extui %sign3A_1145 : i1 to i32
      %sign3A_1147 = arith.subi %sign3A_1143, %sign3A_1146 : i32
      %ne3A_1148 = arith.cmpi ne, %sign3A_1140, %sign3A_1147 : i32
      %rem3A_1149 = arith.remsi %squeeze3A_1104, %jit3A_1132 : i32
      %ne3A_1150 = arith.constant 0 : i32
      %ne3A_1151 = arith.cmpi ne, %rem3A_1149, %ne3A_1150 : i32
      %and3A_1152 = arith.andi %ne3A_1148, %ne3A_1151 : i1
      %sub3A_1153 = arith.constant 1 : i32
      %sub3A_1154 = arith.subi %div3A_1133, %sub3A_1153 : i32
      %select_n3A_1155 = arith.select %and3A_1152, %sub3A_1154, %div3A_1133 : i32
      %mul3A_1156 = arith.constant 128 : i32
      %mul3A_1157 = arith.muli %select_n3A_1155, %mul3A_1156 : i32
      %multiple_of3A_1158 = tpu.assume_multiple %mul3A_1157, 128 : i32
      %dma_start3A_1159 = arith.constant 7 : i32
      %dma_start3A_1160 = arith.constant 0 : i32
      %dma_start3A_1161 = arith.constant 0 : i32
      %dma_start3A_1162 = tpu.memref_slice %arg12[%dma_start3A_1159, %dma_start3A_1160, %dma_start3A_1161] : memref<8x32x128xf32, #tpu.memory_space<vmem>> -> memref<1x32x128xf32, #tpu.memory_space<vmem>>
      %dma_start3A_1163 = tpu.memref_squeeze %dma_start3A_1162 : memref<1x32x128xf32, #tpu.memory_space<vmem>> -> memref<32x128xf32, #tpu.memory_space<vmem>>
      %dma_start3A_1164 = arith.constant 0 : i32
      %dma_start3A_1165 = tpu.memref_slice %arg4[%dma_start3A_1164, %multiple_of3A_1131] : memref<32x1000000xf32, #tpu.memory_space<hbm>> -> memref<32x128xf32, #tpu.memory_space<hbm>>
      %dma_start3A_1166 = arith.constant 0 : i32
      %dma_start3A_1167 = arith.constant 0 : i32
      %dma_start3A_1168 = tpu.memref_slice %arg12[%dma_start3A_1159, %dma_start3A_1166, %dma_start3A_1167] : memref<8x32x128xf32, #tpu.memory_space<vmem>> -> memref<1x32x128xf32, #tpu.memory_space<vmem>>
      %dma_start3A_1169 = tpu.memref_squeeze %dma_start3A_1168 : memref<1x32x128xf32, #tpu.memory_space<vmem>> -> memref<32x128xf32, #tpu.memory_space<vmem>>
      %dma_start3A_1170 = arith.constant 0 : i32
      %dma_start3A_1171 = tpu.memref_slice %arg4[%dma_start3A_1170, %multiple_of3A_1131] : memref<32x1000000xf32, #tpu.memory_space<hbm>> -> memref<32x128xf32, #tpu.memory_space<hbm>>
      tpu.enqueue_dma source(%dma_start3A_1171 : memref<32x128xf32, #tpu.memory_space<hbm>>) target(%dma_start3A_1169 : memref<32x128xf32, #tpu.memory_space<vmem>>) target_semaphore(%arg25 : memref<!tpu.dma_semaphore, #tpu.memory_space<semaphore_mem>>)
      %dma_start3A_1172 = arith.constant 7 : i32
      %dma_start3A_1173 = arith.constant 0 : i32
      %dma_start3A_1174 = arith.constant 0 : i32
      %dma_start3A_1175 = tpu.memref_slice %arg13[%dma_start3A_1172, %dma_start3A_1173, %dma_start3A_1174] : memref<8x32x128xf32, #tpu.memory_space<vmem>> -> memref<1x32x128xf32, #tpu.memory_space<vmem>>
      %dma_start3A_1176 = tpu.memref_squeeze %dma_start3A_1175 : memref<1x32x128xf32, #tpu.memory_space<vmem>> -> memref<32x128xf32, #tpu.memory_space<vmem>>
      %dma_start3A_1177 = arith.constant 0 : i32
      %dma_start3A_1178 = tpu.memref_slice %arg5[%dma_start3A_1177, %multiple_of3A_1158] : memref<32x1000000xf32, #tpu.memory_space<hbm>> -> memref<32x128xf32, #tpu.memory_space<hbm>>
      %dma_start3A_1179 = arith.constant 0 : i32
      %dma_start3A_1180 = arith.constant 0 : i32
      %dma_start3A_1181 = tpu.memref_slice %arg13[%dma_start3A_1172, %dma_start3A_1179, %dma_start3A_1180] : memref<8x32x128xf32, #tpu.memory_space<vmem>> -> memref<1x32x128xf32, #tpu.memory_space<vmem>>
      %dma_start3A_1182 = tpu.memref_squeeze %dma_start3A_1181 : memref<1x32x128xf32, #tpu.memory_space<vmem>> -> memref<32x128xf32, #tpu.memory_space<vmem>>
      %dma_start3A_1183 = arith.constant 0 : i32
      %dma_start3A_1184 = tpu.memref_slice %arg5[%dma_start3A_1183, %multiple_of3A_1158] : memref<32x1000000xf32, #tpu.memory_space<hbm>> -> memref<32x128xf32, #tpu.memory_space<hbm>>
      tpu.enqueue_dma source(%dma_start3A_1184 : memref<32x128xf32, #tpu.memory_space<hbm>>) target(%dma_start3A_1182 : memref<32x128xf32, #tpu.memory_space<vmem>>) target_semaphore(%arg25 : memref<!tpu.dma_semaphore, #tpu.memory_space<semaphore_mem>>)
      %add3A_1185 = arith.constant 8 : i32
      %add3A_1186 = arith.addi %mul3A_452, %add3A_1185 : i32
      %sub3A_1187 = arith.constant 8 : i32
      %sub3A_1188 = arith.subi %add3A_1186, %sub3A_1187 : i32
      %slice3A_1189 = vector.extract_strided_slice %get3A_474 {offsets = [0], sizes = [1], strides = [1]} : vector<16xi32> to vector<1xi32>
      %squeeze3A_1190 = vector.extract %slice3A_1189[0] : i32 from vector<1xi32>
      %slice3A_1191 = vector.extract_strided_slice %get3A_477 {offsets = [0], sizes = [1], strides = [1]} : vector<16xi32> to vector<1xi32>
      %squeeze3A_1192 = vector.extract %slice3A_1191[0] : i32 from vector<1xi32>
      %dma_wait3A_1193 = arith.constant 0 : i32
      %dma_wait3A_1194 = arith.constant 0 : i32
      %dma_wait3A_1195 = arith.constant 0 : i32
      %dma_wait3A_1196 = tpu.memref_slice %arg12[%dma_wait3A_1193, %dma_wait3A_1194, %dma_wait3A_1195] : memref<8x32x128xf32, #tpu.memory_space<vmem>> -> memref<1x32x128xf32, #tpu.memory_space<vmem>>
      %dma_wait3A_1197 = tpu.memref_squeeze %dma_wait3A_1196 : memref<1x32x128xf32, #tpu.memory_space<vmem>> -> memref<32x128xf32, #tpu.memory_space<vmem>>
      %dma_wait3A_1198 = arith.constant 0 : i32
      %dma_wait3A_1199 = arith.constant 0 : i32
      %dma_wait3A_1200 = tpu.memref_slice %arg12[%dma_wait3A_1193, %dma_wait3A_1198, %dma_wait3A_1199] : memref<8x32x128xf32, #tpu.memory_space<vmem>> -> memref<1x32x128xf32, #tpu.memory_space<vmem>>
      %dma_wait3A_1201 = tpu.memref_squeeze %dma_wait3A_1200 : memref<1x32x128xf32, #tpu.memory_space<vmem>> -> memref<32x128xf32, #tpu.memory_space<vmem>>
      tpu.wait_dma2 semaphore(%arg18 : memref<!tpu.dma_semaphore, #tpu.memory_space<semaphore_mem>>) src(%arg8 : memref<32x128xf32, #tpu.memory_space<hbm>>) dst(%dma_wait3A_1201 : memref<32x128xf32, #tpu.memory_space<vmem>>)
      %dma_wait3A_1202 = arith.constant 0 : i32
      %dma_wait3A_1203 = arith.constant 0 : i32
      %dma_wait3A_1204 = arith.constant 0 : i32
      %dma_wait3A_1205 = tpu.memref_slice %arg13[%dma_wait3A_1202, %dma_wait3A_1203, %dma_wait3A_1204] : memref<8x32x128xf32, #tpu.memory_space<vmem>> -> memref<1x32x128xf32, #tpu.memory_space<vmem>>
      %dma_wait3A_1206 = tpu.memref_squeeze %dma_wait3A_1205 : memref<1x32x128xf32, #tpu.memory_space<vmem>> -> memref<32x128xf32, #tpu.memory_space<vmem>>
      %dma_wait3A_1207 = arith.constant 0 : i32
      %dma_wait3A_1208 = arith.constant 0 : i32
      %dma_wait3A_1209 = tpu.memref_slice %arg13[%dma_wait3A_1202, %dma_wait3A_1207, %dma_wait3A_1208] : memref<8x32x128xf32, #tpu.memory_space<vmem>> -> memref<1x32x128xf32, #tpu.memory_space<vmem>>
      %dma_wait3A_1210 = tpu.memref_squeeze %dma_wait3A_1209 : memref<1x32x128xf32, #tpu.memory_space<vmem>> -> memref<32x128xf32, #tpu.memory_space<vmem>>
      tpu.wait_dma2 semaphore(%arg18 : memref<!tpu.dma_semaphore, #tpu.memory_space<semaphore_mem>>) src(%arg8 : memref<32x128xf32, #tpu.memory_space<hbm>>) dst(%dma_wait3A_1210 : memref<32x128xf32, #tpu.memory_space<vmem>>)
      %broadcast_in_dim3A_1211 = arith.constant 0 : i32
      %broadcast_in_dim3A_1212 = vector.broadcast %broadcast_in_dim3A_1211 : i32 to vector<16xi32>
      %rem3A_1213 = arith.constant 128 : i32
      %rem3A_1214 = arith.remsi %squeeze3A_1190, %rem3A_1213 : i32
      %broadcast_in_dim3A_1215 = vector.broadcast %rem3A_1214 : i32 to vector<16xi32>
      %rem3A_1216 = arith.constant 128 : i32
      %rem3A_1217 = arith.remsi %squeeze3A_1192, %rem3A_1216 : i32
      %broadcast_in_dim3A_1218 = vector.broadcast %rem3A_1217 : i32 to vector<16xi32>
      %gather3A_1219 = tpu.vector_load_idx %arg12[%broadcast_in_dim3A_1212, %iota3A, %broadcast_in_dim3A_1215] : memref<8x32x128xf32, #tpu.memory_space<vmem>>[vector<16xi32>, vector<16xi32>, vector<16xi32>], vector<16xf32>,
      %add3A_1220 = arith.constant 16 : i32
      %add3A_1221 = vector.broadcast %add3A_1220 : i32 to vector<16xi32>
      %add3A_1222 = arith.addi %iota3A, %add3A_1221 : vector<16xi32>
      %gather3A_1223 = tpu.vector_load_idx %arg12[%broadcast_in_dim3A_1212, %add3A_1222, %broadcast_in_dim3A_1215] : memref<8x32x128xf32, #tpu.memory_space<vmem>>[vector<16xi32>, vector<16xi32>, vector<16xi32>], vector<16xf32>,
      %gather3A_1224 = tpu.vector_load_idx %arg13[%broadcast_in_dim3A_1212, %iota3A, %broadcast_in_dim3A_1218] : memref<8x32x128xf32, #tpu.memory_space<vmem>>[vector<16xi32>, vector<16xi32>, vector<16xi32>], vector<16xf32>,
      %add3A_1225 = arith.constant 16 : i32
      %add3A_1226 = vector.broadcast %add3A_1225 : i32 to vector<16xi32>
      %add3A_1227 = arith.addi %iota3A, %add3A_1226 : vector<16xi32>
      %gather3A_1228 = tpu.vector_load_idx %arg13[%broadcast_in_dim3A_1212, %add3A_1227, %broadcast_in_dim3A_1218] : memref<8x32x128xf32, #tpu.memory_space<vmem>>[vector<16xi32>, vector<16xi32>, vector<16xi32>], vector<16xf32>,
      %mul3A_1229 = arith.mulf %gather3A_1219, %gather3A_1224 : vector<16xf32>
      %mul3A_1230 = arith.mulf %mul3A_1229, %get3A_5 : vector<16xf32>
      %mul3A_1231 = arith.mulf %gather3A_1223, %gather3A_1228 : vector<16xf32>
      %mul3A_1232 = arith.mulf %mul3A_1231, %get3A_7 : vector<16xf32>
      %add3A_1233 = arith.addf %mul3A_1230, %mul3A_1232 : vector<16xf32>
      %jit3A_1234 = arith.constant 8 : i32
      %div3A_1235 = arith.divsi %sub3A_1188, %jit3A_1234 : i32
      %sign3A_1236 = arith.constant 0 : i32
      %sign3A_1237 = arith.cmpi sgt, %sub3A_1188, %sign3A_1236 : i32
      %sign3A_1238 = arith.extui %sign3A_1237 : i1 to i32
      %sign3A_1239 = arith.constant 0 : i32
      %sign3A_1240 = arith.cmpi slt, %sub3A_1188, %sign3A_1239 : i32
      %sign3A_1241 = arith.extui %sign3A_1240 : i1 to i32
      %sign3A_1242 = arith.subi %sign3A_1238, %sign3A_1241 : i32
      %sign3A_1243 = arith.constant 0 : i32
      %sign3A_1244 = arith.cmpi sgt, %jit3A_1234, %sign3A_1243 : i32
      %sign3A_1245 = arith.extui %sign3A_1244 : i1 to i32
      %sign3A_1246 = arith.constant 0 : i32
      %sign3A_1247 = arith.cmpi slt, %jit3A_1234, %sign3A_1246 : i32
      %sign3A_1248 = arith.extui %sign3A_1247 : i1 to i32
      %sign3A_1249 = arith.subi %sign3A_1245, %sign3A_1248 : i32
      %ne3A_1250 = arith.cmpi ne, %sign3A_1242, %sign3A_1249 : i32
      %rem3A_1251 = arith.remsi %sub3A_1188, %jit3A_1234 : i32
      %ne3A_1252 = arith.constant 0 : i32
      %ne3A_1253 = arith.cmpi ne, %rem3A_1251, %ne3A_1252 : i32
      %and3A_1254 = arith.andi %ne3A_1250, %ne3A_1253 : i1
      %sub3A_1255 = arith.constant 1 : i32
      %sub3A_1256 = arith.subi %div3A_1235, %sub3A_1255 : i32
      %select_n3A_1257 = arith.select %and3A_1254, %sub3A_1256, %div3A_1235 : i32
      %rem3A_1258 = arith.constant 8 : i32
      %rem3A_1259 = arith.remsi %sub3A_1188, %rem3A_1258 : i32
      %mul3A_1260 = arith.constant 16 : i32
      %mul3A_1261 = arith.muli %rem3A_1259, %mul3A_1260 : i32
      %swap3A_1262 = arith.index_cast %select_n3A_1257 : i32 to index
      %swap3A_1263 = arith.index_cast %mul3A_1261 : i32 to index
      %swap3A_1264 = tpu.vector_load %arg16[%swap3A_1262, %swap3A_1263] {strides = array<i32>} : memref<64x128xf32, #tpu.memory_space<vmem>>, vector<16xf32>,
      tpu.vector_store %arg16[%swap3A_1262, %swap3A_1263], %add3A_1233 {strides = array<i32>} : memref<64x128xf32, #tpu.memory_space<vmem>>, vector<16xf32>,
      %slice3A_1265 = vector.extract_strided_slice %get3A_474 {offsets = [8], sizes = [1], strides = [1]} : vector<16xi32> to vector<1xi32>
      %squeeze3A_1266 = vector.extract %slice3A_1265[0] : i32 from vector<1xi32>
      %slice3A_1267 = vector.extract_strided_slice %get3A_477 {offsets = [8], sizes = [1], strides = [1]} : vector<16xi32> to vector<1xi32>
      %squeeze3A_1268 = vector.extract %slice3A_1267[0] : i32 from vector<1xi32>
      %jit3A_1269 = arith.constant 128 : i32
      %div3A_1270 = arith.divsi %squeeze3A_1266, %jit3A_1269 : i32
      %sign3A_1271 = arith.constant 0 : i32
      %sign3A_1272 = arith.cmpi sgt, %squeeze3A_1266, %sign3A_1271 : i32
      %sign3A_1273 = arith.extui %sign3A_1272 : i1 to i32
      %sign3A_1274 = arith.constant 0 : i32
      %sign3A_1275 = arith.cmpi slt, %squeeze3A_1266, %sign3A_1274 : i32
      %sign3A_1276 = arith.extui %sign3A_1275 : i1 to i32
      %sign3A_1277 = arith.subi %sign3A_1273, %sign3A_1276 : i32
      %sign3A_1278 = arith.constant 0 : i32
      %sign3A_1279 = arith.cmpi sgt, %jit3A_1269, %sign3A_1278 : i32
      %sign3A_1280 = arith.extui %sign3A_1279 : i1 to i32
      %sign3A_1281 = arith.constant 0 : i32
      %sign3A_1282 = arith.cmpi slt, %jit3A_1269, %sign3A_1281 : i32
      %sign3A_1283 = arith.extui %sign3A_1282 : i1 to i32
      %sign3A_1284 = arith.subi %sign3A_1280, %sign3A_1283 : i32
      %ne3A_1285 = arith.cmpi ne, %sign3A_1277, %sign3A_1284 : i32
      %rem3A_1286 = arith.remsi %squeeze3A_1266, %jit3A_1269 : i32
      %ne3A_1287 = arith.constant 0 : i32
      %ne3A_1288 = arith.cmpi ne, %rem3A_1286, %ne3A_1287 : i32
      %and3A_1289 = arith.andi %ne3A_1285, %ne3A_1288 : i1
      %sub3A_1290 = arith.constant 1 : i32
      %sub3A_1291 = arith.subi %div3A_1270, %sub3A_1290 : i32
      %select_n3A_1292 = arith.select %and3A_1289, %sub3A_1291, %div3A_1270 : i32
      %mul3A_1293 = arith.constant 128 : i32
      %mul3A_1294 = arith.muli %select_n3A_1292, %mul3A_1293 : i32
      %multiple_of3A_1295 = tpu.assume_multiple %mul3A_1294, 128 : i32
      %jit3A_1296 = arith.constant 128 : i32
      %div3A_1297 = arith.divsi %squeeze3A_1268, %jit3A_1296 : i32
      %sign3A_1298 = arith.constant 0 : i32
      %sign3A_1299 = arith.cmpi sgt, %squeeze3A_1268, %sign3A_1298 : i32
      %sign3A_1300 = arith.extui %sign3A_1299 : i1 to i32
      %sign3A_1301 = arith.constant 0 : i32
      %sign3A_1302 = arith.cmpi slt, %squeeze3A_1268, %sign3A_1301 : i32
      %sign3A_1303 = arith.extui %sign3A_1302 : i1 to i32
      %sign3A_1304 = arith.subi %sign3A_1300, %sign3A_1303 : i32
      %sign3A_1305 = arith.constant 0 : i32
      %sign3A_1306 = arith.cmpi sgt, %jit3A_1296, %sign3A_1305 : i32
      %sign3A_1307 = arith.extui %sign3A_1306 : i1 to i32
      %sign3A_1308 = arith.constant 0 : i32
      %sign3A_1309 = arith.cmpi slt, %jit3A_1296, %sign3A_1308 : i32
      %sign3A_1310 = arith.extui %sign3A_1309 : i1 to i32
      %sign3A_1311 = arith.subi %sign3A_1307, %sign3A_1310 : i32
      %ne3A_1312 = arith.cmpi ne, %sign3A_1304, %sign3A_1311 : i32
      %rem3A_1313 = arith.remsi %squeeze3A_1268, %jit3A_1296 : i32
      %ne3A_1314 = arith.constant 0 : i32
      %ne3A_1315 = arith.cmpi ne, %rem3A_1313, %ne3A_1314 : i32
      %and3A_1316 = arith.andi %ne3A_1312, %ne3A_1315 : i1
      %sub3A_1317 = arith.constant 1 : i32
      %sub3A_1318 = arith.subi %div3A_1297, %sub3A_1317 : i32
      %select_n3A_1319 = arith.select %and3A_1316, %sub3A_1318, %div3A_1297 : i32
      %mul3A_1320 = arith.constant 128 : i32
      %mul3A_1321 = arith.muli %select_n3A_1319, %mul3A_1320 : i32
      %multiple_of3A_1322 = tpu.assume_multiple %mul3A_1321, 128 : i32
      %dma_start3A_1323 = arith.constant 0 : i32
      %dma_start3A_1324 = arith.constant 0 : i32
      %dma_start3A_1325 = arith.constant 0 : i32
      %dma_start3A_1326 = tpu.memref_slice %arg12[%dma_start3A_1323, %dma_start3A_1324, %dma_start3A_1325] : memref<8x32x128xf32, #tpu.memory_space<vmem>> -> memref<1x32x128xf32, #tpu.memory_space<vmem>>
      %dma_start3A_1327 = tpu.memref_squeeze %dma_start3A_1326 : memref<1x32x128xf32, #tpu.memory_space<vmem>> -> memref<32x128xf32, #tpu.memory_space<vmem>>
      %dma_start3A_1328 = arith.constant 0 : i32
      %dma_start3A_1329 = tpu.memref_slice %arg4[%dma_start3A_1328, %multiple_of3A_1295] : memref<32x1000000xf32, #tpu.memory_space<hbm>> -> memref<32x128xf32, #tpu.memory_space<hbm>>
      %dma_start3A_1330 = arith.constant 0 : i32
      %dma_start3A_1331 = arith.constant 0 : i32
      %dma_start3A_1332 = tpu.memref_slice %arg12[%dma_start3A_1323, %dma_start3A_1330, %dma_start3A_1331] : memref<8x32x128xf32, #tpu.memory_space<vmem>> -> memref<1x32x128xf32, #tpu.memory_space<vmem>>
      %dma_start3A_1333 = tpu.memref_squeeze %dma_start3A_1332 : memref<1x32x128xf32, #tpu.memory_space<vmem>> -> memref<32x128xf32, #tpu.memory_space<vmem>>
      %dma_start3A_1334 = arith.constant 0 : i32
      %dma_start3A_1335 = tpu.memref_slice %arg4[%dma_start3A_1334, %multiple_of3A_1295] : memref<32x1000000xf32, #tpu.memory_space<hbm>> -> memref<32x128xf32, #tpu.memory_space<hbm>>
      tpu.enqueue_dma source(%dma_start3A_1335 : memref<32x128xf32, #tpu.memory_space<hbm>>) target(%dma_start3A_1333 : memref<32x128xf32, #tpu.memory_space<vmem>>) target_semaphore(%arg18 : memref<!tpu.dma_semaphore, #tpu.memory_space<semaphore_mem>>)
      %dma_start3A_1336 = arith.constant 0 : i32
      %dma_start3A_1337 = arith.constant 0 : i32
      %dma_start3A_1338 = arith.constant 0 : i32
      %dma_start3A_1339 = tpu.memref_slice %arg13[%dma_start3A_1336, %dma_start3A_1337, %dma_start3A_1338] : memref<8x32x128xf32, #tpu.memory_space<vmem>> -> memref<1x32x128xf32, #tpu.memory_space<vmem>>
      %dma_start3A_1340 = tpu.memref_squeeze %dma_start3A_1339 : memref<1x32x128xf32, #tpu.memory_space<vmem>> -> memref<32x128xf32, #tpu.memory_space<vmem>>
      %dma_start3A_1341 = arith.constant 0 : i32
      %dma_start3A_1342 = tpu.memref_slice %arg5[%dma_start3A_1341, %multiple_of3A_1322] : memref<32x1000000xf32, #tpu.memory_space<hbm>> -> memref<32x128xf32, #tpu.memory_space<hbm>>
      %dma_start3A_1343 = arith.constant 0 : i32
      %dma_start3A_1344 = arith.constant 0 : i32
      %dma_start3A_1345 = tpu.memref_slice %arg13[%dma_start3A_1336, %dma_start3A_1343, %dma_start3A_1344] : memref<8x32x128xf32, #tpu.memory_space<vmem>> -> memref<1x32x128xf32, #tpu.memory_space<vmem>>
      %dma_start3A_1346 = tpu.memref_squeeze %dma_start3A_1345 : memref<1x32x128xf32, #tpu.memory_space<vmem>> -> memref<32x128xf32, #tpu.memory_space<vmem>>
      %dma_start3A_1347 = arith.constant 0 : i32
      %dma_start3A_1348 = tpu.memref_slice %arg5[%dma_start3A_1347, %multiple_of3A_1322] : memref<32x1000000xf32, #tpu.memory_space<hbm>> -> memref<32x128xf32, #tpu.memory_space<hbm>>
      tpu.enqueue_dma source(%dma_start3A_1348 : memref<32x128xf32, #tpu.memory_space<hbm>>) target(%dma_start3A_1346 : memref<32x128xf32, #tpu.memory_space<vmem>>) target_semaphore(%arg18 : memref<!tpu.dma_semaphore, #tpu.memory_space<semaphore_mem>>)
      %add3A_1349 = arith.constant 9 : i32
      %add3A_1350 = arith.addi %mul3A_452, %add3A_1349 : i32
      %sub3A_1351 = arith.constant 8 : i32
      %sub3A_1352 = arith.subi %add3A_1350, %sub3A_1351 : i32
      %slice3A_1353 = vector.extract_strided_slice %get3A_474 {offsets = [1], sizes = [1], strides = [1]} : vector<16xi32> to vector<1xi32>
      %squeeze3A_1354 = vector.extract %slice3A_1353[0] : i32 from vector<1xi32>
      %slice3A_1355 = vector.extract_strided_slice %get3A_477 {offsets = [1], sizes = [1], strides = [1]} : vector<16xi32> to vector<1xi32>
      %squeeze3A_1356 = vector.extract %slice3A_1355[0] : i32 from vector<1xi32>
      %dma_wait3A_1357 = arith.constant 1 : i32
      %dma_wait3A_1358 = arith.constant 0 : i32
      %dma_wait3A_1359 = arith.constant 0 : i32
      %dma_wait3A_1360 = tpu.memref_slice %arg12[%dma_wait3A_1357, %dma_wait3A_1358, %dma_wait3A_1359] : memref<8x32x128xf32, #tpu.memory_space<vmem>> -> memref<1x32x128xf32, #tpu.memory_space<vmem>>
      %dma_wait3A_1361 = tpu.memref_squeeze %dma_wait3A_1360 : memref<1x32x128xf32, #tpu.memory_space<vmem>> -> memref<32x128xf32, #tpu.memory_space<vmem>>
      %dma_wait3A_1362 = arith.constant 0 : i32
      %dma_wait3A_1363 = arith.constant 0 : i32
      %dma_wait3A_1364 = tpu.memref_slice %arg12[%dma_wait3A_1357, %dma_wait3A_1362, %dma_wait3A_1363] : memref<8x32x128xf32, #tpu.memory_space<vmem>> -> memref<1x32x128xf32, #tpu.memory_space<vmem>>
      %dma_wait3A_1365 = tpu.memref_squeeze %dma_wait3A_1364 : memref<1x32x128xf32, #tpu.memory_space<vmem>> -> memref<32x128xf32, #tpu.memory_space<vmem>>
      tpu.wait_dma2 semaphore(%arg19 : memref<!tpu.dma_semaphore, #tpu.memory_space<semaphore_mem>>) src(%arg8 : memref<32x128xf32, #tpu.memory_space<hbm>>) dst(%dma_wait3A_1365 : memref<32x128xf32, #tpu.memory_space<vmem>>)
      %dma_wait3A_1366 = arith.constant 1 : i32
      %dma_wait3A_1367 = arith.constant 0 : i32
      %dma_wait3A_1368 = arith.constant 0 : i32
      %dma_wait3A_1369 = tpu.memref_slice %arg13[%dma_wait3A_1366, %dma_wait3A_1367, %dma_wait3A_1368] : memref<8x32x128xf32, #tpu.memory_space<vmem>> -> memref<1x32x128xf32, #tpu.memory_space<vmem>>
      %dma_wait3A_1370 = tpu.memref_squeeze %dma_wait3A_1369 : memref<1x32x128xf32, #tpu.memory_space<vmem>> -> memref<32x128xf32, #tpu.memory_space<vmem>>
      %dma_wait3A_1371 = arith.constant 0 : i32
      %dma_wait3A_1372 = arith.constant 0 : i32
      %dma_wait3A_1373 = tpu.memref_slice %arg13[%dma_wait3A_1366, %dma_wait3A_1371, %dma_wait3A_1372] : memref<8x32x128xf32, #tpu.memory_space<vmem>> -> memref<1x32x128xf32, #tpu.memory_space<vmem>>
      %dma_wait3A_1374 = tpu.memref_squeeze %dma_wait3A_1373 : memref<1x32x128xf32, #tpu.memory_space<vmem>> -> memref<32x128xf32, #tpu.memory_space<vmem>>
      tpu.wait_dma2 semaphore(%arg19 : memref<!tpu.dma_semaphore, #tpu.memory_space<semaphore_mem>>) src(%arg8 : memref<32x128xf32, #tpu.memory_space<hbm>>) dst(%dma_wait3A_1374 : memref<32x128xf32, #tpu.memory_space<vmem>>)
      %broadcast_in_dim3A_1375 = arith.constant 1 : i32
      %broadcast_in_dim3A_1376 = vector.broadcast %broadcast_in_dim3A_1375 : i32 to vector<16xi32>
      %rem3A_1377 = arith.constant 128 : i32
      %rem3A_1378 = arith.remsi %squeeze3A_1354, %rem3A_1377 : i32
      %broadcast_in_dim3A_1379 = vector.broadcast %rem3A_1378 : i32 to vector<16xi32>
      %rem3A_1380 = arith.constant 128 : i32
      %rem3A_1381 = arith.remsi %squeeze3A_1356, %rem3A_1380 : i32
      %broadcast_in_dim3A_1382 = vector.broadcast %rem3A_1381 : i32 to vector<16xi32>
      %gather3A_1383 = tpu.vector_load_idx %arg12[%broadcast_in_dim3A_1376, %iota3A, %broadcast_in_dim3A_1379] : memref<8x32x128xf32, #tpu.memory_space<vmem>>[vector<16xi32>, vector<16xi32>, vector<16xi32>], vector<16xf32>,
      %add3A_1384 = arith.constant 16 : i32
      %add3A_1385 = vector.broadcast %add3A_1384 : i32 to vector<16xi32>
      %add3A_1386 = arith.addi %iota3A, %add3A_1385 : vector<16xi32>
      %gather3A_1387 = tpu.vector_load_idx %arg12[%broadcast_in_dim3A_1376, %add3A_1386, %broadcast_in_dim3A_1379] : memref<8x32x128xf32, #tpu.memory_space<vmem>>[vector<16xi32>, vector<16xi32>, vector<16xi32>], vector<16xf32>,
      %gather3A_1388 = tpu.vector_load_idx %arg13[%broadcast_in_dim3A_1376, %iota3A, %broadcast_in_dim3A_1382] : memref<8x32x128xf32, #tpu.memory_space<vmem>>[vector<16xi32>, vector<16xi32>, vector<16xi32>], vector<16xf32>,
      %add3A_1389 = arith.constant 16 : i32
      %add3A_1390 = vector.broadcast %add3A_1389 : i32 to vector<16xi32>
      %add3A_1391 = arith.addi %iota3A, %add3A_1390 : vector<16xi32>
      %gather3A_1392 = tpu.vector_load_idx %arg13[%broadcast_in_dim3A_1376, %add3A_1391, %broadcast_in_dim3A_1382] : memref<8x32x128xf32, #tpu.memory_space<vmem>>[vector<16xi32>, vector<16xi32>, vector<16xi32>], vector<16xf32>,
      %mul3A_1393 = arith.mulf %gather3A_1383, %gather3A_1388 : vector<16xf32>
      %mul3A_1394 = arith.mulf %mul3A_1393, %get3A_5 : vector<16xf32>
      %mul3A_1395 = arith.mulf %gather3A_1387, %gather3A_1392 : vector<16xf32>
      %mul3A_1396 = arith.mulf %mul3A_1395, %get3A_7 : vector<16xf32>
      %add3A_1397 = arith.addf %mul3A_1394, %mul3A_1396 : vector<16xf32>
      %jit3A_1398 = arith.constant 8 : i32
      %div3A_1399 = arith.divsi %sub3A_1352, %jit3A_1398 : i32
      %sign3A_1400 = arith.constant 0 : i32
      %sign3A_1401 = arith.cmpi sgt, %sub3A_1352, %sign3A_1400 : i32
      %sign3A_1402 = arith.extui %sign3A_1401 : i1 to i32
      %sign3A_1403 = arith.constant 0 : i32
      %sign3A_1404 = arith.cmpi slt, %sub3A_1352, %sign3A_1403 : i32
      %sign3A_1405 = arith.extui %sign3A_1404 : i1 to i32
      %sign3A_1406 = arith.subi %sign3A_1402, %sign3A_1405 : i32
      %sign3A_1407 = arith.constant 0 : i32
      %sign3A_1408 = arith.cmpi sgt, %jit3A_1398, %sign3A_1407 : i32
      %sign3A_1409 = arith.extui %sign3A_1408 : i1 to i32
      %sign3A_1410 = arith.constant 0 : i32
      %sign3A_1411 = arith.cmpi slt, %jit3A_1398, %sign3A_1410 : i32
      %sign3A_1412 = arith.extui %sign3A_1411 : i1 to i32
      %sign3A_1413 = arith.subi %sign3A_1409, %sign3A_1412 : i32
      %ne3A_1414 = arith.cmpi ne, %sign3A_1406, %sign3A_1413 : i32
      %rem3A_1415 = arith.remsi %sub3A_1352, %jit3A_1398 : i32
      %ne3A_1416 = arith.constant 0 : i32
      %ne3A_1417 = arith.cmpi ne, %rem3A_1415, %ne3A_1416 : i32
      %and3A_1418 = arith.andi %ne3A_1414, %ne3A_1417 : i1
      %sub3A_1419 = arith.constant 1 : i32
      %sub3A_1420 = arith.subi %div3A_1399, %sub3A_1419 : i32
      %select_n3A_1421 = arith.select %and3A_1418, %sub3A_1420, %div3A_1399 : i32
      %rem3A_1422 = arith.constant 8 : i32
      %rem3A_1423 = arith.remsi %sub3A_1352, %rem3A_1422 : i32
      %mul3A_1424 = arith.constant 16 : i32
      %mul3A_1425 = arith.muli %rem3A_1423, %mul3A_1424 : i32
      %swap3A_1426 = arith.index_cast %select_n3A_1421 : i32 to index
      %swap3A_1427 = arith.index_cast %mul3A_1425 : i32 to index
      %swap3A_1428 = tpu.vector_load %arg16[%swap3A_1426, %swap3A_1427] {strides = array<i32>} : memref<64x128xf32, #tpu.memory_space<vmem>>, vector<16xf32>,
      tpu.vector_store %arg16[%swap3A_1426, %swap3A_1427], %add3A_1397 {strides = array<i32>} : memref<64x128xf32, #tpu.memory_space<vmem>>, vector<16xf32>,
      %slice3A_1429 = vector.extract_strided_slice %get3A_474 {offsets = [9], sizes = [1], strides = [1]} : vector<16xi32> to vector<1xi32>
      %squeeze3A_1430 = vector.extract %slice3A_1429[0] : i32 from vector<1xi32>
      %slice3A_1431 = vector.extract_strided_slice %get3A_477 {offsets = [9], sizes = [1], strides = [1]} : vector<16xi32> to vector<1xi32>
      %squeeze3A_1432 = vector.extract %slice3A_1431[0] : i32 from vector<1xi32>
      %jit3A_1433 = arith.constant 128 : i32
      %div3A_1434 = arith.divsi %squeeze3A_1430, %jit3A_1433 : i32
      %sign3A_1435 = arith.constant 0 : i32
      %sign3A_1436 = arith.cmpi sgt, %squeeze3A_1430, %sign3A_1435 : i32
      %sign3A_1437 = arith.extui %sign3A_1436 : i1 to i32
      %sign3A_1438 = arith.constant 0 : i32
      %sign3A_1439 = arith.cmpi slt, %squeeze3A_1430, %sign3A_1438 : i32
      %sign3A_1440 = arith.extui %sign3A_1439 : i1 to i32
      %sign3A_1441 = arith.subi %sign3A_1437, %sign3A_1440 : i32
      %sign3A_1442 = arith.constant 0 : i32
      %sign3A_1443 = arith.cmpi sgt, %jit3A_1433, %sign3A_1442 : i32
      %sign3A_1444 = arith.extui %sign3A_1443 : i1 to i32
      %sign3A_1445 = arith.constant 0 : i32
      %sign3A_1446 = arith.cmpi slt, %jit3A_1433, %sign3A_1445 : i32
      %sign3A_1447 = arith.extui %sign3A_1446 : i1 to i32
      %sign3A_1448 = arith.subi %sign3A_1444, %sign3A_1447 : i32
      %ne3A_1449 = arith.cmpi ne, %sign3A_1441, %sign3A_1448 : i32
      %rem3A_1450 = arith.remsi %squeeze3A_1430, %jit3A_1433 : i32
      %ne3A_1451 = arith.constant 0 : i32
      %ne3A_1452 = arith.cmpi ne, %rem3A_1450, %ne3A_1451 : i32
      %and3A_1453 = arith.andi %ne3A_1449, %ne3A_1452 : i1
      %sub3A_1454 = arith.constant 1 : i32
      %sub3A_1455 = arith.subi %div3A_1434, %sub3A_1454 : i32
      %select_n3A_1456 = arith.select %and3A_1453, %sub3A_1455, %div3A_1434 : i32
      %mul3A_1457 = arith.constant 128 : i32
      %mul3A_1458 = arith.muli %select_n3A_1456, %mul3A_1457 : i32
      %multiple_of3A_1459 = tpu.assume_multiple %mul3A_1458, 128 : i32
      %jit3A_1460 = arith.constant 128 : i32
      %div3A_1461 = arith.divsi %squeeze3A_1432, %jit3A_1460 : i32
      %sign3A_1462 = arith.constant 0 : i32
      %sign3A_1463 = arith.cmpi sgt, %squeeze3A_1432, %sign3A_1462 : i32
      %sign3A_1464 = arith.extui %sign3A_1463 : i1 to i32
      %sign3A_1465 = arith.constant 0 : i32
      %sign3A_1466 = arith.cmpi slt, %squeeze3A_1432, %sign3A_1465 : i32
      %sign3A_1467 = arith.extui %sign3A_1466 : i1 to i32
      %sign3A_1468 = arith.subi %sign3A_1464, %sign3A_1467 : i32
      %sign3A_1469 = arith.constant 0 : i32
      %sign3A_1470 = arith.cmpi sgt, %jit3A_1460, %sign3A_1469 : i32
      %sign3A_1471 = arith.extui %sign3A_1470 : i1 to i32
      %sign3A_1472 = arith.constant 0 : i32
      %sign3A_1473 = arith.cmpi slt, %jit3A_1460, %sign3A_1472 : i32
      %sign3A_1474 = arith.extui %sign3A_1473 : i1 to i32
      %sign3A_1475 = arith.subi %sign3A_1471, %sign3A_1474 : i32
      %ne3A_1476 = arith.cmpi ne, %sign3A_1468, %sign3A_1475 : i32
      %rem3A_1477 = arith.remsi %squeeze3A_1432, %jit3A_1460 : i32
      %ne3A_1478 = arith.constant 0 : i32
      %ne3A_1479 = arith.cmpi ne, %rem3A_1477, %ne3A_1478 : i32
      %and3A_1480 = arith.andi %ne3A_1476, %ne3A_1479 : i1
      %sub3A_1481 = arith.constant 1 : i32
      %sub3A_1482 = arith.subi %div3A_1461, %sub3A_1481 : i32
      %select_n3A_1483 = arith.select %and3A_1480, %sub3A_1482, %div3A_1461 : i32
      %mul3A_1484 = arith.constant 128 : i32
      %mul3A_1485 = arith.muli %select_n3A_1483, %mul3A_1484 : i32
      %multiple_of3A_1486 = tpu.assume_multiple %mul3A_1485, 128 : i32
      %dma_start3A_1487 = arith.constant 1 : i32
      %dma_start3A_1488 = arith.constant 0 : i32
      %dma_start3A_1489 = arith.constant 0 : i32
      %dma_start3A_1490 = tpu.memref_slice %arg12[%dma_start3A_1487, %dma_start3A_1488, %dma_start3A_1489] : memref<8x32x128xf32, #tpu.memory_space<vmem>> -> memref<1x32x128xf32, #tpu.memory_space<vmem>>
      %dma_start3A_1491 = tpu.memref_squeeze %dma_start3A_1490 : memref<1x32x128xf32, #tpu.memory_space<vmem>> -> memref<32x128xf32, #tpu.memory_space<vmem>>
      %dma_start3A_1492 = arith.constant 0 : i32
      %dma_start3A_1493 = tpu.memref_slice %arg4[%dma_start3A_1492, %multiple_of3A_1459] : memref<32x1000000xf32, #tpu.memory_space<hbm>> -> memref<32x128xf32, #tpu.memory_space<hbm>>
      %dma_start3A_1494 = arith.constant 0 : i32
      %dma_start3A_1495 = arith.constant 0 : i32
      %dma_start3A_1496 = tpu.memref_slice %arg12[%dma_start3A_1487, %dma_start3A_1494, %dma_start3A_1495] : memref<8x32x128xf32, #tpu.memory_space<vmem>> -> memref<1x32x128xf32, #tpu.memory_space<vmem>>
      %dma_start3A_1497 = tpu.memref_squeeze %dma_start3A_1496 : memref<1x32x128xf32, #tpu.memory_space<vmem>> -> memref<32x128xf32, #tpu.memory_space<vmem>>
      %dma_start3A_1498 = arith.constant 0 : i32
      %dma_start3A_1499 = tpu.memref_slice %arg4[%dma_start3A_1498, %multiple_of3A_1459] : memref<32x1000000xf32, #tpu.memory_space<hbm>> -> memref<32x128xf32, #tpu.memory_space<hbm>>
      tpu.enqueue_dma source(%dma_start3A_1499 : memref<32x128xf32, #tpu.memory_space<hbm>>) target(%dma_start3A_1497 : memref<32x128xf32, #tpu.memory_space<vmem>>) target_semaphore(%arg19 : memref<!tpu.dma_semaphore, #tpu.memory_space<semaphore_mem>>)
      %dma_start3A_1500 = arith.constant 1 : i32
      %dma_start3A_1501 = arith.constant 0 : i32
      %dma_start3A_1502 = arith.constant 0 : i32
      %dma_start3A_1503 = tpu.memref_slice %arg13[%dma_start3A_1500, %dma_start3A_1501, %dma_start3A_1502] : memref<8x32x128xf32, #tpu.memory_space<vmem>> -> memref<1x32x128xf32, #tpu.memory_space<vmem>>
      %dma_start3A_1504 = tpu.memref_squeeze %dma_start3A_1503 : memref<1x32x128xf32, #tpu.memory_space<vmem>> -> memref<32x128xf32, #tpu.memory_space<vmem>>
      %dma_start3A_1505 = arith.constant 0 : i32
      %dma_start3A_1506 = tpu.memref_slice %arg5[%dma_start3A_1505, %multiple_of3A_1486] : memref<32x1000000xf32, #tpu.memory_space<hbm>> -> memref<32x128xf32, #tpu.memory_space<hbm>>
      %dma_start3A_1507 = arith.constant 0 : i32
      %dma_start3A_1508 = arith.constant 0 : i32
      %dma_start3A_1509 = tpu.memref_slice %arg13[%dma_start3A_1500, %dma_start3A_1507, %dma_start3A_1508] : memref<8x32x128xf32, #tpu.memory_space<vmem>> -> memref<1x32x128xf32, #tpu.memory_space<vmem>>
      %dma_start3A_1510 = tpu.memref_squeeze %dma_start3A_1509 : memref<1x32x128xf32, #tpu.memory_space<vmem>> -> memref<32x128xf32, #tpu.memory_space<vmem>>
      %dma_start3A_1511 = arith.constant 0 : i32
      %dma_start3A_1512 = tpu.memref_slice %arg5[%dma_start3A_1511, %multiple_of3A_1486] : memref<32x1000000xf32, #tpu.memory_space<hbm>> -> memref<32x128xf32, #tpu.memory_space<hbm>>
      tpu.enqueue_dma source(%dma_start3A_1512 : memref<32x128xf32, #tpu.memory_space<hbm>>) target(%dma_start3A_1510 : memref<32x128xf32, #tpu.memory_space<vmem>>) target_semaphore(%arg19 : memref<!tpu.dma_semaphore, #tpu.memory_space<semaphore_mem>>)
      %add3A_1513 = arith.constant 10 : i32
      %add3A_1514 = arith.addi %mul3A_452, %add3A_1513 : i32
      %sub3A_1515 = arith.constant 8 : i32
      %sub3A_1516 = arith.subi %add3A_1514, %sub3A_1515 : i32
      %slice3A_1517 = vector.extract_strided_slice %get3A_474 {offsets = [2], sizes = [1], strides = [1]} : vector<16xi32> to vector<1xi32>
      %squeeze3A_1518 = vector.extract %slice3A_1517[0] : i32 from vector<1xi32>
      %slice3A_1519 = vector.extract_strided_slice %get3A_477 {offsets = [2], sizes = [1], strides = [1]} : vector<16xi32> to vector<1xi32>
      %squeeze3A_1520 = vector.extract %slice3A_1519[0] : i32 from vector<1xi32>
      %dma_wait3A_1521 = arith.constant 2 : i32
      %dma_wait3A_1522 = arith.constant 0 : i32
      %dma_wait3A_1523 = arith.constant 0 : i32
      %dma_wait3A_1524 = tpu.memref_slice %arg12[%dma_wait3A_1521, %dma_wait3A_1522, %dma_wait3A_1523] : memref<8x32x128xf32, #tpu.memory_space<vmem>> -> memref<1x32x128xf32, #tpu.memory_space<vmem>>
      %dma_wait3A_1525 = tpu.memref_squeeze %dma_wait3A_1524 : memref<1x32x128xf32, #tpu.memory_space<vmem>> -> memref<32x128xf32, #tpu.memory_space<vmem>>
      %dma_wait3A_1526 = arith.constant 0 : i32
      %dma_wait3A_1527 = arith.constant 0 : i32
      %dma_wait3A_1528 = tpu.memref_slice %arg12[%dma_wait3A_1521, %dma_wait3A_1526, %dma_wait3A_1527] : memref<8x32x128xf32, #tpu.memory_space<vmem>> -> memref<1x32x128xf32, #tpu.memory_space<vmem>>
      %dma_wait3A_1529 = tpu.memref_squeeze %dma_wait3A_1528 : memref<1x32x128xf32, #tpu.memory_space<vmem>> -> memref<32x128xf32, #tpu.memory_space<vmem>>
      tpu.wait_dma2 semaphore(%arg20 : memref<!tpu.dma_semaphore, #tpu.memory_space<semaphore_mem>>) src(%arg8 : memref<32x128xf32, #tpu.memory_space<hbm>>) dst(%dma_wait3A_1529 : memref<32x128xf32, #tpu.memory_space<vmem>>)
      %dma_wait3A_1530 = arith.constant 2 : i32
      %dma_wait3A_1531 = arith.constant 0 : i32
      %dma_wait3A_1532 = arith.constant 0 : i32
      %dma_wait3A_1533 = tpu.memref_slice %arg13[%dma_wait3A_1530, %dma_wait3A_1531, %dma_wait3A_1532] : memref<8x32x128xf32, #tpu.memory_space<vmem>> -> memref<1x32x128xf32, #tpu.memory_space<vmem>>
      %dma_wait3A_1534 = tpu.memref_squeeze %dma_wait3A_1533 : memref<1x32x128xf32, #tpu.memory_space<vmem>> -> memref<32x128xf32, #tpu.memory_space<vmem>>
      %dma_wait3A_1535 = arith.constant 0 : i32
      %dma_wait3A_1536 = arith.constant 0 : i32
      %dma_wait3A_1537 = tpu.memref_slice %arg13[%dma_wait3A_1530, %dma_wait3A_1535, %dma_wait3A_1536] : memref<8x32x128xf32, #tpu.memory_space<vmem>> -> memref<1x32x128xf32, #tpu.memory_space<vmem>>
      %dma_wait3A_1538 = tpu.memref_squeeze %dma_wait3A_1537 : memref<1x32x128xf32, #tpu.memory_space<vmem>> -> memref<32x128xf32, #tpu.memory_space<vmem>>
      tpu.wait_dma2 semaphore(%arg20 : memref<!tpu.dma_semaphore, #tpu.memory_space<semaphore_mem>>) src(%arg8 : memref<32x128xf32, #tpu.memory_space<hbm>>) dst(%dma_wait3A_1538 : memref<32x128xf32, #tpu.memory_space<vmem>>)
      %broadcast_in_dim3A_1539 = arith.constant 2 : i32
      %broadcast_in_dim3A_1540 = vector.broadcast %broadcast_in_dim3A_1539 : i32 to vector<16xi32>
      %rem3A_1541 = arith.constant 128 : i32
      %rem3A_1542 = arith.remsi %squeeze3A_1518, %rem3A_1541 : i32
      %broadcast_in_dim3A_1543 = vector.broadcast %rem3A_1542 : i32 to vector<16xi32>
      %rem3A_1544 = arith.constant 128 : i32
      %rem3A_1545 = arith.remsi %squeeze3A_1520, %rem3A_1544 : i32
      %broadcast_in_dim3A_1546 = vector.broadcast %rem3A_1545 : i32 to vector<16xi32>
      %gather3A_1547 = tpu.vector_load_idx %arg12[%broadcast_in_dim3A_1540, %iota3A, %broadcast_in_dim3A_1543] : memref<8x32x128xf32, #tpu.memory_space<vmem>>[vector<16xi32>, vector<16xi32>, vector<16xi32>], vector<16xf32>,
      %add3A_1548 = arith.constant 16 : i32
      %add3A_1549 = vector.broadcast %add3A_1548 : i32 to vector<16xi32>
      %add3A_1550 = arith.addi %iota3A, %add3A_1549 : vector<16xi32>
      %gather3A_1551 = tpu.vector_load_idx %arg12[%broadcast_in_dim3A_1540, %add3A_1550, %broadcast_in_dim3A_1543] : memref<8x32x128xf32, #tpu.memory_space<vmem>>[vector<16xi32>, vector<16xi32>, vector<16xi32>], vector<16xf32>,
      %gather3A_1552 = tpu.vector_load_idx %arg13[%broadcast_in_dim3A_1540, %iota3A, %broadcast_in_dim3A_1546] : memref<8x32x128xf32, #tpu.memory_space<vmem>>[vector<16xi32>, vector<16xi32>, vector<16xi32>], vector<16xf32>,
      %add3A_1553 = arith.constant 16 : i32
      %add3A_1554 = vector.broadcast %add3A_1553 : i32 to vector<16xi32>
      %add3A_1555 = arith.addi %iota3A, %add3A_1554 : vector<16xi32>
      %gather3A_1556 = tpu.vector_load_idx %arg13[%broadcast_in_dim3A_1540, %add3A_1555, %broadcast_in_dim3A_1546] : memref<8x32x128xf32, #tpu.memory_space<vmem>>[vector<16xi32>, vector<16xi32>, vector<16xi32>], vector<16xf32>,
      %mul3A_1557 = arith.mulf %gather3A_1547, %gather3A_1552 : vector<16xf32>
      %mul3A_1558 = arith.mulf %mul3A_1557, %get3A_5 : vector<16xf32>
      %mul3A_1559 = arith.mulf %gather3A_1551, %gather3A_1556 : vector<16xf32>
      %mul3A_1560 = arith.mulf %mul3A_1559, %get3A_7 : vector<16xf32>
      %add3A_1561 = arith.addf %mul3A_1558, %mul3A_1560 : vector<16xf32>
      %jit3A_1562 = arith.constant 8 : i32
      %div3A_1563 = arith.divsi %sub3A_1516, %jit3A_1562 : i32
      %sign3A_1564 = arith.constant 0 : i32
      %sign3A_1565 = arith.cmpi sgt, %sub3A_1516, %sign3A_1564 : i32
      %sign3A_1566 = arith.extui %sign3A_1565 : i1 to i32
      %sign3A_1567 = arith.constant 0 : i32
      %sign3A_1568 = arith.cmpi slt, %sub3A_1516, %sign3A_1567 : i32
      %sign3A_1569 = arith.extui %sign3A_1568 : i1 to i32
      %sign3A_1570 = arith.subi %sign3A_1566, %sign3A_1569 : i32
      %sign3A_1571 = arith.constant 0 : i32
      %sign3A_1572 = arith.cmpi sgt, %jit3A_1562, %sign3A_1571 : i32
      %sign3A_1573 = arith.extui %sign3A_1572 : i1 to i32
      %sign3A_1574 = arith.constant 0 : i32
      %sign3A_1575 = arith.cmpi slt, %jit3A_1562, %sign3A_1574 : i32
      %sign3A_1576 = arith.extui %sign3A_1575 : i1 to i32
      %sign3A_1577 = arith.subi %sign3A_1573, %sign3A_1576 : i32
      %ne3A_1578 = arith.cmpi ne, %sign3A_1570, %sign3A_1577 : i32
      %rem3A_1579 = arith.remsi %sub3A_1516, %jit3A_1562 : i32
      %ne3A_1580 = arith.constant 0 : i32
      %ne3A_1581 = arith.cmpi ne, %rem3A_1579, %ne3A_1580 : i32
      %and3A_1582 = arith.andi %ne3A_1578, %ne3A_1581 : i1
      %sub3A_1583 = arith.constant 1 : i32
      %sub3A_1584 = arith.subi %div3A_1563, %sub3A_1583 : i32
      %select_n3A_1585 = arith.select %and3A_1582, %sub3A_1584, %div3A_1563 : i32
      %rem3A_1586 = arith.constant 8 : i32
      %rem3A_1587 = arith.remsi %sub3A_1516, %rem3A_1586 : i32
      %mul3A_1588 = arith.constant 16 : i32
      %mul3A_1589 = arith.muli %rem3A_1587, %mul3A_1588 : i32
      %swap3A_1590 = arith.index_cast %select_n3A_1585 : i32 to index
      %swap3A_1591 = arith.index_cast %mul3A_1589 : i32 to index
      %swap3A_1592 = tpu.vector_load %arg16[%swap3A_1590, %swap3A_1591] {strides = array<i32>} : memref<64x128xf32, #tpu.memory_space<vmem>>, vector<16xf32>,
      tpu.vector_store %arg16[%swap3A_1590, %swap3A_1591], %add3A_1561 {strides = array<i32>} : memref<64x128xf32, #tpu.memory_space<vmem>>, vector<16xf32>,
      %slice3A_1593 = vector.extract_strided_slice %get3A_474 {offsets = [10], sizes = [1], strides = [1]} : vector<16xi32> to vector<1xi32>
      %squeeze3A_1594 = vector.extract %slice3A_1593[0] : i32 from vector<1xi32>
      %slice3A_1595 = vector.extract_strided_slice %get3A_477 {offsets = [10], sizes = [1], strides = [1]} : vector<16xi32> to vector<1xi32>
      %squeeze3A_1596 = vector.extract %slice3A_1595[0] : i32 from vector<1xi32>
      %jit3A_1597 = arith.constant 128 : i32
      %div3A_1598 = arith.divsi %squeeze3A_1594, %jit3A_1597 : i32
      %sign3A_1599 = arith.constant 0 : i32
      %sign3A_1600 = arith.cmpi sgt, %squeeze3A_1594, %sign3A_1599 : i32
      %sign3A_1601 = arith.extui %sign3A_1600 : i1 to i32
      %sign3A_1602 = arith.constant 0 : i32
      %sign3A_1603 = arith.cmpi slt, %squeeze3A_1594, %sign3A_1602 : i32
      %sign3A_1604 = arith.extui %sign3A_1603 : i1 to i32
      %sign3A_1605 = arith.subi %sign3A_1601, %sign3A_1604 : i32
      %sign3A_1606 = arith.constant 0 : i32
      %sign3A_1607 = arith.cmpi sgt, %jit3A_1597, %sign3A_1606 : i32
      %sign3A_1608 = arith.extui %sign3A_1607 : i1 to i32
      %sign3A_1609 = arith.constant 0 : i32
      %sign3A_1610 = arith.cmpi slt, %jit3A_1597, %sign3A_1609 : i32
      %sign3A_1611 = arith.extui %sign3A_1610 : i1 to i32
      %sign3A_1612 = arith.subi %sign3A_1608, %sign3A_1611 : i32
      %ne3A_1613 = arith.cmpi ne, %sign3A_1605, %sign3A_1612 : i32
      %rem3A_1614 = arith.remsi %squeeze3A_1594, %jit3A_1597 : i32
      %ne3A_1615 = arith.constant 0 : i32
      %ne3A_1616 = arith.cmpi ne, %rem3A_1614, %ne3A_1615 : i32
      %and3A_1617 = arith.andi %ne3A_1613, %ne3A_1616 : i1
      %sub3A_1618 = arith.constant 1 : i32
      %sub3A_1619 = arith.subi %div3A_1598, %sub3A_1618 : i32
      %select_n3A_1620 = arith.select %and3A_1617, %sub3A_1619, %div3A_1598 : i32
      %mul3A_1621 = arith.constant 128 : i32
      %mul3A_1622 = arith.muli %select_n3A_1620, %mul3A_1621 : i32
      %multiple_of3A_1623 = tpu.assume_multiple %mul3A_1622, 128 : i32
      %jit3A_1624 = arith.constant 128 : i32
      %div3A_1625 = arith.divsi %squeeze3A_1596, %jit3A_1624 : i32
      %sign3A_1626 = arith.constant 0 : i32
      %sign3A_1627 = arith.cmpi sgt, %squeeze3A_1596, %sign3A_1626 : i32
      %sign3A_1628 = arith.extui %sign3A_1627 : i1 to i32
      %sign3A_1629 = arith.constant 0 : i32
      %sign3A_1630 = arith.cmpi slt, %squeeze3A_1596, %sign3A_1629 : i32
      %sign3A_1631 = arith.extui %sign3A_1630 : i1 to i32
      %sign3A_1632 = arith.subi %sign3A_1628, %sign3A_1631 : i32
      %sign3A_1633 = arith.constant 0 : i32
      %sign3A_1634 = arith.cmpi sgt, %jit3A_1624, %sign3A_1633 : i32
      %sign3A_1635 = arith.extui %sign3A_1634 : i1 to i32
      %sign3A_1636 = arith.constant 0 : i32
      %sign3A_1637 = arith.cmpi slt, %jit3A_1624, %sign3A_1636 : i32
      %sign3A_1638 = arith.extui %sign3A_1637 : i1 to i32
      %sign3A_1639 = arith.subi %sign3A_1635, %sign3A_1638 : i32
      %ne3A_1640 = arith.cmpi ne, %sign3A_1632, %sign3A_1639 : i32
      %rem3A_1641 = arith.remsi %squeeze3A_1596, %jit3A_1624 : i32
      %ne3A_1642 = arith.constant 0 : i32
      %ne3A_1643 = arith.cmpi ne, %rem3A_1641, %ne3A_1642 : i32
      %and3A_1644 = arith.andi %ne3A_1640, %ne3A_1643 : i1
      %sub3A_1645 = arith.constant 1 : i32
      %sub3A_1646 = arith.subi %div3A_1625, %sub3A_1645 : i32
      %select_n3A_1647 = arith.select %and3A_1644, %sub3A_1646, %div3A_1625 : i32
      %mul3A_1648 = arith.constant 128 : i32
      %mul3A_1649 = arith.muli %select_n3A_1647, %mul3A_1648 : i32
      %multiple_of3A_1650 = tpu.assume_multiple %mul3A_1649, 128 : i32
      %dma_start3A_1651 = arith.constant 2 : i32
      %dma_start3A_1652 = arith.constant 0 : i32
      %dma_start3A_1653 = arith.constant 0 : i32
      %dma_start3A_1654 = tpu.memref_slice %arg12[%dma_start3A_1651, %dma_start3A_1652, %dma_start3A_1653] : memref<8x32x128xf32, #tpu.memory_space<vmem>> -> memref<1x32x128xf32, #tpu.memory_space<vmem>>
      %dma_start3A_1655 = tpu.memref_squeeze %dma_start3A_1654 : memref<1x32x128xf32, #tpu.memory_space<vmem>> -> memref<32x128xf32, #tpu.memory_space<vmem>>
      %dma_start3A_1656 = arith.constant 0 : i32
      %dma_start3A_1657 = tpu.memref_slice %arg4[%dma_start3A_1656, %multiple_of3A_1623] : memref<32x1000000xf32, #tpu.memory_space<hbm>> -> memref<32x128xf32, #tpu.memory_space<hbm>>
      %dma_start3A_1658 = arith.constant 0 : i32
      %dma_start3A_1659 = arith.constant 0 : i32
      %dma_start3A_1660 = tpu.memref_slice %arg12[%dma_start3A_1651, %dma_start3A_1658, %dma_start3A_1659] : memref<8x32x128xf32, #tpu.memory_space<vmem>> -> memref<1x32x128xf32, #tpu.memory_space<vmem>>
      %dma_start3A_1661 = tpu.memref_squeeze %dma_start3A_1660 : memref<1x32x128xf32, #tpu.memory_space<vmem>> -> memref<32x128xf32, #tpu.memory_space<vmem>>
      %dma_start3A_1662 = arith.constant 0 : i32
      %dma_start3A_1663 = tpu.memref_slice %arg4[%dma_start3A_1662, %multiple_of3A_1623] : memref<32x1000000xf32, #tpu.memory_space<hbm>> -> memref<32x128xf32, #tpu.memory_space<hbm>>
      tpu.enqueue_dma source(%dma_start3A_1663 : memref<32x128xf32, #tpu.memory_space<hbm>>) target(%dma_start3A_1661 : memref<32x128xf32, #tpu.memory_space<vmem>>) target_semaphore(%arg20 : memref<!tpu.dma_semaphore, #tpu.memory_space<semaphore_mem>>)
      %dma_start3A_1664 = arith.constant 2 : i32
      %dma_start3A_1665 = arith.constant 0 : i32
      %dma_start3A_1666 = arith.constant 0 : i32
      %dma_start3A_1667 = tpu.memref_slice %arg13[%dma_start3A_1664, %dma_start3A_1665, %dma_start3A_1666] : memref<8x32x128xf32, #tpu.memory_space<vmem>> -> memref<1x32x128xf32, #tpu.memory_space<vmem>>
      %dma_start3A_1668 = tpu.memref_squeeze %dma_start3A_1667 : memref<1x32x128xf32, #tpu.memory_space<vmem>> -> memref<32x128xf32, #tpu.memory_space<vmem>>
      %dma_start3A_1669 = arith.constant 0 : i32
      %dma_start3A_1670 = tpu.memref_slice %arg5[%dma_start3A_1669, %multiple_of3A_1650] : memref<32x1000000xf32, #tpu.memory_space<hbm>> -> memref<32x128xf32, #tpu.memory_space<hbm>>
      %dma_start3A_1671 = arith.constant 0 : i32
      %dma_start3A_1672 = arith.constant 0 : i32
      %dma_start3A_1673 = tpu.memref_slice %arg13[%dma_start3A_1664, %dma_start3A_1671, %dma_start3A_1672] : memref<8x32x128xf32, #tpu.memory_space<vmem>> -> memref<1x32x128xf32, #tpu.memory_space<vmem>>
      %dma_start3A_1674 = tpu.memref_squeeze %dma_start3A_1673 : memref<1x32x128xf32, #tpu.memory_space<vmem>> -> memref<32x128xf32, #tpu.memory_space<vmem>>
      %dma_start3A_1675 = arith.constant 0 : i32
      %dma_start3A_1676 = tpu.memref_slice %arg5[%dma_start3A_1675, %multiple_of3A_1650] : memref<32x1000000xf32, #tpu.memory_space<hbm>> -> memref<32x128xf32, #tpu.memory_space<hbm>>
      tpu.enqueue_dma source(%dma_start3A_1676 : memref<32x128xf32, #tpu.memory_space<hbm>>) target(%dma_start3A_1674 : memref<32x128xf32, #tpu.memory_space<vmem>>) target_semaphore(%arg20 : memref<!tpu.dma_semaphore, #tpu.memory_space<semaphore_mem>>)
      %add3A_1677 = arith.constant 11 : i32
      %add3A_1678 = arith.addi %mul3A_452, %add3A_1677 : i32
      %sub3A_1679 = arith.constant 8 : i32
      %sub3A_1680 = arith.subi %add3A_1678, %sub3A_1679 : i32
      %slice3A_1681 = vector.extract_strided_slice %get3A_474 {offsets = [3], sizes = [1], strides = [1]} : vector<16xi32> to vector<1xi32>
      %squeeze3A_1682 = vector.extract %slice3A_1681[0] : i32 from vector<1xi32>
      %slice3A_1683 = vector.extract_strided_slice %get3A_477 {offsets = [3], sizes = [1], strides = [1]} : vector<16xi32> to vector<1xi32>
      %squeeze3A_1684 = vector.extract %slice3A_1683[0] : i32 from vector<1xi32>
      %dma_wait3A_1685 = arith.constant 3 : i32
      %dma_wait3A_1686 = arith.constant 0 : i32
      %dma_wait3A_1687 = arith.constant 0 : i32
      %dma_wait3A_1688 = tpu.memref_slice %arg12[%dma_wait3A_1685, %dma_wait3A_1686, %dma_wait3A_1687] : memref<8x32x128xf32, #tpu.memory_space<vmem>> -> memref<1x32x128xf32, #tpu.memory_space<vmem>>
      %dma_wait3A_1689 = tpu.memref_squeeze %dma_wait3A_1688 : memref<1x32x128xf32, #tpu.memory_space<vmem>> -> memref<32x128xf32, #tpu.memory_space<vmem>>
      %dma_wait3A_1690 = arith.constant 0 : i32
      %dma_wait3A_1691 = arith.constant 0 : i32
      %dma_wait3A_1692 = tpu.memref_slice %arg12[%dma_wait3A_1685, %dma_wait3A_1690, %dma_wait3A_1691] : memref<8x32x128xf32, #tpu.memory_space<vmem>> -> memref<1x32x128xf32, #tpu.memory_space<vmem>>
      %dma_wait3A_1693 = tpu.memref_squeeze %dma_wait3A_1692 : memref<1x32x128xf32, #tpu.memory_space<vmem>> -> memref<32x128xf32, #tpu.memory_space<vmem>>
      tpu.wait_dma2 semaphore(%arg21 : memref<!tpu.dma_semaphore, #tpu.memory_space<semaphore_mem>>) src(%arg8 : memref<32x128xf32, #tpu.memory_space<hbm>>) dst(%dma_wait3A_1693 : memref<32x128xf32, #tpu.memory_space<vmem>>)
      %dma_wait3A_1694 = arith.constant 3 : i32
      %dma_wait3A_1695 = arith.constant 0 : i32
      %dma_wait3A_1696 = arith.constant 0 : i32
      %dma_wait3A_1697 = tpu.memref_slice %arg13[%dma_wait3A_1694, %dma_wait3A_1695, %dma_wait3A_1696] : memref<8x32x128xf32, #tpu.memory_space<vmem>> -> memref<1x32x128xf32, #tpu.memory_space<vmem>>
      %dma_wait3A_1698 = tpu.memref_squeeze %dma_wait3A_1697 : memref<1x32x128xf32, #tpu.memory_space<vmem>> -> memref<32x128xf32, #tpu.memory_space<vmem>>
      %dma_wait3A_1699 = arith.constant 0 : i32
      %dma_wait3A_1700 = arith.constant 0 : i32
      %dma_wait3A_1701 = tpu.memref_slice %arg13[%dma_wait3A_1694, %dma_wait3A_1699, %dma_wait3A_1700] : memref<8x32x128xf32, #tpu.memory_space<vmem>> -> memref<1x32x128xf32, #tpu.memory_space<vmem>>
      %dma_wait3A_1702 = tpu.memref_squeeze %dma_wait3A_1701 : memref<1x32x128xf32, #tpu.memory_space<vmem>> -> memref<32x128xf32, #tpu.memory_space<vmem>>
      tpu.wait_dma2 semaphore(%arg21 : memref<!tpu.dma_semaphore, #tpu.memory_space<semaphore_mem>>) src(%arg8 : memref<32x128xf32, #tpu.memory_space<hbm>>) dst(%dma_wait3A_1702 : memref<32x128xf32, #tpu.memory_space<vmem>>)
      %broadcast_in_dim3A_1703 = arith.constant 3 : i32
      %broadcast_in_dim3A_1704 = vector.broadcast %broadcast_in_dim3A_1703 : i32 to vector<16xi32>
      %rem3A_1705 = arith.constant 128 : i32
      %rem3A_1706 = arith.remsi %squeeze3A_1682, %rem3A_1705 : i32
      %broadcast_in_dim3A_1707 = vector.broadcast %rem3A_1706 : i32 to vector<16xi32>
      %rem3A_1708 = arith.constant 128 : i32
      %rem3A_1709 = arith.remsi %squeeze3A_1684, %rem3A_1708 : i32
      %broadcast_in_dim3A_1710 = vector.broadcast %rem3A_1709 : i32 to vector<16xi32>
      %gather3A_1711 = tpu.vector_load_idx %arg12[%broadcast_in_dim3A_1704, %iota3A, %broadcast_in_dim3A_1707] : memref<8x32x128xf32, #tpu.memory_space<vmem>>[vector<16xi32>, vector<16xi32>, vector<16xi32>], vector<16xf32>,
      %add3A_1712 = arith.constant 16 : i32
      %add3A_1713 = vector.broadcast %add3A_1712 : i32 to vector<16xi32>
      %add3A_1714 = arith.addi %iota3A, %add3A_1713 : vector<16xi32>
      %gather3A_1715 = tpu.vector_load_idx %arg12[%broadcast_in_dim3A_1704, %add3A_1714, %broadcast_in_dim3A_1707] : memref<8x32x128xf32, #tpu.memory_space<vmem>>[vector<16xi32>, vector<16xi32>, vector<16xi32>], vector<16xf32>,
      %gather3A_1716 = tpu.vector_load_idx %arg13[%broadcast_in_dim3A_1704, %iota3A, %broadcast_in_dim3A_1710] : memref<8x32x128xf32, #tpu.memory_space<vmem>>[vector<16xi32>, vector<16xi32>, vector<16xi32>], vector<16xf32>,
      %add3A_1717 = arith.constant 16 : i32
      %add3A_1718 = vector.broadcast %add3A_1717 : i32 to vector<16xi32>
      %add3A_1719 = arith.addi %iota3A, %add3A_1718 : vector<16xi32>
      %gather3A_1720 = tpu.vector_load_idx %arg13[%broadcast_in_dim3A_1704, %add3A_1719, %broadcast_in_dim3A_1710] : memref<8x32x128xf32, #tpu.memory_space<vmem>>[vector<16xi32>, vector<16xi32>, vector<16xi32>], vector<16xf32>,
      %mul3A_1721 = arith.mulf %gather3A_1711, %gather3A_1716 : vector<16xf32>
      %mul3A_1722 = arith.mulf %mul3A_1721, %get3A_5 : vector<16xf32>
      %mul3A_1723 = arith.mulf %gather3A_1715, %gather3A_1720 : vector<16xf32>
      %mul3A_1724 = arith.mulf %mul3A_1723, %get3A_7 : vector<16xf32>
      %add3A_1725 = arith.addf %mul3A_1722, %mul3A_1724 : vector<16xf32>
      %jit3A_1726 = arith.constant 8 : i32
      %div3A_1727 = arith.divsi %sub3A_1680, %jit3A_1726 : i32
      %sign3A_1728 = arith.constant 0 : i32
      %sign3A_1729 = arith.cmpi sgt, %sub3A_1680, %sign3A_1728 : i32
      %sign3A_1730 = arith.extui %sign3A_1729 : i1 to i32
      %sign3A_1731 = arith.constant 0 : i32
      %sign3A_1732 = arith.cmpi slt, %sub3A_1680, %sign3A_1731 : i32
      %sign3A_1733 = arith.extui %sign3A_1732 : i1 to i32
      %sign3A_1734 = arith.subi %sign3A_1730, %sign3A_1733 : i32
      %sign3A_1735 = arith.constant 0 : i32
      %sign3A_1736 = arith.cmpi sgt, %jit3A_1726, %sign3A_1735 : i32
      %sign3A_1737 = arith.extui %sign3A_1736 : i1 to i32
      %sign3A_1738 = arith.constant 0 : i32
      %sign3A_1739 = arith.cmpi slt, %jit3A_1726, %sign3A_1738 : i32
      %sign3A_1740 = arith.extui %sign3A_1739 : i1 to i32
      %sign3A_1741 = arith.subi %sign3A_1737, %sign3A_1740 : i32
      %ne3A_1742 = arith.cmpi ne, %sign3A_1734, %sign3A_1741 : i32
      %rem3A_1743 = arith.remsi %sub3A_1680, %jit3A_1726 : i32
      %ne3A_1744 = arith.constant 0 : i32
      %ne3A_1745 = arith.cmpi ne, %rem3A_1743, %ne3A_1744 : i32
      %and3A_1746 = arith.andi %ne3A_1742, %ne3A_1745 : i1
      %sub3A_1747 = arith.constant 1 : i32
      %sub3A_1748 = arith.subi %div3A_1727, %sub3A_1747 : i32
      %select_n3A_1749 = arith.select %and3A_1746, %sub3A_1748, %div3A_1727 : i32
      %rem3A_1750 = arith.constant 8 : i32
      %rem3A_1751 = arith.remsi %sub3A_1680, %rem3A_1750 : i32
      %mul3A_1752 = arith.constant 16 : i32
      %mul3A_1753 = arith.muli %rem3A_1751, %mul3A_1752 : i32
      %swap3A_1754 = arith.index_cast %select_n3A_1749 : i32 to index
      %swap3A_1755 = arith.index_cast %mul3A_1753 : i32 to index
      %swap3A_1756 = tpu.vector_load %arg16[%swap3A_1754, %swap3A_1755] {strides = array<i32>} : memref<64x128xf32, #tpu.memory_space<vmem>>, vector<16xf32>,
      tpu.vector_store %arg16[%swap3A_1754, %swap3A_1755], %add3A_1725 {strides = array<i32>} : memref<64x128xf32, #tpu.memory_space<vmem>>, vector<16xf32>,
      %slice3A_1757 = vector.extract_strided_slice %get3A_474 {offsets = [11], sizes = [1], strides = [1]} : vector<16xi32> to vector<1xi32>
      %squeeze3A_1758 = vector.extract %slice3A_1757[0] : i32 from vector<1xi32>
      %slice3A_1759 = vector.extract_strided_slice %get3A_477 {offsets = [11], sizes = [1], strides = [1]} : vector<16xi32> to vector<1xi32>
      %squeeze3A_1760 = vector.extract %slice3A_1759[0] : i32 from vector<1xi32>
      %jit3A_1761 = arith.constant 128 : i32
      %div3A_1762 = arith.divsi %squeeze3A_1758, %jit3A_1761 : i32
      %sign3A_1763 = arith.constant 0 : i32
      %sign3A_1764 = arith.cmpi sgt, %squeeze3A_1758, %sign3A_1763 : i32
      %sign3A_1765 = arith.extui %sign3A_1764 : i1 to i32
      %sign3A_1766 = arith.constant 0 : i32
      %sign3A_1767 = arith.cmpi slt, %squeeze3A_1758, %sign3A_1766 : i32
      %sign3A_1768 = arith.extui %sign3A_1767 : i1 to i32
      %sign3A_1769 = arith.subi %sign3A_1765, %sign3A_1768 : i32
      %sign3A_1770 = arith.constant 0 : i32
      %sign3A_1771 = arith.cmpi sgt, %jit3A_1761, %sign3A_1770 : i32
      %sign3A_1772 = arith.extui %sign3A_1771 : i1 to i32
      %sign3A_1773 = arith.constant 0 : i32
      %sign3A_1774 = arith.cmpi slt, %jit3A_1761, %sign3A_1773 : i32
      %sign3A_1775 = arith.extui %sign3A_1774 : i1 to i32
      %sign3A_1776 = arith.subi %sign3A_1772, %sign3A_1775 : i32
      %ne3A_1777 = arith.cmpi ne, %sign3A_1769, %sign3A_1776 : i32
      %rem3A_1778 = arith.remsi %squeeze3A_1758, %jit3A_1761 : i32
      %ne3A_1779 = arith.constant 0 : i32
      %ne3A_1780 = arith.cmpi ne, %rem3A_1778, %ne3A_1779 : i32
      %and3A_1781 = arith.andi %ne3A_1777, %ne3A_1780 : i1
      %sub3A_1782 = arith.constant 1 : i32
      %sub3A_1783 = arith.subi %div3A_1762, %sub3A_1782 : i32
      %select_n3A_1784 = arith.select %and3A_1781, %sub3A_1783, %div3A_1762 : i32
      %mul3A_1785 = arith.constant 128 : i32
      %mul3A_1786 = arith.muli %select_n3A_1784, %mul3A_1785 : i32
      %multiple_of3A_1787 = tpu.assume_multiple %mul3A_1786, 128 : i32
      %jit3A_1788 = arith.constant 128 : i32
      %div3A_1789 = arith.divsi %squeeze3A_1760, %jit3A_1788 : i32
      %sign3A_1790 = arith.constant 0 : i32
      %sign3A_1791 = arith.cmpi sgt, %squeeze3A_1760, %sign3A_1790 : i32
      %sign3A_1792 = arith.extui %sign3A_1791 : i1 to i32
      %sign3A_1793 = arith.constant 0 : i32
      %sign3A_1794 = arith.cmpi slt, %squeeze3A_1760, %sign3A_1793 : i32
      %sign3A_1795 = arith.extui %sign3A_1794 : i1 to i32
      %sign3A_1796 = arith.subi %sign3A_1792, %sign3A_1795 : i32
      %sign3A_1797 = arith.constant 0 : i32
      %sign3A_1798 = arith.cmpi sgt, %jit3A_1788, %sign3A_1797 : i32
      %sign3A_1799 = arith.extui %sign3A_1798 : i1 to i32
      %sign3A_1800 = arith.constant 0 : i32
      %sign3A_1801 = arith.cmpi slt, %jit3A_1788, %sign3A_1800 : i32
      %sign3A_1802 = arith.extui %sign3A_1801 : i1 to i32
      %sign3A_1803 = arith.subi %sign3A_1799, %sign3A_1802 : i32
      %ne3A_1804 = arith.cmpi ne, %sign3A_1796, %sign3A_1803 : i32
      %rem3A_1805 = arith.remsi %squeeze3A_1760, %jit3A_1788 : i32
      %ne3A_1806 = arith.constant 0 : i32
      %ne3A_1807 = arith.cmpi ne, %rem3A_1805, %ne3A_1806 : i32
      %and3A_1808 = arith.andi %ne3A_1804, %ne3A_1807 : i1
      %sub3A_1809 = arith.constant 1 : i32
      %sub3A_1810 = arith.subi %div3A_1789, %sub3A_1809 : i32
      %select_n3A_1811 = arith.select %and3A_1808, %sub3A_1810, %div3A_1789 : i32
      %mul3A_1812 = arith.constant 128 : i32
      %mul3A_1813 = arith.muli %select_n3A_1811, %mul3A_1812 : i32
      %multiple_of3A_1814 = tpu.assume_multiple %mul3A_1813, 128 : i32
      %dma_start3A_1815 = arith.constant 3 : i32
      %dma_start3A_1816 = arith.constant 0 : i32
      %dma_start3A_1817 = arith.constant 0 : i32
      %dma_start3A_1818 = tpu.memref_slice %arg12[%dma_start3A_1815, %dma_start3A_1816, %dma_start3A_1817] : memref<8x32x128xf32, #tpu.memory_space<vmem>> -> memref<1x32x128xf32, #tpu.memory_space<vmem>>
      %dma_start3A_1819 = tpu.memref_squeeze %dma_start3A_1818 : memref<1x32x128xf32, #tpu.memory_space<vmem>> -> memref<32x128xf32, #tpu.memory_space<vmem>>
      %dma_start3A_1820 = arith.constant 0 : i32
      %dma_start3A_1821 = tpu.memref_slice %arg4[%dma_start3A_1820, %multiple_of3A_1787] : memref<32x1000000xf32, #tpu.memory_space<hbm>> -> memref<32x128xf32, #tpu.memory_space<hbm>>
      %dma_start3A_1822 = arith.constant 0 : i32
      %dma_start3A_1823 = arith.constant 0 : i32
      %dma_start3A_1824 = tpu.memref_slice %arg12[%dma_start3A_1815, %dma_start3A_1822, %dma_start3A_1823] : memref<8x32x128xf32, #tpu.memory_space<vmem>> -> memref<1x32x128xf32, #tpu.memory_space<vmem>>
      %dma_start3A_1825 = tpu.memref_squeeze %dma_start3A_1824 : memref<1x32x128xf32, #tpu.memory_space<vmem>> -> memref<32x128xf32, #tpu.memory_space<vmem>>
      %dma_start3A_1826 = arith.constant 0 : i32
      %dma_start3A_1827 = tpu.memref_slice %arg4[%dma_start3A_1826, %multiple_of3A_1787] : memref<32x1000000xf32, #tpu.memory_space<hbm>> -> memref<32x128xf32, #tpu.memory_space<hbm>>
      tpu.enqueue_dma source(%dma_start3A_1827 : memref<32x128xf32, #tpu.memory_space<hbm>>) target(%dma_start3A_1825 : memref<32x128xf32, #tpu.memory_space<vmem>>) target_semaphore(%arg21 : memref<!tpu.dma_semaphore, #tpu.memory_space<semaphore_mem>>)
      %dma_start3A_1828 = arith.constant 3 : i32
      %dma_start3A_1829 = arith.constant 0 : i32
      %dma_start3A_1830 = arith.constant 0 : i32
      %dma_start3A_1831 = tpu.memref_slice %arg13[%dma_start3A_1828, %dma_start3A_1829, %dma_start3A_1830] : memref<8x32x128xf32, #tpu.memory_space<vmem>> -> memref<1x32x128xf32, #tpu.memory_space<vmem>>
      %dma_start3A_1832 = tpu.memref_squeeze %dma_start3A_1831 : memref<1x32x128xf32, #tpu.memory_space<vmem>> -> memref<32x128xf32, #tpu.memory_space<vmem>>
      %dma_start3A_1833 = arith.constant 0 : i32
      %dma_start3A_1834 = tpu.memref_slice %arg5[%dma_start3A_1833, %multiple_of3A_1814] : memref<32x1000000xf32, #tpu.memory_space<hbm>> -> memref<32x128xf32, #tpu.memory_space<hbm>>
      %dma_start3A_1835 = arith.constant 0 : i32
      %dma_start3A_1836 = arith.constant 0 : i32
      %dma_start3A_1837 = tpu.memref_slice %arg13[%dma_start3A_1828, %dma_start3A_1835, %dma_start3A_1836] : memref<8x32x128xf32, #tpu.memory_space<vmem>> -> memref<1x32x128xf32, #tpu.memory_space<vmem>>
      %dma_start3A_1838 = tpu.memref_squeeze %dma_start3A_1837 : memref<1x32x128xf32, #tpu.memory_space<vmem>> -> memref<32x128xf32, #tpu.memory_space<vmem>>
      %dma_start3A_1839 = arith.constant 0 : i32
      %dma_start3A_1840 = tpu.memref_slice %arg5[%dma_start3A_1839, %multiple_of3A_1814] : memref<32x1000000xf32, #tpu.memory_space<hbm>> -> memref<32x128xf32, #tpu.memory_space<hbm>>
      tpu.enqueue_dma source(%dma_start3A_1840 : memref<32x128xf32, #tpu.memory_space<hbm>>) target(%dma_start3A_1838 : memref<32x128xf32, #tpu.memory_space<vmem>>) target_semaphore(%arg21 : memref<!tpu.dma_semaphore, #tpu.memory_space<semaphore_mem>>)
      %add3A_1841 = arith.constant 12 : i32
      %add3A_1842 = arith.addi %mul3A_452, %add3A_1841 : i32
      %sub3A_1843 = arith.constant 8 : i32
      %sub3A_1844 = arith.subi %add3A_1842, %sub3A_1843 : i32
      %slice3A_1845 = vector.extract_strided_slice %get3A_474 {offsets = [4], sizes = [1], strides = [1]} : vector<16xi32> to vector<1xi32>
      %squeeze3A_1846 = vector.extract %slice3A_1845[0] : i32 from vector<1xi32>
      %slice3A_1847 = vector.extract_strided_slice %get3A_477 {offsets = [4], sizes = [1], strides = [1]} : vector<16xi32> to vector<1xi32>
      %squeeze3A_1848 = vector.extract %slice3A_1847[0] : i32 from vector<1xi32>
      %dma_wait3A_1849 = arith.constant 4 : i32
      %dma_wait3A_1850 = arith.constant 0 : i32
      %dma_wait3A_1851 = arith.constant 0 : i32
      %dma_wait3A_1852 = tpu.memref_slice %arg12[%dma_wait3A_1849, %dma_wait3A_1850, %dma_wait3A_1851] : memref<8x32x128xf32, #tpu.memory_space<vmem>> -> memref<1x32x128xf32, #tpu.memory_space<vmem>>
      %dma_wait3A_1853 = tpu.memref_squeeze %dma_wait3A_1852 : memref<1x32x128xf32, #tpu.memory_space<vmem>> -> memref<32x128xf32, #tpu.memory_space<vmem>>
      %dma_wait3A_1854 = arith.constant 0 : i32
      %dma_wait3A_1855 = arith.constant 0 : i32
      %dma_wait3A_1856 = tpu.memref_slice %arg12[%dma_wait3A_1849, %dma_wait3A_1854, %dma_wait3A_1855] : memref<8x32x128xf32, #tpu.memory_space<vmem>> -> memref<1x32x128xf32, #tpu.memory_space<vmem>>
      %dma_wait3A_1857 = tpu.memref_squeeze %dma_wait3A_1856 : memref<1x32x128xf32, #tpu.memory_space<vmem>> -> memref<32x128xf32, #tpu.memory_space<vmem>>
      tpu.wait_dma2 semaphore(%arg22 : memref<!tpu.dma_semaphore, #tpu.memory_space<semaphore_mem>>) src(%arg8 : memref<32x128xf32, #tpu.memory_space<hbm>>) dst(%dma_wait3A_1857 : memref<32x128xf32, #tpu.memory_space<vmem>>)
      %dma_wait3A_1858 = arith.constant 4 : i32
      %dma_wait3A_1859 = arith.constant 0 : i32
      %dma_wait3A_1860 = arith.constant 0 : i32
      %dma_wait3A_1861 = tpu.memref_slice %arg13[%dma_wait3A_1858, %dma_wait3A_1859, %dma_wait3A_1860] : memref<8x32x128xf32, #tpu.memory_space<vmem>> -> memref<1x32x128xf32, #tpu.memory_space<vmem>>
      %dma_wait3A_1862 = tpu.memref_squeeze %dma_wait3A_1861 : memref<1x32x128xf32, #tpu.memory_space<vmem>> -> memref<32x128xf32, #tpu.memory_space<vmem>>
      %dma_wait3A_1863 = arith.constant 0 : i32
      %dma_wait3A_1864 = arith.constant 0 : i32
      %dma_wait3A_1865 = tpu.memref_slice %arg13[%dma_wait3A_1858, %dma_wait3A_1863, %dma_wait3A_1864] : memref<8x32x128xf32, #tpu.memory_space<vmem>> -> memref<1x32x128xf32, #tpu.memory_space<vmem>>
      %dma_wait3A_1866 = tpu.memref_squeeze %dma_wait3A_1865 : memref<1x32x128xf32, #tpu.memory_space<vmem>> -> memref<32x128xf32, #tpu.memory_space<vmem>>
      tpu.wait_dma2 semaphore(%arg22 : memref<!tpu.dma_semaphore, #tpu.memory_space<semaphore_mem>>) src(%arg8 : memref<32x128xf32, #tpu.memory_space<hbm>>) dst(%dma_wait3A_1866 : memref<32x128xf32, #tpu.memory_space<vmem>>)
      %broadcast_in_dim3A_1867 = arith.constant 4 : i32
      %broadcast_in_dim3A_1868 = vector.broadcast %broadcast_in_dim3A_1867 : i32 to vector<16xi32>
      %rem3A_1869 = arith.constant 128 : i32
      %rem3A_1870 = arith.remsi %squeeze3A_1846, %rem3A_1869 : i32
      %broadcast_in_dim3A_1871 = vector.broadcast %rem3A_1870 : i32 to vector<16xi32>
      %rem3A_1872 = arith.constant 128 : i32
      %rem3A_1873 = arith.remsi %squeeze3A_1848, %rem3A_1872 : i32
      %broadcast_in_dim3A_1874 = vector.broadcast %rem3A_1873 : i32 to vector<16xi32>
      %gather3A_1875 = tpu.vector_load_idx %arg12[%broadcast_in_dim3A_1868, %iota3A, %broadcast_in_dim3A_1871] : memref<8x32x128xf32, #tpu.memory_space<vmem>>[vector<16xi32>, vector<16xi32>, vector<16xi32>], vector<16xf32>,
      %add3A_1876 = arith.constant 16 : i32
      %add3A_1877 = vector.broadcast %add3A_1876 : i32 to vector<16xi32>
      %add3A_1878 = arith.addi %iota3A, %add3A_1877 : vector<16xi32>
      %gather3A_1879 = tpu.vector_load_idx %arg12[%broadcast_in_dim3A_1868, %add3A_1878, %broadcast_in_dim3A_1871] : memref<8x32x128xf32, #tpu.memory_space<vmem>>[vector<16xi32>, vector<16xi32>, vector<16xi32>], vector<16xf32>,
      %gather3A_1880 = tpu.vector_load_idx %arg13[%broadcast_in_dim3A_1868, %iota3A, %broadcast_in_dim3A_1874] : memref<8x32x128xf32, #tpu.memory_space<vmem>>[vector<16xi32>, vector<16xi32>, vector<16xi32>], vector<16xf32>,
      %add3A_1881 = arith.constant 16 : i32
      %add3A_1882 = vector.broadcast %add3A_1881 : i32 to vector<16xi32>
      %add3A_1883 = arith.addi %iota3A, %add3A_1882 : vector<16xi32>
      %gather3A_1884 = tpu.vector_load_idx %arg13[%broadcast_in_dim3A_1868, %add3A_1883, %broadcast_in_dim3A_1874] : memref<8x32x128xf32, #tpu.memory_space<vmem>>[vector<16xi32>, vector<16xi32>, vector<16xi32>], vector<16xf32>,
      %mul3A_1885 = arith.mulf %gather3A_1875, %gather3A_1880 : vector<16xf32>
      %mul3A_1886 = arith.mulf %mul3A_1885, %get3A_5 : vector<16xf32>
      %mul3A_1887 = arith.mulf %gather3A_1879, %gather3A_1884 : vector<16xf32>
      %mul3A_1888 = arith.mulf %mul3A_1887, %get3A_7 : vector<16xf32>
      %add3A_1889 = arith.addf %mul3A_1886, %mul3A_1888 : vector<16xf32>
      %jit3A_1890 = arith.constant 8 : i32
      %div3A_1891 = arith.divsi %sub3A_1844, %jit3A_1890 : i32
      %sign3A_1892 = arith.constant 0 : i32
      %sign3A_1893 = arith.cmpi sgt, %sub3A_1844, %sign3A_1892 : i32
      %sign3A_1894 = arith.extui %sign3A_1893 : i1 to i32
      %sign3A_1895 = arith.constant 0 : i32
      %sign3A_1896 = arith.cmpi slt, %sub3A_1844, %sign3A_1895 : i32
      %sign3A_1897 = arith.extui %sign3A_1896 : i1 to i32
      %sign3A_1898 = arith.subi %sign3A_1894, %sign3A_1897 : i32
      %sign3A_1899 = arith.constant 0 : i32
      %sign3A_1900 = arith.cmpi sgt, %jit3A_1890, %sign3A_1899 : i32
      %sign3A_1901 = arith.extui %sign3A_1900 : i1 to i32
      %sign3A_1902 = arith.constant 0 : i32
      %sign3A_1903 = arith.cmpi slt, %jit3A_1890, %sign3A_1902 : i32
      %sign3A_1904 = arith.extui %sign3A_1903 : i1 to i32
      %sign3A_1905 = arith.subi %sign3A_1901, %sign3A_1904 : i32
      %ne3A_1906 = arith.cmpi ne, %sign3A_1898, %sign3A_1905 : i32
      %rem3A_1907 = arith.remsi %sub3A_1844, %jit3A_1890 : i32
      %ne3A_1908 = arith.constant 0 : i32
      %ne3A_1909 = arith.cmpi ne, %rem3A_1907, %ne3A_1908 : i32
      %and3A_1910 = arith.andi %ne3A_1906, %ne3A_1909 : i1
      %sub3A_1911 = arith.constant 1 : i32
      %sub3A_1912 = arith.subi %div3A_1891, %sub3A_1911 : i32
      %select_n3A_1913 = arith.select %and3A_1910, %sub3A_1912, %div3A_1891 : i32
      %rem3A_1914 = arith.constant 8 : i32
      %rem3A_1915 = arith.remsi %sub3A_1844, %rem3A_1914 : i32
      %mul3A_1916 = arith.constant 16 : i32
      %mul3A_1917 = arith.muli %rem3A_1915, %mul3A_1916 : i32
      %swap3A_1918 = arith.index_cast %select_n3A_1913 : i32 to index
      %swap3A_1919 = arith.index_cast %mul3A_1917 : i32 to index
      %swap3A_1920 = tpu.vector_load %arg16[%swap3A_1918, %swap3A_1919] {strides = array<i32>} : memref<64x128xf32, #tpu.memory_space<vmem>>, vector<16xf32>,
      tpu.vector_store %arg16[%swap3A_1918, %swap3A_1919], %add3A_1889 {strides = array<i32>} : memref<64x128xf32, #tpu.memory_space<vmem>>, vector<16xf32>,
      %slice3A_1921 = vector.extract_strided_slice %get3A_474 {offsets = [12], sizes = [1], strides = [1]} : vector<16xi32> to vector<1xi32>
      %squeeze3A_1922 = vector.extract %slice3A_1921[0] : i32 from vector<1xi32>
      %slice3A_1923 = vector.extract_strided_slice %get3A_477 {offsets = [12], sizes = [1], strides = [1]} : vector<16xi32> to vector<1xi32>
      %squeeze3A_1924 = vector.extract %slice3A_1923[0] : i32 from vector<1xi32>
      %jit3A_1925 = arith.constant 128 : i32
      %div3A_1926 = arith.divsi %squeeze3A_1922, %jit3A_1925 : i32
      %sign3A_1927 = arith.constant 0 : i32
      %sign3A_1928 = arith.cmpi sgt, %squeeze3A_1922, %sign3A_1927 : i32
      %sign3A_1929 = arith.extui %sign3A_1928 : i1 to i32
      %sign3A_1930 = arith.constant 0 : i32
      %sign3A_1931 = arith.cmpi slt, %squeeze3A_1922, %sign3A_1930 : i32
      %sign3A_1932 = arith.extui %sign3A_1931 : i1 to i32
      %sign3A_1933 = arith.subi %sign3A_1929, %sign3A_1932 : i32
      %sign3A_1934 = arith.constant 0 : i32
      %sign3A_1935 = arith.cmpi sgt, %jit3A_1925, %sign3A_1934 : i32
      %sign3A_1936 = arith.extui %sign3A_1935 : i1 to i32
      %sign3A_1937 = arith.constant 0 : i32
      %sign3A_1938 = arith.cmpi slt, %jit3A_1925, %sign3A_1937 : i32
      %sign3A_1939 = arith.extui %sign3A_1938 : i1 to i32
      %sign3A_1940 = arith.subi %sign3A_1936, %sign3A_1939 : i32
      %ne3A_1941 = arith.cmpi ne, %sign3A_1933, %sign3A_1940 : i32
      %rem3A_1942 = arith.remsi %squeeze3A_1922, %jit3A_1925 : i32
      %ne3A_1943 = arith.constant 0 : i32
      %ne3A_1944 = arith.cmpi ne, %rem3A_1942, %ne3A_1943 : i32
      %and3A_1945 = arith.andi %ne3A_1941, %ne3A_1944 : i1
      %sub3A_1946 = arith.constant 1 : i32
      %sub3A_1947 = arith.subi %div3A_1926, %sub3A_1946 : i32
      %select_n3A_1948 = arith.select %and3A_1945, %sub3A_1947, %div3A_1926 : i32
      %mul3A_1949 = arith.constant 128 : i32
      %mul3A_1950 = arith.muli %select_n3A_1948, %mul3A_1949 : i32
      %multiple_of3A_1951 = tpu.assume_multiple %mul3A_1950, 128 : i32
      %jit3A_1952 = arith.constant 128 : i32
      %div3A_1953 = arith.divsi %squeeze3A_1924, %jit3A_1952 : i32
      %sign3A_1954 = arith.constant 0 : i32
      %sign3A_1955 = arith.cmpi sgt, %squeeze3A_1924, %sign3A_1954 : i32
      %sign3A_1956 = arith.extui %sign3A_1955 : i1 to i32
      %sign3A_1957 = arith.constant 0 : i32
      %sign3A_1958 = arith.cmpi slt, %squeeze3A_1924, %sign3A_1957 : i32
      %sign3A_1959 = arith.extui %sign3A_1958 : i1 to i32
      %sign3A_1960 = arith.subi %sign3A_1956, %sign3A_1959 : i32
      %sign3A_1961 = arith.constant 0 : i32
      %sign3A_1962 = arith.cmpi sgt, %jit3A_1952, %sign3A_1961 : i32
      %sign3A_1963 = arith.extui %sign3A_1962 : i1 to i32
      %sign3A_1964 = arith.constant 0 : i32
      %sign3A_1965 = arith.cmpi slt, %jit3A_1952, %sign3A_1964 : i32
      %sign3A_1966 = arith.extui %sign3A_1965 : i1 to i32
      %sign3A_1967 = arith.subi %sign3A_1963, %sign3A_1966 : i32
      %ne3A_1968 = arith.cmpi ne, %sign3A_1960, %sign3A_1967 : i32
      %rem3A_1969 = arith.remsi %squeeze3A_1924, %jit3A_1952 : i32
      %ne3A_1970 = arith.constant 0 : i32
      %ne3A_1971 = arith.cmpi ne, %rem3A_1969, %ne3A_1970 : i32
      %and3A_1972 = arith.andi %ne3A_1968, %ne3A_1971 : i1
      %sub3A_1973 = arith.constant 1 : i32
      %sub3A_1974 = arith.subi %div3A_1953, %sub3A_1973 : i32
      %select_n3A_1975 = arith.select %and3A_1972, %sub3A_1974, %div3A_1953 : i32
      %mul3A_1976 = arith.constant 128 : i32
      %mul3A_1977 = arith.muli %select_n3A_1975, %mul3A_1976 : i32
      %multiple_of3A_1978 = tpu.assume_multiple %mul3A_1977, 128 : i32
      %dma_start3A_1979 = arith.constant 4 : i32
      %dma_start3A_1980 = arith.constant 0 : i32
      %dma_start3A_1981 = arith.constant 0 : i32
      %dma_start3A_1982 = tpu.memref_slice %arg12[%dma_start3A_1979, %dma_start3A_1980, %dma_start3A_1981] : memref<8x32x128xf32, #tpu.memory_space<vmem>> -> memref<1x32x128xf32, #tpu.memory_space<vmem>>
      %dma_start3A_1983 = tpu.memref_squeeze %dma_start3A_1982 : memref<1x32x128xf32, #tpu.memory_space<vmem>> -> memref<32x128xf32, #tpu.memory_space<vmem>>
      %dma_start3A_1984 = arith.constant 0 : i32
      %dma_start3A_1985 = tpu.memref_slice %arg4[%dma_start3A_1984, %multiple_of3A_1951] : memref<32x1000000xf32, #tpu.memory_space<hbm>> -> memref<32x128xf32, #tpu.memory_space<hbm>>
      %dma_start3A_1986 = arith.constant 0 : i32
      %dma_start3A_1987 = arith.constant 0 : i32
      %dma_start3A_1988 = tpu.memref_slice %arg12[%dma_start3A_1979, %dma_start3A_1986, %dma_start3A_1987] : memref<8x32x128xf32, #tpu.memory_space<vmem>> -> memref<1x32x128xf32, #tpu.memory_space<vmem>>
      %dma_start3A_1989 = tpu.memref_squeeze %dma_start3A_1988 : memref<1x32x128xf32, #tpu.memory_space<vmem>> -> memref<32x128xf32, #tpu.memory_space<vmem>>
      %dma_start3A_1990 = arith.constant 0 : i32
      %dma_start3A_1991 = tpu.memref_slice %arg4[%dma_start3A_1990, %multiple_of3A_1951] : memref<32x1000000xf32, #tpu.memory_space<hbm>> -> memref<32x128xf32, #tpu.memory_space<hbm>>
      tpu.enqueue_dma source(%dma_start3A_1991 : memref<32x128xf32, #tpu.memory_space<hbm>>) target(%dma_start3A_1989 : memref<32x128xf32, #tpu.memory_space<vmem>>) target_semaphore(%arg22 : memref<!tpu.dma_semaphore, #tpu.memory_space<semaphore_mem>>)
      %dma_start3A_1992 = arith.constant 4 : i32
      %dma_start3A_1993 = arith.constant 0 : i32
      %dma_start3A_1994 = arith.constant 0 : i32
      %dma_start3A_1995 = tpu.memref_slice %arg13[%dma_start3A_1992, %dma_start3A_1993, %dma_start3A_1994] : memref<8x32x128xf32, #tpu.memory_space<vmem>> -> memref<1x32x128xf32, #tpu.memory_space<vmem>>
      %dma_start3A_1996 = tpu.memref_squeeze %dma_start3A_1995 : memref<1x32x128xf32, #tpu.memory_space<vmem>> -> memref<32x128xf32, #tpu.memory_space<vmem>>
      %dma_start3A_1997 = arith.constant 0 : i32
      %dma_start3A_1998 = tpu.memref_slice %arg5[%dma_start3A_1997, %multiple_of3A_1978] : memref<32x1000000xf32, #tpu.memory_space<hbm>> -> memref<32x128xf32, #tpu.memory_space<hbm>>
      %dma_start3A_1999 = arith.constant 0 : i32
      %dma_start3A_2000 = arith.constant 0 : i32
      %dma_start3A_2001 = tpu.memref_slice %arg13[%dma_start3A_1992, %dma_start3A_1999, %dma_start3A_2000] : memref<8x32x128xf32, #tpu.memory_space<vmem>> -> memref<1x32x128xf32, #tpu.memory_space<vmem>>
      %dma_start3A_2002 = tpu.memref_squeeze %dma_start3A_2001 : memref<1x32x128xf32, #tpu.memory_space<vmem>> -> memref<32x128xf32, #tpu.memory_space<vmem>>
      %dma_start3A_2003 = arith.constant 0 : i32
      %dma_start3A_2004 = tpu.memref_slice %arg5[%dma_start3A_2003, %multiple_of3A_1978] : memref<32x1000000xf32, #tpu.memory_space<hbm>> -> memref<32x128xf32, #tpu.memory_space<hbm>>
      tpu.enqueue_dma source(%dma_start3A_2004 : memref<32x128xf32, #tpu.memory_space<hbm>>) target(%dma_start3A_2002 : memref<32x128xf32, #tpu.memory_space<vmem>>) target_semaphore(%arg22 : memref<!tpu.dma_semaphore, #tpu.memory_space<semaphore_mem>>)
      %add3A_2005 = arith.constant 13 : i32
      %add3A_2006 = arith.addi %mul3A_452, %add3A_2005 : i32
      %sub3A_2007 = arith.constant 8 : i32
      %sub3A_2008 = arith.subi %add3A_2006, %sub3A_2007 : i32
      %slice3A_2009 = vector.extract_strided_slice %get3A_474 {offsets = [5], sizes = [1], strides = [1]} : vector<16xi32> to vector<1xi32>
      %squeeze3A_2010 = vector.extract %slice3A_2009[0] : i32 from vector<1xi32>
      %slice3A_2011 = vector.extract_strided_slice %get3A_477 {offsets = [5], sizes = [1], strides = [1]} : vector<16xi32> to vector<1xi32>
      %squeeze3A_2012 = vector.extract %slice3A_2011[0] : i32 from vector<1xi32>
      %dma_wait3A_2013 = arith.constant 5 : i32
      %dma_wait3A_2014 = arith.constant 0 : i32
      %dma_wait3A_2015 = arith.constant 0 : i32
      %dma_wait3A_2016 = tpu.memref_slice %arg12[%dma_wait3A_2013, %dma_wait3A_2014, %dma_wait3A_2015] : memref<8x32x128xf32, #tpu.memory_space<vmem>> -> memref<1x32x128xf32, #tpu.memory_space<vmem>>
      %dma_wait3A_2017 = tpu.memref_squeeze %dma_wait3A_2016 : memref<1x32x128xf32, #tpu.memory_space<vmem>> -> memref<32x128xf32, #tpu.memory_space<vmem>>
      %dma_wait3A_2018 = arith.constant 0 : i32
      %dma_wait3A_2019 = arith.constant 0 : i32
      %dma_wait3A_2020 = tpu.memref_slice %arg12[%dma_wait3A_2013, %dma_wait3A_2018, %dma_wait3A_2019] : memref<8x32x128xf32, #tpu.memory_space<vmem>> -> memref<1x32x128xf32, #tpu.memory_space<vmem>>
      %dma_wait3A_2021 = tpu.memref_squeeze %dma_wait3A_2020 : memref<1x32x128xf32, #tpu.memory_space<vmem>> -> memref<32x128xf32, #tpu.memory_space<vmem>>
      tpu.wait_dma2 semaphore(%arg23 : memref<!tpu.dma_semaphore, #tpu.memory_space<semaphore_mem>>) src(%arg8 : memref<32x128xf32, #tpu.memory_space<hbm>>) dst(%dma_wait3A_2021 : memref<32x128xf32, #tpu.memory_space<vmem>>)
      %dma_wait3A_2022 = arith.constant 5 : i32
      %dma_wait3A_2023 = arith.constant 0 : i32
      %dma_wait3A_2024 = arith.constant 0 : i32
      %dma_wait3A_2025 = tpu.memref_slice %arg13[%dma_wait3A_2022, %dma_wait3A_2023, %dma_wait3A_2024] : memref<8x32x128xf32, #tpu.memory_space<vmem>> -> memref<1x32x128xf32, #tpu.memory_space<vmem>>
      %dma_wait3A_2026 = tpu.memref_squeeze %dma_wait3A_2025 : memref<1x32x128xf32, #tpu.memory_space<vmem>> -> memref<32x128xf32, #tpu.memory_space<vmem>>
      %dma_wait3A_2027 = arith.constant 0 : i32
      %dma_wait3A_2028 = arith.constant 0 : i32
      %dma_wait3A_2029 = tpu.memref_slice %arg13[%dma_wait3A_2022, %dma_wait3A_2027, %dma_wait3A_2028] : memref<8x32x128xf32, #tpu.memory_space<vmem>> -> memref<1x32x128xf32, #tpu.memory_space<vmem>>
      %dma_wait3A_2030 = tpu.memref_squeeze %dma_wait3A_2029 : memref<1x32x128xf32, #tpu.memory_space<vmem>> -> memref<32x128xf32, #tpu.memory_space<vmem>>
      tpu.wait_dma2 semaphore(%arg23 : memref<!tpu.dma_semaphore, #tpu.memory_space<semaphore_mem>>) src(%arg8 : memref<32x128xf32, #tpu.memory_space<hbm>>) dst(%dma_wait3A_2030 : memref<32x128xf32, #tpu.memory_space<vmem>>)
      %broadcast_in_dim3A_2031 = arith.constant 5 : i32
      %broadcast_in_dim3A_2032 = vector.broadcast %broadcast_in_dim3A_2031 : i32 to vector<16xi32>
      %rem3A_2033 = arith.constant 128 : i32
      %rem3A_2034 = arith.remsi %squeeze3A_2010, %rem3A_2033 : i32
      %broadcast_in_dim3A_2035 = vector.broadcast %rem3A_2034 : i32 to vector<16xi32>
      %rem3A_2036 = arith.constant 128 : i32
      %rem3A_2037 = arith.remsi %squeeze3A_2012, %rem3A_2036 : i32
      %broadcast_in_dim3A_2038 = vector.broadcast %rem3A_2037 : i32 to vector<16xi32>
      %gather3A_2039 = tpu.vector_load_idx %arg12[%broadcast_in_dim3A_2032, %iota3A, %broadcast_in_dim3A_2035] : memref<8x32x128xf32, #tpu.memory_space<vmem>>[vector<16xi32>, vector<16xi32>, vector<16xi32>], vector<16xf32>,
      %add3A_2040 = arith.constant 16 : i32
      %add3A_2041 = vector.broadcast %add3A_2040 : i32 to vector<16xi32>
      %add3A_2042 = arith.addi %iota3A, %add3A_2041 : vector<16xi32>
      %gather3A_2043 = tpu.vector_load_idx %arg12[%broadcast_in_dim3A_2032, %add3A_2042, %broadcast_in_dim3A_2035] : memref<8x32x128xf32, #tpu.memory_space<vmem>>[vector<16xi32>, vector<16xi32>, vector<16xi32>], vector<16xf32>,
      %gather3A_2044 = tpu.vector_load_idx %arg13[%broadcast_in_dim3A_2032, %iota3A, %broadcast_in_dim3A_2038] : memref<8x32x128xf32, #tpu.memory_space<vmem>>[vector<16xi32>, vector<16xi32>, vector<16xi32>], vector<16xf32>,
      %add3A_2045 = arith.constant 16 : i32
      %add3A_2046 = vector.broadcast %add3A_2045 : i32 to vector<16xi32>
      %add3A_2047 = arith.addi %iota3A, %add3A_2046 : vector<16xi32>
      %gather3A_2048 = tpu.vector_load_idx %arg13[%broadcast_in_dim3A_2032, %add3A_2047, %broadcast_in_dim3A_2038] : memref<8x32x128xf32, #tpu.memory_space<vmem>>[vector<16xi32>, vector<16xi32>, vector<16xi32>], vector<16xf32>,
      %mul3A_2049 = arith.mulf %gather3A_2039, %gather3A_2044 : vector<16xf32>
      %mul3A_2050 = arith.mulf %mul3A_2049, %get3A_5 : vector<16xf32>
      %mul3A_2051 = arith.mulf %gather3A_2043, %gather3A_2048 : vector<16xf32>
      %mul3A_2052 = arith.mulf %mul3A_2051, %get3A_7 : vector<16xf32>
      %add3A_2053 = arith.addf %mul3A_2050, %mul3A_2052 : vector<16xf32>
      %jit3A_2054 = arith.constant 8 : i32
      %div3A_2055 = arith.divsi %sub3A_2008, %jit3A_2054 : i32
      %sign3A_2056 = arith.constant 0 : i32
      %sign3A_2057 = arith.cmpi sgt, %sub3A_2008, %sign3A_2056 : i32
      %sign3A_2058 = arith.extui %sign3A_2057 : i1 to i32
      %sign3A_2059 = arith.constant 0 : i32
      %sign3A_2060 = arith.cmpi slt, %sub3A_2008, %sign3A_2059 : i32
      %sign3A_2061 = arith.extui %sign3A_2060 : i1 to i32
      %sign3A_2062 = arith.subi %sign3A_2058, %sign3A_2061 : i32
      %sign3A_2063 = arith.constant 0 : i32
      %sign3A_2064 = arith.cmpi sgt, %jit3A_2054, %sign3A_2063 : i32
      %sign3A_2065 = arith.extui %sign3A_2064 : i1 to i32
      %sign3A_2066 = arith.constant 0 : i32
      %sign3A_2067 = arith.cmpi slt, %jit3A_2054, %sign3A_2066 : i32
      %sign3A_2068 = arith.extui %sign3A_2067 : i1 to i32
      %sign3A_2069 = arith.subi %sign3A_2065, %sign3A_2068 : i32
      %ne3A_2070 = arith.cmpi ne, %sign3A_2062, %sign3A_2069 : i32
      %rem3A_2071 = arith.remsi %sub3A_2008, %jit3A_2054 : i32
      %ne3A_2072 = arith.constant 0 : i32
      %ne3A_2073 = arith.cmpi ne, %rem3A_2071, %ne3A_2072 : i32
      %and3A_2074 = arith.andi %ne3A_2070, %ne3A_2073 : i1
      %sub3A_2075 = arith.constant 1 : i32
      %sub3A_2076 = arith.subi %div3A_2055, %sub3A_2075 : i32
      %select_n3A_2077 = arith.select %and3A_2074, %sub3A_2076, %div3A_2055 : i32
      %rem3A_2078 = arith.constant 8 : i32
      %rem3A_2079 = arith.remsi %sub3A_2008, %rem3A_2078 : i32
      %mul3A_2080 = arith.constant 16 : i32
      %mul3A_2081 = arith.muli %rem3A_2079, %mul3A_2080 : i32
      %swap3A_2082 = arith.index_cast %select_n3A_2077 : i32 to index
      %swap3A_2083 = arith.index_cast %mul3A_2081 : i32 to index
      %swap3A_2084 = tpu.vector_load %arg16[%swap3A_2082, %swap3A_2083] {strides = array<i32>} : memref<64x128xf32, #tpu.memory_space<vmem>>, vector<16xf32>,
      tpu.vector_store %arg16[%swap3A_2082, %swap3A_2083], %add3A_2053 {strides = array<i32>} : memref<64x128xf32, #tpu.memory_space<vmem>>, vector<16xf32>,
      %slice3A_2085 = vector.extract_strided_slice %get3A_474 {offsets = [13], sizes = [1], strides = [1]} : vector<16xi32> to vector<1xi32>
      %squeeze3A_2086 = vector.extract %slice3A_2085[0] : i32 from vector<1xi32>
      %slice3A_2087 = vector.extract_strided_slice %get3A_477 {offsets = [13], sizes = [1], strides = [1]} : vector<16xi32> to vector<1xi32>
      %squeeze3A_2088 = vector.extract %slice3A_2087[0] : i32 from vector<1xi32>
      %jit3A_2089 = arith.constant 128 : i32
      %div3A_2090 = arith.divsi %squeeze3A_2086, %jit3A_2089 : i32
      %sign3A_2091 = arith.constant 0 : i32
      %sign3A_2092 = arith.cmpi sgt, %squeeze3A_2086, %sign3A_2091 : i32
      %sign3A_2093 = arith.extui %sign3A_2092 : i1 to i32
      %sign3A_2094 = arith.constant 0 : i32
      %sign3A_2095 = arith.cmpi slt, %squeeze3A_2086, %sign3A_2094 : i32
      %sign3A_2096 = arith.extui %sign3A_2095 : i1 to i32
      %sign3A_2097 = arith.subi %sign3A_2093, %sign3A_2096 : i32
      %sign3A_2098 = arith.constant 0 : i32
      %sign3A_2099 = arith.cmpi sgt, %jit3A_2089, %sign3A_2098 : i32
      %sign3A_2100 = arith.extui %sign3A_2099 : i1 to i32
      %sign3A_2101 = arith.constant 0 : i32
      %sign3A_2102 = arith.cmpi slt, %jit3A_2089, %sign3A_2101 : i32
      %sign3A_2103 = arith.extui %sign3A_2102 : i1 to i32
      %sign3A_2104 = arith.subi %sign3A_2100, %sign3A_2103 : i32
      %ne3A_2105 = arith.cmpi ne, %sign3A_2097, %sign3A_2104 : i32
      %rem3A_2106 = arith.remsi %squeeze3A_2086, %jit3A_2089 : i32
      %ne3A_2107 = arith.constant 0 : i32
      %ne3A_2108 = arith.cmpi ne, %rem3A_2106, %ne3A_2107 : i32
      %and3A_2109 = arith.andi %ne3A_2105, %ne3A_2108 : i1
      %sub3A_2110 = arith.constant 1 : i32
      %sub3A_2111 = arith.subi %div3A_2090, %sub3A_2110 : i32
      %select_n3A_2112 = arith.select %and3A_2109, %sub3A_2111, %div3A_2090 : i32
      %mul3A_2113 = arith.constant 128 : i32
      %mul3A_2114 = arith.muli %select_n3A_2112, %mul3A_2113 : i32
      %multiple_of3A_2115 = tpu.assume_multiple %mul3A_2114, 128 : i32
      %jit3A_2116 = arith.constant 128 : i32
      %div3A_2117 = arith.divsi %squeeze3A_2088, %jit3A_2116 : i32
      %sign3A_2118 = arith.constant 0 : i32
      %sign3A_2119 = arith.cmpi sgt, %squeeze3A_2088, %sign3A_2118 : i32
      %sign3A_2120 = arith.extui %sign3A_2119 : i1 to i32
      %sign3A_2121 = arith.constant 0 : i32
      %sign3A_2122 = arith.cmpi slt, %squeeze3A_2088, %sign3A_2121 : i32
      %sign3A_2123 = arith.extui %sign3A_2122 : i1 to i32
      %sign3A_2124 = arith.subi %sign3A_2120, %sign3A_2123 : i32
      %sign3A_2125 = arith.constant 0 : i32
      %sign3A_2126 = arith.cmpi sgt, %jit3A_2116, %sign3A_2125 : i32
      %sign3A_2127 = arith.extui %sign3A_2126 : i1 to i32
      %sign3A_2128 = arith.constant 0 : i32
      %sign3A_2129 = arith.cmpi slt, %jit3A_2116, %sign3A_2128 : i32
      %sign3A_2130 = arith.extui %sign3A_2129 : i1 to i32
      %sign3A_2131 = arith.subi %sign3A_2127, %sign3A_2130 : i32
      %ne3A_2132 = arith.cmpi ne, %sign3A_2124, %sign3A_2131 : i32
      %rem3A_2133 = arith.remsi %squeeze3A_2088, %jit3A_2116 : i32
      %ne3A_2134 = arith.constant 0 : i32
      %ne3A_2135 = arith.cmpi ne, %rem3A_2133, %ne3A_2134 : i32
      %and3A_2136 = arith.andi %ne3A_2132, %ne3A_2135 : i1
      %sub3A_2137 = arith.constant 1 : i32
      %sub3A_2138 = arith.subi %div3A_2117, %sub3A_2137 : i32
      %select_n3A_2139 = arith.select %and3A_2136, %sub3A_2138, %div3A_2117 : i32
      %mul3A_2140 = arith.constant 128 : i32
      %mul3A_2141 = arith.muli %select_n3A_2139, %mul3A_2140 : i32
      %multiple_of3A_2142 = tpu.assume_multiple %mul3A_2141, 128 : i32
      %dma_start3A_2143 = arith.constant 5 : i32
      %dma_start3A_2144 = arith.constant 0 : i32
      %dma_start3A_2145 = arith.constant 0 : i32
      %dma_start3A_2146 = tpu.memref_slice %arg12[%dma_start3A_2143, %dma_start3A_2144, %dma_start3A_2145] : memref<8x32x128xf32, #tpu.memory_space<vmem>> -> memref<1x32x128xf32, #tpu.memory_space<vmem>>
      %dma_start3A_2147 = tpu.memref_squeeze %dma_start3A_2146 : memref<1x32x128xf32, #tpu.memory_space<vmem>> -> memref<32x128xf32, #tpu.memory_space<vmem>>
      %dma_start3A_2148 = arith.constant 0 : i32
      %dma_start3A_2149 = tpu.memref_slice %arg4[%dma_start3A_2148, %multiple_of3A_2115] : memref<32x1000000xf32, #tpu.memory_space<hbm>> -> memref<32x128xf32, #tpu.memory_space<hbm>>
      %dma_start3A_2150 = arith.constant 0 : i32
      %dma_start3A_2151 = arith.constant 0 : i32
      %dma_start3A_2152 = tpu.memref_slice %arg12[%dma_start3A_2143, %dma_start3A_2150, %dma_start3A_2151] : memref<8x32x128xf32, #tpu.memory_space<vmem>> -> memref<1x32x128xf32, #tpu.memory_space<vmem>>
      %dma_start3A_2153 = tpu.memref_squeeze %dma_start3A_2152 : memref<1x32x128xf32, #tpu.memory_space<vmem>> -> memref<32x128xf32, #tpu.memory_space<vmem>>
      %dma_start3A_2154 = arith.constant 0 : i32
      %dma_start3A_2155 = tpu.memref_slice %arg4[%dma_start3A_2154, %multiple_of3A_2115] : memref<32x1000000xf32, #tpu.memory_space<hbm>> -> memref<32x128xf32, #tpu.memory_space<hbm>>
      tpu.enqueue_dma source(%dma_start3A_2155 : memref<32x128xf32, #tpu.memory_space<hbm>>) target(%dma_start3A_2153 : memref<32x128xf32, #tpu.memory_space<vmem>>) target_semaphore(%arg23 : memref<!tpu.dma_semaphore, #tpu.memory_space<semaphore_mem>>)
      %dma_start3A_2156 = arith.constant 5 : i32
      %dma_start3A_2157 = arith.constant 0 : i32
      %dma_start3A_2158 = arith.constant 0 : i32
      %dma_start3A_2159 = tpu.memref_slice %arg13[%dma_start3A_2156, %dma_start3A_2157, %dma_start3A_2158] : memref<8x32x128xf32, #tpu.memory_space<vmem>> -> memref<1x32x128xf32, #tpu.memory_space<vmem>>
      %dma_start3A_2160 = tpu.memref_squeeze %dma_start3A_2159 : memref<1x32x128xf32, #tpu.memory_space<vmem>> -> memref<32x128xf32, #tpu.memory_space<vmem>>
      %dma_start3A_2161 = arith.constant 0 : i32
      %dma_start3A_2162 = tpu.memref_slice %arg5[%dma_start3A_2161, %multiple_of3A_2142] : memref<32x1000000xf32, #tpu.memory_space<hbm>> -> memref<32x128xf32, #tpu.memory_space<hbm>>
      %dma_start3A_2163 = arith.constant 0 : i32
      %dma_start3A_2164 = arith.constant 0 : i32
      %dma_start3A_2165 = tpu.memref_slice %arg13[%dma_start3A_2156, %dma_start3A_2163, %dma_start3A_2164] : memref<8x32x128xf32, #tpu.memory_space<vmem>> -> memref<1x32x128xf32, #tpu.memory_space<vmem>>
      %dma_start3A_2166 = tpu.memref_squeeze %dma_start3A_2165 : memref<1x32x128xf32, #tpu.memory_space<vmem>> -> memref<32x128xf32, #tpu.memory_space<vmem>>
      %dma_start3A_2167 = arith.constant 0 : i32
      %dma_start3A_2168 = tpu.memref_slice %arg5[%dma_start3A_2167, %multiple_of3A_2142] : memref<32x1000000xf32, #tpu.memory_space<hbm>> -> memref<32x128xf32, #tpu.memory_space<hbm>>
      tpu.enqueue_dma source(%dma_start3A_2168 : memref<32x128xf32, #tpu.memory_space<hbm>>) target(%dma_start3A_2166 : memref<32x128xf32, #tpu.memory_space<vmem>>) target_semaphore(%arg23 : memref<!tpu.dma_semaphore, #tpu.memory_space<semaphore_mem>>)
      %add3A_2169 = arith.constant 14 : i32
      %add3A_2170 = arith.addi %mul3A_452, %add3A_2169 : i32
      %sub3A_2171 = arith.constant 8 : i32
      %sub3A_2172 = arith.subi %add3A_2170, %sub3A_2171 : i32
      %slice3A_2173 = vector.extract_strided_slice %get3A_474 {offsets = [6], sizes = [1], strides = [1]} : vector<16xi32> to vector<1xi32>
      %squeeze3A_2174 = vector.extract %slice3A_2173[0] : i32 from vector<1xi32>
      %slice3A_2175 = vector.extract_strided_slice %get3A_477 {offsets = [6], sizes = [1], strides = [1]} : vector<16xi32> to vector<1xi32>
      %squeeze3A_2176 = vector.extract %slice3A_2175[0] : i32 from vector<1xi32>
      %dma_wait3A_2177 = arith.constant 6 : i32
      %dma_wait3A_2178 = arith.constant 0 : i32
      %dma_wait3A_2179 = arith.constant 0 : i32
      %dma_wait3A_2180 = tpu.memref_slice %arg12[%dma_wait3A_2177, %dma_wait3A_2178, %dma_wait3A_2179] : memref<8x32x128xf32, #tpu.memory_space<vmem>> -> memref<1x32x128xf32, #tpu.memory_space<vmem>>
      %dma_wait3A_2181 = tpu.memref_squeeze %dma_wait3A_2180 : memref<1x32x128xf32, #tpu.memory_space<vmem>> -> memref<32x128xf32, #tpu.memory_space<vmem>>
      %dma_wait3A_2182 = arith.constant 0 : i32
      %dma_wait3A_2183 = arith.constant 0 : i32
      %dma_wait3A_2184 = tpu.memref_slice %arg12[%dma_wait3A_2177, %dma_wait3A_2182, %dma_wait3A_2183] : memref<8x32x128xf32, #tpu.memory_space<vmem>> -> memref<1x32x128xf32, #tpu.memory_space<vmem>>
      %dma_wait3A_2185 = tpu.memref_squeeze %dma_wait3A_2184 : memref<1x32x128xf32, #tpu.memory_space<vmem>> -> memref<32x128xf32, #tpu.memory_space<vmem>>
      tpu.wait_dma2 semaphore(%arg24 : memref<!tpu.dma_semaphore, #tpu.memory_space<semaphore_mem>>) src(%arg8 : memref<32x128xf32, #tpu.memory_space<hbm>>) dst(%dma_wait3A_2185 : memref<32x128xf32, #tpu.memory_space<vmem>>)
      %dma_wait3A_2186 = arith.constant 6 : i32
      %dma_wait3A_2187 = arith.constant 0 : i32
      %dma_wait3A_2188 = arith.constant 0 : i32
      %dma_wait3A_2189 = tpu.memref_slice %arg13[%dma_wait3A_2186, %dma_wait3A_2187, %dma_wait3A_2188] : memref<8x32x128xf32, #tpu.memory_space<vmem>> -> memref<1x32x128xf32, #tpu.memory_space<vmem>>
      %dma_wait3A_2190 = tpu.memref_squeeze %dma_wait3A_2189 : memref<1x32x128xf32, #tpu.memory_space<vmem>> -> memref<32x128xf32, #tpu.memory_space<vmem>>
      %dma_wait3A_2191 = arith.constant 0 : i32
      %dma_wait3A_2192 = arith.constant 0 : i32
      %dma_wait3A_2193 = tpu.memref_slice %arg13[%dma_wait3A_2186, %dma_wait3A_2191, %dma_wait3A_2192] : memref<8x32x128xf32, #tpu.memory_space<vmem>> -> memref<1x32x128xf32, #tpu.memory_space<vmem>>
      %dma_wait3A_2194 = tpu.memref_squeeze %dma_wait3A_2193 : memref<1x32x128xf32, #tpu.memory_space<vmem>> -> memref<32x128xf32, #tpu.memory_space<vmem>>
      tpu.wait_dma2 semaphore(%arg24 : memref<!tpu.dma_semaphore, #tpu.memory_space<semaphore_mem>>) src(%arg8 : memref<32x128xf32, #tpu.memory_space<hbm>>) dst(%dma_wait3A_2194 : memref<32x128xf32, #tpu.memory_space<vmem>>)
      %broadcast_in_dim3A_2195 = arith.constant 6 : i32
      %broadcast_in_dim3A_2196 = vector.broadcast %broadcast_in_dim3A_2195 : i32 to vector<16xi32>
      %rem3A_2197 = arith.constant 128 : i32
      %rem3A_2198 = arith.remsi %squeeze3A_2174, %rem3A_2197 : i32
      %broadcast_in_dim3A_2199 = vector.broadcast %rem3A_2198 : i32 to vector<16xi32>
      %rem3A_2200 = arith.constant 128 : i32
      %rem3A_2201 = arith.remsi %squeeze3A_2176, %rem3A_2200 : i32
      %broadcast_in_dim3A_2202 = vector.broadcast %rem3A_2201 : i32 to vector<16xi32>
      %gather3A_2203 = tpu.vector_load_idx %arg12[%broadcast_in_dim3A_2196, %iota3A, %broadcast_in_dim3A_2199] : memref<8x32x128xf32, #tpu.memory_space<vmem>>[vector<16xi32>, vector<16xi32>, vector<16xi32>], vector<16xf32>,
      %add3A_2204 = arith.constant 16 : i32
      %add3A_2205 = vector.broadcast %add3A_2204 : i32 to vector<16xi32>
      %add3A_2206 = arith.addi %iota3A, %add3A_2205 : vector<16xi32>
      %gather3A_2207 = tpu.vector_load_idx %arg12[%broadcast_in_dim3A_2196, %add3A_2206, %broadcast_in_dim3A_2199] : memref<8x32x128xf32, #tpu.memory_space<vmem>>[vector<16xi32>, vector<16xi32>, vector<16xi32>], vector<16xf32>,
      %gather3A_2208 = tpu.vector_load_idx %arg13[%broadcast_in_dim3A_2196, %iota3A, %broadcast_in_dim3A_2202] : memref<8x32x128xf32, #tpu.memory_space<vmem>>[vector<16xi32>, vector<16xi32>, vector<16xi32>], vector<16xf32>,
      %add3A_2209 = arith.constant 16 : i32
      %add3A_2210 = vector.broadcast %add3A_2209 : i32 to vector<16xi32>
      %add3A_2211 = arith.addi %iota3A, %add3A_2210 : vector<16xi32>
      %gather3A_2212 = tpu.vector_load_idx %arg13[%broadcast_in_dim3A_2196, %add3A_2211, %broadcast_in_dim3A_2202] : memref<8x32x128xf32, #tpu.memory_space<vmem>>[vector<16xi32>, vector<16xi32>, vector<16xi32>], vector<16xf32>,
      %mul3A_2213 = arith.mulf %gather3A_2203, %gather3A_2208 : vector<16xf32>
      %mul3A_2214 = arith.mulf %mul3A_2213, %get3A_5 : vector<16xf32>
      %mul3A_2215 = arith.mulf %gather3A_2207, %gather3A_2212 : vector<16xf32>
      %mul3A_2216 = arith.mulf %mul3A_2215, %get3A_7 : vector<16xf32>
      %add3A_2217 = arith.addf %mul3A_2214, %mul3A_2216 : vector<16xf32>
      %jit3A_2218 = arith.constant 8 : i32
      %div3A_2219 = arith.divsi %sub3A_2172, %jit3A_2218 : i32
      %sign3A_2220 = arith.constant 0 : i32
      %sign3A_2221 = arith.cmpi sgt, %sub3A_2172, %sign3A_2220 : i32
      %sign3A_2222 = arith.extui %sign3A_2221 : i1 to i32
      %sign3A_2223 = arith.constant 0 : i32
      %sign3A_2224 = arith.cmpi slt, %sub3A_2172, %sign3A_2223 : i32
      %sign3A_2225 = arith.extui %sign3A_2224 : i1 to i32
      %sign3A_2226 = arith.subi %sign3A_2222, %sign3A_2225 : i32
      %sign3A_2227 = arith.constant 0 : i32
      %sign3A_2228 = arith.cmpi sgt, %jit3A_2218, %sign3A_2227 : i32
      %sign3A_2229 = arith.extui %sign3A_2228 : i1 to i32
      %sign3A_2230 = arith.constant 0 : i32
      %sign3A_2231 = arith.cmpi slt, %jit3A_2218, %sign3A_2230 : i32
      %sign3A_2232 = arith.extui %sign3A_2231 : i1 to i32
      %sign3A_2233 = arith.subi %sign3A_2229, %sign3A_2232 : i32
      %ne3A_2234 = arith.cmpi ne, %sign3A_2226, %sign3A_2233 : i32
      %rem3A_2235 = arith.remsi %sub3A_2172, %jit3A_2218 : i32
      %ne3A_2236 = arith.constant 0 : i32
      %ne3A_2237 = arith.cmpi ne, %rem3A_2235, %ne3A_2236 : i32
      %and3A_2238 = arith.andi %ne3A_2234, %ne3A_2237 : i1
      %sub3A_2239 = arith.constant 1 : i32
      %sub3A_2240 = arith.subi %div3A_2219, %sub3A_2239 : i32
      %select_n3A_2241 = arith.select %and3A_2238, %sub3A_2240, %div3A_2219 : i32
      %rem3A_2242 = arith.constant 8 : i32
      %rem3A_2243 = arith.remsi %sub3A_2172, %rem3A_2242 : i32
      %mul3A_2244 = arith.constant 16 : i32
      %mul3A_2245 = arith.muli %rem3A_2243, %mul3A_2244 : i32
      %swap3A_2246 = arith.index_cast %select_n3A_2241 : i32 to index
      %swap3A_2247 = arith.index_cast %mul3A_2245 : i32 to index
      %swap3A_2248 = tpu.vector_load %arg16[%swap3A_2246, %swap3A_2247] {strides = array<i32>} : memref<64x128xf32, #tpu.memory_space<vmem>>, vector<16xf32>,
      tpu.vector_store %arg16[%swap3A_2246, %swap3A_2247], %add3A_2217 {strides = array<i32>} : memref<64x128xf32, #tpu.memory_space<vmem>>, vector<16xf32>,
      %slice3A_2249 = vector.extract_strided_slice %get3A_474 {offsets = [14], sizes = [1], strides = [1]} : vector<16xi32> to vector<1xi32>
      %squeeze3A_2250 = vector.extract %slice3A_2249[0] : i32 from vector<1xi32>
      %slice3A_2251 = vector.extract_strided_slice %get3A_477 {offsets = [14], sizes = [1], strides = [1]} : vector<16xi32> to vector<1xi32>
      %squeeze3A_2252 = vector.extract %slice3A_2251[0] : i32 from vector<1xi32>
      %jit3A_2253 = arith.constant 128 : i32
      %div3A_2254 = arith.divsi %squeeze3A_2250, %jit3A_2253 : i32
      %sign3A_2255 = arith.constant 0 : i32
      %sign3A_2256 = arith.cmpi sgt, %squeeze3A_2250, %sign3A_2255 : i32
      %sign3A_2257 = arith.extui %sign3A_2256 : i1 to i32
      %sign3A_2258 = arith.constant 0 : i32
      %sign3A_2259 = arith.cmpi slt, %squeeze3A_2250, %sign3A_2258 : i32
      %sign3A_2260 = arith.extui %sign3A_2259 : i1 to i32
      %sign3A_2261 = arith.subi %sign3A_2257, %sign3A_2260 : i32
      %sign3A_2262 = arith.constant 0 : i32
      %sign3A_2263 = arith.cmpi sgt, %jit3A_2253, %sign3A_2262 : i32
      %sign3A_2264 = arith.extui %sign3A_2263 : i1 to i32
      %sign3A_2265 = arith.constant 0 : i32
      %sign3A_2266 = arith.cmpi slt, %jit3A_2253, %sign3A_2265 : i32
      %sign3A_2267 = arith.extui %sign3A_2266 : i1 to i32
      %sign3A_2268 = arith.subi %sign3A_2264, %sign3A_2267 : i32
      %ne3A_2269 = arith.cmpi ne, %sign3A_2261, %sign3A_2268 : i32
      %rem3A_2270 = arith.remsi %squeeze3A_2250, %jit3A_2253 : i32
      %ne3A_2271 = arith.constant 0 : i32
      %ne3A_2272 = arith.cmpi ne, %rem3A_2270, %ne3A_2271 : i32
      %and3A_2273 = arith.andi %ne3A_2269, %ne3A_2272 : i1
      %sub3A_2274 = arith.constant 1 : i32
      %sub3A_2275 = arith.subi %div3A_2254, %sub3A_2274 : i32
      %select_n3A_2276 = arith.select %and3A_2273, %sub3A_2275, %div3A_2254 : i32
      %mul3A_2277 = arith.constant 128 : i32
      %mul3A_2278 = arith.muli %select_n3A_2276, %mul3A_2277 : i32
      %multiple_of3A_2279 = tpu.assume_multiple %mul3A_2278, 128 : i32
      %jit3A_2280 = arith.constant 128 : i32
      %div3A_2281 = arith.divsi %squeeze3A_2252, %jit3A_2280 : i32
      %sign3A_2282 = arith.constant 0 : i32
      %sign3A_2283 = arith.cmpi sgt, %squeeze3A_2252, %sign3A_2282 : i32
      %sign3A_2284 = arith.extui %sign3A_2283 : i1 to i32
      %sign3A_2285 = arith.constant 0 : i32
      %sign3A_2286 = arith.cmpi slt, %squeeze3A_2252, %sign3A_2285 : i32
      %sign3A_2287 = arith.extui %sign3A_2286 : i1 to i32
      %sign3A_2288 = arith.subi %sign3A_2284, %sign3A_2287 : i32
      %sign3A_2289 = arith.constant 0 : i32
      %sign3A_2290 = arith.cmpi sgt, %jit3A_2280, %sign3A_2289 : i32
      %sign3A_2291 = arith.extui %sign3A_2290 : i1 to i32
      %sign3A_2292 = arith.constant 0 : i32
      %sign3A_2293 = arith.cmpi slt, %jit3A_2280, %sign3A_2292 : i32
      %sign3A_2294 = arith.extui %sign3A_2293 : i1 to i32
      %sign3A_2295 = arith.subi %sign3A_2291, %sign3A_2294 : i32
      %ne3A_2296 = arith.cmpi ne, %sign3A_2288, %sign3A_2295 : i32
      %rem3A_2297 = arith.remsi %squeeze3A_2252, %jit3A_2280 : i32
      %ne3A_2298 = arith.constant 0 : i32
      %ne3A_2299 = arith.cmpi ne, %rem3A_2297, %ne3A_2298 : i32
      %and3A_2300 = arith.andi %ne3A_2296, %ne3A_2299 : i1
      %sub3A_2301 = arith.constant 1 : i32
      %sub3A_2302 = arith.subi %div3A_2281, %sub3A_2301 : i32
      %select_n3A_2303 = arith.select %and3A_2300, %sub3A_2302, %div3A_2281 : i32
      %mul3A_2304 = arith.constant 128 : i32
      %mul3A_2305 = arith.muli %select_n3A_2303, %mul3A_2304 : i32
      %multiple_of3A_2306 = tpu.assume_multiple %mul3A_2305, 128 : i32
      %dma_start3A_2307 = arith.constant 6 : i32
      %dma_start3A_2308 = arith.constant 0 : i32
      %dma_start3A_2309 = arith.constant 0 : i32
      %dma_start3A_2310 = tpu.memref_slice %arg12[%dma_start3A_2307, %dma_start3A_2308, %dma_start3A_2309] : memref<8x32x128xf32, #tpu.memory_space<vmem>> -> memref<1x32x128xf32, #tpu.memory_space<vmem>>
      %dma_start3A_2311 = tpu.memref_squeeze %dma_start3A_2310 : memref<1x32x128xf32, #tpu.memory_space<vmem>> -> memref<32x128xf32, #tpu.memory_space<vmem>>
      %dma_start3A_2312 = arith.constant 0 : i32
      %dma_start3A_2313 = tpu.memref_slice %arg4[%dma_start3A_2312, %multiple_of3A_2279] : memref<32x1000000xf32, #tpu.memory_space<hbm>> -> memref<32x128xf32, #tpu.memory_space<hbm>>
      %dma_start3A_2314 = arith.constant 0 : i32
      %dma_start3A_2315 = arith.constant 0 : i32
      %dma_start3A_2316 = tpu.memref_slice %arg12[%dma_start3A_2307, %dma_start3A_2314, %dma_start3A_2315] : memref<8x32x128xf32, #tpu.memory_space<vmem>> -> memref<1x32x128xf32, #tpu.memory_space<vmem>>
      %dma_start3A_2317 = tpu.memref_squeeze %dma_start3A_2316 : memref<1x32x128xf32, #tpu.memory_space<vmem>> -> memref<32x128xf32, #tpu.memory_space<vmem>>
      %dma_start3A_2318 = arith.constant 0 : i32
      %dma_start3A_2319 = tpu.memref_slice %arg4[%dma_start3A_2318, %multiple_of3A_2279] : memref<32x1000000xf32, #tpu.memory_space<hbm>> -> memref<32x128xf32, #tpu.memory_space<hbm>>
      tpu.enqueue_dma source(%dma_start3A_2319 : memref<32x128xf32, #tpu.memory_space<hbm>>) target(%dma_start3A_2317 : memref<32x128xf32, #tpu.memory_space<vmem>>) target_semaphore(%arg24 : memref<!tpu.dma_semaphore, #tpu.memory_space<semaphore_mem>>)
      %dma_start3A_2320 = arith.constant 6 : i32
      %dma_start3A_2321 = arith.constant 0 : i32
      %dma_start3A_2322 = arith.constant 0 : i32
      %dma_start3A_2323 = tpu.memref_slice %arg13[%dma_start3A_2320, %dma_start3A_2321, %dma_start3A_2322] : memref<8x32x128xf32, #tpu.memory_space<vmem>> -> memref<1x32x128xf32, #tpu.memory_space<vmem>>
      %dma_start3A_2324 = tpu.memref_squeeze %dma_start3A_2323 : memref<1x32x128xf32, #tpu.memory_space<vmem>> -> memref<32x128xf32, #tpu.memory_space<vmem>>
      %dma_start3A_2325 = arith.constant 0 : i32
      %dma_start3A_2326 = tpu.memref_slice %arg5[%dma_start3A_2325, %multiple_of3A_2306] : memref<32x1000000xf32, #tpu.memory_space<hbm>> -> memref<32x128xf32, #tpu.memory_space<hbm>>
      %dma_start3A_2327 = arith.constant 0 : i32
      %dma_start3A_2328 = arith.constant 0 : i32
      %dma_start3A_2329 = tpu.memref_slice %arg13[%dma_start3A_2320, %dma_start3A_2327, %dma_start3A_2328] : memref<8x32x128xf32, #tpu.memory_space<vmem>> -> memref<1x32x128xf32, #tpu.memory_space<vmem>>
      %dma_start3A_2330 = tpu.memref_squeeze %dma_start3A_2329 : memref<1x32x128xf32, #tpu.memory_space<vmem>> -> memref<32x128xf32, #tpu.memory_space<vmem>>
      %dma_start3A_2331 = arith.constant 0 : i32
      %dma_start3A_2332 = tpu.memref_slice %arg5[%dma_start3A_2331, %multiple_of3A_2306] : memref<32x1000000xf32, #tpu.memory_space<hbm>> -> memref<32x128xf32, #tpu.memory_space<hbm>>
      tpu.enqueue_dma source(%dma_start3A_2332 : memref<32x128xf32, #tpu.memory_space<hbm>>) target(%dma_start3A_2330 : memref<32x128xf32, #tpu.memory_space<vmem>>) target_semaphore(%arg24 : memref<!tpu.dma_semaphore, #tpu.memory_space<semaphore_mem>>)
      %add3A_2333 = arith.constant 15 : i32
      %add3A_2334 = arith.addi %mul3A_452, %add3A_2333 : i32
      %sub3A_2335 = arith.constant 8 : i32
      %sub3A_2336 = arith.subi %add3A_2334, %sub3A_2335 : i32
      %slice3A_2337 = vector.extract_strided_slice %get3A_474 {offsets = [7], sizes = [1], strides = [1]} : vector<16xi32> to vector<1xi32>
      %squeeze3A_2338 = vector.extract %slice3A_2337[0] : i32 from vector<1xi32>
      %slice3A_2339 = vector.extract_strided_slice %get3A_477 {offsets = [7], sizes = [1], strides = [1]} : vector<16xi32> to vector<1xi32>
      %squeeze3A_2340 = vector.extract %slice3A_2339[0] : i32 from vector<1xi32>
      %dma_wait3A_2341 = arith.constant 7 : i32
      %dma_wait3A_2342 = arith.constant 0 : i32
      %dma_wait3A_2343 = arith.constant 0 : i32
      %dma_wait3A_2344 = tpu.memref_slice %arg12[%dma_wait3A_2341, %dma_wait3A_2342, %dma_wait3A_2343] : memref<8x32x128xf32, #tpu.memory_space<vmem>> -> memref<1x32x128xf32, #tpu.memory_space<vmem>>
      %dma_wait3A_2345 = tpu.memref_squeeze %dma_wait3A_2344 : memref<1x32x128xf32, #tpu.memory_space<vmem>> -> memref<32x128xf32, #tpu.memory_space<vmem>>
      %dma_wait3A_2346 = arith.constant 0 : i32
      %dma_wait3A_2347 = arith.constant 0 : i32
      %dma_wait3A_2348 = tpu.memref_slice %arg12[%dma_wait3A_2341, %dma_wait3A_2346, %dma_wait3A_2347] : memref<8x32x128xf32, #tpu.memory_space<vmem>> -> memref<1x32x128xf32, #tpu.memory_space<vmem>>
      %dma_wait3A_2349 = tpu.memref_squeeze %dma_wait3A_2348 : memref<1x32x128xf32, #tpu.memory_space<vmem>> -> memref<32x128xf32, #tpu.memory_space<vmem>>
      tpu.wait_dma2 semaphore(%arg25 : memref<!tpu.dma_semaphore, #tpu.memory_space<semaphore_mem>>) src(%arg8 : memref<32x128xf32, #tpu.memory_space<hbm>>) dst(%dma_wait3A_2349 : memref<32x128xf32, #tpu.memory_space<vmem>>)
      %dma_wait3A_2350 = arith.constant 7 : i32
      %dma_wait3A_2351 = arith.constant 0 : i32
      %dma_wait3A_2352 = arith.constant 0 : i32
      %dma_wait3A_2353 = tpu.memref_slice %arg13[%dma_wait3A_2350, %dma_wait3A_2351, %dma_wait3A_2352] : memref<8x32x128xf32, #tpu.memory_space<vmem>> -> memref<1x32x128xf32, #tpu.memory_space<vmem>>
      %dma_wait3A_2354 = tpu.memref_squeeze %dma_wait3A_2353 : memref<1x32x128xf32, #tpu.memory_space<vmem>> -> memref<32x128xf32, #tpu.memory_space<vmem>>
      %dma_wait3A_2355 = arith.constant 0 : i32
      %dma_wait3A_2356 = arith.constant 0 : i32
      %dma_wait3A_2357 = tpu.memref_slice %arg13[%dma_wait3A_2350, %dma_wait3A_2355, %dma_wait3A_2356] : memref<8x32x128xf32, #tpu.memory_space<vmem>> -> memref<1x32x128xf32, #tpu.memory_space<vmem>>
      %dma_wait3A_2358 = tpu.memref_squeeze %dma_wait3A_2357 : memref<1x32x128xf32, #tpu.memory_space<vmem>> -> memref<32x128xf32, #tpu.memory_space<vmem>>
      tpu.wait_dma2 semaphore(%arg25 : memref<!tpu.dma_semaphore, #tpu.memory_space<semaphore_mem>>) src(%arg8 : memref<32x128xf32, #tpu.memory_space<hbm>>) dst(%dma_wait3A_2358 : memref<32x128xf32, #tpu.memory_space<vmem>>)
      %broadcast_in_dim3A_2359 = arith.constant 7 : i32
      %broadcast_in_dim3A_2360 = vector.broadcast %broadcast_in_dim3A_2359 : i32 to vector<16xi32>
      %rem3A_2361 = arith.constant 128 : i32
      %rem3A_2362 = arith.remsi %squeeze3A_2338, %rem3A_2361 : i32
      %broadcast_in_dim3A_2363 = vector.broadcast %rem3A_2362 : i32 to vector<16xi32>
      %rem3A_2364 = arith.constant 128 : i32
      %rem3A_2365 = arith.remsi %squeeze3A_2340, %rem3A_2364 : i32
      %broadcast_in_dim3A_2366 = vector.broadcast %rem3A_2365 : i32 to vector<16xi32>
      %gather3A_2367 = tpu.vector_load_idx %arg12[%broadcast_in_dim3A_2360, %iota3A, %broadcast_in_dim3A_2363] : memref<8x32x128xf32, #tpu.memory_space<vmem>>[vector<16xi32>, vector<16xi32>, vector<16xi32>], vector<16xf32>,
      %add3A_2368 = arith.constant 16 : i32
      %add3A_2369 = vector.broadcast %add3A_2368 : i32 to vector<16xi32>
      %add3A_2370 = arith.addi %iota3A, %add3A_2369 : vector<16xi32>
      %gather3A_2371 = tpu.vector_load_idx %arg12[%broadcast_in_dim3A_2360, %add3A_2370, %broadcast_in_dim3A_2363] : memref<8x32x128xf32, #tpu.memory_space<vmem>>[vector<16xi32>, vector<16xi32>, vector<16xi32>], vector<16xf32>,
      %gather3A_2372 = tpu.vector_load_idx %arg13[%broadcast_in_dim3A_2360, %iota3A, %broadcast_in_dim3A_2366] : memref<8x32x128xf32, #tpu.memory_space<vmem>>[vector<16xi32>, vector<16xi32>, vector<16xi32>], vector<16xf32>,
      %add3A_2373 = arith.constant 16 : i32
      %add3A_2374 = vector.broadcast %add3A_2373 : i32 to vector<16xi32>
      %add3A_2375 = arith.addi %iota3A, %add3A_2374 : vector<16xi32>
      %gather3A_2376 = tpu.vector_load_idx %arg13[%broadcast_in_dim3A_2360, %add3A_2375, %broadcast_in_dim3A_2366] : memref<8x32x128xf32, #tpu.memory_space<vmem>>[vector<16xi32>, vector<16xi32>, vector<16xi32>], vector<16xf32>,
      %mul3A_2377 = arith.mulf %gather3A_2367, %gather3A_2372 : vector<16xf32>
      %mul3A_2378 = arith.mulf %mul3A_2377, %get3A_5 : vector<16xf32>
      %mul3A_2379 = arith.mulf %gather3A_2371, %gather3A_2376 : vector<16xf32>
      %mul3A_2380 = arith.mulf %mul3A_2379, %get3A_7 : vector<16xf32>
      %add3A_2381 = arith.addf %mul3A_2378, %mul3A_2380 : vector<16xf32>
      %jit3A_2382 = arith.constant 8 : i32
      %div3A_2383 = arith.divsi %sub3A_2336, %jit3A_2382 : i32
      %sign3A_2384 = arith.constant 0 : i32
      %sign3A_2385 = arith.cmpi sgt, %sub3A_2336, %sign3A_2384 : i32
      %sign3A_2386 = arith.extui %sign3A_2385 : i1 to i32
      %sign3A_2387 = arith.constant 0 : i32
      %sign3A_2388 = arith.cmpi slt, %sub3A_2336, %sign3A_2387 : i32
      %sign3A_2389 = arith.extui %sign3A_2388 : i1 to i32
      %sign3A_2390 = arith.subi %sign3A_2386, %sign3A_2389 : i32
      %sign3A_2391 = arith.constant 0 : i32
      %sign3A_2392 = arith.cmpi sgt, %jit3A_2382, %sign3A_2391 : i32
      %sign3A_2393 = arith.extui %sign3A_2392 : i1 to i32
      %sign3A_2394 = arith.constant 0 : i32
      %sign3A_2395 = arith.cmpi slt, %jit3A_2382, %sign3A_2394 : i32
      %sign3A_2396 = arith.extui %sign3A_2395 : i1 to i32
      %sign3A_2397 = arith.subi %sign3A_2393, %sign3A_2396 : i32
      %ne3A_2398 = arith.cmpi ne, %sign3A_2390, %sign3A_2397 : i32
      %rem3A_2399 = arith.remsi %sub3A_2336, %jit3A_2382 : i32
      %ne3A_2400 = arith.constant 0 : i32
      %ne3A_2401 = arith.cmpi ne, %rem3A_2399, %ne3A_2400 : i32
      %and3A_2402 = arith.andi %ne3A_2398, %ne3A_2401 : i1
      %sub3A_2403 = arith.constant 1 : i32
      %sub3A_2404 = arith.subi %div3A_2383, %sub3A_2403 : i32
      %select_n3A_2405 = arith.select %and3A_2402, %sub3A_2404, %div3A_2383 : i32
      %rem3A_2406 = arith.constant 8 : i32
      %rem3A_2407 = arith.remsi %sub3A_2336, %rem3A_2406 : i32
      %mul3A_2408 = arith.constant 16 : i32
      %mul3A_2409 = arith.muli %rem3A_2407, %mul3A_2408 : i32
      %swap3A_2410 = arith.index_cast %select_n3A_2405 : i32 to index
      %swap3A_2411 = arith.index_cast %mul3A_2409 : i32 to index
      %swap3A_2412 = tpu.vector_load %arg16[%swap3A_2410, %swap3A_2411] {strides = array<i32>} : memref<64x128xf32, #tpu.memory_space<vmem>>, vector<16xf32>,
      tpu.vector_store %arg16[%swap3A_2410, %swap3A_2411], %add3A_2381 {strides = array<i32>} : memref<64x128xf32, #tpu.memory_space<vmem>>, vector<16xf32>,
      %slice3A_2413 = vector.extract_strided_slice %get3A_474 {offsets = [15], sizes = [1], strides = [1]} : vector<16xi32> to vector<1xi32>
      %squeeze3A_2414 = vector.extract %slice3A_2413[0] : i32 from vector<1xi32>
      %slice3A_2415 = vector.extract_strided_slice %get3A_477 {offsets = [15], sizes = [1], strides = [1]} : vector<16xi32> to vector<1xi32>
      %squeeze3A_2416 = vector.extract %slice3A_2415[0] : i32 from vector<1xi32>
      %jit3A_2417 = arith.constant 128 : i32
      %div3A_2418 = arith.divsi %squeeze3A_2414, %jit3A_2417 : i32
      %sign3A_2419 = arith.constant 0 : i32
      %sign3A_2420 = arith.cmpi sgt, %squeeze3A_2414, %sign3A_2419 : i32
      %sign3A_2421 = arith.extui %sign3A_2420 : i1 to i32
      %sign3A_2422 = arith.constant 0 : i32
      %sign3A_2423 = arith.cmpi slt, %squeeze3A_2414, %sign3A_2422 : i32
      %sign3A_2424 = arith.extui %sign3A_2423 : i1 to i32
      %sign3A_2425 = arith.subi %sign3A_2421, %sign3A_2424 : i32
      %sign3A_2426 = arith.constant 0 : i32
      %sign3A_2427 = arith.cmpi sgt, %jit3A_2417, %sign3A_2426 : i32
      %sign3A_2428 = arith.extui %sign3A_2427 : i1 to i32
      %sign3A_2429 = arith.constant 0 : i32
      %sign3A_2430 = arith.cmpi slt, %jit3A_2417, %sign3A_2429 : i32
      %sign3A_2431 = arith.extui %sign3A_2430 : i1 to i32
      %sign3A_2432 = arith.subi %sign3A_2428, %sign3A_2431 : i32
      %ne3A_2433 = arith.cmpi ne, %sign3A_2425, %sign3A_2432 : i32
      %rem3A_2434 = arith.remsi %squeeze3A_2414, %jit3A_2417 : i32
      %ne3A_2435 = arith.constant 0 : i32
      %ne3A_2436 = arith.cmpi ne, %rem3A_2434, %ne3A_2435 : i32
      %and3A_2437 = arith.andi %ne3A_2433, %ne3A_2436 : i1
      %sub3A_2438 = arith.constant 1 : i32
      %sub3A_2439 = arith.subi %div3A_2418, %sub3A_2438 : i32
      %select_n3A_2440 = arith.select %and3A_2437, %sub3A_2439, %div3A_2418 : i32
      %mul3A_2441 = arith.constant 128 : i32
      %mul3A_2442 = arith.muli %select_n3A_2440, %mul3A_2441 : i32
      %multiple_of3A_2443 = tpu.assume_multiple %mul3A_2442, 128 : i32
      %jit3A_2444 = arith.constant 128 : i32
      %div3A_2445 = arith.divsi %squeeze3A_2416, %jit3A_2444 : i32
      %sign3A_2446 = arith.constant 0 : i32
      %sign3A_2447 = arith.cmpi sgt, %squeeze3A_2416, %sign3A_2446 : i32
      %sign3A_2448 = arith.extui %sign3A_2447 : i1 to i32
      %sign3A_2449 = arith.constant 0 : i32
      %sign3A_2450 = arith.cmpi slt, %squeeze3A_2416, %sign3A_2449 : i32
      %sign3A_2451 = arith.extui %sign3A_2450 : i1 to i32
      %sign3A_2452 = arith.subi %sign3A_2448, %sign3A_2451 : i32
      %sign3A_2453 = arith.constant 0 : i32
      %sign3A_2454 = arith.cmpi sgt, %jit3A_2444, %sign3A_2453 : i32
      %sign3A_2455 = arith.extui %sign3A_2454 : i1 to i32
      %sign3A_2456 = arith.constant 0 : i32
      %sign3A_2457 = arith.cmpi slt, %jit3A_2444, %sign3A_2456 : i32
      %sign3A_2458 = arith.extui %sign3A_2457 : i1 to i32
      %sign3A_2459 = arith.subi %sign3A_2455, %sign3A_2458 : i32
      %ne3A_2460 = arith.cmpi ne, %sign3A_2452, %sign3A_2459 : i32
      %rem3A_2461 = arith.remsi %squeeze3A_2416, %jit3A_2444 : i32
      %ne3A_2462 = arith.constant 0 : i32
      %ne3A_2463 = arith.cmpi ne, %rem3A_2461, %ne3A_2462 : i32
      %and3A_2464 = arith.andi %ne3A_2460, %ne3A_2463 : i1
      %sub3A_2465 = arith.constant 1 : i32
      %sub3A_2466 = arith.subi %div3A_2445, %sub3A_2465 : i32
      %select_n3A_2467 = arith.select %and3A_2464, %sub3A_2466, %div3A_2445 : i32
      %mul3A_2468 = arith.constant 128 : i32
      %mul3A_2469 = arith.muli %select_n3A_2467, %mul3A_2468 : i32
      %multiple_of3A_2470 = tpu.assume_multiple %mul3A_2469, 128 : i32
      %dma_start3A_2471 = arith.constant 7 : i32
      %dma_start3A_2472 = arith.constant 0 : i32
      %dma_start3A_2473 = arith.constant 0 : i32
      %dma_start3A_2474 = tpu.memref_slice %arg12[%dma_start3A_2471, %dma_start3A_2472, %dma_start3A_2473] : memref<8x32x128xf32, #tpu.memory_space<vmem>> -> memref<1x32x128xf32, #tpu.memory_space<vmem>>
      %dma_start3A_2475 = tpu.memref_squeeze %dma_start3A_2474 : memref<1x32x128xf32, #tpu.memory_space<vmem>> -> memref<32x128xf32, #tpu.memory_space<vmem>>
      %dma_start3A_2476 = arith.constant 0 : i32
      %dma_start3A_2477 = tpu.memref_slice %arg4[%dma_start3A_2476, %multiple_of3A_2443] : memref<32x1000000xf32, #tpu.memory_space<hbm>> -> memref<32x128xf32, #tpu.memory_space<hbm>>
      %dma_start3A_2478 = arith.constant 0 : i32
      %dma_start3A_2479 = arith.constant 0 : i32
      %dma_start3A_2480 = tpu.memref_slice %arg12[%dma_start3A_2471, %dma_start3A_2478, %dma_start3A_2479] : memref<8x32x128xf32, #tpu.memory_space<vmem>> -> memref<1x32x128xf32, #tpu.memory_space<vmem>>
      %dma_start3A_2481 = tpu.memref_squeeze %dma_start3A_2480 : memref<1x32x128xf32, #tpu.memory_space<vmem>> -> memref<32x128xf32, #tpu.memory_space<vmem>>
      %dma_start3A_2482 = arith.constant 0 : i32
      %dma_start3A_2483 = tpu.memref_slice %arg4[%dma_start3A_2482, %multiple_of3A_2443] : memref<32x1000000xf32, #tpu.memory_space<hbm>> -> memref<32x128xf32, #tpu.memory_space<hbm>>
      tpu.enqueue_dma source(%dma_start3A_2483 : memref<32x128xf32, #tpu.memory_space<hbm>>) target(%dma_start3A_2481 : memref<32x128xf32, #tpu.memory_space<vmem>>) target_semaphore(%arg25 : memref<!tpu.dma_semaphore, #tpu.memory_space<semaphore_mem>>)
      %dma_start3A_2484 = arith.constant 7 : i32
      %dma_start3A_2485 = arith.constant 0 : i32
      %dma_start3A_2486 = arith.constant 0 : i32
      %dma_start3A_2487 = tpu.memref_slice %arg13[%dma_start3A_2484, %dma_start3A_2485, %dma_start3A_2486] : memref<8x32x128xf32, #tpu.memory_space<vmem>> -> memref<1x32x128xf32, #tpu.memory_space<vmem>>
      %dma_start3A_2488 = tpu.memref_squeeze %dma_start3A_2487 : memref<1x32x128xf32, #tpu.memory_space<vmem>> -> memref<32x128xf32, #tpu.memory_space<vmem>>
      %dma_start3A_2489 = arith.constant 0 : i32
      %dma_start3A_2490 = tpu.memref_slice %arg5[%dma_start3A_2489, %multiple_of3A_2470] : memref<32x1000000xf32, #tpu.memory_space<hbm>> -> memref<32x128xf32, #tpu.memory_space<hbm>>
      %dma_start3A_2491 = arith.constant 0 : i32
      %dma_start3A_2492 = arith.constant 0 : i32
      %dma_start3A_2493 = tpu.memref_slice %arg13[%dma_start3A_2484, %dma_start3A_2491, %dma_start3A_2492] : memref<8x32x128xf32, #tpu.memory_space<vmem>> -> memref<1x32x128xf32, #tpu.memory_space<vmem>>
      %dma_start3A_2494 = tpu.memref_squeeze %dma_start3A_2493 : memref<1x32x128xf32, #tpu.memory_space<vmem>> -> memref<32x128xf32, #tpu.memory_space<vmem>>
      %dma_start3A_2495 = arith.constant 0 : i32
      %dma_start3A_2496 = tpu.memref_slice %arg5[%dma_start3A_2495, %multiple_of3A_2470] : memref<32x1000000xf32, #tpu.memory_space<hbm>> -> memref<32x128xf32, #tpu.memory_space<hbm>>
      tpu.enqueue_dma source(%dma_start3A_2496 : memref<32x128xf32, #tpu.memory_space<hbm>>) target(%dma_start3A_2494 : memref<32x128xf32, #tpu.memory_space<vmem>>) target_semaphore(%arg25 : memref<!tpu.dma_semaphore, #tpu.memory_space<semaphore_mem>>)
      scf.yield %get3A_474, %get3A_477 : vector<16xi32>, vector<16xi32>
    }
    %scan3A_13 = arith.constant 32 : i32
    %slice3A = vector.extract_strided_slice %scan3A_12#0 {offsets = [8], sizes = [1], strides = [1]} : vector<16xi32> to vector<1xi32>
    %squeeze3A = vector.extract %slice3A[0] : i32 from vector<1xi32>
    %slice3A_14 = vector.extract_strided_slice %scan3A_12#1 {offsets = [8], sizes = [1], strides = [1]} : vector<16xi32> to vector<1xi32>
    %squeeze3A_15 = vector.extract %slice3A_14[0] : i32 from vector<1xi32>
    %dma_wait3A = arith.constant 0 : i32
    %dma_wait3A_16 = arith.constant 0 : i32
    %dma_wait3A_17 = arith.constant 0 : i32
    %dma_wait3A_18 = tpu.memref_slice %arg12[%dma_wait3A, %dma_wait3A_16, %dma_wait3A_17] : memref<8x32x128xf32, #tpu.memory_space<vmem>> -> memref<1x32x128xf32, #tpu.memory_space<vmem>>
    %dma_wait3A_19 = tpu.memref_squeeze %dma_wait3A_18 : memref<1x32x128xf32, #tpu.memory_space<vmem>> -> memref<32x128xf32, #tpu.memory_space<vmem>>
    %dma_wait3A_20 = arith.constant 0 : i32
    %dma_wait3A_21 = arith.constant 0 : i32
    %dma_wait3A_22 = tpu.memref_slice %arg12[%dma_wait3A, %dma_wait3A_20, %dma_wait3A_21] : memref<8x32x128xf32, #tpu.memory_space<vmem>> -> memref<1x32x128xf32, #tpu.memory_space<vmem>>
    %dma_wait3A_23 = tpu.memref_squeeze %dma_wait3A_22 : memref<1x32x128xf32, #tpu.memory_space<vmem>> -> memref<32x128xf32, #tpu.memory_space<vmem>>
    tpu.wait_dma2 semaphore(%arg18 : memref<!tpu.dma_semaphore, #tpu.memory_space<semaphore_mem>>) src(%arg8 : memref<32x128xf32, #tpu.memory_space<hbm>>) dst(%dma_wait3A_23 : memref<32x128xf32, #tpu.memory_space<vmem>>)
    %dma_wait3A_24 = arith.constant 0 : i32
    %dma_wait3A_25 = arith.constant 0 : i32
    %dma_wait3A_26 = arith.constant 0 : i32
    %dma_wait3A_27 = tpu.memref_slice %arg13[%dma_wait3A_24, %dma_wait3A_25, %dma_wait3A_26] : memref<8x32x128xf32, #tpu.memory_space<vmem>> -> memref<1x32x128xf32, #tpu.memory_space<vmem>>
    %dma_wait3A_28 = tpu.memref_squeeze %dma_wait3A_27 : memref<1x32x128xf32, #tpu.memory_space<vmem>> -> memref<32x128xf32, #tpu.memory_space<vmem>>
    %dma_wait3A_29 = arith.constant 0 : i32
    %dma_wait3A_30 = arith.constant 0 : i32
    %dma_wait3A_31 = tpu.memref_slice %arg13[%dma_wait3A_24, %dma_wait3A_29, %dma_wait3A_30] : memref<8x32x128xf32, #tpu.memory_space<vmem>> -> memref<1x32x128xf32, #tpu.memory_space<vmem>>
    %dma_wait3A_32 = tpu.memref_squeeze %dma_wait3A_31 : memref<1x32x128xf32, #tpu.memory_space<vmem>> -> memref<32x128xf32, #tpu.memory_space<vmem>>
    tpu.wait_dma2 semaphore(%arg18 : memref<!tpu.dma_semaphore, #tpu.memory_space<semaphore_mem>>) src(%arg8 : memref<32x128xf32, #tpu.memory_space<hbm>>) dst(%dma_wait3A_32 : memref<32x128xf32, #tpu.memory_space<vmem>>)
    %broadcast_in_dim3A_33 = arith.constant 0 : i32
    %broadcast_in_dim3A_34 = vector.broadcast %broadcast_in_dim3A_33 : i32 to vector<16xi32>
    %rem3A = arith.constant 128 : i32
    %rem3A_35 = arith.remsi %squeeze3A, %rem3A : i32
    %broadcast_in_dim3A_36 = vector.broadcast %rem3A_35 : i32 to vector<16xi32>
    %rem3A_37 = arith.constant 128 : i32
    %rem3A_38 = arith.remsi %squeeze3A_15, %rem3A_37 : i32
    %broadcast_in_dim3A_39 = vector.broadcast %rem3A_38 : i32 to vector<16xi32>
    %gather3A = tpu.vector_load_idx %arg12[%broadcast_in_dim3A_34, %iota3A, %broadcast_in_dim3A_36] : memref<8x32x128xf32, #tpu.memory_space<vmem>>[vector<16xi32>, vector<16xi32>, vector<16xi32>], vector<16xf32>,
    %add3A_40 = arith.constant 16 : i32
    %add3A_41 = vector.broadcast %add3A_40 : i32 to vector<16xi32>
    %add3A_42 = arith.addi %iota3A, %add3A_41 : vector<16xi32>
    %gather3A_43 = tpu.vector_load_idx %arg12[%broadcast_in_dim3A_34, %add3A_42, %broadcast_in_dim3A_36] : memref<8x32x128xf32, #tpu.memory_space<vmem>>[vector<16xi32>, vector<16xi32>, vector<16xi32>], vector<16xf32>,
    %gather3A_44 = tpu.vector_load_idx %arg13[%broadcast_in_dim3A_34, %iota3A, %broadcast_in_dim3A_39] : memref<8x32x128xf32, #tpu.memory_space<vmem>>[vector<16xi32>, vector<16xi32>, vector<16xi32>], vector<16xf32>,
    %add3A_45 = arith.constant 16 : i32
    %add3A_46 = vector.broadcast %add3A_45 : i32 to vector<16xi32>
    %add3A_47 = arith.addi %iota3A, %add3A_46 : vector<16xi32>
    %gather3A_48 = tpu.vector_load_idx %arg13[%broadcast_in_dim3A_34, %add3A_47, %broadcast_in_dim3A_39] : memref<8x32x128xf32, #tpu.memory_space<vmem>>[vector<16xi32>, vector<16xi32>, vector<16xi32>], vector<16xf32>,
    %mul3A_49 = arith.mulf %gather3A, %gather3A_44 : vector<16xf32>
    %mul3A_50 = arith.mulf %mul3A_49, %get3A_5 : vector<16xf32>
    %mul3A_51 = arith.mulf %gather3A_43, %gather3A_48 : vector<16xf32>
    %mul3A_52 = arith.mulf %mul3A_51, %get3A_7 : vector<16xf32>
    %add3A_53 = arith.addf %mul3A_50, %mul3A_52 : vector<16xf32>
    %rem3A_54 = arith.constant 504 : i32
    %rem3A_55 = arith.constant 8 : i32
    %rem3A_56 = arith.remsi %rem3A_54, %rem3A_55 : i32
    %mul3A_57 = arith.constant 16 : i32
    %mul3A_58 = arith.muli %rem3A_56, %mul3A_57 : i32
    %swap3A = arith.constant 63 : i32
    %swap3A_59 = arith.index_cast %swap3A : i32 to index
    %swap3A_60 = arith.index_cast %mul3A_58 : i32 to index
    %swap3A_61 = tpu.vector_load %arg16[%swap3A_59, %swap3A_60] {strides = array<i32>} : memref<64x128xf32, #tpu.memory_space<vmem>>, vector<16xf32>,
    tpu.vector_store %arg16[%swap3A_59, %swap3A_60], %add3A_53 {strides = array<i32>} : memref<64x128xf32, #tpu.memory_space<vmem>>, vector<16xf32>,
    %slice3A_62 = vector.extract_strided_slice %scan3A_12#0 {offsets = [9], sizes = [1], strides = [1]} : vector<16xi32> to vector<1xi32>
    %squeeze3A_63 = vector.extract %slice3A_62[0] : i32 from vector<1xi32>
    %slice3A_64 = vector.extract_strided_slice %scan3A_12#1 {offsets = [9], sizes = [1], strides = [1]} : vector<16xi32> to vector<1xi32>
    %squeeze3A_65 = vector.extract %slice3A_64[0] : i32 from vector<1xi32>
    %dma_wait3A_66 = arith.constant 1 : i32
    %dma_wait3A_67 = arith.constant 0 : i32
    %dma_wait3A_68 = arith.constant 0 : i32
    %dma_wait3A_69 = tpu.memref_slice %arg12[%dma_wait3A_66, %dma_wait3A_67, %dma_wait3A_68] : memref<8x32x128xf32, #tpu.memory_space<vmem>> -> memref<1x32x128xf32, #tpu.memory_space<vmem>>
    %dma_wait3A_70 = tpu.memref_squeeze %dma_wait3A_69 : memref<1x32x128xf32, #tpu.memory_space<vmem>> -> memref<32x128xf32, #tpu.memory_space<vmem>>
    %dma_wait3A_71 = arith.constant 0 : i32
    %dma_wait3A_72 = arith.constant 0 : i32
    %dma_wait3A_73 = tpu.memref_slice %arg12[%dma_wait3A_66, %dma_wait3A_71, %dma_wait3A_72] : memref<8x32x128xf32, #tpu.memory_space<vmem>> -> memref<1x32x128xf32, #tpu.memory_space<vmem>>
    %dma_wait3A_74 = tpu.memref_squeeze %dma_wait3A_73 : memref<1x32x128xf32, #tpu.memory_space<vmem>> -> memref<32x128xf32, #tpu.memory_space<vmem>>
    tpu.wait_dma2 semaphore(%arg19 : memref<!tpu.dma_semaphore, #tpu.memory_space<semaphore_mem>>) src(%arg8 : memref<32x128xf32, #tpu.memory_space<hbm>>) dst(%dma_wait3A_74 : memref<32x128xf32, #tpu.memory_space<vmem>>)
    %dma_wait3A_75 = arith.constant 1 : i32
    %dma_wait3A_76 = arith.constant 0 : i32
    %dma_wait3A_77 = arith.constant 0 : i32
    %dma_wait3A_78 = tpu.memref_slice %arg13[%dma_wait3A_75, %dma_wait3A_76, %dma_wait3A_77] : memref<8x32x128xf32, #tpu.memory_space<vmem>> -> memref<1x32x128xf32, #tpu.memory_space<vmem>>
    %dma_wait3A_79 = tpu.memref_squeeze %dma_wait3A_78 : memref<1x32x128xf32, #tpu.memory_space<vmem>> -> memref<32x128xf32, #tpu.memory_space<vmem>>
    %dma_wait3A_80 = arith.constant 0 : i32
    %dma_wait3A_81 = arith.constant 0 : i32
    %dma_wait3A_82 = tpu.memref_slice %arg13[%dma_wait3A_75, %dma_wait3A_80, %dma_wait3A_81] : memref<8x32x128xf32, #tpu.memory_space<vmem>> -> memref<1x32x128xf32, #tpu.memory_space<vmem>>
    %dma_wait3A_83 = tpu.memref_squeeze %dma_wait3A_82 : memref<1x32x128xf32, #tpu.memory_space<vmem>> -> memref<32x128xf32, #tpu.memory_space<vmem>>
    tpu.wait_dma2 semaphore(%arg19 : memref<!tpu.dma_semaphore, #tpu.memory_space<semaphore_mem>>) src(%arg8 : memref<32x128xf32, #tpu.memory_space<hbm>>) dst(%dma_wait3A_83 : memref<32x128xf32, #tpu.memory_space<vmem>>)
    %broadcast_in_dim3A_84 = arith.constant 1 : i32
    %broadcast_in_dim3A_85 = vector.broadcast %broadcast_in_dim3A_84 : i32 to vector<16xi32>
    %rem3A_86 = arith.constant 128 : i32
    %rem3A_87 = arith.remsi %squeeze3A_63, %rem3A_86 : i32
    %broadcast_in_dim3A_88 = vector.broadcast %rem3A_87 : i32 to vector<16xi32>
    %rem3A_89 = arith.constant 128 : i32
    %rem3A_90 = arith.remsi %squeeze3A_65, %rem3A_89 : i32
    %broadcast_in_dim3A_91 = vector.broadcast %rem3A_90 : i32 to vector<16xi32>
    %gather3A_92 = tpu.vector_load_idx %arg12[%broadcast_in_dim3A_85, %iota3A, %broadcast_in_dim3A_88] : memref<8x32x128xf32, #tpu.memory_space<vmem>>[vector<16xi32>, vector<16xi32>, vector<16xi32>], vector<16xf32>,
    %add3A_93 = arith.constant 16 : i32
    %add3A_94 = vector.broadcast %add3A_93 : i32 to vector<16xi32>
    %add3A_95 = arith.addi %iota3A, %add3A_94 : vector<16xi32>
    %gather3A_96 = tpu.vector_load_idx %arg12[%broadcast_in_dim3A_85, %add3A_95, %broadcast_in_dim3A_88] : memref<8x32x128xf32, #tpu.memory_space<vmem>>[vector<16xi32>, vector<16xi32>, vector<16xi32>], vector<16xf32>,
    %gather3A_97 = tpu.vector_load_idx %arg13[%broadcast_in_dim3A_85, %iota3A, %broadcast_in_dim3A_91] : memref<8x32x128xf32, #tpu.memory_space<vmem>>[vector<16xi32>, vector<16xi32>, vector<16xi32>], vector<16xf32>,
    %add3A_98 = arith.constant 16 : i32
    %add3A_99 = vector.broadcast %add3A_98 : i32 to vector<16xi32>
    %add3A_100 = arith.addi %iota3A, %add3A_99 : vector<16xi32>
    %gather3A_101 = tpu.vector_load_idx %arg13[%broadcast_in_dim3A_85, %add3A_100, %broadcast_in_dim3A_91] : memref<8x32x128xf32, #tpu.memory_space<vmem>>[vector<16xi32>, vector<16xi32>, vector<16xi32>], vector<16xf32>,
    %mul3A_102 = arith.mulf %gather3A_92, %gather3A_97 : vector<16xf32>
    %mul3A_103 = arith.mulf %mul3A_102, %get3A_5 : vector<16xf32>
    %mul3A_104 = arith.mulf %gather3A_96, %gather3A_101 : vector<16xf32>
    %mul3A_105 = arith.mulf %mul3A_104, %get3A_7 : vector<16xf32>
    %add3A_106 = arith.addf %mul3A_103, %mul3A_105 : vector<16xf32>
    %rem3A_107 = arith.constant 505 : i32
    %rem3A_108 = arith.constant 8 : i32
    %rem3A_109 = arith.remsi %rem3A_107, %rem3A_108 : i32
    %mul3A_110 = arith.constant 16 : i32
    %mul3A_111 = arith.muli %rem3A_109, %mul3A_110 : i32
    %swap3A_112 = arith.constant 63 : i32
    %swap3A_113 = arith.index_cast %swap3A_112 : i32 to index
    %swap3A_114 = arith.index_cast %mul3A_111 : i32 to index
    %swap3A_115 = tpu.vector_load %arg16[%swap3A_113, %swap3A_114] {strides = array<i32>} : memref<64x128xf32, #tpu.memory_space<vmem>>, vector<16xf32>,
    tpu.vector_store %arg16[%swap3A_113, %swap3A_114], %add3A_106 {strides = array<i32>} : memref<64x128xf32, #tpu.memory_space<vmem>>, vector<16xf32>,
    %slice3A_116 = vector.extract_strided_slice %scan3A_12#0 {offsets = [10], sizes = [1], strides = [1]} : vector<16xi32> to vector<1xi32>
    %squeeze3A_117 = vector.extract %slice3A_116[0] : i32 from vector<1xi32>
    %slice3A_118 = vector.extract_strided_slice %scan3A_12#1 {offsets = [10], sizes = [1], strides = [1]} : vector<16xi32> to vector<1xi32>
    %squeeze3A_119 = vector.extract %slice3A_118[0] : i32 from vector<1xi32>
    %dma_wait3A_120 = arith.constant 2 : i32
    %dma_wait3A_121 = arith.constant 0 : i32
    %dma_wait3A_122 = arith.constant 0 : i32
    %dma_wait3A_123 = tpu.memref_slice %arg12[%dma_wait3A_120, %dma_wait3A_121, %dma_wait3A_122] : memref<8x32x128xf32, #tpu.memory_space<vmem>> -> memref<1x32x128xf32, #tpu.memory_space<vmem>>
    %dma_wait3A_124 = tpu.memref_squeeze %dma_wait3A_123 : memref<1x32x128xf32, #tpu.memory_space<vmem>> -> memref<32x128xf32, #tpu.memory_space<vmem>>
    %dma_wait3A_125 = arith.constant 0 : i32
    %dma_wait3A_126 = arith.constant 0 : i32
    %dma_wait3A_127 = tpu.memref_slice %arg12[%dma_wait3A_120, %dma_wait3A_125, %dma_wait3A_126] : memref<8x32x128xf32, #tpu.memory_space<vmem>> -> memref<1x32x128xf32, #tpu.memory_space<vmem>>
    %dma_wait3A_128 = tpu.memref_squeeze %dma_wait3A_127 : memref<1x32x128xf32, #tpu.memory_space<vmem>> -> memref<32x128xf32, #tpu.memory_space<vmem>>
    tpu.wait_dma2 semaphore(%arg20 : memref<!tpu.dma_semaphore, #tpu.memory_space<semaphore_mem>>) src(%arg8 : memref<32x128xf32, #tpu.memory_space<hbm>>) dst(%dma_wait3A_128 : memref<32x128xf32, #tpu.memory_space<vmem>>)
    %dma_wait3A_129 = arith.constant 2 : i32
    %dma_wait3A_130 = arith.constant 0 : i32
    %dma_wait3A_131 = arith.constant 0 : i32
    %dma_wait3A_132 = tpu.memref_slice %arg13[%dma_wait3A_129, %dma_wait3A_130, %dma_wait3A_131] : memref<8x32x128xf32, #tpu.memory_space<vmem>> -> memref<1x32x128xf32, #tpu.memory_space<vmem>>
    %dma_wait3A_133 = tpu.memref_squeeze %dma_wait3A_132 : memref<1x32x128xf32, #tpu.memory_space<vmem>> -> memref<32x128xf32, #tpu.memory_space<vmem>>
    %dma_wait3A_134 = arith.constant 0 : i32
    %dma_wait3A_135 = arith.constant 0 : i32
    %dma_wait3A_136 = tpu.memref_slice %arg13[%dma_wait3A_129, %dma_wait3A_134, %dma_wait3A_135] : memref<8x32x128xf32, #tpu.memory_space<vmem>> -> memref<1x32x128xf32, #tpu.memory_space<vmem>>
    %dma_wait3A_137 = tpu.memref_squeeze %dma_wait3A_136 : memref<1x32x128xf32, #tpu.memory_space<vmem>> -> memref<32x128xf32, #tpu.memory_space<vmem>>
    tpu.wait_dma2 semaphore(%arg20 : memref<!tpu.dma_semaphore, #tpu.memory_space<semaphore_mem>>) src(%arg8 : memref<32x128xf32, #tpu.memory_space<hbm>>) dst(%dma_wait3A_137 : memref<32x128xf32, #tpu.memory_space<vmem>>)
    %broadcast_in_dim3A_138 = arith.constant 2 : i32
    %broadcast_in_dim3A_139 = vector.broadcast %broadcast_in_dim3A_138 : i32 to vector<16xi32>
    %rem3A_140 = arith.constant 128 : i32
    %rem3A_141 = arith.remsi %squeeze3A_117, %rem3A_140 : i32
    %broadcast_in_dim3A_142 = vector.broadcast %rem3A_141 : i32 to vector<16xi32>
    %rem3A_143 = arith.constant 128 : i32
    %rem3A_144 = arith.remsi %squeeze3A_119, %rem3A_143 : i32
    %broadcast_in_dim3A_145 = vector.broadcast %rem3A_144 : i32 to vector<16xi32>
    %gather3A_146 = tpu.vector_load_idx %arg12[%broadcast_in_dim3A_139, %iota3A, %broadcast_in_dim3A_142] : memref<8x32x128xf32, #tpu.memory_space<vmem>>[vector<16xi32>, vector<16xi32>, vector<16xi32>], vector<16xf32>,
    %add3A_147 = arith.constant 16 : i32
    %add3A_148 = vector.broadcast %add3A_147 : i32 to vector<16xi32>
    %add3A_149 = arith.addi %iota3A, %add3A_148 : vector<16xi32>
    %gather3A_150 = tpu.vector_load_idx %arg12[%broadcast_in_dim3A_139, %add3A_149, %broadcast_in_dim3A_142] : memref<8x32x128xf32, #tpu.memory_space<vmem>>[vector<16xi32>, vector<16xi32>, vector<16xi32>], vector<16xf32>,
    %gather3A_151 = tpu.vector_load_idx %arg13[%broadcast_in_dim3A_139, %iota3A, %broadcast_in_dim3A_145] : memref<8x32x128xf32, #tpu.memory_space<vmem>>[vector<16xi32>, vector<16xi32>, vector<16xi32>], vector<16xf32>,
    %add3A_152 = arith.constant 16 : i32
    %add3A_153 = vector.broadcast %add3A_152 : i32 to vector<16xi32>
    %add3A_154 = arith.addi %iota3A, %add3A_153 : vector<16xi32>
    %gather3A_155 = tpu.vector_load_idx %arg13[%broadcast_in_dim3A_139, %add3A_154, %broadcast_in_dim3A_145] : memref<8x32x128xf32, #tpu.memory_space<vmem>>[vector<16xi32>, vector<16xi32>, vector<16xi32>], vector<16xf32>,
    %mul3A_156 = arith.mulf %gather3A_146, %gather3A_151 : vector<16xf32>
    %mul3A_157 = arith.mulf %mul3A_156, %get3A_5 : vector<16xf32>
    %mul3A_158 = arith.mulf %gather3A_150, %gather3A_155 : vector<16xf32>
    %mul3A_159 = arith.mulf %mul3A_158, %get3A_7 : vector<16xf32>
    %add3A_160 = arith.addf %mul3A_157, %mul3A_159 : vector<16xf32>
    %rem3A_161 = arith.constant 506 : i32
    %rem3A_162 = arith.constant 8 : i32
    %rem3A_163 = arith.remsi %rem3A_161, %rem3A_162 : i32
    %mul3A_164 = arith.constant 16 : i32
    %mul3A_165 = arith.muli %rem3A_163, %mul3A_164 : i32
    %swap3A_166 = arith.constant 63 : i32
    %swap3A_167 = arith.index_cast %swap3A_166 : i32 to index
    %swap3A_168 = arith.index_cast %mul3A_165 : i32 to index
    %swap3A_169 = tpu.vector_load %arg16[%swap3A_167, %swap3A_168] {strides = array<i32>} : memref<64x128xf32, #tpu.memory_space<vmem>>, vector<16xf32>,
    tpu.vector_store %arg16[%swap3A_167, %swap3A_168], %add3A_160 {strides = array<i32>} : memref<64x128xf32, #tpu.memory_space<vmem>>, vector<16xf32>,
    %slice3A_170 = vector.extract_strided_slice %scan3A_12#0 {offsets = [11], sizes = [1], strides = [1]} : vector<16xi32> to vector<1xi32>
    %squeeze3A_171 = vector.extract %slice3A_170[0] : i32 from vector<1xi32>
    %slice3A_172 = vector.extract_strided_slice %scan3A_12#1 {offsets = [11], sizes = [1], strides = [1]} : vector<16xi32> to vector<1xi32>
    %squeeze3A_173 = vector.extract %slice3A_172[0] : i32 from vector<1xi32>
    %dma_wait3A_174 = arith.constant 3 : i32
    %dma_wait3A_175 = arith.constant 0 : i32
    %dma_wait3A_176 = arith.constant 0 : i32
    %dma_wait3A_177 = tpu.memref_slice %arg12[%dma_wait3A_174, %dma_wait3A_175, %dma_wait3A_176] : memref<8x32x128xf32, #tpu.memory_space<vmem>> -> memref<1x32x128xf32, #tpu.memory_space<vmem>>
    %dma_wait3A_178 = tpu.memref_squeeze %dma_wait3A_177 : memref<1x32x128xf32, #tpu.memory_space<vmem>> -> memref<32x128xf32, #tpu.memory_space<vmem>>
    %dma_wait3A_179 = arith.constant 0 : i32
    %dma_wait3A_180 = arith.constant 0 : i32
    %dma_wait3A_181 = tpu.memref_slice %arg12[%dma_wait3A_174, %dma_wait3A_179, %dma_wait3A_180] : memref<8x32x128xf32, #tpu.memory_space<vmem>> -> memref<1x32x128xf32, #tpu.memory_space<vmem>>
    %dma_wait3A_182 = tpu.memref_squeeze %dma_wait3A_181 : memref<1x32x128xf32, #tpu.memory_space<vmem>> -> memref<32x128xf32, #tpu.memory_space<vmem>>
    tpu.wait_dma2 semaphore(%arg21 : memref<!tpu.dma_semaphore, #tpu.memory_space<semaphore_mem>>) src(%arg8 : memref<32x128xf32, #tpu.memory_space<hbm>>) dst(%dma_wait3A_182 : memref<32x128xf32, #tpu.memory_space<vmem>>)
    %dma_wait3A_183 = arith.constant 3 : i32
    %dma_wait3A_184 = arith.constant 0 : i32
    %dma_wait3A_185 = arith.constant 0 : i32
    %dma_wait3A_186 = tpu.memref_slice %arg13[%dma_wait3A_183, %dma_wait3A_184, %dma_wait3A_185] : memref<8x32x128xf32, #tpu.memory_space<vmem>> -> memref<1x32x128xf32, #tpu.memory_space<vmem>>
    %dma_wait3A_187 = tpu.memref_squeeze %dma_wait3A_186 : memref<1x32x128xf32, #tpu.memory_space<vmem>> -> memref<32x128xf32, #tpu.memory_space<vmem>>
    %dma_wait3A_188 = arith.constant 0 : i32
    %dma_wait3A_189 = arith.constant 0 : i32
    %dma_wait3A_190 = tpu.memref_slice %arg13[%dma_wait3A_183, %dma_wait3A_188, %dma_wait3A_189] : memref<8x32x128xf32, #tpu.memory_space<vmem>> -> memref<1x32x128xf32, #tpu.memory_space<vmem>>
    %dma_wait3A_191 = tpu.memref_squeeze %dma_wait3A_190 : memref<1x32x128xf32, #tpu.memory_space<vmem>> -> memref<32x128xf32, #tpu.memory_space<vmem>>
    tpu.wait_dma2 semaphore(%arg21 : memref<!tpu.dma_semaphore, #tpu.memory_space<semaphore_mem>>) src(%arg8 : memref<32x128xf32, #tpu.memory_space<hbm>>) dst(%dma_wait3A_191 : memref<32x128xf32, #tpu.memory_space<vmem>>)
    %broadcast_in_dim3A_192 = arith.constant 3 : i32
    %broadcast_in_dim3A_193 = vector.broadcast %broadcast_in_dim3A_192 : i32 to vector<16xi32>
    %rem3A_194 = arith.constant 128 : i32
    %rem3A_195 = arith.remsi %squeeze3A_171, %rem3A_194 : i32
    %broadcast_in_dim3A_196 = vector.broadcast %rem3A_195 : i32 to vector<16xi32>
    %rem3A_197 = arith.constant 128 : i32
    %rem3A_198 = arith.remsi %squeeze3A_173, %rem3A_197 : i32
    %broadcast_in_dim3A_199 = vector.broadcast %rem3A_198 : i32 to vector<16xi32>
    %gather3A_200 = tpu.vector_load_idx %arg12[%broadcast_in_dim3A_193, %iota3A, %broadcast_in_dim3A_196] : memref<8x32x128xf32, #tpu.memory_space<vmem>>[vector<16xi32>, vector<16xi32>, vector<16xi32>], vector<16xf32>,
    %add3A_201 = arith.constant 16 : i32
    %add3A_202 = vector.broadcast %add3A_201 : i32 to vector<16xi32>
    %add3A_203 = arith.addi %iota3A, %add3A_202 : vector<16xi32>
    %gather3A_204 = tpu.vector_load_idx %arg12[%broadcast_in_dim3A_193, %add3A_203, %broadcast_in_dim3A_196] : memref<8x32x128xf32, #tpu.memory_space<vmem>>[vector<16xi32>, vector<16xi32>, vector<16xi32>], vector<16xf32>,
    %gather3A_205 = tpu.vector_load_idx %arg13[%broadcast_in_dim3A_193, %iota3A, %broadcast_in_dim3A_199] : memref<8x32x128xf32, #tpu.memory_space<vmem>>[vector<16xi32>, vector<16xi32>, vector<16xi32>], vector<16xf32>,
    %add3A_206 = arith.constant 16 : i32
    %add3A_207 = vector.broadcast %add3A_206 : i32 to vector<16xi32>
    %add3A_208 = arith.addi %iota3A, %add3A_207 : vector<16xi32>
    %gather3A_209 = tpu.vector_load_idx %arg13[%broadcast_in_dim3A_193, %add3A_208, %broadcast_in_dim3A_199] : memref<8x32x128xf32, #tpu.memory_space<vmem>>[vector<16xi32>, vector<16xi32>, vector<16xi32>], vector<16xf32>,
    %mul3A_210 = arith.mulf %gather3A_200, %gather3A_205 : vector<16xf32>
    %mul3A_211 = arith.mulf %mul3A_210, %get3A_5 : vector<16xf32>
    %mul3A_212 = arith.mulf %gather3A_204, %gather3A_209 : vector<16xf32>
    %mul3A_213 = arith.mulf %mul3A_212, %get3A_7 : vector<16xf32>
    %add3A_214 = arith.addf %mul3A_211, %mul3A_213 : vector<16xf32>
    %rem3A_215 = arith.constant 507 : i32
    %rem3A_216 = arith.constant 8 : i32
    %rem3A_217 = arith.remsi %rem3A_215, %rem3A_216 : i32
    %mul3A_218 = arith.constant 16 : i32
    %mul3A_219 = arith.muli %rem3A_217, %mul3A_218 : i32
    %swap3A_220 = arith.constant 63 : i32
    %swap3A_221 = arith.index_cast %swap3A_220 : i32 to index
    %swap3A_222 = arith.index_cast %mul3A_219 : i32 to index
    %swap3A_223 = tpu.vector_load %arg16[%swap3A_221, %swap3A_222] {strides = array<i32>} : memref<64x128xf32, #tpu.memory_space<vmem>>, vector<16xf32>,
    tpu.vector_store %arg16[%swap3A_221, %swap3A_222], %add3A_214 {strides = array<i32>} : memref<64x128xf32, #tpu.memory_space<vmem>>, vector<16xf32>,
    %slice3A_224 = vector.extract_strided_slice %scan3A_12#0 {offsets = [12], sizes = [1], strides = [1]} : vector<16xi32> to vector<1xi32>
    %squeeze3A_225 = vector.extract %slice3A_224[0] : i32 from vector<1xi32>
    %slice3A_226 = vector.extract_strided_slice %scan3A_12#1 {offsets = [12], sizes = [1], strides = [1]} : vector<16xi32> to vector<1xi32>
    %squeeze3A_227 = vector.extract %slice3A_226[0] : i32 from vector<1xi32>
    %dma_wait3A_228 = arith.constant 4 : i32
    %dma_wait3A_229 = arith.constant 0 : i32
    %dma_wait3A_230 = arith.constant 0 : i32
    %dma_wait3A_231 = tpu.memref_slice %arg12[%dma_wait3A_228, %dma_wait3A_229, %dma_wait3A_230] : memref<8x32x128xf32, #tpu.memory_space<vmem>> -> memref<1x32x128xf32, #tpu.memory_space<vmem>>
    %dma_wait3A_232 = tpu.memref_squeeze %dma_wait3A_231 : memref<1x32x128xf32, #tpu.memory_space<vmem>> -> memref<32x128xf32, #tpu.memory_space<vmem>>
    %dma_wait3A_233 = arith.constant 0 : i32
    %dma_wait3A_234 = arith.constant 0 : i32
    %dma_wait3A_235 = tpu.memref_slice %arg12[%dma_wait3A_228, %dma_wait3A_233, %dma_wait3A_234] : memref<8x32x128xf32, #tpu.memory_space<vmem>> -> memref<1x32x128xf32, #tpu.memory_space<vmem>>
    %dma_wait3A_236 = tpu.memref_squeeze %dma_wait3A_235 : memref<1x32x128xf32, #tpu.memory_space<vmem>> -> memref<32x128xf32, #tpu.memory_space<vmem>>
    tpu.wait_dma2 semaphore(%arg22 : memref<!tpu.dma_semaphore, #tpu.memory_space<semaphore_mem>>) src(%arg8 : memref<32x128xf32, #tpu.memory_space<hbm>>) dst(%dma_wait3A_236 : memref<32x128xf32, #tpu.memory_space<vmem>>)
    %dma_wait3A_237 = arith.constant 4 : i32
    %dma_wait3A_238 = arith.constant 0 : i32
    %dma_wait3A_239 = arith.constant 0 : i32
    %dma_wait3A_240 = tpu.memref_slice %arg13[%dma_wait3A_237, %dma_wait3A_238, %dma_wait3A_239] : memref<8x32x128xf32, #tpu.memory_space<vmem>> -> memref<1x32x128xf32, #tpu.memory_space<vmem>>
    %dma_wait3A_241 = tpu.memref_squeeze %dma_wait3A_240 : memref<1x32x128xf32, #tpu.memory_space<vmem>> -> memref<32x128xf32, #tpu.memory_space<vmem>>
    %dma_wait3A_242 = arith.constant 0 : i32
    %dma_wait3A_243 = arith.constant 0 : i32
    %dma_wait3A_244 = tpu.memref_slice %arg13[%dma_wait3A_237, %dma_wait3A_242, %dma_wait3A_243] : memref<8x32x128xf32, #tpu.memory_space<vmem>> -> memref<1x32x128xf32, #tpu.memory_space<vmem>>
    %dma_wait3A_245 = tpu.memref_squeeze %dma_wait3A_244 : memref<1x32x128xf32, #tpu.memory_space<vmem>> -> memref<32x128xf32, #tpu.memory_space<vmem>>
    tpu.wait_dma2 semaphore(%arg22 : memref<!tpu.dma_semaphore, #tpu.memory_space<semaphore_mem>>) src(%arg8 : memref<32x128xf32, #tpu.memory_space<hbm>>) dst(%dma_wait3A_245 : memref<32x128xf32, #tpu.memory_space<vmem>>)
    %broadcast_in_dim3A_246 = arith.constant 4 : i32
    %broadcast_in_dim3A_247 = vector.broadcast %broadcast_in_dim3A_246 : i32 to vector<16xi32>
    %rem3A_248 = arith.constant 128 : i32
    %rem3A_249 = arith.remsi %squeeze3A_225, %rem3A_248 : i32
    %broadcast_in_dim3A_250 = vector.broadcast %rem3A_249 : i32 to vector<16xi32>
    %rem3A_251 = arith.constant 128 : i32
    %rem3A_252 = arith.remsi %squeeze3A_227, %rem3A_251 : i32
    %broadcast_in_dim3A_253 = vector.broadcast %rem3A_252 : i32 to vector<16xi32>
    %gather3A_254 = tpu.vector_load_idx %arg12[%broadcast_in_dim3A_247, %iota3A, %broadcast_in_dim3A_250] : memref<8x32x128xf32, #tpu.memory_space<vmem>>[vector<16xi32>, vector<16xi32>, vector<16xi32>], vector<16xf32>,
    %add3A_255 = arith.constant 16 : i32
    %add3A_256 = vector.broadcast %add3A_255 : i32 to vector<16xi32>
    %add3A_257 = arith.addi %iota3A, %add3A_256 : vector<16xi32>
    %gather3A_258 = tpu.vector_load_idx %arg12[%broadcast_in_dim3A_247, %add3A_257, %broadcast_in_dim3A_250] : memref<8x32x128xf32, #tpu.memory_space<vmem>>[vector<16xi32>, vector<16xi32>, vector<16xi32>], vector<16xf32>,
    %gather3A_259 = tpu.vector_load_idx %arg13[%broadcast_in_dim3A_247, %iota3A, %broadcast_in_dim3A_253] : memref<8x32x128xf32, #tpu.memory_space<vmem>>[vector<16xi32>, vector<16xi32>, vector<16xi32>], vector<16xf32>,
    %add3A_260 = arith.constant 16 : i32
    %add3A_261 = vector.broadcast %add3A_260 : i32 to vector<16xi32>
    %add3A_262 = arith.addi %iota3A, %add3A_261 : vector<16xi32>
    %gather3A_263 = tpu.vector_load_idx %arg13[%broadcast_in_dim3A_247, %add3A_262, %broadcast_in_dim3A_253] : memref<8x32x128xf32, #tpu.memory_space<vmem>>[vector<16xi32>, vector<16xi32>, vector<16xi32>], vector<16xf32>,
    %mul3A_264 = arith.mulf %gather3A_254, %gather3A_259 : vector<16xf32>
    %mul3A_265 = arith.mulf %mul3A_264, %get3A_5 : vector<16xf32>
    %mul3A_266 = arith.mulf %gather3A_258, %gather3A_263 : vector<16xf32>
    %mul3A_267 = arith.mulf %mul3A_266, %get3A_7 : vector<16xf32>
    %add3A_268 = arith.addf %mul3A_265, %mul3A_267 : vector<16xf32>
    %rem3A_269 = arith.constant 508 : i32
    %rem3A_270 = arith.constant 8 : i32
    %rem3A_271 = arith.remsi %rem3A_269, %rem3A_270 : i32
    %mul3A_272 = arith.constant 16 : i32
    %mul3A_273 = arith.muli %rem3A_271, %mul3A_272 : i32
    %swap3A_274 = arith.constant 63 : i32
    %swap3A_275 = arith.index_cast %swap3A_274 : i32 to index
    %swap3A_276 = arith.index_cast %mul3A_273 : i32 to index
    %swap3A_277 = tpu.vector_load %arg16[%swap3A_275, %swap3A_276] {strides = array<i32>} : memref<64x128xf32, #tpu.memory_space<vmem>>, vector<16xf32>,
    tpu.vector_store %arg16[%swap3A_275, %swap3A_276], %add3A_268 {strides = array<i32>} : memref<64x128xf32, #tpu.memory_space<vmem>>, vector<16xf32>,
    %slice3A_278 = vector.extract_strided_slice %scan3A_12#0 {offsets = [13], sizes = [1], strides = [1]} : vector<16xi32> to vector<1xi32>
    %squeeze3A_279 = vector.extract %slice3A_278[0] : i32 from vector<1xi32>
    %slice3A_280 = vector.extract_strided_slice %scan3A_12#1 {offsets = [13], sizes = [1], strides = [1]} : vector<16xi32> to vector<1xi32>
    %squeeze3A_281 = vector.extract %slice3A_280[0] : i32 from vector<1xi32>
    %dma_wait3A_282 = arith.constant 5 : i32
    %dma_wait3A_283 = arith.constant 0 : i32
    %dma_wait3A_284 = arith.constant 0 : i32
    %dma_wait3A_285 = tpu.memref_slice %arg12[%dma_wait3A_282, %dma_wait3A_283, %dma_wait3A_284] : memref<8x32x128xf32, #tpu.memory_space<vmem>> -> memref<1x32x128xf32, #tpu.memory_space<vmem>>
    %dma_wait3A_286 = tpu.memref_squeeze %dma_wait3A_285 : memref<1x32x128xf32, #tpu.memory_space<vmem>> -> memref<32x128xf32, #tpu.memory_space<vmem>>
    %dma_wait3A_287 = arith.constant 0 : i32
    %dma_wait3A_288 = arith.constant 0 : i32
    %dma_wait3A_289 = tpu.memref_slice %arg12[%dma_wait3A_282, %dma_wait3A_287, %dma_wait3A_288] : memref<8x32x128xf32, #tpu.memory_space<vmem>> -> memref<1x32x128xf32, #tpu.memory_space<vmem>>
    %dma_wait3A_290 = tpu.memref_squeeze %dma_wait3A_289 : memref<1x32x128xf32, #tpu.memory_space<vmem>> -> memref<32x128xf32, #tpu.memory_space<vmem>>
    tpu.wait_dma2 semaphore(%arg23 : memref<!tpu.dma_semaphore, #tpu.memory_space<semaphore_mem>>) src(%arg8 : memref<32x128xf32, #tpu.memory_space<hbm>>) dst(%dma_wait3A_290 : memref<32x128xf32, #tpu.memory_space<vmem>>)
    %dma_wait3A_291 = arith.constant 5 : i32
    %dma_wait3A_292 = arith.constant 0 : i32
    %dma_wait3A_293 = arith.constant 0 : i32
    %dma_wait3A_294 = tpu.memref_slice %arg13[%dma_wait3A_291, %dma_wait3A_292, %dma_wait3A_293] : memref<8x32x128xf32, #tpu.memory_space<vmem>> -> memref<1x32x128xf32, #tpu.memory_space<vmem>>
    %dma_wait3A_295 = tpu.memref_squeeze %dma_wait3A_294 : memref<1x32x128xf32, #tpu.memory_space<vmem>> -> memref<32x128xf32, #tpu.memory_space<vmem>>
    %dma_wait3A_296 = arith.constant 0 : i32
    %dma_wait3A_297 = arith.constant 0 : i32
    %dma_wait3A_298 = tpu.memref_slice %arg13[%dma_wait3A_291, %dma_wait3A_296, %dma_wait3A_297] : memref<8x32x128xf32, #tpu.memory_space<vmem>> -> memref<1x32x128xf32, #tpu.memory_space<vmem>>
    %dma_wait3A_299 = tpu.memref_squeeze %dma_wait3A_298 : memref<1x32x128xf32, #tpu.memory_space<vmem>> -> memref<32x128xf32, #tpu.memory_space<vmem>>
    tpu.wait_dma2 semaphore(%arg23 : memref<!tpu.dma_semaphore, #tpu.memory_space<semaphore_mem>>) src(%arg8 : memref<32x128xf32, #tpu.memory_space<hbm>>) dst(%dma_wait3A_299 : memref<32x128xf32, #tpu.memory_space<vmem>>)
    %broadcast_in_dim3A_300 = arith.constant 5 : i32
    %broadcast_in_dim3A_301 = vector.broadcast %broadcast_in_dim3A_300 : i32 to vector<16xi32>
    %rem3A_302 = arith.constant 128 : i32
    %rem3A_303 = arith.remsi %squeeze3A_279, %rem3A_302 : i32
    %broadcast_in_dim3A_304 = vector.broadcast %rem3A_303 : i32 to vector<16xi32>
    %rem3A_305 = arith.constant 128 : i32
    %rem3A_306 = arith.remsi %squeeze3A_281, %rem3A_305 : i32
    %broadcast_in_dim3A_307 = vector.broadcast %rem3A_306 : i32 to vector<16xi32>
    %gather3A_308 = tpu.vector_load_idx %arg12[%broadcast_in_dim3A_301, %iota3A, %broadcast_in_dim3A_304] : memref<8x32x128xf32, #tpu.memory_space<vmem>>[vector<16xi32>, vector<16xi32>, vector<16xi32>], vector<16xf32>,
    %add3A_309 = arith.constant 16 : i32
    %add3A_310 = vector.broadcast %add3A_309 : i32 to vector<16xi32>
    %add3A_311 = arith.addi %iota3A, %add3A_310 : vector<16xi32>
    %gather3A_312 = tpu.vector_load_idx %arg12[%broadcast_in_dim3A_301, %add3A_311, %broadcast_in_dim3A_304] : memref<8x32x128xf32, #tpu.memory_space<vmem>>[vector<16xi32>, vector<16xi32>, vector<16xi32>], vector<16xf32>,
    %gather3A_313 = tpu.vector_load_idx %arg13[%broadcast_in_dim3A_301, %iota3A, %broadcast_in_dim3A_307] : memref<8x32x128xf32, #tpu.memory_space<vmem>>[vector<16xi32>, vector<16xi32>, vector<16xi32>], vector<16xf32>,
    %add3A_314 = arith.constant 16 : i32
    %add3A_315 = vector.broadcast %add3A_314 : i32 to vector<16xi32>
    %add3A_316 = arith.addi %iota3A, %add3A_315 : vector<16xi32>
    %gather3A_317 = tpu.vector_load_idx %arg13[%broadcast_in_dim3A_301, %add3A_316, %broadcast_in_dim3A_307] : memref<8x32x128xf32, #tpu.memory_space<vmem>>[vector<16xi32>, vector<16xi32>, vector<16xi32>], vector<16xf32>,
    %mul3A_318 = arith.mulf %gather3A_308, %gather3A_313 : vector<16xf32>
    %mul3A_319 = arith.mulf %mul3A_318, %get3A_5 : vector<16xf32>
    %mul3A_320 = arith.mulf %gather3A_312, %gather3A_317 : vector<16xf32>
    %mul3A_321 = arith.mulf %mul3A_320, %get3A_7 : vector<16xf32>
    %add3A_322 = arith.addf %mul3A_319, %mul3A_321 : vector<16xf32>
    %rem3A_323 = arith.constant 509 : i32
    %rem3A_324 = arith.constant 8 : i32
    %rem3A_325 = arith.remsi %rem3A_323, %rem3A_324 : i32
    %mul3A_326 = arith.constant 16 : i32
    %mul3A_327 = arith.muli %rem3A_325, %mul3A_326 : i32
    %swap3A_328 = arith.constant 63 : i32
    %swap3A_329 = arith.index_cast %swap3A_328 : i32 to index
    %swap3A_330 = arith.index_cast %mul3A_327 : i32 to index
    %swap3A_331 = tpu.vector_load %arg16[%swap3A_329, %swap3A_330] {strides = array<i32>} : memref<64x128xf32, #tpu.memory_space<vmem>>, vector<16xf32>,
    tpu.vector_store %arg16[%swap3A_329, %swap3A_330], %add3A_322 {strides = array<i32>} : memref<64x128xf32, #tpu.memory_space<vmem>>, vector<16xf32>,
    %slice3A_332 = vector.extract_strided_slice %scan3A_12#0 {offsets = [14], sizes = [1], strides = [1]} : vector<16xi32> to vector<1xi32>
    %squeeze3A_333 = vector.extract %slice3A_332[0] : i32 from vector<1xi32>
    %slice3A_334 = vector.extract_strided_slice %scan3A_12#1 {offsets = [14], sizes = [1], strides = [1]} : vector<16xi32> to vector<1xi32>
    %squeeze3A_335 = vector.extract %slice3A_334[0] : i32 from vector<1xi32>
    %dma_wait3A_336 = arith.constant 6 : i32
    %dma_wait3A_337 = arith.constant 0 : i32
    %dma_wait3A_338 = arith.constant 0 : i32
    %dma_wait3A_339 = tpu.memref_slice %arg12[%dma_wait3A_336, %dma_wait3A_337, %dma_wait3A_338] : memref<8x32x128xf32, #tpu.memory_space<vmem>> -> memref<1x32x128xf32, #tpu.memory_space<vmem>>
    %dma_wait3A_340 = tpu.memref_squeeze %dma_wait3A_339 : memref<1x32x128xf32, #tpu.memory_space<vmem>> -> memref<32x128xf32, #tpu.memory_space<vmem>>
    %dma_wait3A_341 = arith.constant 0 : i32
    %dma_wait3A_342 = arith.constant 0 : i32
    %dma_wait3A_343 = tpu.memref_slice %arg12[%dma_wait3A_336, %dma_wait3A_341, %dma_wait3A_342] : memref<8x32x128xf32, #tpu.memory_space<vmem>> -> memref<1x32x128xf32, #tpu.memory_space<vmem>>
    %dma_wait3A_344 = tpu.memref_squeeze %dma_wait3A_343 : memref<1x32x128xf32, #tpu.memory_space<vmem>> -> memref<32x128xf32, #tpu.memory_space<vmem>>
    tpu.wait_dma2 semaphore(%arg24 : memref<!tpu.dma_semaphore, #tpu.memory_space<semaphore_mem>>) src(%arg8 : memref<32x128xf32, #tpu.memory_space<hbm>>) dst(%dma_wait3A_344 : memref<32x128xf32, #tpu.memory_space<vmem>>)
    %dma_wait3A_345 = arith.constant 6 : i32
    %dma_wait3A_346 = arith.constant 0 : i32
    %dma_wait3A_347 = arith.constant 0 : i32
    %dma_wait3A_348 = tpu.memref_slice %arg13[%dma_wait3A_345, %dma_wait3A_346, %dma_wait3A_347] : memref<8x32x128xf32, #tpu.memory_space<vmem>> -> memref<1x32x128xf32, #tpu.memory_space<vmem>>
    %dma_wait3A_349 = tpu.memref_squeeze %dma_wait3A_348 : memref<1x32x128xf32, #tpu.memory_space<vmem>> -> memref<32x128xf32, #tpu.memory_space<vmem>>
    %dma_wait3A_350 = arith.constant 0 : i32
    %dma_wait3A_351 = arith.constant 0 : i32
    %dma_wait3A_352 = tpu.memref_slice %arg13[%dma_wait3A_345, %dma_wait3A_350, %dma_wait3A_351] : memref<8x32x128xf32, #tpu.memory_space<vmem>> -> memref<1x32x128xf32, #tpu.memory_space<vmem>>
    %dma_wait3A_353 = tpu.memref_squeeze %dma_wait3A_352 : memref<1x32x128xf32, #tpu.memory_space<vmem>> -> memref<32x128xf32, #tpu.memory_space<vmem>>
    tpu.wait_dma2 semaphore(%arg24 : memref<!tpu.dma_semaphore, #tpu.memory_space<semaphore_mem>>) src(%arg8 : memref<32x128xf32, #tpu.memory_space<hbm>>) dst(%dma_wait3A_353 : memref<32x128xf32, #tpu.memory_space<vmem>>)
    %broadcast_in_dim3A_354 = arith.constant 6 : i32
    %broadcast_in_dim3A_355 = vector.broadcast %broadcast_in_dim3A_354 : i32 to vector<16xi32>
    %rem3A_356 = arith.constant 128 : i32
    %rem3A_357 = arith.remsi %squeeze3A_333, %rem3A_356 : i32
    %broadcast_in_dim3A_358 = vector.broadcast %rem3A_357 : i32 to vector<16xi32>
    %rem3A_359 = arith.constant 128 : i32
    %rem3A_360 = arith.remsi %squeeze3A_335, %rem3A_359 : i32
    %broadcast_in_dim3A_361 = vector.broadcast %rem3A_360 : i32 to vector<16xi32>
    %gather3A_362 = tpu.vector_load_idx %arg12[%broadcast_in_dim3A_355, %iota3A, %broadcast_in_dim3A_358] : memref<8x32x128xf32, #tpu.memory_space<vmem>>[vector<16xi32>, vector<16xi32>, vector<16xi32>], vector<16xf32>,
    %add3A_363 = arith.constant 16 : i32
    %add3A_364 = vector.broadcast %add3A_363 : i32 to vector<16xi32>
    %add3A_365 = arith.addi %iota3A, %add3A_364 : vector<16xi32>
    %gather3A_366 = tpu.vector_load_idx %arg12[%broadcast_in_dim3A_355, %add3A_365, %broadcast_in_dim3A_358] : memref<8x32x128xf32, #tpu.memory_space<vmem>>[vector<16xi32>, vector<16xi32>, vector<16xi32>], vector<16xf32>,
    %gather3A_367 = tpu.vector_load_idx %arg13[%broadcast_in_dim3A_355, %iota3A, %broadcast_in_dim3A_361] : memref<8x32x128xf32, #tpu.memory_space<vmem>>[vector<16xi32>, vector<16xi32>, vector<16xi32>], vector<16xf32>,
    %add3A_368 = arith.constant 16 : i32
    %add3A_369 = vector.broadcast %add3A_368 : i32 to vector<16xi32>
    %add3A_370 = arith.addi %iota3A, %add3A_369 : vector<16xi32>
    %gather3A_371 = tpu.vector_load_idx %arg13[%broadcast_in_dim3A_355, %add3A_370, %broadcast_in_dim3A_361] : memref<8x32x128xf32, #tpu.memory_space<vmem>>[vector<16xi32>, vector<16xi32>, vector<16xi32>], vector<16xf32>,
    %mul3A_372 = arith.mulf %gather3A_362, %gather3A_367 : vector<16xf32>
    %mul3A_373 = arith.mulf %mul3A_372, %get3A_5 : vector<16xf32>
    %mul3A_374 = arith.mulf %gather3A_366, %gather3A_371 : vector<16xf32>
    %mul3A_375 = arith.mulf %mul3A_374, %get3A_7 : vector<16xf32>
    %add3A_376 = arith.addf %mul3A_373, %mul3A_375 : vector<16xf32>
    %rem3A_377 = arith.constant 510 : i32
    %rem3A_378 = arith.constant 8 : i32
    %rem3A_379 = arith.remsi %rem3A_377, %rem3A_378 : i32
    %mul3A_380 = arith.constant 16 : i32
    %mul3A_381 = arith.muli %rem3A_379, %mul3A_380 : i32
    %swap3A_382 = arith.constant 63 : i32
    %swap3A_383 = arith.index_cast %swap3A_382 : i32 to index
    %swap3A_384 = arith.index_cast %mul3A_381 : i32 to index
    %swap3A_385 = tpu.vector_load %arg16[%swap3A_383, %swap3A_384] {strides = array<i32>} : memref<64x128xf32, #tpu.memory_space<vmem>>, vector<16xf32>,
    tpu.vector_store %arg16[%swap3A_383, %swap3A_384], %add3A_376 {strides = array<i32>} : memref<64x128xf32, #tpu.memory_space<vmem>>, vector<16xf32>,
    %slice3A_386 = vector.extract_strided_slice %scan3A_12#0 {offsets = [15], sizes = [1], strides = [1]} : vector<16xi32> to vector<1xi32>
    %squeeze3A_387 = vector.extract %slice3A_386[0] : i32 from vector<1xi32>
    %slice3A_388 = vector.extract_strided_slice %scan3A_12#1 {offsets = [15], sizes = [1], strides = [1]} : vector<16xi32> to vector<1xi32>
    %squeeze3A_389 = vector.extract %slice3A_388[0] : i32 from vector<1xi32>
    %dma_wait3A_390 = arith.constant 7 : i32
    %dma_wait3A_391 = arith.constant 0 : i32
    %dma_wait3A_392 = arith.constant 0 : i32
    %dma_wait3A_393 = tpu.memref_slice %arg12[%dma_wait3A_390, %dma_wait3A_391, %dma_wait3A_392] : memref<8x32x128xf32, #tpu.memory_space<vmem>> -> memref<1x32x128xf32, #tpu.memory_space<vmem>>
    %dma_wait3A_394 = tpu.memref_squeeze %dma_wait3A_393 : memref<1x32x128xf32, #tpu.memory_space<vmem>> -> memref<32x128xf32, #tpu.memory_space<vmem>>
    %dma_wait3A_395 = arith.constant 0 : i32
    %dma_wait3A_396 = arith.constant 0 : i32
    %dma_wait3A_397 = tpu.memref_slice %arg12[%dma_wait3A_390, %dma_wait3A_395, %dma_wait3A_396] : memref<8x32x128xf32, #tpu.memory_space<vmem>> -> memref<1x32x128xf32, #tpu.memory_space<vmem>>
    %dma_wait3A_398 = tpu.memref_squeeze %dma_wait3A_397 : memref<1x32x128xf32, #tpu.memory_space<vmem>> -> memref<32x128xf32, #tpu.memory_space<vmem>>
    tpu.wait_dma2 semaphore(%arg25 : memref<!tpu.dma_semaphore, #tpu.memory_space<semaphore_mem>>) src(%arg8 : memref<32x128xf32, #tpu.memory_space<hbm>>) dst(%dma_wait3A_398 : memref<32x128xf32, #tpu.memory_space<vmem>>)
    %dma_wait3A_399 = arith.constant 7 : i32
    %dma_wait3A_400 = arith.constant 0 : i32
    %dma_wait3A_401 = arith.constant 0 : i32
    %dma_wait3A_402 = tpu.memref_slice %arg13[%dma_wait3A_399, %dma_wait3A_400, %dma_wait3A_401] : memref<8x32x128xf32, #tpu.memory_space<vmem>> -> memref<1x32x128xf32, #tpu.memory_space<vmem>>
    %dma_wait3A_403 = tpu.memref_squeeze %dma_wait3A_402 : memref<1x32x128xf32, #tpu.memory_space<vmem>> -> memref<32x128xf32, #tpu.memory_space<vmem>>
    %dma_wait3A_404 = arith.constant 0 : i32
    %dma_wait3A_405 = arith.constant 0 : i32
    %dma_wait3A_406 = tpu.memref_slice %arg13[%dma_wait3A_399, %dma_wait3A_404, %dma_wait3A_405] : memref<8x32x128xf32, #tpu.memory_space<vmem>> -> memref<1x32x128xf32, #tpu.memory_space<vmem>>
    %dma_wait3A_407 = tpu.memref_squeeze %dma_wait3A_406 : memref<1x32x128xf32, #tpu.memory_space<vmem>> -> memref<32x128xf32, #tpu.memory_space<vmem>>
    tpu.wait_dma2 semaphore(%arg25 : memref<!tpu.dma_semaphore, #tpu.memory_space<semaphore_mem>>) src(%arg8 : memref<32x128xf32, #tpu.memory_space<hbm>>) dst(%dma_wait3A_407 : memref<32x128xf32, #tpu.memory_space<vmem>>)
    %broadcast_in_dim3A_408 = arith.constant 7 : i32
    %broadcast_in_dim3A_409 = vector.broadcast %broadcast_in_dim3A_408 : i32 to vector<16xi32>
    %rem3A_410 = arith.constant 128 : i32
    %rem3A_411 = arith.remsi %squeeze3A_387, %rem3A_410 : i32
    %broadcast_in_dim3A_412 = vector.broadcast %rem3A_411 : i32 to vector<16xi32>
    %rem3A_413 = arith.constant 128 : i32
    %rem3A_414 = arith.remsi %squeeze3A_389, %rem3A_413 : i32
    %broadcast_in_dim3A_415 = vector.broadcast %rem3A_414 : i32 to vector<16xi32>
    %gather3A_416 = tpu.vector_load_idx %arg12[%broadcast_in_dim3A_409, %iota3A, %broadcast_in_dim3A_412] : memref<8x32x128xf32, #tpu.memory_space<vmem>>[vector<16xi32>, vector<16xi32>, vector<16xi32>], vector<16xf32>,
    %add3A_417 = arith.constant 16 : i32
    %add3A_418 = vector.broadcast %add3A_417 : i32 to vector<16xi32>
    %add3A_419 = arith.addi %iota3A, %add3A_418 : vector<16xi32>
    %gather3A_420 = tpu.vector_load_idx %arg12[%broadcast_in_dim3A_409, %add3A_419, %broadcast_in_dim3A_412] : memref<8x32x128xf32, #tpu.memory_space<vmem>>[vector<16xi32>, vector<16xi32>, vector<16xi32>], vector<16xf32>,
    %gather3A_421 = tpu.vector_load_idx %arg13[%broadcast_in_dim3A_409, %iota3A, %broadcast_in_dim3A_415] : memref<8x32x128xf32, #tpu.memory_space<vmem>>[vector<16xi32>, vector<16xi32>, vector<16xi32>], vector<16xf32>,
    %add3A_422 = arith.constant 16 : i32
    %add3A_423 = vector.broadcast %add3A_422 : i32 to vector<16xi32>
    %add3A_424 = arith.addi %iota3A, %add3A_423 : vector<16xi32>
    %gather3A_425 = tpu.vector_load_idx %arg13[%broadcast_in_dim3A_409, %add3A_424, %broadcast_in_dim3A_415] : memref<8x32x128xf32, #tpu.memory_space<vmem>>[vector<16xi32>, vector<16xi32>, vector<16xi32>], vector<16xf32>,
    %mul3A_426 = arith.mulf %gather3A_416, %gather3A_421 : vector<16xf32>
    %mul3A_427 = arith.mulf %mul3A_426, %get3A_5 : vector<16xf32>
    %mul3A_428 = arith.mulf %gather3A_420, %gather3A_425 : vector<16xf32>
    %mul3A_429 = arith.mulf %mul3A_428, %get3A_7 : vector<16xf32>
    %add3A_430 = arith.addf %mul3A_427, %mul3A_429 : vector<16xf32>
    %rem3A_431 = arith.constant 511 : i32
    %rem3A_432 = arith.constant 8 : i32
    %rem3A_433 = arith.remsi %rem3A_431, %rem3A_432 : i32
    %mul3A_434 = arith.constant 16 : i32
    %mul3A_435 = arith.muli %rem3A_433, %mul3A_434 : i32
    %swap3A_436 = arith.constant 63 : i32
    %swap3A_437 = arith.index_cast %swap3A_436 : i32 to index
    %swap3A_438 = arith.index_cast %mul3A_435 : i32 to index
    %swap3A_439 = tpu.vector_load %arg16[%swap3A_437, %swap3A_438] {strides = array<i32>} : memref<64x128xf32, #tpu.memory_space<vmem>>, vector<16xf32>,
    tpu.vector_store %arg16[%swap3A_437, %swap3A_438], %add3A_430 {strides = array<i32>} : memref<64x128xf32, #tpu.memory_space<vmem>>, vector<16xf32>,
    %scan3A_440 = arith.constant 0 : i32
    %scan3A_441 = arith.constant 0 : i32
    %scan3A_442 = arith.constant 32 : i32
    %scan3A_443 = arith.addi %scan3A_441, %scan3A_442 : i32
    %scan3A_444 = arith.constant 1 : i32
    scf.for %scan3A_448 = %scan3A_441 to %scan3A_443 step %scan3A_444  : i32 {
      %mul3A_449 = arith.constant 16 : i32
      %mul3A_450 = arith.muli %scan3A_448, %mul3A_449 : i32
      %add3A_451 = vector.broadcast %mul3A_450 : i32 to vector<16xi32>
      %add3A_452 = arith.addi %add3A_451, %iota3A : vector<16xi32>
      %jit3A = arith.constant 8 : i32
      %div3A = vector.broadcast %jit3A : i32 to vector<16xi32>
      %div3A_453 = arith.divsi %add3A_452, %div3A : vector<16xi32>
      %sign3A = arith.constant 0 : i32
      %sign3A_454 = vector.broadcast %sign3A : i32 to vector<16xi32>
      %sign3A_455 = arith.cmpi sgt, %add3A_452, %sign3A_454 : vector<16xi32>
      %sign3A_456 = arith.extui %sign3A_455 : vector<16xi1> to vector<16xi32>
      %sign3A_457 = arith.constant 0 : i32
      %sign3A_458 = vector.broadcast %sign3A_457 : i32 to vector<16xi32>
      %sign3A_459 = arith.cmpi slt, %add3A_452, %sign3A_458 : vector<16xi32>
      %sign3A_460 = arith.extui %sign3A_459 : vector<16xi1> to vector<16xi32>
      %sign3A_461 = arith.subi %sign3A_456, %sign3A_460 : vector<16xi32>
      %sign3A_462 = arith.constant 0 : i32
      %sign3A_463 = arith.cmpi sgt, %jit3A, %sign3A_462 : i32
      %sign3A_464 = arith.extui %sign3A_463 : i1 to i32
      %sign3A_465 = arith.constant 0 : i32
      %sign3A_466 = arith.cmpi slt, %jit3A, %sign3A_465 : i32
      %sign3A_467 = arith.extui %sign3A_466 : i1 to i32
      %sign3A_468 = arith.subi %sign3A_464, %sign3A_467 : i32
      %ne3A = vector.broadcast %sign3A_468 : i32 to vector<16xi32>
      %ne3A_469 = arith.cmpi ne, %sign3A_461, %ne3A : vector<16xi32>
      %rem3A_470 = vector.broadcast %jit3A : i32 to vector<16xi32>
      %rem3A_471 = arith.remsi %add3A_452, %rem3A_470 : vector<16xi32>
      %ne3A_472 = arith.constant 0 : i32
      %ne3A_473 = vector.broadcast %ne3A_472 : i32 to vector<16xi32>
      %ne3A_474 = arith.cmpi ne, %rem3A_471, %ne3A_473 : vector<16xi32>
      %and3A = arith.andi %ne3A_469, %ne3A_474 : vector<16xi1>
      %sub3A = arith.constant 1 : i32
      %sub3A_475 = vector.broadcast %sub3A : i32 to vector<16xi32>
      %sub3A_476 = arith.subi %div3A_453, %sub3A_475 : vector<16xi32>
      %select_n3A = arith.select %and3A, %sub3A_476, %div3A_453 : vector<16xi1>, vector<16xi32>
      %rem3A_477 = arith.constant 8 : i32
      %rem3A_478 = vector.broadcast %rem3A_477 : i32 to vector<16xi32>
      %rem3A_479 = arith.remsi %add3A_452, %rem3A_478 : vector<16xi32>
      %mul3A_480 = arith.constant 16 : i32
      %mul3A_481 = vector.broadcast %mul3A_480 : i32 to vector<16xi32>
      %mul3A_482 = arith.muli %rem3A_479, %mul3A_481 : vector<16xi32>
      %get3A_483 = arith.constant 0 : index
      %get3A_484 = tpu.vector_load %arg15[%get3A_483] {strides = array<i32>} : memref<16xf32, #tpu.memory_space<vmem>>, vector<16xf32>,
      %add3A_485 = arith.constant 0 : i32
      %add3A_486 = vector.broadcast %add3A_485 : i32 to vector<16xi32>
      %add3A_487 = arith.addi %mul3A_482, %add3A_486 : vector<16xi32>
      %gather3A_488 = tpu.vector_load_idx %arg16[%select_n3A, %add3A_487] : memref<64x128xf32, #tpu.memory_space<vmem>>[vector<16xi32>, vector<16xi32>], vector<16xf32>,
      %add3A_489 = arith.addf %get3A_484, %gather3A_488 : vector<16xf32>
      %add3A_490 = arith.constant 1 : i32
      %add3A_491 = vector.broadcast %add3A_490 : i32 to vector<16xi32>
      %add3A_492 = arith.addi %mul3A_482, %add3A_491 : vector<16xi32>
      %gather3A_493 = tpu.vector_load_idx %arg16[%select_n3A, %add3A_492] : memref<64x128xf32, #tpu.memory_space<vmem>>[vector<16xi32>, vector<16xi32>], vector<16xf32>,
      %add3A_494 = arith.addf %add3A_489, %gather3A_493 : vector<16xf32>
      %add3A_495 = arith.constant 2 : i32
      %add3A_496 = vector.broadcast %add3A_495 : i32 to vector<16xi32>
      %add3A_497 = arith.addi %mul3A_482, %add3A_496 : vector<16xi32>
      %gather3A_498 = tpu.vector_load_idx %arg16[%select_n3A, %add3A_497] : memref<64x128xf32, #tpu.memory_space<vmem>>[vector<16xi32>, vector<16xi32>], vector<16xf32>,
      %add3A_499 = arith.addf %add3A_494, %gather3A_498 : vector<16xf32>
      %add3A_500 = arith.constant 3 : i32
      %add3A_501 = vector.broadcast %add3A_500 : i32 to vector<16xi32>
      %add3A_502 = arith.addi %mul3A_482, %add3A_501 : vector<16xi32>
      %gather3A_503 = tpu.vector_load_idx %arg16[%select_n3A, %add3A_502] : memref<64x128xf32, #tpu.memory_space<vmem>>[vector<16xi32>, vector<16xi32>], vector<16xf32>,
      %add3A_504 = arith.addf %add3A_499, %gather3A_503 : vector<16xf32>
      %add3A_505 = arith.constant 4 : i32
      %add3A_506 = vector.broadcast %add3A_505 : i32 to vector<16xi32>
      %add3A_507 = arith.addi %mul3A_482, %add3A_506 : vector<16xi32>
      %gather3A_508 = tpu.vector_load_idx %arg16[%select_n3A, %add3A_507] : memref<64x128xf32, #tpu.memory_space<vmem>>[vector<16xi32>, vector<16xi32>], vector<16xf32>,
      %add3A_509 = arith.addf %add3A_504, %gather3A_508 : vector<16xf32>
      %add3A_510 = arith.constant 5 : i32
      %add3A_511 = vector.broadcast %add3A_510 : i32 to vector<16xi32>
      %add3A_512 = arith.addi %mul3A_482, %add3A_511 : vector<16xi32>
      %gather3A_513 = tpu.vector_load_idx %arg16[%select_n3A, %add3A_512] : memref<64x128xf32, #tpu.memory_space<vmem>>[vector<16xi32>, vector<16xi32>], vector<16xf32>,
      %add3A_514 = arith.addf %add3A_509, %gather3A_513 : vector<16xf32>
      %add3A_515 = arith.constant 6 : i32
      %add3A_516 = vector.broadcast %add3A_515 : i32 to vector<16xi32>
      %add3A_517 = arith.addi %mul3A_482, %add3A_516 : vector<16xi32>
      %gather3A_518 = tpu.vector_load_idx %arg16[%select_n3A, %add3A_517] : memref<64x128xf32, #tpu.memory_space<vmem>>[vector<16xi32>, vector<16xi32>], vector<16xf32>,
      %add3A_519 = arith.addf %add3A_514, %gather3A_518 : vector<16xf32>
      %add3A_520 = arith.constant 7 : i32
      %add3A_521 = vector.broadcast %add3A_520 : i32 to vector<16xi32>
      %add3A_522 = arith.addi %mul3A_482, %add3A_521 : vector<16xi32>
      %gather3A_523 = tpu.vector_load_idx %arg16[%select_n3A, %add3A_522] : memref<64x128xf32, #tpu.memory_space<vmem>>[vector<16xi32>, vector<16xi32>], vector<16xf32>,
      %add3A_524 = arith.addf %add3A_519, %gather3A_523 : vector<16xf32>
      %add3A_525 = arith.constant 8 : i32
      %add3A_526 = vector.broadcast %add3A_525 : i32 to vector<16xi32>
      %add3A_527 = arith.addi %mul3A_482, %add3A_526 : vector<16xi32>
      %gather3A_528 = tpu.vector_load_idx %arg16[%select_n3A, %add3A_527] : memref<64x128xf32, #tpu.memory_space<vmem>>[vector<16xi32>, vector<16xi32>], vector<16xf32>,
      %add3A_529 = arith.addf %add3A_524, %gather3A_528 : vector<16xf32>
      %add3A_530 = arith.constant 9 : i32
      %add3A_531 = vector.broadcast %add3A_530 : i32 to vector<16xi32>
      %add3A_532 = arith.addi %mul3A_482, %add3A_531 : vector<16xi32>
      %gather3A_533 = tpu.vector_load_idx %arg16[%select_n3A, %add3A_532] : memref<64x128xf32, #tpu.memory_space<vmem>>[vector<16xi32>, vector<16xi32>], vector<16xf32>,
      %add3A_534 = arith.addf %add3A_529, %gather3A_533 : vector<16xf32>
      %add3A_535 = arith.constant 10 : i32
      %add3A_536 = vector.broadcast %add3A_535 : i32 to vector<16xi32>
      %add3A_537 = arith.addi %mul3A_482, %add3A_536 : vector<16xi32>
      %gather3A_538 = tpu.vector_load_idx %arg16[%select_n3A, %add3A_537] : memref<64x128xf32, #tpu.memory_space<vmem>>[vector<16xi32>, vector<16xi32>], vector<16xf32>,
      %add3A_539 = arith.addf %add3A_534, %gather3A_538 : vector<16xf32>
      %add3A_540 = arith.constant 11 : i32
      %add3A_541 = vector.broadcast %add3A_540 : i32 to vector<16xi32>
      %add3A_542 = arith.addi %mul3A_482, %add3A_541 : vector<16xi32>
      %gather3A_543 = tpu.vector_load_idx %arg16[%select_n3A, %add3A_542] : memref<64x128xf32, #tpu.memory_space<vmem>>[vector<16xi32>, vector<16xi32>], vector<16xf32>,
      %add3A_544 = arith.addf %add3A_539, %gather3A_543 : vector<16xf32>
      %add3A_545 = arith.constant 12 : i32
      %add3A_546 = vector.broadcast %add3A_545 : i32 to vector<16xi32>
      %add3A_547 = arith.addi %mul3A_482, %add3A_546 : vector<16xi32>
      %gather3A_548 = tpu.vector_load_idx %arg16[%select_n3A, %add3A_547] : memref<64x128xf32, #tpu.memory_space<vmem>>[vector<16xi32>, vector<16xi32>], vector<16xf32>,
      %add3A_549 = arith.addf %add3A_544, %gather3A_548 : vector<16xf32>
      %add3A_550 = arith.constant 13 : i32
      %add3A_551 = vector.broadcast %add3A_550 : i32 to vector<16xi32>
      %add3A_552 = arith.addi %mul3A_482, %add3A_551 : vector<16xi32>
      %gather3A_553 = tpu.vector_load_idx %arg16[%select_n3A, %add3A_552] : memref<64x128xf32, #tpu.memory_space<vmem>>[vector<16xi32>, vector<16xi32>], vector<16xf32>,
      %add3A_554 = arith.addf %add3A_549, %gather3A_553 : vector<16xf32>
      %add3A_555 = arith.constant 14 : i32
      %add3A_556 = vector.broadcast %add3A_555 : i32 to vector<16xi32>
      %add3A_557 = arith.addi %mul3A_482, %add3A_556 : vector<16xi32>
      %gather3A_558 = tpu.vector_load_idx %arg16[%select_n3A, %add3A_557] : memref<64x128xf32, #tpu.memory_space<vmem>>[vector<16xi32>, vector<16xi32>], vector<16xf32>,
      %add3A_559 = arith.addf %add3A_554, %gather3A_558 : vector<16xf32>
      %add3A_560 = arith.constant 15 : i32
      %add3A_561 = vector.broadcast %add3A_560 : i32 to vector<16xi32>
      %add3A_562 = arith.addi %mul3A_482, %add3A_561 : vector<16xi32>
      %gather3A_563 = tpu.vector_load_idx %arg16[%select_n3A, %add3A_562] : memref<64x128xf32, #tpu.memory_space<vmem>>[vector<16xi32>, vector<16xi32>], vector<16xf32>,
      %add3A_564 = arith.addf %add3A_559, %gather3A_563 : vector<16xf32>
      %neg3A = arith.constant 0.000000e+00 : f32
      %neg3A_565 = vector.broadcast %neg3A : f32 to vector<16xf32>
      %neg3A_566 = arith.subf %neg3A_565, %add3A_564 : vector<16xf32>
      %exp3A = math.exp %neg3A_566 : vector<16xf32>
      %add3A_567 = arith.constant 1.000000e+00 : f32
      %add3A_568 = vector.broadcast %add3A_567 : f32 to vector<16xf32>
      %add3A_569 = arith.addf %add3A_568, %exp3A : vector<16xf32>
      %div3A_570 = arith.constant 1.000000e+00 : f32
      %div3A_571 = vector.broadcast %div3A_570 : f32 to vector<16xf32>
      %div3A_572 = arith.divf %div3A_571, %add3A_569 : vector<16xf32>
      %mul3A_573 = arith.constant 16 : i32
      %mul3A_574 = arith.muli %scan3A_448, %mul3A_573 : i32
      %swap3A_575 = arith.index_cast %mul3A_574 : i32 to index
      %swap3A_576 = tpu.vector_load %arg17[%swap3A_575] {strides = array<i32>} : memref<512xf32, #tpu.memory_space<vmem>>, vector<16xf32>,
      tpu.vector_store %arg17[%swap3A_575], %div3A_572 {strides = array<i32>} : memref<512xf32, #tpu.memory_space<vmem>>, vector<16xf32>,
    }
    %scan3A_445 = arith.constant 32 : i32
    %mul3A_446 = arith.constant 512 : i32
    %mul3A_447 = arith.muli %add3A, %mul3A_446 : i32
    "tpu.region"() ({
      %run_scoped3A = tpu.sem_alloc : memref<!tpu.dma_semaphore, #tpu.memory_space<semaphore_mem>>
      %dma_start3A = tpu.memref_slice %arg9[%mul3A_447] : memref<16384xf32, #tpu.memory_space<hbm>> -> memref<512xf32, #tpu.memory_space<hbm>>
      %dma_start3A_448 = tpu.memref_slice %arg9[%mul3A_447] : memref<16384xf32, #tpu.memory_space<hbm>> -> memref<512xf32, #tpu.memory_space<hbm>>
      tpu.enqueue_dma source(%arg17 : memref<512xf32, #tpu.memory_space<vmem>>) target(%dma_start3A_448 : memref<512xf32, #tpu.memory_space<hbm>>) target_semaphore(%run_scoped3A : memref<!tpu.dma_semaphore, #tpu.memory_space<semaphore_mem>>)
      %dma_wait3A_449 = tpu.memref_slice %arg9[%mul3A_447] : memref<16384xf32, #tpu.memory_space<hbm>> -> memref<512xf32, #tpu.memory_space<hbm>>
      %dma_wait3A_450 = tpu.memref_slice %arg9[%mul3A_447] : memref<16384xf32, #tpu.memory_space<hbm>> -> memref<512xf32, #tpu.memory_space<hbm>>
      tpu.wait_dma2 semaphore(%run_scoped3A : memref<!tpu.dma_semaphore, #tpu.memory_space<semaphore_mem>>) src(%arg17 : memref<512xf32, #tpu.memory_space<vmem>>) dst(%dma_wait3A_450 : memref<512xf32, #tpu.memory_space<hbm>>)
      tpu.yield
    }) : () -> ()
    return
  }
}

</mosaic_0001>

<sc_bundles>
// kernel: _run.3.cloned.1.call-start
scs
__scs_entry_jumppad:
0x0: {  	(pc) =	sbr.rel $0x88, $3  }
0x1: {  	(tag) =	ssettag $0x0;
	lr =	simm.s32 $0x1  }
0x2: {  	[smem:$0x3F9A] =	sst lr;
	_ =	strace $0xD0000000  }
0x3: {  	_ = 	snop  }
0x4: {  	_ = 	snop  }
0x5: {  	_ = 	snop  }
0x6: {  	_ = 	snop  }
0x7: {  	_ = 	snop  }
__scs_overlays_trampoline_lowered:
0x8: {  	[smem:$0x3FA9] =	sst s0  }
0x9: {  	[smem:$0x3FAA] =	sst s1  }
0xa: {  	[smem:$0x3FAB] =	sst s2  }
0xb: {  	[smem:$0x3FAC] =	sst s3  }
0xc: {  	[smem:$0x3FAD] =	sst s4  }
0xd: {  	[smem:$0x3FAE] =	sst s5  }
0xe: {  	[smem:$0x3FAF] =	sst s6  }
0xf: {  	[smem:$0x3FB0] =	sst s7  }
0x10: {  	[smem:$0x3FB1] =	sst s8  }
0x11: {  	[smem:$0x3FB2] =	sst s9;
	s0 =	simm.s32 @!p0 $0x0  }
0x12: {  	s1 =	sld [smem:$0x3F98];
	s0 =	simm.s32 @p0 $0x1  }
0x13: {  	[smem:$0x3FB3] =	sst s0;
	s0 =	simm.s32 @!p1 $0x0  }
0x14: {  	s2 =	sld [smem:$0x3F97];
	s0 =	simm.s32 @p1 $0x1  }
0x15: {  	[smem:$0x3FB4] =	sst s0;
	s0 =	simm.s32 @!p2 $0x0  }
0x16: {  	s3 =	sld [smem:$0x3FDB];
	s0 =	simm.s32 @p2 $0x1  }
0x17: {  	s4 =	simm.s32 $0x1BF5;
	[smem:$0x3FB6] =	sst s0  }
0x18: {  	s0 =	sld [smem:$0x3F99];
	_ =	swait.ge [sflag:s4], $0x0  }
0x19: {  	s7 =	sld [smem:$0x3F9A]  }
0x1a: {  	s8 =	sadd.s32 $0xFFFFE003, lr  }
0x1b: {  	s9 =	sadd.s32 $0xFFFFFEF7, lr;
	s5 =	simm.s32 $0xFFFFFFFF;
	p2 =	slt.u32 s8, $0xFFFFF086  }
0x1c: {  	p1 =	slt.u32 s9, $0xF7A;
	s5 =	simm.s32 @!p2 $0x0  }
0x1d: {  	s5 =	simm.s32 @p1 $0x1;
	p0 =	seq.s32 s7, s2  }
0x1e: {  	s7 =	smul.u32 @!p0 $0xF7A, s2;
	p2 =	seq.s32 @!p0 s5, $0x0  }
0x1f: {  	s9 =	smul.u32 $0xF7A, s1;
	s8 =	simm.s32 @!p0 $0x1BF5;
	p2 =	por !p2, p0  }
0x20: {  	[sflag:s8] =	ssyncset.s32 @!p0 $0xFFFFF086;
	s6 =	sadd.s32 @!p0 s3, s7;
	s7 =	simm.s32 @!p0 $0x108  }
0x21: {  	s3 =	sadd.s32 s3, s9;
	s6 =	sadd.s32 @!p0 $0x88, s6;
	s7 =	simm.s32 @p2 $0x1082  }
0x22: {  	[simem:s7], [sflag:s8] =	dma.local @!p0 [hbm:s6], $0xF7A  }
0x23: {  	s9 =	sor.u32 $0xD0000000, s2;
	s6 =	simm.s32 $0x108;
	_ =	swait.ge @!p0 [sflag:s8], $0x0  }
0x24: {  	s3 =	sadd.s32 $0x88, s3;
	s6 =	simm.s32 @!p1 $0x1082;
	[sflag:s4] =	ssyncset.s32 $0xFFFFF086  }
0x25: {  	[simem:s6], [sflag:s4] =	dma.local [hbm:s3], $0xF7A  }
0x26: {  	[smem:$0x3F9A] =	sst s1;
	(tag) =	ssettag s2;
	_ =	strace s9  }
0x27: {  	s1 =	sld [smem:$0x3FAA]  }
0x28: {  	s2 =	sld [smem:$0x3FAB]  }
0x29: {  	s4 =	sld [smem:$0x3FAD]  }
0x2a: {  	p0 =	seq.s32 s5, $0x0;
	s5 =	sld [smem:$0x3FAE]  }
0x2b: {  	s6 =	sld [smem:$0x3FAF]  }
0x2c: {  	s7 =	sld [smem:$0x3FB0]  }
0x2d: {  	s3 =	simm.s32 $0x108;
	s8 =	sld [smem:$0x3FB1]  }
0x2e: {  	s3 =	simm.s32 @!p0 $0x1082;
	s9 =	sld [smem:$0x3FB2]  }
0x2f: {  	lr =	sadd.s32 s0, s3;
	s0 =	sld [smem:$0x3FA9]  }
0x30: {  	s3 =	sld [smem:$0x3FAC]  }
0x31: {  	[smem:$0x3FB5] =	sst s10  }
0x32: {  	s10 =	sld [smem:$0x3FB3];
	_ =	sdelay $0x3  }
0x33: {  	p0 =	seq.s32 s10, $0x1;
	s10 =	sld [smem:$0x3FB5];
	_ =	sdelay $0x3  }
0x34: {  	[smem:$0x3FB5] =	sst s10  }
0x35: {  	s10 =	sld [smem:$0x3FB4];
	_ =	sdelay $0x3  }
0x36: {  	p1 =	seq.s32 s10, $0x1;
	s10 =	sld [smem:$0x3FB5];
	_ =	sdelay $0x3  }
0x37: {  	[smem:$0x3FB5] =	sst s10  }
0x38: {  	s10 =	sld [smem:$0x3FB6]  }
0x39: {  	_ = 	snop;
	(pc) =	sbr.ind lr, $3  }
0x3a: {  	_ = 	snop  }
0x3b: {  	_ = 	snop  }
0x3c: {  	p2 =	seq.s32 s10, $0x1;
	s10 =	sld [smem:$0x3FB5]  }
0x3d: {  	_ =	shalt  }
0x3e: {  	_ =	shalt  }
0x3f: {  	_ =	shalt  }
0x40: {  	_ =	shalt  }
0x41: {  	_ =	shalt  }
0x42: {  	_ =	shalt  }
0x43: {  	_ =	shalt  }
0x44: {  	_ =	shalt  }
0x45: {  	_ =	shalt  }
0x46: {  	_ =	shalt  }
0x47: {  	_ =	shalt  }
0x48: {  	_ =	shalt  }
0x49: {  	_ =	shalt  }
0x4a: {  	_ =	shalt  }
0x4b: {  	_ =	shalt  }
0x4c: {  	_ =	shalt  }
0x4d: {  	_ =	shalt  }
0x4e: {  	_ =	shalt  }
0x4f: {  	_ =	shalt  }
0x50: {  	_ =	shalt  }
0x51: {  	_ =	shalt  }
0x52: {  	_ =	shalt  }
0x53: {  	_ =	shalt  }
0x54: {  	_ =	shalt  }
0x55: {  	_ =	shalt  }
0x56: {  	_ =	shalt  }
0x57: {  	_ =	shalt  }
0x58: {  	_ =	shalt  }
0x59: {  	_ =	shalt  }
0x5a: {  	_ =	shalt  }
0x5b: {  	_ =	shalt  }
0x5c: {  	_ =	shalt  }
0x5d: {  	_ =	shalt  }
0x5e: {  	_ =	shalt  }
0x5f: {  	_ =	shalt  }
0x60: {  	_ =	shalt  }
0x61: {  	_ =	shalt  }
0x62: {  	_ =	shalt  }
0x63: {  	_ =	shalt  }
0x64: {  	_ =	shalt  }
0x65: {  	_ =	shalt  }
0x66: {  	_ =	shalt  }
0x67: {  	_ =	shalt  }
0x68: {  	_ =	shalt  }
0x69: {  	_ =	shalt  }
0x6a: {  	_ =	shalt  }
0x6b: {  	_ =	shalt  }
0x6c: {  	_ =	shalt  }
0x6d: {  	_ =	shalt  }
0x6e: {  	_ =	shalt  }
0x6f: {  	_ =	shalt  }
0x70: {  	_ =	shalt  }
0x71: {  	_ =	shalt  }
0x72: {  	_ =	shalt  }
0x73: {  	_ =	shalt  }
0x74: {  	_ =	shalt  }
0x75: {  	_ =	shalt  }
0x76: {  	_ =	shalt  }
0x77: {  	_ =	shalt  }
0x78: {  	_ =	shalt  }
0x79: {  	_ =	shalt  }
0x7a: {  	_ =	shalt  }
0x7b: {  	_ =	shalt  }
0x7c: {  	_ =	shalt  }
0x7d: {  	_ =	shalt  }
0x7e: {  	_ =	shalt  }
0x7f: {  	_ =	shalt  }
0x80: {  	_ =	shalt  }
0x81: {  	_ =	shalt  }
0x82: {  	_ =	shalt  }
0x83: {  	_ =	shalt  }
0x84: {  	_ =	shalt  }
0x85: {  	_ =	shalt  }
0x86: {  	_ =	shalt  }
0x87: {  	_ =	shalt  }
.Lfunc_end0:
.L_simem_size_0:
called_computation_lowered:
.L_overlay_start_0:
0x88: {  	s2 =	sld [smem:$0x3FD9]  }
0x89: {  	s3 =	sld [smem:$0x3FFE];
	_ =	sdelay $0x1  }
0x8a: {  	s1 =	srdreg.scid  }
0x8b: {  	s0 =	sand.u32 $0x1, s1  }
0x8c: {  	s18 =	sshll.u32 s0, $0xA;
	s2 =	sadd.s32 s3, s2  }
0x8d: {  	s2 =	sadd.s32 s2, s18  }
0x8e: {  	[smem:$0x3FC1] =	sst s2  }
0x8f: {  	_ = 	snop  }
0x90: {  	s2 =	sld [smem:$0x3FC9]  }
0x91: {  	s19 =	sld [smem:$0x3FC8]  }
0x92: {  	s4 =	sld [smem:$0x3FC7]  }
0x93: {  	s5 =	sld [smem:$0x3FC6]  }
0x94: {  	s6 =	sld [smem:$0x3FC5]  }
0x95: {  	s7 =	sld [smem:$0x3FC4]  }
0x96: {  	s8 =	sld [smem:$0x3FD0];
	(tm) =	ssettm $0x1  }
0x97: {  	s9 =	sld [smem:$0x3FFB];
	_ =	sdelay $0x3  }
0x98: {  	_ =	strace s9  }
0x99: {  	s9 =	sld [smem:$0x3FFC];
	_ =	sdelay $0x3  }
0x9a: {  	_ =	strace s9  }
0x9b: {  	s9 =	sld [smem:$0x3FFD];
	_ =	sdelay $0x3  }
0x9c: {  	_ =	strace s9  }
0x9d: {  	_ =	strace $0x8FFFFFFF  }
0x9e: {  	s20 =	sld [smem:$0x3FDB];
	_ =	sdelay $0x1  }
0x9f: {  	s10 =	simm.s32 $_scs_section_size  }
0xa0: {  	s11 =	simm.s32 $_size__tile_overlayer_lowered;
	s12 =	simm.s32 $_tile_overlayer_lowered  }
0xa1: {  	s23 =	simm.s32 $0x1BFF;
	s22 =	sshll.u32 s12, $0x1;
	s9 =	sadd.s32 s10, s20  }
0xa2: {  	s13 =	simm.s32 $0x0;
	s21 =	sshll.u32 s11, $0x1;
	s11 =	sadd.s32 s22, s9  }
0xa3: {  	[timem:s13], [sflag:s23] =	dma.local [hbm:s11], s21  }
0xa4: {  	_ =	swait.ge [sflag:s23], s21  }
0xa5: {  	s10 =	ssub.s32 $0x0, s21;
	[sflag:s23] =	ssyncset.done $0x0  }
0xa6: {  	[sflag:s23] =	ssyncadd.s32 s10;
	_ =	sdelay $0x1  }
0xa7: {  	s24 =	simm.s32 $0x1B8B  }
0xa8: {  	_ =	swait.ge [sflag:s24], $0x1  }
0xa9: {  	[sflag:s24] =	ssyncset.done $0x0  }
0xaa: {  	s25 =	simm.s32 $0x1B8E;
	[sflag:s24] =	ssyncadd.s32 $0xFFFFFFFF  }
0xab: {  	s26 =	simm.s32 $execute0_lowered;
	[smem:$0x3FD2] =	sst s25  }
0xac: {  	s10 =	sshll.u32 s26, $0x1;
	_ =	strace $0x80000046;
	[dreg:$0x1] =	wrdreg $0xFFFFFFFF  }
0xad: {  	s28 =	simm.s32 $_size_execute0_lowered;
	s9 =	sadd.s32 s9, s10;
	[dreg:$0x0] =	wrdreg $0x0  }
0xae: {  	s10 =	sshll.u32 s28, $0x1;
	[dreg:$0x2] =	wrdreg s9  }
0xaf: {  	[dreg:$0x3] =	wrdreg s10  }
0xb0: {  	[dreg:$0x4] =	wrdreg $0xC0  }
0xb1: {  	_ =	task [dreg:s13], $0x5FFFF  }
0xb2: {  	[dreg:$0x1] =	wrdreg $0xFFFFFFFF  }
0xb3: {  	[dreg:$0x0] =	wrdreg $0x60  }
0xb4: {  	[dreg:$0x2] =	wrdreg s2  }
0xb5: {  	[dreg:$0x3] =	wrdreg s19  }
0xb6: {  	[dreg:$0x4] =	wrdreg s4  }
0xb7: {  	[dreg:$0x5] =	wrdreg s5  }
0xb8: {  	[dreg:$0x6] =	wrdreg s6  }
0xb9: {  	[dreg:$0x7] =	wrdreg s7  }
0xba: {  	[dreg:$0x8] =	wrdreg s8  }
0xbb: {  	[dreg:$0x9] =	wrdreg $0x9  }
0xbc: {  	_ =	task.clear_ibuf [dreg:s13], $0xAFFFF;
	_ =	strace $0x90000046  }
0xbd: {  	s29 =	simm.s32 $0x9;
	_ =	strace $0x80000048  }
0xbe: {  	_ =	swait.ge [sflag:s29], $0x1  }
0xbf: {  	[sflag:s29] =	ssyncadd.s32 $0xFFFFFFFF  }
0xc0: {  	_ =	strace $0x90000048  }
0xc1: {  	_ =	sfence  }
0xc2: {  	s30 =	sld [smem:$0x0];
	_ =	sdelay $0x2  }
0xc3: {  	s31 =	sshll.u32 s1, $0xD;
	s1 =	sshrl.u32 s1, $0x2  }
0xc4: {  	s3 =	sand.u32 $0x4000, s31;
	s1 =	sadd.s32 s1, s30  }
0xc5: {  	s0 =	sor.u32 s3, s0;
	s1 =	sshll.u32 s1, $0x11  }
0xc6: {  	s0 =	sor.u32 s1, s0  }
0xc7: {  	s0 =	sadd.s32 $0x8F2B, s0  }
0xc8: {  	[sflag:s0] =	ssyncadd.remote.s32 $0x1  }
0xc9: {  	_ =	sfence.sel $0xFFFF  }
0xca: {  	[dreg:$0x0] =	wrdreg $0xFFFFFFFF;
	(pc) =	sbr.abs _section_cstart, $3  }
0xcb: {  	[dreg:$0x1] =	wrdreg $0xFFFFFFFF  }
0xcc: {  	_ =	task.clear_ibuf [dreg:s13], $0x2FFFF;
	_ =	strace $0x9FFFFFFF  }
0xcd: {  	(tm) =	ssettm $0x7FFFFFFF  }
tec
execute0_lowered:
.L_overlay_start_1:
0x0: {  	(tag) =	ssettag $0x1  }
0x1: {  	v0 =	vlaneseq.u32;
	vm0 =	vcmask $0x3F24  }
0x2: {  	s0 =	rddreg [dreg:$0x0];
	vm1 =	vcmask $0x1F04;
	v1 =	vmul.u32 $0x80, v0;
	v16 =	vand.u32 $0x7, v0  }
0x3: {  	s1 =	rddreg [dreg:$0x1];
	v18 =	vimm.s32 $0x0;
	vm0 =	vmor vm1, vm0;
	v16 =	vmul.u32 $0x10, v16  }
0x4: {  	s21 =	rddreg [dreg:$0x3];
	v2 =	vor.u32 $0x800, v1;
	v3 =	vor.u32 $0x1000, v1;
	v4 =	vor.u32 $0x1800, v1  }
0x5: {  	s2 =	rddreg [dreg:$0x6];
	s3 =	srdreg.scid;
	s7 =	simm.s32 $0x0;
	v5 =	vor.u32 $0x2000, v1;
	v6 =	vor.u32 $0x2800, v1;
	v7 =	vor.u32 $0x3000, v1  }
0x6: {  	s6 =	stileid.u32;
	s15 =	simm.s32 $0x7A1400;
	s3 =	sand.u32 $0x1, s3;
	v8 =	vor.u32 $0x3800, v1;
	v9 =	vor.u32 $0x4000, v1;
	v10 =	vor.u32 $0x4800, v1  }
0x7: {  	s6 =	sshll.u32 s6, $0x7;
	s4 =	ssub.s32 $0x2, s3;
	s3 =	sshll.u32 s3, $0x6;
	v11 =	vor.u32 $0x5000, v1;
	v12 =	vor.u32 $0x5800, v1;
	v13 =	vor.u32 $0x6000, v1  }
0x8: {  	s16 =	simm.s32 $0x400;
	[smem:$0x7FF] =	sst s7;
	s28 =	sor.u32 s3, s6;
	v14 =	vor.u32 $0x6800, v1;
	v15 =	vor.u32 $0x7000, v1;
	v17 =	vor.u32 $0x7800, v1  }
0x9: {  	_ =	strace $0x80000047;
	s5 =	sshrl.u32 s4, $0x1;
	s0 =	sadd.s32 s0, s28;
	v19 =	vor.u32 $0x1, v16;
	v20 =	vor.u32 $0x2, v16;
	v21 =	vor.u32 $0x3, v16  }
0xa: {  	s30 =	sadd.s32 s2, s3;
	s29 =	sadd.s32 s1, s28;
	v22 =	vor.u32 $0x4, v16;
	v23 =	vor.u32 $0x5, v16;
	v24 =	vor.u32 $0x6, v16;
	[dreg:$0x8] =	wrdreg s0  }
0xb: {  	s4 =	ssub.s32 s4, s5;
	v25 =	vor.u32 $0x7, v16;
	v26 =	vor.u32 $0x8, v16;
	v27 =	vor.u32 $0x9, v16;
	[dreg:$0x9] =	wrdreg s29;
	s0 =	sadd.s32 s6, s30  }
0xc: {  	s9 =	simm.s32 $0x10500;
	v28 =	vor.u32 $0xA, v16;
	v29 =	vor.u32 $0xB, v16;
	v30 =	vor.u32 $0xC, v16;
	s31 =	smax.u32 s4, $0x1;
	[dreg:$0xa] =	wrdreg s0  }
0xd: {  	s2 =	simm.s32 $0x0;
	s1 =	simm.s32 $0x9;
	v31 =	vor.u32 $0xD, v16;
	v32 =	vor.u32 $0xE, v16;
	v33 =	vor.u32 $0xF, v16;
	[dreg:$0xb] =	wrdreg s31  }
.LBB2_1:
0xe: {  	[dreg:$0xc] =	wrdreg s2  }
0xf: {  	s0 =	rddreg [dreg:$0x8]  }
0x10: {  	[tilespmem:s7], [sflag:$0x9] =	stream.linear.gather [hbm4b:s0+s7], $0x200, $0x38;
	[tilespmem:$0x12700] =	vst v63  }
0x11: {  	_ =	swait.ge [sflag:s1], $0x200  }
0x12: {  	[sflag:s1] =	ssyncset.done $0x0  }
0x13: {  	s4 =	simm.s32 $0x200;
	s26 =	rddreg [dreg:$0x9];
	[sflag:s1] =	ssyncadd.s32 $0xFFFFFE00  }
0x14: {  	[tilespmem:s4], [sflag:$0x9] =	stream.linear.gather [hbm4b:s26+s7], $0x200, $0x38;
	[tilespmem:$0x12700] =	vst v63  }
0x15: {  	_ =	swait.ge [sflag:s1], $0x200  }
0x16: {  	[sflag:s1] =	ssyncset.done $0x0  }
0x17: {  	[sflag:s1] =	ssyncadd.s32 $0xFFFFFE00  }
0x18: {  	s29 =	simm.s32 $0x10400;
	s28 =	rddreg [dreg:$0x4]  }
0x19: {  	[tilespmem:s29], [sflag:$0x9] =	stream.linear.gather [hbm4b:s28+s7], $0x80, $0x38;
	[tilespmem:$0x12700] =	vst v63  }
0x1a: {  	_ =	swait.ge [sflag:s1], $0x80  }
0x1b: {  	[sflag:s1] =	ssyncset.done $0x0  }
0x1c: {  	[sflag:s1] =	ssyncadd.s32 $0xFFFFFF80  }
0x1d: {  	s31 =	simm.s32 $0x10480;
	s30 =	rddreg [dreg:$0x5]  }
0x1e: {  	[tilespmem:s31], [sflag:$0x9] =	stream.linear.gather [hbm4b:s30+s7], $0x80, $0x38;
	[tilespmem:$0x12700] =	vst v63  }
0x1f: {  	_ =	swait.ge [sflag:s1], $0x80  }
0x20: {  	[sflag:s1] =	ssyncset.done $0x0  }
0x21: {  	[sflag:s1] =	ssyncadd.s32 $0xFFFFFF80  }
0x22: {  	v34 =	vld [tilespmem:$0x10400]  }
0x23: {  	s12 =	simm.s32 $0xFFFFFFF9;
	s10 =	simm.s32 $0x10570;
	s18 =	simm.s32 $0x0;
	v39 =	vimm.s32 $0x0;
	v40 =	vimm.s32 $0x0;
	v35 =	vld [tilespmem:$0x10410]  }
.LBB2_2:
0x24: {  	p0 =	seq.s32 s12, $0xFFFFFFF9  }
0x25: {  	(v2sf) =	vpush @!p0 v40, $0x8  }
0x26: {  	(v2sf) =	vpush @!p0 v39, $0x8;
	_ =	sdelay $0xc  }
0x27: {  	[dreg:$0xe] =	wrdreg s10  }
0x28: {  	[dreg:$0xd] =	wrdreg s4;
	s0 =	spop @!p0 (v2sf)  }
0x29: {  	[dreg:$0xf] =	wrdreg s18;
	v36 =	vld [tilespmem:s18+$0x0];
	s2 =	simm.s32 @!p0 $0x1;
	s1 =	spop @!p0 (v2sf)  }
0x2a: {  	v37 =	vld [tilespmem:s4+$0x0];
	_ =	swait.ge @!p0 [sflag:s2], $0x1000  }
0x2b: {  	[sflag:s2] =	ssyncset.done @!p0 $0x0  }
0x2c: {  	[sflag:s2] =	ssyncadd.s32 @!p0 $0xFFFFF000  }
0x2d: {  	_ =	swait.ge @!p0 [sflag:s2], $0x1000  }
0x2e: {  	(v2sf) =	vpush v36, $0x0;
	_ =	sdelay $0x1  }
0x2f: {  	(v2sf) =	vpush v37, $0x0  }
0x30: {  	s3 =	sshra.s32 @!p0 s0, $0x1F  }
0x31: {  	s3 =	sshrl.u32 @!p0 s3, $0x19  }
0x32: {  	v38 =	vlaneseq.u32 @!p0;
	s4 =	sshra.s32 @!p0 s1, $0x1F;
	s3 =	sadd.s32 @!p0 s3, s0  }
0x33: {  	v38 =	vmul.u32 @!p0 $0x80, v38;
	s4 =	sshrl.u32 @!p0 s4, $0x19;
	s3 =	sand.u32 @!p0 $0xFFFFFF80, s3  }
0x34: {  	s0 =	ssub.s32 @!p0 s0, s3;
	s3 =	sadd.s32 @!p0 s4, s1  }
0x35: {  	v42 =	vor.u32 @!p0 $0x800, v38;
	s3 =	sand.u32 @!p0 $0xFFFFFF80, s3;
	v41 =	vadd.s32 @!p0 s0, v38  }
0x36: {  	v43 =	vadd.s32 @!p0 s0, v42;
	s1 =	ssub.s32 @!p0 s1, s3  }
0x37: {  	v44 =	vadd.s32 @!p0 s1, v38  }
0x38: {  	[sflag:s2] =	ssyncset.done @!p0 $0x0;
	v42 =	vadd.s32 @!p0 s1, v42  }
0x39: {  	s29 =	simm.s32 @!p0 $0x400;
	[sflag:s2] =	ssyncadd.s32 @!p0 $0xFFFFF000  }
0x3a: {  	v41 =	vld.idx.msk @!p0 [tilespmem:v41+s29+$0x0], $0xffff  }
0x3b: {  	s28 =	simm.s32 @!p0 $0x8400;
	v43 =	vld.idx.msk @!p0 [tilespmem:v43+s29+$0x0], $0xffff  }
0x3c: {  	v44 =	vld.idx.msk @!p0 [tilespmem:v44+s28+$0x0], $0xffff;
	s19 =	spop (v2sf)  }
0x3d: {  	v42 =	vld.idx.msk @!p0 [tilespmem:v42+s28+$0x0], $0xffff;
	s25 =	sshra.s32 s19, $0x1F  }
0x3e: {  	(v2sf) =	vpush @!p0 v40, $0x9;
	s20 =	spop (v2sf);
	s0 =	sshrl.u32 s25, $0x19  }
0x3f: {  	(v2sf) =	vpush @!p0 v39, $0x9;
	s3 =	sshra.s32 s20, $0x1F;
	s0 =	sadd.s32 s0, s19  }
0x40: {  	s1 =	sshrl.u32 s3, $0x19;
	s26 =	sand.u32 $0xFFFFFF80, s0  }
0x41: {  	p1 =	slt.s32 s19, $0x1;
	s1 =	sadd.s32 s1, s20;
	p2 =	sne.s32 s19, s26  }
0x42: {  	s2 =	simm.s32 $0x1;
	v41 =	vmul.f32 @!p0 v44, v41;
	v42 =	vmul.f32 @!p0 v42, v43;
	s4 =	sand.u32 $0xFFFFFF80, s1;
	p1 =	por !p1, !p2  }
0x43: {  	p3 =	slt.s32 s20, $0x1;
	p4 =	sne.s32 s20, s4;
	p1 =	por !p1, !p1  }
0x44: {  	v41 =	vmul.f32 @!p0 v41, v34;
	v42 =	vmul.f32 @!p0 v42, v35;
	s0 =	sshrl.u32 s0, $0x7;
	s2 =	simm.s32 @!p1 $0x0;
	p1 =	por !p3, !p4  }
0x45: {  	s0 =	ssub.s32 s0, s2;
	p1 =	por !p1, !p1;
	s2 =	simm.s32 $0x1  }
0x46: {  	v41 =	vadd.f32 @!p0 v42, v41;
	s1 =	sshrl.u32 s1, $0x7;
	s0 =	sshll.u32 s0, $0x7;
	s2 =	simm.s32 @!p1 $0x0  }
0x47: {  	s18 =	rddreg [dreg:$0x2];
	s0 =	sand.u32 $0x1FFFFF80, s0;
	s1 =	ssub.s32 s1, s2  }
0x48: {  	[tilespmem:s10+$0xFFFFFF10] =	vst @!p0 v41;
	s0 =	sadd.s32 s18, s0;
	s5 =	sshll.u32 s1, $0x7  }
0x49: {  	[tilespmem:s16], [sflag:$0x1] =	stream.strided.gather [hbm4b:s0+s16], $0x1000, s15, s16, $0x38;
	[tilespmem:$0x12700] =	vst v63  }
0x4a: {  	s0 =	sand.u32 $0x1FFFFF80, s5  }
0x4b: {  	s6 =	simm.s32 $0x8400;
	s0 =	sadd.s32 s21, s0  }
0x4c: {  	[tilespmem:s6], [sflag:$0x1] =	stream.strided.gather [hbm4b:s0+s16], $0x1000, s15, s16, $0x38;
	[tilespmem:$0x12700] =	vst v63  }
0x4d: {  	[dreg:$0x10] =	wrdreg s26;
	s0 =	spop @!p0 (v2sf)  }
0x4e: {  	[dreg:$0x11] =	wrdreg s4;
	s2 =	simm.s32 @!p0 $0x2;
	s1 =	spop @!p0 (v2sf)  }
0x4f: {  	_ =	swait.ge @!p0 [sflag:s2], $0x1000  }
0x50: {  	[sflag:s2] =	ssyncset.done @!p0 $0x0  }
0x51: {  	[sflag:s2] =	ssyncadd.s32 @!p0 $0xFFFFF000  }
0x52: {  	_ =	swait.ge @!p0 [sflag:s2], $0x1000  }
0x53: {  	(v2sf) =	vpush v36, $0x1;
	_ =	sdelay $0x1  }
0x54: {  	(v2sf) =	vpush v37, $0x1  }
0x55: {  	s3 =	sshra.s32 @!p0 s0, $0x1F  }
0x56: {  	s3 =	sshrl.u32 @!p0 s3, $0x19  }
0x57: {  	s4 =	sshra.s32 @!p0 s1, $0x1F;
	s3 =	sadd.s32 @!p0 s3, s0  }
0x58: {  	s4 =	sshrl.u32 @!p0 s4, $0x19;
	s3 =	sand.u32 @!p0 $0xFFFFFF80, s3  }
0x59: {  	v41 =	vor.u32 @!p0 $0x1000, v38;
	s0 =	ssub.s32 @!p0 s0, s3;
	s3 =	sadd.s32 @!p0 s4, s1  }
0x5a: {  	v43 =	vor.u32 @!p0 $0x1800, v38;
	s3 =	sand.u32 @!p0 $0xFFFFFF80, s3;
	v42 =	vadd.s32 @!p0 s0, v41  }
0x5b: {  	v44 =	vadd.s32 @!p0 s0, v43;
	s0 =	sshll.u32 @!p0 s12, $0x10;
	s1 =	ssub.s32 @!p0 s1, s3  }
0x5c: {  	s0 =	sshra.s32 @!p0 s0, $0x1F;
	v41 =	vadd.s32 @!p0 s1, v41  }
0x5d: {  	[sflag:s2] =	ssyncset.done @!p0 $0x0;
	v43 =	vadd.s32 @!p0 s1, v43;
	s0 =	sand.u32 @!p0 $0x7, s0  }
0x5e: {  	[sflag:s2] =	ssyncadd.s32 @!p0 $0xFFFFF000;
	s0 =	sadd.s32 @!p0 s0, s12  }
0x5f: {  	s4 =	simm.s32 $0x1;
	s1 =	sand.u32 @!p0 $0xFFF8, s0;
	v42 =	vld.idx.msk @!p0 [tilespmem:v42+s29+$0x0], $0xffff  }
0x60: {  	s2 =	sshra.s32 @!p0 s12, $0x1F;
	s0 =	sshll.u32 @!p0 s0, $0x10;
	v44 =	vld.idx.msk @!p0 [tilespmem:v44+s29+$0x0], $0xffff;
	s1 =	ssub.s32 @!p0 s12, s1  }
0x61: {  	s0 =	sshra.s32 @!p0 s0, $0x13;
	s1 =	sand.u32 @!p0 $0xFF80, s1;
	v41 =	vld.idx.msk @!p0 [tilespmem:v41+s28+$0x0], $0xffff;
	s23 =	spop (v2sf)  }
0x62: {  	s0 =	sadd.s32 @!p0 s0, s2;
	v43 =	vld.idx.msk @!p0 [tilespmem:v43+s28+$0x0], $0xffff;
	s1 =	sshll.u32 @!p0 s1, $0x10;
	s7 =	sshra.s32 s23, $0x1F  }
0x63: {  	s0 =	sshll.u32 @!p0 s0, $0x9;
	(v2sf) =	vpush @!p0 v40, $0xA;
	s24 =	spop (v2sf);
	s8 =	sshrl.u32 s7, $0x19  }
0x64: {  	s1 =	sshra.s32 @!p0 s1, $0x10;
	(v2sf) =	vpush @!p0 v39, $0xA;
	s13 =	sshra.s32 s24, $0x1F;
	s2 =	sadd.s32 s8, s23  }
0x65: {  	s0 =	sshra.s32 @!p0 s0, $0x2;
	s3 =	sshrl.u32 s13, $0x19;
	s11 =	sand.u32 $0xFFFFFF80, s2  }
0x66: {  	p5 =	slt.s32 s23, $0x1;
	s3 =	sadd.s32 s3, s24;
	p6 =	sne.s32 s23, s11  }
0x67: {  	s0 =	sadd.s32 @!p0 s1, s0;
	v41 =	vmul.f32 @!p0 v41, v42;
	v42 =	vmul.f32 @!p0 v43, v44;
	s5 =	sand.u32 $0xFFFFFF80, s3;
	p1 =	por !p5, !p6  }
0x68: {  	p3 =	slt.s32 s24, $0x1;
	p4 =	sne.s32 s24, s5;
	p1 =	por !p1, !p1  }
0x69: {  	v41 =	vmul.f32 @!p0 v41, v34;
	v42 =	vmul.f32 @!p0 v42, v35;
	s2 =	sshrl.u32 s2, $0x7;
	s4 =	simm.s32 @!p1 $0x0;
	p1 =	por !p3, !p4  }
0x6a: {  	s14 =	ssub.s32 s2, s4;
	p1 =	por !p1, !p1;
	s2 =	simm.s32 $0x1  }
0x6b: {  	v41 =	vadd.f32 @!p0 v42, v41;
	s3 =	sshrl.u32 s3, $0x7;
	s1 =	sshll.u32 s14, $0x7;
	s2 =	simm.s32 @!p1 $0x0  }
0x6c: {  	s1 =	sand.u32 $0x1FFFFF80, s1;
	s17 =	ssub.s32 s3, s2  }
0x6d: {  	s22 =	simm.s32 $0x1400;
	[tilespmem:s0+$0x10510] =	vst @!p0 v41;
	s1 =	sadd.s32 s18, s1;
	s0 =	sshll.u32 s17, $0x7  }
0x6e: {  	[tilespmem:s22], [sflag:$0x2] =	stream.strided.gather [hbm4b:s1+s16], $0x1000, s15, s16, $0x38;
	[tilespmem:$0x12700] =	vst v63  }
0x6f: {  	s0 =	sand.u32 $0x1FFFFF80, s0  }
0x70: {  	s25 =	simm.s32 $0x9400;
	s0 =	sadd.s32 s21, s0  }
0x71: {  	[tilespmem:s25], [sflag:$0x2] =	stream.strided.gather [hbm4b:s0+s16], $0x1000, s15, s16, $0x38;
	[tilespmem:$0x12700] =	vst v63  }
0x72: {  	[dreg:$0x12] =	wrdreg s11;
	s0 =	spop @!p0 (v2sf)  }
0x73: {  	[dreg:$0x13] =	wrdreg s5;
	s2 =	simm.s32 @!p0 $0x3;
	s1 =	spop @!p0 (v2sf)  }
0x74: {  	_ =	swait.ge @!p0 [sflag:s2], $0x1000  }
0x75: {  	[sflag:s2] =	ssyncset.done @!p0 $0x0  }
0x76: {  	[sflag:s2] =	ssyncadd.s32 @!p0 $0xFFFFF000  }
0x77: {  	_ =	swait.ge @!p0 [sflag:s2], $0x1000  }
0x78: {  	(v2sf) =	vpush v36, $0x2;
	_ =	sdelay $0x1  }
0x79: {  	(v2sf) =	vpush v37, $0x2  }
0x7a: {  	s3 =	sshra.s32 @!p0 s0, $0x1F  }
0x7b: {  	s3 =	sshrl.u32 @!p0 s3, $0x19  }
0x7c: {  	s4 =	sshra.s32 @!p0 s1, $0x1F;
	s3 =	sadd.s32 @!p0 s3, s0  }
0x7d: {  	s4 =	sshrl.u32 @!p0 s4, $0x19;
	s3 =	sand.u32 @!p0 $0xFFFFFF80, s3  }
0x7e: {  	v41 =	vor.u32 @!p0 $0x2000, v38;
	s0 =	ssub.s32 @!p0 s0, s3;
	s3 =	sadd.s32 @!p0 s4, s1  }
0x7f: {  	v43 =	vor.u32 @!p0 $0x2800, v38;
	s4 =	sadd.s32 @!p0 $0x1, s12;
	s3 =	sand.u32 @!p0 $0xFFFFFF80, s3;
	v42 =	vadd.s32 @!p0 s0, v41  }
0x80: {  	v44 =	vadd.s32 @!p0 s0, v43;
	s0 =	sshll.u32 @!p0 s4, $0x10;
	s1 =	ssub.s32 @!p0 s1, s3  }
0x81: {  	s0 =	sshra.s32 @!p0 s0, $0x1F;
	v41 =	vadd.s32 @!p0 s1, v41  }
0x82: {  	[sflag:s2] =	ssyncset.done @!p0 $0x0;
	v43 =	vadd.s32 @!p0 s1, v43;
	s0 =	sand.u32 @!p0 $0x7, s0  }
0x83: {  	[sflag:s2] =	ssyncadd.s32 @!p0 $0xFFFFF000;
	s0 =	sadd.s32 @!p0 s0, s4  }
0x84: {  	s1 =	sand.u32 @!p0 $0xFFF8, s0;
	s0 =	sshll.u32 @!p0 s0, $0x10;
	v42 =	vld.idx.msk @!p0 [tilespmem:v42+s29+$0x0], $0xffff  }
0x85: {  	s2 =	sshra.s32 @!p0 s4, $0x1F;
	v44 =	vld.idx.msk @!p0 [tilespmem:v44+s29+$0x0], $0xffff;
	s1 =	ssub.s32 @!p0 s4, s1;
	s0 =	sshra.s32 @!p0 s0, $0x13  }
0x86: {  	s1 =	sand.u32 @!p0 $0xFF80, s1;
	s0 =	sadd.s32 @!p0 s0, s2;
	v41 =	vld.idx.msk @!p0 [tilespmem:v41+s28+$0x0], $0xffff;
	s30 =	spop (v2sf)  }
0x87: {  	v43 =	vld.idx.msk @!p0 [tilespmem:v43+s28+$0x0], $0xffff;
	s1 =	sshll.u32 @!p0 s1, $0x10;
	s0 =	sshll.u32 @!p0 s0, $0x9;
	s26 =	sshra.s32 s30, $0x1F  }
0x88: {  	s1 =	sshra.s32 @!p0 s1, $0x10;
	(v2sf) =	vpush @!p0 v40, $0xB;
	s31 =	spop (v2sf);
	s4 =	sshrl.u32 s26, $0x19  }
0x89: {  	s0 =	sshra.s32 @!p0 s0, $0x2;
	(v2sf) =	vpush @!p0 v39, $0xB;
	s6 =	sshra.s32 s31, $0x1F;
	s2 =	sadd.s32 s4, s30  }
0x8a: {  	s0 =	sadd.s32 @!p0 s1, s0;
	s3 =	sshrl.u32 s6, $0x19;
	s5 =	sand.u32 $0xFFFFFF80, s2  }
0x8b: {  	p5 =	slt.s32 s30, $0x1;
	s3 =	sadd.s32 s3, s31;
	p6 =	sne.s32 s30, s5  }
0x8c: {  	v41 =	vmul.f32 @!p0 v41, v42;
	v42 =	vmul.f32 @!p0 v43, v44;
	p3 =	slt.s32 s31, $0x1;
	s7 =	sand.u32 $0xFFFFFF80, s3;
	p1 =	por !p5, !p6  }
0x8d: {  	s4 =	simm.s32 $0x1;
	p4 =	sne.s32 s31, s7;
	p1 =	por !p1, !p1  }
0x8e: {  	v41 =	vmul.f32 @!p0 v41, v34;
	v42 =	vmul.f32 @!p0 v42, v35;
	s2 =	sshrl.u32 s2, $0x7;
	s4 =	simm.s32 @!p1 $0x0;
	p1 =	por !p3, !p4  }
0x8f: {  	s8 =	ssub.s32 s2, s4;
	p1 =	por !p1, !p1;
	s2 =	simm.s32 $0x1  }
0x90: {  	v41 =	vadd.f32 @!p0 v42, v41;
	s3 =	sshrl.u32 s3, $0x7;
	s1 =	sshll.u32 s8, $0x7;
	s2 =	simm.s32 @!p1 $0x0  }
0x91: {  	s1 =	sand.u32 $0x1FFFFF80, s1;
	s11 =	ssub.s32 s3, s2  }
0x92: {  	s13 =	simm.s32 $0x2400;
	[tilespmem:s0+$0x10520] =	vst @!p0 v41;
	s1 =	sadd.s32 s18, s1;
	s0 =	sshll.u32 s11, $0x7  }
0x93: {  	[tilespmem:s13], [sflag:$0x3] =	stream.strided.gather [hbm4b:s1+s16], $0x1000, s15, s16, $0x38;
	[tilespmem:$0x12700] =	vst v63  }
0x94: {  	s0 =	sand.u32 $0x1FFFFF80, s0  }
0x95: {  	s14 =	simm.s32 $0xA400;
	s0 =	sadd.s32 s21, s0  }
0x96: {  	[tilespmem:s14], [sflag:$0x3] =	stream.strided.gather [hbm4b:s0+s16], $0x1000, s15, s16, $0x38;
	[tilespmem:$0x12700] =	vst v63  }
0x97: {  	[dreg:$0x14] =	wrdreg s5;
	s0 =	spop @!p0 (v2sf)  }
0x98: {  	[dreg:$0x15] =	wrdreg s7;
	s2 =	simm.s32 @!p0 $0x4;
	s1 =	spop @!p0 (v2sf)  }
0x99: {  	_ =	swait.ge @!p0 [sflag:s2], $0x1000  }
0x9a: {  	[sflag:s2] =	ssyncset.done @!p0 $0x0  }
0x9b: {  	[sflag:s2] =	ssyncadd.s32 @!p0 $0xFFFFF000  }
0x9c: {  	_ =	swait.ge @!p0 [sflag:s2], $0x1000  }
0x9d: {  	(v2sf) =	vpush v36, $0x3;
	_ =	sdelay $0x1  }
0x9e: {  	(v2sf) =	vpush v37, $0x3  }
0x9f: {  	s3 =	sshra.s32 @!p0 s0, $0x1F  }
0xa0: {  	s3 =	sshrl.u32 @!p0 s3, $0x19  }
0xa1: {  	s4 =	sshra.s32 @!p0 s1, $0x1F;
	s3 =	sadd.s32 @!p0 s3, s0  }
0xa2: {  	s4 =	sshrl.u32 @!p0 s4, $0x19;
	s3 =	sand.u32 @!p0 $0xFFFFFF80, s3  }
0xa3: {  	v43 =	vor.u32 @!p0 $0x3800, v38;
	v41 =	vor.u32 @!p0 $0x3000, v38;
	s0 =	ssub.s32 @!p0 s0, s3;
	s3 =	sadd.s32 @!p0 s4, s1;
	s4 =	sadd.s32 @!p0 $0x2, s12  }
0xa4: {  	s3 =	sand.u32 @!p0 $0xFFFFFF80, s3;
	v42 =	vadd.s32 @!p0 s0, v41;
	v44 =	vadd.s32 @!p0 s0, v43;
	s0 =	sshll.u32 @!p0 s4, $0x10  }
0xa5: {  	s1 =	ssub.s32 @!p0 s1, s3;
	s0 =	sshra.s32 @!p0 s0, $0x1F  }
0xa6: {  	v41 =	vadd.s32 @!p0 s1, v41;
	s0 =	sand.u32 @!p0 $0x7, s0  }
0xa7: {  	[sflag:s2] =	ssyncset.done @!p0 $0x0;
	v43 =	vadd.s32 @!p0 s1, v43;
	s0 =	sadd.s32 @!p0 s0, s4  }
0xa8: {  	[sflag:s2] =	ssyncadd.s32 @!p0 $0xFFFFF000;
	s1 =	sand.u32 @!p0 $0xFFF8, s0  }
0xa9: {  	s0 =	sshll.u32 @!p0 s0, $0x10;
	v42 =	vld.idx.msk @!p0 [tilespmem:v42+s29+$0x0], $0xffff;
	s1 =	ssub.s32 @!p0 s4, s1  }
0xaa: {  	s2 =	sshra.s32 @!p0 s4, $0x1F;
	v44 =	vld.idx.msk @!p0 [tilespmem:v44+s29+$0x0], $0xffff;
	s0 =	sshra.s32 @!p0 s0, $0x13;
	s1 =	sand.u32 @!p0 $0xFF80, s1  }
0xab: {  	s0 =	sadd.s32 @!p0 s0, s2;
	v41 =	vld.idx.msk @!p0 [tilespmem:v41+s28+$0x0], $0xffff;
	s1 =	sshll.u32 @!p0 s1, $0x10;
	s5 =	spop (v2sf)  }
0xac: {  	v43 =	vld.idx.msk @!p0 [tilespmem:v43+s28+$0x0], $0xffff;
	s0 =	sshll.u32 @!p0 s0, $0x9;
	s1 =	sshra.s32 @!p0 s1, $0x10;
	s17 =	sshra.s32 s5, $0x1F  }
0xad: {  	s0 =	sshra.s32 @!p0 s0, $0x2;
	(v2sf) =	vpush @!p0 v40, $0xC;
	s3 =	spop (v2sf);
	s22 =	sshrl.u32 s17, $0x19  }
0xae: {  	s0 =	sadd.s32 @!p0 s1, s0;
	(v2sf) =	vpush @!p0 v39, $0xC;
	s25 =	sshra.s32 s3, $0x1F;
	s2 =	sadd.s32 s22, s5  }
0xaf: {  	p5 =	slt.s32 s5, $0x1;
	s4 =	sshrl.u32 s25, $0x19;
	s6 =	sand.u32 $0xFFFFFF80, s2  }
0xb0: {  	p3 =	slt.s32 s3, $0x1;
	s4 =	sadd.s32 s4, s3;
	p6 =	sne.s32 s5, s6  }
0xb1: {  	v41 =	vmul.f32 @!p0 v41, v42;
	v42 =	vmul.f32 @!p0 v43, v44;
	[dreg:$0x16] =	wrdreg s6;
	s7 =	sand.u32 $0xFFFFFF80, s4;
	p1 =	por !p5, !p6  }
0xb2: {  	s6 =	simm.s32 $0x1;
	p4 =	sne.s32 s3, s7;
	p1 =	por !p1, !p1  }
0xb3: {  	v41 =	vmul.f32 @!p0 v41, v34;
	v42 =	vmul.f32 @!p0 v42, v35;
	s2 =	sshrl.u32 s2, $0x7;
	s6 =	simm.s32 @!p1 $0x0;
	p1 =	por !p3, !p4  }
0xb4: {  	s26 =	ssub.s32 s2, s6;
	p1 =	por !p1, !p1;
	s2 =	simm.s32 $0x1  }
0xb5: {  	v41 =	vadd.f32 @!p0 v42, v41;
	s4 =	sshrl.u32 s4, $0x7;
	s1 =	sshll.u32 s26, $0x7;
	s2 =	simm.s32 @!p1 $0x0  }
0xb6: {  	[dreg:$0x17] =	wrdreg s7;
	s1 =	sand.u32 $0x1FFFFF80, s1;
	s6 =	ssub.s32 s4, s2  }
0xb7: {  	[tilespmem:s0+$0x10530] =	vst @!p0 v41;
	s7 =	simm.s32 $0x3400;
	s1 =	sadd.s32 s18, s1;
	s0 =	sshll.u32 s6, $0x7  }
0xb8: {  	[tilespmem:s7], [sflag:$0x4] =	stream.strided.gather [hbm4b:s1+s16], $0x1000, s15, s16, $0x38;
	[tilespmem:$0x12700] =	vst v63  }
0xb9: {  	s0 =	sand.u32 $0x1FFFFF80, s0  }
0xba: {  	s8 =	simm.s32 $0xB400;
	s0 =	sadd.s32 s21, s0  }
0xbb: {  	[tilespmem:s8], [sflag:$0x4] =	stream.strided.gather [hbm4b:s0+s16], $0x1000, s15, s16, $0x38;
	[tilespmem:$0x12700] =	vst v63  }
0xbc: {  	s0 =	spop @!p0 (v2sf)  }
0xbd: {  	s2 =	simm.s32 @!p0 $0x5;
	s1 =	spop @!p0 (v2sf)  }
0xbe: {  	_ =	swait.ge @!p0 [sflag:s2], $0x1000  }
0xbf: {  	[sflag:s2] =	ssyncset.done @!p0 $0x0  }
0xc0: {  	[sflag:s2] =	ssyncadd.s32 @!p0 $0xFFFFF000  }
0xc1: {  	_ =	swait.ge @!p0 [sflag:s2], $0x1000  }
0xc2: {  	(v2sf) =	vpush v36, $0x4;
	_ =	sdelay $0x1  }
0xc3: {  	(v2sf) =	vpush v37, $0x4  }
0xc4: {  	s4 =	sshra.s32 @!p0 s0, $0x1F  }
0xc5: {  	s4 =	sshrl.u32 @!p0 s4, $0x19  }
0xc6: {  	s6 =	sshra.s32 @!p0 s1, $0x1F;
	s4 =	sadd.s32 @!p0 s4, s0  }
0xc7: {  	s6 =	sshrl.u32 @!p0 s6, $0x19;
	s4 =	sand.u32 @!p0 $0xFFFFFF80, s4  }
0xc8: {  	v41 =	vor.u32 @!p0 $0x4000, v38;
	s0 =	ssub.s32 @!p0 s0, s4;
	s4 =	sadd.s32 @!p0 s6, s1  }
0xc9: {  	v43 =	vor.u32 @!p0 $0x4800, v38;
	s6 =	sadd.s32 @!p0 $0x3, s12;
	s4 =	sand.u32 @!p0 $0xFFFFFF80, s4;
	v42 =	vadd.s32 @!p0 s0, v41  }
0xca: {  	v44 =	vadd.s32 @!p0 s0, v43;
	s0 =	sshll.u32 @!p0 s6, $0x10;
	s1 =	ssub.s32 @!p0 s1, s4  }
0xcb: {  	s0 =	sshra.s32 @!p0 s0, $0x1F;
	v41 =	vadd.s32 @!p0 s1, v41  }
0xcc: {  	[sflag:s2] =	ssyncset.done @!p0 $0x0;
	v43 =	vadd.s32 @!p0 s1, v43;
	s0 =	sand.u32 @!p0 $0x7, s0  }
0xcd: {  	[sflag:s2] =	ssyncadd.s32 @!p0 $0xFFFFF000;
	s0 =	sadd.s32 @!p0 s0, s6  }
0xce: {  	s1 =	sand.u32 @!p0 $0xFFF8, s0;
	s0 =	sshll.u32 @!p0 s0, $0x10;
	v42 =	vld.idx.msk @!p0 [tilespmem:v42+s29+$0x0], $0xffff  }
0xcf: {  	s2 =	sshra.s32 @!p0 s6, $0x1F;
	v44 =	vld.idx.msk @!p0 [tilespmem:v44+s29+$0x0], $0xffff;
	s1 =	ssub.s32 @!p0 s6, s1;
	s0 =	sshra.s32 @!p0 s0, $0x13  }
0xd0: {  	s6 =	simm.s32 $0x1;
	s1 =	sand.u32 @!p0 $0xFF80, s1;
	v41 =	vld.idx.msk @!p0 [tilespmem:v41+s28+$0x0], $0xffff;
	s13 =	spop (v2sf)  }
0xd1: {  	s0 =	sadd.s32 @!p0 s0, s2;
	v43 =	vld.idx.msk @!p0 [tilespmem:v43+s28+$0x0], $0xffff;
	s1 =	sshll.u32 @!p0 s1, $0x10;
	s11 =	sshra.s32 s13, $0x1F  }
0xd2: {  	s0 =	sshll.u32 @!p0 s0, $0x9;
	(v2sf) =	vpush @!p0 v40, $0xD;
	s7 =	spop (v2sf);
	s14 =	sshrl.u32 s11, $0x19  }
0xd3: {  	s1 =	sshra.s32 @!p0 s1, $0x10;
	(v2sf) =	vpush @!p0 v39, $0xD;
	s22 =	sshra.s32 s7, $0x1F;
	s2 =	sadd.s32 s14, s13  }
0xd4: {  	s0 =	sshra.s32 @!p0 s0, $0x2;
	s4 =	sshrl.u32 s22, $0x19;
	s17 =	sand.u32 $0xFFFFFF80, s2  }
0xd5: {  	p5 =	slt.s32 s13, $0x1;
	s4 =	sadd.s32 s4, s7;
	p6 =	sne.s32 s13, s17  }
0xd6: {  	s0 =	sadd.s32 @!p0 s1, s0;
	v41 =	vmul.f32 @!p0 v41, v42;
	v42 =	vmul.f32 @!p0 v43, v44;
	s8 =	sand.u32 $0xFFFFFF80, s4;
	p1 =	por !p5, !p6  }
0xd7: {  	p3 =	slt.s32 s7, $0x1;
	p4 =	sne.s32 s7, s8;
	p1 =	por !p1, !p1  }
0xd8: {  	v41 =	vmul.f32 @!p0 v41, v34;
	v42 =	vmul.f32 @!p0 v42, v35;
	s2 =	sshrl.u32 s2, $0x7;
	s6 =	simm.s32 @!p1 $0x0;
	p1 =	por !p3, !p4  }
0xd9: {  	s25 =	ssub.s32 s2, s6;
	p1 =	por !p1, !p1;
	s2 =	simm.s32 $0x1  }
0xda: {  	v41 =	vadd.f32 @!p0 v42, v41;
	s4 =	sshrl.u32 s4, $0x7;
	s1 =	sshll.u32 s25, $0x7;
	s2 =	simm.s32 @!p1 $0x0  }
0xdb: {  	s1 =	sand.u32 $0x1FFFFF80, s1;
	s26 =	ssub.s32 s4, s2  }
0xdc: {  	[tilespmem:s0+$0x10540] =	vst @!p0 v41;
	s4 =	simm.s32 $0x4400;
	s1 =	sadd.s32 s18, s1;
	s0 =	sshll.u32 s26, $0x7  }
0xdd: {  	[tilespmem:s4], [sflag:$0x5] =	stream.strided.gather [hbm4b:s1+s16], $0x1000, s15, s16, $0x38;
	[tilespmem:$0x12700] =	vst v63  }
0xde: {  	s0 =	sand.u32 $0x1FFFFF80, s0  }
0xdf: {  	s6 =	simm.s32 $0xC400;
	s0 =	sadd.s32 s21, s0  }
0xe0: {  	[tilespmem:s6], [sflag:$0x5] =	stream.strided.gather [hbm4b:s0+s16], $0x1000, s15, s16, $0x38;
	[tilespmem:$0x12700] =	vst v63  }
0xe1: {  	[dreg:$0x18] =	wrdreg s17;
	s0 =	spop @!p0 (v2sf)  }
0xe2: {  	[dreg:$0x19] =	wrdreg s8;
	s2 =	simm.s32 @!p0 $0x6;
	s1 =	spop @!p0 (v2sf)  }
0xe3: {  	_ =	swait.ge @!p0 [sflag:s2], $0x1000  }
0xe4: {  	[sflag:s2] =	ssyncset.done @!p0 $0x0  }
0xe5: {  	[sflag:s2] =	ssyncadd.s32 @!p0 $0xFFFFF000  }
0xe6: {  	_ =	swait.ge @!p0 [sflag:s2], $0x1000  }
0xe7: {  	(v2sf) =	vpush v36, $0x5;
	_ =	sdelay $0x1  }
0xe8: {  	(v2sf) =	vpush v37, $0x5  }
0xe9: {  	s4 =	sshra.s32 @!p0 s0, $0x1F  }
0xea: {  	s4 =	sshrl.u32 @!p0 s4, $0x19  }
0xeb: {  	s6 =	sshra.s32 @!p0 s1, $0x1F;
	s4 =	sadd.s32 @!p0 s4, s0  }
0xec: {  	s6 =	sshrl.u32 @!p0 s6, $0x19;
	s4 =	sand.u32 @!p0 $0xFFFFFF80, s4  }
0xed: {  	v43 =	vor.u32 @!p0 $0x5800, v38;
	v41 =	vor.u32 @!p0 $0x5000, v38;
	s0 =	ssub.s32 @!p0 s0, s4;
	s4 =	sadd.s32 @!p0 s6, s1;
	s6 =	sadd.s32 @!p0 $0x4, s12  }
0xee: {  	s4 =	sand.u32 @!p0 $0xFFFFFF80, s4;
	v42 =	vadd.s32 @!p0 s0, v41;
	v44 =	vadd.s32 @!p0 s0, v43;
	s0 =	sshll.u32 @!p0 s6, $0x10  }
0xef: {  	s1 =	ssub.s32 @!p0 s1, s4;
	s0 =	sshra.s32 @!p0 s0, $0x1F  }
0xf0: {  	v41 =	vadd.s32 @!p0 s1, v41;
	s0 =	sand.u32 @!p0 $0x7, s0  }
0xf1: {  	[sflag:s2] =	ssyncset.done @!p0 $0x0;
	v43 =	vadd.s32 @!p0 s1, v43;
	s0 =	sadd.s32 @!p0 s0, s6  }
0xf2: {  	[sflag:s2] =	ssyncadd.s32 @!p0 $0xFFFFF000;
	s1 =	sand.u32 @!p0 $0xFFF8, s0  }
0xf3: {  	s0 =	sshll.u32 @!p0 s0, $0x10;
	v42 =	vld.idx.msk @!p0 [tilespmem:v42+s29+$0x0], $0xffff;
	s1 =	ssub.s32 @!p0 s6, s1  }
0xf4: {  	s4 =	sshra.s32 @!p0 s6, $0x1F;
	v44 =	vld.idx.msk @!p0 [tilespmem:v44+s29+$0x0], $0xffff;
	s0 =	sshra.s32 @!p0 s0, $0x13;
	s1 =	sand.u32 @!p0 $0xFF80, s1  }
0xf5: {  	s0 =	sadd.s32 @!p0 s0, s4;
	v41 =	vld.idx.msk @!p0 [tilespmem:v41+s28+$0x0], $0xffff;
	s1 =	sshll.u32 @!p0 s1, $0x10;
	s2 =	spop (v2sf)  }
0xf6: {  	v43 =	vld.idx.msk @!p0 [tilespmem:v43+s28+$0x0], $0xffff;
	s6 =	sshll.u32 @!p0 s0, $0x9;
	s1 =	sshra.s32 @!p0 s1, $0x10;
	s8 =	sshra.s32 s2, $0x1F  }
0xf7: {  	s6 =	sshra.s32 @!p0 s6, $0x2;
	(v2sf) =	vpush @!p0 v40, $0xE;
	s0 =	spop (v2sf);
	s11 =	sshrl.u32 s8, $0x19  }
0xf8: {  	s1 =	sadd.s32 @!p0 s1, s6;
	(v2sf) =	vpush @!p0 v39, $0xE;
	s14 =	sshra.s32 s0, $0x1F;
	s4 =	sadd.s32 s11, s2  }
0xf9: {  	p5 =	slt.s32 s2, $0x1;
	s8 =	sshrl.u32 s14, $0x19;
	s11 =	sand.u32 $0xFFFFFF80, s4  }
0xfa: {  	p3 =	slt.s32 s0, $0x1;
	s8 =	sadd.s32 s8, s0;
	p6 =	sne.s32 s2, s11  }
0xfb: {  	v41 =	vmul.f32 @!p0 v41, v42;
	v42 =	vmul.f32 @!p0 v43, v44;
	[dreg:$0x1a] =	wrdreg s11;
	s14 =	sand.u32 $0xFFFFFF80, s8;
	p1 =	por !p5, !p6  }
0xfc: {  	s11 =	simm.s32 $0x1;
	p4 =	sne.s32 s0, s14;
	p1 =	por !p1, !p1  }
0xfd: {  	v41 =	vmul.f32 @!p0 v41, v34;
	v42 =	vmul.f32 @!p0 v42, v35;
	s4 =	sshrl.u32 s4, $0x7;
	s11 =	simm.s32 @!p1 $0x0;
	p1 =	por !p3, !p4  }
0xfe: {  	s6 =	simm.s32 $0x1;
	s4 =	ssub.s32 s4, s11;
	p1 =	por !p1, !p1  }
0xff: {  	v41 =	vadd.f32 @!p0 v42, v41;
	s8 =	sshrl.u32 s8, $0x7;
	s4 =	sshll.u32 s4, $0x7;
	s6 =	simm.s32 @!p1 $0x0  }
0x100: {  	s4 =	sand.u32 $0x1FFFFF80, s4;
	s17 =	ssub.s32 s8, s6  }
0x101: {  	s22 =	simm.s32 $0x5400;
	[tilespmem:s1+$0x10550] =	vst @!p0 v41;
	s4 =	sadd.s32 s18, s4;
	s1 =	sshll.u32 s17, $0x7  }
0x102: {  	[tilespmem:s22], [sflag:$0x6] =	stream.strided.gather [hbm4b:s4+s16], $0x1000, s15, s16, $0x38;
	[tilespmem:$0x12700] =	vst v63  }
0x103: {  	s1 =	sand.u32 $0x1FFFFF80, s1  }
0x104: {  	s25 =	simm.s32 $0xD400;
	s1 =	sadd.s32 s21, s1  }
0x105: {  	[tilespmem:s25], [sflag:$0x6] =	stream.strided.gather [hbm4b:s1+s16], $0x1000, s15, s16, $0x38;
	[tilespmem:$0x12700] =	vst v63  }
0x106: {  	s1 =	spop @!p0 (v2sf)  }
0x107: {  	s6 =	simm.s32 @!p0 $0x7;
	s4 =	spop @!p0 (v2sf)  }
0x108: {  	_ =	swait.ge @!p0 [sflag:s6], $0x1000  }
0x109: {  	[sflag:s6] =	ssyncset.done @!p0 $0x0  }
0x10a: {  	[sflag:s6] =	ssyncadd.s32 @!p0 $0xFFFFF000  }
0x10b: {  	_ =	swait.ge @!p0 [sflag:s6], $0x1000  }
0x10c: {  	(v2sf) =	vpush v36, $0x6;
	_ =	sdelay $0x2  }
0x10d: {  	s8 =	sshra.s32 @!p0 s1, $0x1F;
	(v2sf) =	vpush v37, $0x6  }
0x10e: {  	s8 =	sshrl.u32 @!p0 s8, $0x19  }
0x10f: {  	s11 =	sshra.s32 @!p0 s4, $0x1F;
	s8 =	sadd.s32 @!p0 s8, s1  }
0x110: {  	s11 =	sshrl.u32 @!p0 s11, $0x19;
	s8 =	sand.u32 @!p0 $0xFFFFFF80, s8  }
0x111: {  	v41 =	vor.u32 @!p0 $0x6000, v38;
	s1 =	ssub.s32 @!p0 s1, s8;
	s8 =	sadd.s32 @!p0 s11, s4  }
0x112: {  	v43 =	vor.u32 @!p0 $0x6800, v38;
	s8 =	sand.u32 @!p0 $0xFFFFFF80, s8;
	v42 =	vadd.s32 @!p0 s1, v41  }
0x113: {  	s11 =	sadd.s32 @!p0 $0x5, s12;
	v44 =	vadd.s32 @!p0 s1, v43;
	s4 =	ssub.s32 @!p0 s4, s8  }
0x114: {  	s1 =	sshll.u32 @!p0 s11, $0x10;
	v41 =	vadd.s32 @!p0 s4, v41  }
0x115: {  	[sflag:s6] =	ssyncset.done @!p0 $0x0;
	s1 =	sshra.s32 @!p0 s1, $0x1F;
	v43 =	vadd.s32 @!p0 s4, v43  }
0x116: {  	[sflag:s6] =	ssyncadd.s32 @!p0 $0xFFFFF000;
	s1 =	sand.u32 @!p0 $0x7, s1  }
0x117: {  	s1 =	sadd.s32 @!p0 s1, s11;
	v42 =	vld.idx.msk @!p0 [tilespmem:v42+s29+$0x0], $0xffff  }
0x118: {  	s6 =	sshra.s32 @!p0 s11, $0x1F;
	s4 =	sand.u32 @!p0 $0xFFF8, s1;
	s1 =	sshll.u32 @!p0 s1, $0x10;
	v44 =	vld.idx.msk @!p0 [tilespmem:v44+s29+$0x0], $0xffff  }
0x119: {  	s4 =	ssub.s32 @!p0 s11, s4;
	s1 =	sshra.s32 @!p0 s1, $0x13;
	v41 =	vld.idx.msk @!p0 [tilespmem:v41+s28+$0x0], $0xffff;
	s25 =	spop (v2sf)  }
0x11a: {  	s4 =	sand.u32 @!p0 $0xFF80, s4;
	s1 =	sadd.s32 @!p0 s1, s6;
	v43 =	vld.idx.msk @!p0 [tilespmem:v43+s28+$0x0], $0xffff;
	s26 =	sshra.s32 s25, $0x1F  }
0x11b: {  	s4 =	sshll.u32 @!p0 s4, $0x10;
	s1 =	sshll.u32 @!p0 s1, $0x9;
	s11 =	sshrl.u32 s26, $0x19  }
0x11c: {  	s4 =	sshra.s32 @!p0 s4, $0x10;
	(v2sf) =	vpush @!p0 v40, $0xF;
	s26 =	spop (v2sf);
	s6 =	sadd.s32 s11, s25  }
0x11d: {  	s1 =	sshra.s32 @!p0 s1, $0x2;
	(v2sf) =	vpush @!p0 v39, $0xF;
	s17 =	sshra.s32 s26, $0x1F;
	s22 =	sand.u32 $0xFFFFFF80, s6  }
0x11e: {  	p5 =	slt.s32 s25, $0x1;
	s8 =	sshrl.u32 s17, $0x19;
	p6 =	sne.s32 s25, s22  }
0x11f: {  	v40 =	vmul.f32 @!p0 v43, v44;
	v39 =	vmul.f32 @!p0 v41, v42;
	s11 =	simm.s32 $0x1;
	s8 =	sadd.s32 s8, s26;
	p1 =	por !p5, !p6  }
0x120: {  	p3 =	slt.s32 s26, $0x1;
	s17 =	sand.u32 $0xFFFFFF80, s8;
	p1 =	por !p1, !p1  }
0x121: {  	v40 =	vmul.f32 @!p0 v40, v35;
	s6 =	sshrl.u32 s6, $0x7;
	v39 =	vmul.f32 @!p0 v39, v34;
	p4 =	sne.s32 s26, s17;
	s11 =	simm.s32 @!p1 $0x0  }
0x122: {  	s1 =	sadd.s32 @!p0 s4, s1;
	p1 =	por !p3, !p4;
	s6 =	ssub.s32 s6, s11  }
0x123: {  	v39 =	vadd.f32 @!p0 v40, v39;
	p1 =	por !p1, !p1;
	s4 =	sshll.u32 s6, $0x7;
	s6 =	simm.s32 $0x1  }
0x124: {  	s8 =	sshrl.u32 s8, $0x7;
	s6 =	simm.s32 @!p1 $0x0;
	s4 =	sand.u32 $0x1FFFFF80, s4  }
0x125: {  	[tilespmem:s1+$0x10560] =	vst @!p0 v39;
	s11 =	ssub.s32 s8, s6;
	s4 =	sadd.s32 s18, s4;
	s8 =	simm.s32 $0x6400  }
0x126: {  	[tilespmem:s8], [sflag:$0x7] =	stream.strided.gather [hbm4b:s4+s16], $0x1000, s15, s16, $0x38;
	[tilespmem:$0x12700] =	vst v63  }
0x127: {  	s1 =	sshll.u32 s11, $0x7  }
0x128: {  	s1 =	sand.u32 $0x1FFFFF80, s1  }
0x129: {  	s11 =	simm.s32 $0xE400;
	s1 =	sadd.s32 s21, s1  }
0x12a: {  	[tilespmem:s11], [sflag:$0x7] =	stream.strided.gather [hbm4b:s1+s16], $0x1000, s15, s16, $0x38;
	[tilespmem:$0x12700] =	vst v63  }
0x12b: {  	s1 =	spop @!p0 (v2sf)  }
0x12c: {  	s6 =	simm.s32 @!p0 $0x8;
	s4 =	spop @!p0 (v2sf)  }
0x12d: {  	_ =	swait.ge @!p0 [sflag:s6], $0x1000  }
0x12e: {  	[sflag:s6] =	ssyncset.done @!p0 $0x0  }
0x12f: {  	[sflag:s6] =	ssyncadd.s32 @!p0 $0xFFFFF000  }
0x130: {  	_ =	swait.ge @!p0 [sflag:s6], $0x1000  }
0x131: {  	(v2sf) =	vpush v36, $0x7;
	_ =	sdelay $0x2  }
0x132: {  	s8 =	sshra.s32 @!p0 s1, $0x1F;
	(v2sf) =	vpush v37, $0x7  }
0x133: {  	s8 =	sshrl.u32 @!p0 s8, $0x19  }
0x134: {  	s11 =	sshra.s32 @!p0 s4, $0x1F;
	s8 =	sadd.s32 @!p0 s8, s1  }
0x135: {  	s11 =	sshrl.u32 @!p0 s11, $0x19;
	s8 =	sand.u32 @!p0 $0xFFFFFF80, s8  }
0x136: {  	v39 =	vor.u32 @!p0 $0x7000, v38;
	s1 =	ssub.s32 @!p0 s1, s8;
	s8 =	sadd.s32 @!p0 s11, s4  }
0x137: {  	v38 =	vor.u32 @!p0 $0x7800, v38;
	s11 =	sadd.s32 @!p0 $0x6, s12;
	s8 =	sand.u32 @!p0 $0xFFFFFF80, s8;
	v40 =	vadd.s32 @!p0 s1, v39  }
0x138: {  	v41 =	vadd.s32 @!p0 s1, v38;
	s1 =	sshll.u32 @!p0 s11, $0x10;
	s4 =	ssub.s32 @!p0 s4, s8  }
0x139: {  	s1 =	sshra.s32 @!p0 s1, $0x1F;
	v39 =	vadd.s32 @!p0 s4, v39  }
0x13a: {  	[sflag:s6] =	ssyncset.done @!p0 $0x0;
	v38 =	vadd.s32 @!p0 s4, v38;
	s1 =	sand.u32 @!p0 $0x7, s1  }
0x13b: {  	[sflag:s6] =	ssyncadd.s32 @!p0 $0xFFFFF000;
	s1 =	sadd.s32 @!p0 s1, s11  }
0x13c: {  	s10 =	smov.u32 s21;
	s4 =	sand.u32 @!p0 $0xFFF8, s1;
	s1 =	sshll.u32 @!p0 s1, $0x10;
	v40 =	vld.idx.msk @!p0 [tilespmem:v40+s29+$0x0], $0xffff  }
0x13d: {  	s6 =	sshra.s32 @!p0 s11, $0x1F;
	v41 =	vld.idx.msk @!p0 [tilespmem:v41+s29+$0x0], $0xffff;
	s4 =	ssub.s32 @!p0 s11, s4;
	s1 =	sshra.s32 @!p0 s1, $0x13  }
0x13e: {  	s4 =	sand.u32 @!p0 $0xFF80, s4;
	s1 =	sadd.s32 @!p0 s1, s6;
	v39 =	vld.idx.msk @!p0 [tilespmem:v39+s28+$0x0], $0xffff;
	s29 =	spop (v2sf)  }
0x13f: {  	v38 =	vld.idx.msk @!p0 [tilespmem:v38+s28+$0x0], $0xffff;
	s4 =	sshll.u32 @!p0 s4, $0x10;
	s1 =	sshll.u32 @!p0 s1, $0x9;
	s21 =	sshra.s32 s29, $0x1F  }
0x140: {  	s4 =	sshra.s32 @!p0 s4, $0x10;
	s1 =	sshra.s32 @!p0 s1, $0x2;
	s11 =	sshrl.u32 s21, $0x19  }
0x141: {  	s1 =	sadd.s32 @!p0 s4, s1;
	s28 =	spop (v2sf);
	s6 =	sadd.s32 s11, s29  }
0x142: {  	p5 =	slt.s32 s29, $0x1;
	s21 =	sshra.s32 s28, $0x1F;
	s11 =	sand.u32 $0xFFFFFF80, s6  }
0x143: {  	p3 =	slt.s32 s28, $0x1;
	s8 =	sshrl.u32 s21, $0x19;
	p6 =	sne.s32 s29, s11  }
0x144: {  	v39 =	vmul.f32 @!p0 v39, v40;
	v38 =	vmul.f32 @!p0 v38, v41;
	s8 =	sadd.s32 s8, s28;
	[dreg:$0x1b] =	wrdreg s11;
	p1 =	por !p5, !p6  }
0x145: {  	s21 =	sand.u32 $0xFFFFFF80, s8;
	s11 =	simm.s32 $0x1;
	p1 =	por !p1, !p1  }
0x146: {  	v39 =	vmul.f32 @!p0 v39, v34;
	v38 =	vmul.f32 @!p0 v38, v35;
	s6 =	sshrl.u32 s6, $0x7;
	p4 =	sne.s32 s28, s21;
	s11 =	simm.s32 @!p1 $0x0  }
0x147: {  	s8 =	sshrl.u32 s8, $0x7;
	p1 =	por !p3, !p4;
	s6 =	ssub.s32 s6, s11  }
0x148: {  	v38 =	vadd.f32 @!p0 v38, v39;
	p1 =	por !p1, !p1;
	s4 =	sshll.u32 s6, $0x7;
	s6 =	simm.s32 $0x1  }
0x149: {  	[dreg:$0x1d] =	wrdreg s21;
	s6 =	simm.s32 @!p1 $0x0;
	s4 =	sand.u32 $0x1FFFFF80, s4  }
0x14a: {  	[tilespmem:s1+$0x10570] =	vst @!p0 v38;
	s21 =	simm.s32 $0x7400;
	s11 =	ssub.s32 s8, s6;
	s4 =	sadd.s32 s18, s4  }
0x14b: {  	[tilespmem:s21], [sflag:$0x8] =	stream.strided.gather [hbm4b:s4+s16], $0x1000, s15, s16, $0x38;
	[tilespmem:$0x12700] =	vst v63  }
0x14c: {  	s1 =	sshll.u32 s11, $0x7  }
0x14d: {  	s1 =	sand.u32 $0x1FFFFF80, s1  }
0x14e: {  	s6 =	simm.s32 $0xF400;
	s8 =	simm.s32 $0x1;
	s1 =	sadd.s32 s10, s1  }
0x14f: {  	[tilespmem:s6], [sflag:$0x8] =	stream.strided.gather [hbm4b:s1+s16], $0x1000, s15, s16, $0x38;
	[tilespmem:$0x12700] =	vst v63  }
0x150: {  	_ =	swait.ge [sflag:s8], $0x1000  }
0x151: {  	[sflag:s8] =	ssyncset.done $0x0  }
0x152: {  	[sflag:s8] =	ssyncadd.s32 $0xFFFFF000  }
0x153: {  	_ =	swait.ge [sflag:s8], $0x1000  }
0x154: {  	(v2sf) =	vpush v37, $0x8  }
0x155: {  	(v2sf) =	vpush v36, $0x8;
	_ =	sdelay $0x2  }
0x156: {  	s11 =	rddreg [dreg:$0x10]  }
0x157: {  	s1 =	ssub.s32 s19, s11  }
0x158: {  	s21 =	rddreg [dreg:$0x11];
	v52 =	vadd.s32 s1, v1  }
0x159: {  	s4 =	ssub.s32 s20, s21;
	v53 =	vadd.s32 s1, v2  }
0x15a: {  	v54 =	vadd.s32 s4, v1  }
0x15b: {  	[sflag:s8] =	ssyncset.done $0x0;
	v55 =	vadd.s32 s4, v2  }
0x15c: {  	[sflag:s8] =	ssyncadd.s32 $0xFFFFF000  }
0x15d: {  	v38 =	vld.idx.msk [tilespmem:v52+s16+$0x0], $0xffff  }
0x15e: {  	s4 =	simm.s32 $0x8400;
	v39 =	vld.idx.msk [tilespmem:v53+s16+$0x0], $0xffff  }
0x15f: {  	v40 =	vld.idx.msk [tilespmem:v54+s4+$0x0], $0xffff  }
0x160: {  	v41 =	vld.idx.msk [tilespmem:v55+s4+$0x0], $0xffff  }
0x161: {  	s19 =	spop (v2sf)  }
0x162: {  	s20 =	spop (v2sf)  }
0x163: {  	s6 =	sand.u32 $0x7F, s20  }
0x164: {  	p6 =	slt.s32 s20, $0x1;
	s8 =	sshra.s32 s20, $0x1F;
	p5 =	sne.s32 s6, $0x0  }
0x165: {  	v38 =	vmul.f32 v40, v38;
	v39 =	vmul.f32 v41, v39;
	s1 =	sshrl.u32 s8, $0x19;
	p0 =	por !p6, !p5  }
0x166: {  	s4 =	simm.s32 $0x1;
	s1 =	sadd.s32 s1, s20;
	p0 =	por !p0, !p0  }
0x167: {  	v38 =	vmul.f32 v38, v34;
	v39 =	vmul.f32 v39, v35;
	s1 =	sshra.s32 s1, $0x7;
	s4 =	simm.s32 @!p0 $0x0  }
0x168: {  	[dreg:$0x1c] =	wrdreg s1;
	s1 =	ssub.s32 s1, s4  }
0x169: {  	s11 =	rddreg [dreg:$0xe];
	v38 =	vadd.f32 v39, v38;
	s1 =	sshll.u32 s1, $0x7  }
0x16a: {  	p2 =	slt.s32 s19, $0x1;
	s6 =	sand.u32 $0x7F, s19;
	s1 =	sand.u32 $0x1FFFFF80, s1  }
0x16b: {  	[tilespmem:s11+$0xFFFFFF90] =	vst v38;
	s8 =	sshra.s32 s19, $0x1F;
	p1 =	sne.s32 s6, $0x0;
	s1 =	sadd.s32 s18, s1  }
0x16c: {  	[tilespmem:s16], [sflag:$0x1] =	stream.strided.gather [hbm4b:s1+s16], $0x1000, s15, s16, $0x38;
	[tilespmem:$0x12700] =	vst v63  }
0x16d: {  	p0 =	por !p2, !p1;
	s1 =	sshrl.u32 s8, $0x19  }
0x16e: {  	p0 =	por !p0, !p0;
	s4 =	simm.s32 $0x1;
	s1 =	sadd.s32 s1, s19  }
0x16f: {  	s4 =	simm.s32 @!p0 $0x0;
	s1 =	sshra.s32 s1, $0x7  }
0x170: {  	[dreg:$0x1e] =	wrdreg s1;
	s1 =	ssub.s32 s1, s4  }
0x171: {  	s1 =	sshll.u32 s1, $0x7  }
0x172: {  	s1 =	sand.u32 $0x1FFFFF80, s1  }
0x173: {  	s21 =	simm.s32 $0x8400;
	s11 =	simm.s32 $0x2;
	s1 =	sadd.s32 s10, s1  }
0x174: {  	[tilespmem:s21], [sflag:$0x1] =	stream.strided.gather [hbm4b:s1+s16], $0x1000, s15, s16, $0x38;
	[tilespmem:$0x12700] =	vst v63  }
0x175: {  	_ =	swait.ge [sflag:s11], $0x1000  }
0x176: {  	[sflag:s11] =	ssyncset.done $0x0  }
0x177: {  	[sflag:s11] =	ssyncadd.s32 $0xFFFFF000  }
0x178: {  	_ =	swait.ge [sflag:s11], $0x1000  }
0x179: {  	(v2sf) =	vpush v37, $0x9  }
0x17a: {  	(v2sf) =	vpush v36, $0x9;
	_ =	sdelay $0x2  }
0x17b: {  	s4 =	rddreg [dreg:$0x12]  }
0x17c: {  	s1 =	ssub.s32 s23, s4  }
0x17d: {  	s8 =	rddreg [dreg:$0x13];
	v56 =	vadd.s32 s1, v3  }
0x17e: {  	s4 =	ssub.s32 s24, s8;
	v57 =	vadd.s32 s1, v4  }
0x17f: {  	v58 =	vadd.s32 s4, v3  }
0x180: {  	[sflag:s11] =	ssyncset.done $0x0;
	v59 =	vadd.s32 s4, v4  }
0x181: {  	[sflag:s11] =	ssyncadd.s32 $0xFFFFF000  }
0x182: {  	v38 =	vld.idx.msk [tilespmem:v56+s16+$0x0], $0xffff  }
0x183: {  	v39 =	vld.idx.msk [tilespmem:v57+s16+$0x0], $0xffff  }
0x184: {  	v40 =	vld.idx.msk [tilespmem:v58+s21+$0x0], $0xffff  }
0x185: {  	v41 =	vld.idx.msk [tilespmem:v59+s21+$0x0], $0xffff  }
0x186: {  	s23 =	spop (v2sf)  }
0x187: {  	s24 =	spop (v2sf)  }
0x188: {  	s11 =	sand.u32 $0x7F, s24  }
0x189: {  	p4 =	slt.s32 s24, $0x1;
	s4 =	sshra.s32 s24, $0x1F;
	p3 =	sne.s32 s11, $0x0  }
0x18a: {  	v38 =	vmul.f32 v40, v38;
	v39 =	vmul.f32 v41, v39;
	s1 =	sshrl.u32 s4, $0x19;
	p0 =	por !p4, !p3  }
0x18b: {  	s4 =	simm.s32 $0x1;
	s1 =	sadd.s32 s1, s24;
	p0 =	por !p0, !p0  }
0x18c: {  	v38 =	vmul.f32 v38, v34;
	v39 =	vmul.f32 v39, v35;
	s1 =	sshra.s32 s1, $0x7;
	s4 =	simm.s32 @!p0 $0x0  }
0x18d: {  	[dreg:$0x1f] =	wrdreg s1;
	s1 =	ssub.s32 s1, s4  }
0x18e: {  	s6 =	rddreg [dreg:$0xe];
	s8 =	simm.s32 $0x1400;
	v38 =	vadd.f32 v39, v38;
	s1 =	sshll.u32 s1, $0x7  }
0x18f: {  	p6 =	slt.s32 s23, $0x1;
	s11 =	sand.u32 $0x7F, s23;
	s1 =	sand.u32 $0x1FFFFF80, s1  }
0x190: {  	[tilespmem:s6+$0xFFFFFFA0] =	vst v38;
	p5 =	sne.s32 s11, $0x0;
	s4 =	sshra.s32 s23, $0x1F;
	s1 =	sadd.s32 s18, s1  }
0x191: {  	[tilespmem:s8], [sflag:$0x2] =	stream.strided.gather [hbm4b:s1+s16], $0x1000, s15, s16, $0x38;
	[tilespmem:$0x12700] =	vst v63  }
0x192: {  	p0 =	por !p6, !p5;
	s1 =	sshrl.u32 s4, $0x19  }
0x193: {  	p0 =	por !p0, !p0;
	s4 =	simm.s32 $0x1;
	s1 =	sadd.s32 s1, s23  }
0x194: {  	s4 =	simm.s32 @!p0 $0x0;
	s1 =	sshra.s32 s1, $0x7  }
0x195: {  	[smem:$0x7F8] =	sst s1;
	s1 =	ssub.s32 s1, s4  }
0x196: {  	s1 =	sshll.u32 s1, $0x7  }
0x197: {  	s1 =	sand.u32 $0x1FFFFF80, s1  }
0x198: {  	s6 =	simm.s32 $0x9400;
	s1 =	sadd.s32 s10, s1  }
0x199: {  	[tilespmem:s6], [sflag:$0x2] =	stream.strided.gather [hbm4b:s1+s16], $0x1000, s15, s16, $0x38;
	[tilespmem:$0x12700] =	vst v63  }
0x19a: {  	s6 =	simm.s32 $0x3  }
0x19b: {  	_ =	swait.ge [sflag:s6], $0x1000  }
0x19c: {  	[sflag:s6] =	ssyncset.done $0x0  }
0x19d: {  	[sflag:s6] =	ssyncadd.s32 $0xFFFFF000  }
0x19e: {  	_ =	swait.ge [sflag:s6], $0x1000  }
0x19f: {  	(v2sf) =	vpush v37, $0xA  }
0x1a0: {  	(v2sf) =	vpush v36, $0xA;
	_ =	sdelay $0x2  }
0x1a1: {  	s8 =	rddreg [dreg:$0x14]  }
0x1a2: {  	s1 =	ssub.s32 s30, s8  }
0x1a3: {  	s11 =	rddreg [dreg:$0x15];
	v60 =	vadd.s32 s1, v5  }
0x1a4: {  	s4 =	ssub.s32 s31, s11;
	v61 =	vadd.s32 s1, v6  }
0x1a5: {  	v62 =	vadd.s32 s4, v5  }
0x1a6: {  	[sflag:s6] =	ssyncset.done $0x0;
	v63 =	vadd.s32 s4, v6  }
0x1a7: {  	[sflag:s6] =	ssyncadd.s32 $0xFFFFF000  }
0x1a8: {  	v38 =	vld.idx.msk [tilespmem:v60+s16+$0x0], $0xffff  }
0x1a9: {  	v39 =	vld.idx.msk [tilespmem:v61+s16+$0x0], $0xffff  }
0x1aa: {  	v40 =	vld.idx.msk [tilespmem:v62+s21+$0x0], $0xffff  }
0x1ab: {  	v41 =	vld.idx.msk [tilespmem:v63+s21+$0x0], $0xffff  }
0x1ac: {  	s30 =	spop (v2sf)  }
0x1ad: {  	s31 =	spop (v2sf)  }
0x1ae: {  	s4 =	sand.u32 $0x7F, s31  }
0x1af: {  	p2 =	slt.s32 s31, $0x1;
	s6 =	sshra.s32 s31, $0x1F;
	p1 =	sne.s32 s4, $0x0  }
0x1b0: {  	v38 =	vmul.f32 v40, v38;
	v39 =	vmul.f32 v41, v39;
	s1 =	sshrl.u32 s6, $0x19;
	p0 =	por !p2, !p1  }
0x1b1: {  	s4 =	simm.s32 $0x1;
	s1 =	sadd.s32 s1, s31;
	p0 =	por !p0, !p0  }
0x1b2: {  	v38 =	vmul.f32 v38, v34;
	v39 =	vmul.f32 v39, v35;
	s1 =	sshra.s32 s1, $0x7;
	s4 =	simm.s32 @!p0 $0x0  }
0x1b3: {  	[smem:$0x7F9] =	sst s1;
	s1 =	ssub.s32 s1, s4  }
0x1b4: {  	s8 =	rddreg [dreg:$0xe];
	s11 =	simm.s32 $0x2400;
	v38 =	vadd.f32 v39, v38;
	s1 =	sshll.u32 s1, $0x7  }
0x1b5: {  	p4 =	slt.s32 s30, $0x1;
	s4 =	sand.u32 $0x7F, s30;
	s1 =	sand.u32 $0x1FFFFF80, s1  }
0x1b6: {  	[tilespmem:s8+$0xFFFFFFB0] =	vst v38;
	s6 =	sshra.s32 s30, $0x1F;
	p3 =	sne.s32 s4, $0x0;
	s1 =	sadd.s32 s18, s1  }
0x1b7: {  	[tilespmem:s11], [sflag:$0x3] =	stream.strided.gather [hbm4b:s1+s16], $0x1000, s15, s16, $0x38;
	[tilespmem:$0x12700] =	vst v63  }
0x1b8: {  	p0 =	por !p4, !p3;
	s1 =	sshrl.u32 s6, $0x19  }
0x1b9: {  	s4 =	simm.s32 $0x1;
	p0 =	por !p0, !p0;
	s1 =	sadd.s32 s1, s30  }
0x1ba: {  	s4 =	simm.s32 @!p0 $0x0;
	s1 =	sshra.s32 s1, $0x7  }
0x1bb: {  	[smem:$0x7FA] =	sst s1;
	s1 =	ssub.s32 s1, s4  }
0x1bc: {  	s1 =	sshll.u32 s1, $0x7  }
0x1bd: {  	s1 =	sand.u32 $0x1FFFFF80, s1  }
0x1be: {  	s8 =	simm.s32 $0xA400;
	s11 =	simm.s32 $0x4;
	s1 =	sadd.s32 s10, s1  }
0x1bf: {  	[tilespmem:s8], [sflag:$0x3] =	stream.strided.gather [hbm4b:s1+s16], $0x1000, s15, s16, $0x38;
	[tilespmem:$0x12700] =	vst v63  }
0x1c0: {  	_ =	swait.ge [sflag:s11], $0x1000  }
0x1c1: {  	[sflag:s11] =	ssyncset.done $0x0  }
0x1c2: {  	[sflag:s11] =	ssyncadd.s32 $0xFFFFF000  }
0x1c3: {  	_ =	swait.ge [sflag:s11], $0x1000  }
0x1c4: {  	(v2sf) =	vpush v37, $0xB  }
0x1c5: {  	(v2sf) =	vpush v36, $0xB;
	_ =	sdelay $0x2  }
0x1c6: {  	s6 =	rddreg [dreg:$0x16]  }
0x1c7: {  	s1 =	ssub.s32 s5, s6  }
0x1c8: {  	s8 =	rddreg [dreg:$0x17];
	v44 =	vadd.s32 s1, v7  }
0x1c9: {  	s3 =	ssub.s32 s3, s8;
	v45 =	vadd.s32 s1, v8  }
0x1ca: {  	v46 =	vadd.s32 s3, v7  }
0x1cb: {  	[sflag:s11] =	ssyncset.done $0x0;
	v47 =	vadd.s32 s3, v8  }
0x1cc: {  	[sflag:s11] =	ssyncadd.s32 $0xFFFFF000  }
0x1cd: {  	v38 =	vld.idx.msk [tilespmem:v44+s16+$0x0], $0xffff  }
0x1ce: {  	v39 =	vld.idx.msk [tilespmem:v45+s16+$0x0], $0xffff  }
0x1cf: {  	v40 =	vld.idx.msk [tilespmem:v46+s21+$0x0], $0xffff  }
0x1d0: {  	v41 =	vld.idx.msk [tilespmem:v47+s21+$0x0], $0xffff  }
0x1d1: {  	s3 =	spop (v2sf)  }
0x1d2: {  	s5 =	spop (v2sf)  }
0x1d3: {  	s11 =	sand.u32 $0x7F, s5  }
0x1d4: {  	p6 =	slt.s32 s5, $0x1;
	s4 =	sshra.s32 s5, $0x1F;
	p5 =	sne.s32 s11, $0x0  }
0x1d5: {  	v38 =	vmul.f32 v40, v38;
	v39 =	vmul.f32 v41, v39;
	s1 =	sshrl.u32 s4, $0x19;
	p0 =	por !p6, !p5  }
0x1d6: {  	s4 =	simm.s32 $0x1;
	s1 =	sadd.s32 s1, s5;
	p0 =	por !p0, !p0  }
0x1d7: {  	v38 =	vmul.f32 v38, v34;
	v39 =	vmul.f32 v39, v35;
	s1 =	sshra.s32 s1, $0x7;
	s4 =	simm.s32 @!p0 $0x0  }
0x1d8: {  	[smem:$0x7FB] =	sst s1;
	s1 =	ssub.s32 s1, s4  }
0x1d9: {  	s6 =	rddreg [dreg:$0xe];
	s8 =	simm.s32 $0x3400;
	v38 =	vadd.f32 v39, v38;
	s1 =	sshll.u32 s1, $0x7  }
0x1da: {  	p2 =	slt.s32 s3, $0x1;
	s11 =	sand.u32 $0x7F, s3;
	s1 =	sand.u32 $0x1FFFFF80, s1  }
0x1db: {  	[tilespmem:s6+$0xFFFFFFC0] =	vst v38;
	p1 =	sne.s32 s11, $0x0;
	s4 =	sshra.s32 s3, $0x1F;
	s1 =	sadd.s32 s18, s1  }
0x1dc: {  	[tilespmem:s8], [sflag:$0x4] =	stream.strided.gather [hbm4b:s1+s16], $0x1000, s15, s16, $0x38;
	[tilespmem:$0x12700] =	vst v63  }
0x1dd: {  	p0 =	por !p2, !p1;
	s1 =	sshrl.u32 s4, $0x19  }
0x1de: {  	p0 =	por !p0, !p0;
	s4 =	simm.s32 $0x1;
	s1 =	sadd.s32 s1, s3  }
0x1df: {  	s4 =	simm.s32 @!p0 $0x0;
	s1 =	sshra.s32 s1, $0x7  }
0x1e0: {  	[smem:$0x7FC] =	sst s1;
	s1 =	ssub.s32 s1, s4  }
0x1e1: {  	s1 =	sshll.u32 s1, $0x7  }
0x1e2: {  	s1 =	sand.u32 $0x1FFFFF80, s1  }
0x1e3: {  	s6 =	simm.s32 $0xB400;
	s8 =	simm.s32 $0x5;
	s1 =	sadd.s32 s10, s1  }
0x1e4: {  	[tilespmem:s6], [sflag:$0x4] =	stream.strided.gather [hbm4b:s1+s16], $0x1000, s15, s16, $0x38;
	[tilespmem:$0x12700] =	vst v63  }
0x1e5: {  	_ =	swait.ge [sflag:s8], $0x1000  }
0x1e6: {  	[sflag:s8] =	ssyncset.done $0x0  }
0x1e7: {  	[sflag:s8] =	ssyncadd.s32 $0xFFFFF000  }
0x1e8: {  	_ =	swait.ge [sflag:s8], $0x1000  }
0x1e9: {  	(v2sf) =	vpush v37, $0xC  }
0x1ea: {  	(v2sf) =	vpush v36, $0xC;
	_ =	sdelay $0x2  }
0x1eb: {  	s11 =	rddreg [dreg:$0x18]  }
0x1ec: {  	s1 =	ssub.s32 s13, s11  }
0x1ed: {  	s13 =	rddreg [dreg:$0x19];
	v48 =	vadd.s32 s1, v9  }
0x1ee: {  	s4 =	ssub.s32 s7, s13;
	v49 =	vadd.s32 s1, v10  }
0x1ef: {  	v50 =	vadd.s32 s4, v9  }
0x1f0: {  	[sflag:s8] =	ssyncset.done $0x0;
	v51 =	vadd.s32 s4, v10  }
0x1f1: {  	[sflag:s8] =	ssyncadd.s32 $0xFFFFF000  }
0x1f2: {  	v38 =	vld.idx.msk [tilespmem:v48+s16+$0x0], $0xffff  }
0x1f3: {  	v39 =	vld.idx.msk [tilespmem:v49+s16+$0x0], $0xffff  }
0x1f4: {  	v40 =	vld.idx.msk [tilespmem:v50+s21+$0x0], $0xffff  }
0x1f5: {  	v41 =	vld.idx.msk [tilespmem:v51+s21+$0x0], $0xffff  }
0x1f6: {  	s7 =	spop (v2sf)  }
0x1f7: {  	s13 =	spop (v2sf)  }
0x1f8: {  	s4 =	sand.u32 $0x7F, s13  }
0x1f9: {  	p4 =	slt.s32 s13, $0x1;
	s6 =	sshra.s32 s13, $0x1F;
	p3 =	sne.s32 s4, $0x0  }
0x1fa: {  	v38 =	vmul.f32 v40, v38;
	v39 =	vmul.f32 v41, v39;
	s1 =	sshrl.u32 s6, $0x19;
	p0 =	por !p4, !p3  }
0x1fb: {  	s6 =	simm.s32 $0x1;
	s1 =	sadd.s32 s1, s13;
	p0 =	por !p0, !p0  }
0x1fc: {  	v38 =	vmul.f32 v38, v34;
	v39 =	vmul.f32 v39, v35;
	s1 =	sshra.s32 s1, $0x7;
	s6 =	simm.s32 @!p0 $0x0  }
0x1fd: {  	[smem:$0x7FD] =	sst s1;
	s1 =	ssub.s32 s1, s6  }
0x1fe: {  	s8 =	rddreg [dreg:$0xe];
	s11 =	simm.s32 $0x4400;
	v38 =	vadd.f32 v39, v38;
	s1 =	sshll.u32 s1, $0x7  }
0x1ff: {  	p6 =	slt.s32 s7, $0x1;
	s6 =	sand.u32 $0x7F, s7;
	s1 =	sand.u32 $0x1FFFFF80, s1  }
0x200: {  	[tilespmem:s8+$0xFFFFFFD0] =	vst v38;
	s8 =	sshra.s32 s7, $0x1F;
	p5 =	sne.s32 s6, $0x0;
	s1 =	sadd.s32 s18, s1  }
0x201: {  	[tilespmem:s11], [sflag:$0x5] =	stream.strided.gather [hbm4b:s1+s16], $0x1000, s15, s16, $0x38;
	[tilespmem:$0x12700] =	vst v63  }
0x202: {  	p0 =	por !p6, !p5;
	s1 =	sshrl.u32 s8, $0x19  }
0x203: {  	s6 =	simm.s32 $0x1;
	p0 =	por !p0, !p0;
	s1 =	sadd.s32 s1, s7  }
0x204: {  	s6 =	simm.s32 @!p0 $0x0;
	s1 =	sshra.s32 s1, $0x7  }
0x205: {  	s6 =	ssub.s32 s1, s6  }
0x206: {  	s6 =	sshll.u32 s6, $0x7  }
0x207: {  	s6 =	sand.u32 $0x1FFFFF80, s6  }
0x208: {  	s11 =	simm.s32 $0xC400;
	s8 =	simm.s32 $0x6;
	s6 =	sadd.s32 s10, s6  }
0x209: {  	[tilespmem:s11], [sflag:$0x5] =	stream.strided.gather [hbm4b:s6+s16], $0x1000, s15, s16, $0x38;
	[tilespmem:$0x12700] =	vst v63  }
0x20a: {  	_ =	swait.ge [sflag:s8], $0x1000  }
0x20b: {  	[sflag:s8] =	ssyncset.done $0x0  }
0x20c: {  	[sflag:s8] =	ssyncadd.s32 $0xFFFFF000  }
0x20d: {  	_ =	swait.ge [sflag:s8], $0x1000  }
0x20e: {  	(v2sf) =	vpush v37, $0xD  }
0x20f: {  	(v2sf) =	vpush v36, $0xD;
	_ =	sdelay $0x2  }
0x210: {  	s0 =	ssub.s32 s0, s14  }
0x211: {  	v54 =	vadd.s32 s0, v11;
	s11 =	rddreg [dreg:$0x1a]  }
0x212: {  	v55 =	vadd.s32 s0, v12;
	s2 =	ssub.s32 s2, s11  }
0x213: {  	v52 =	vadd.s32 s2, v11  }
0x214: {  	[sflag:s8] =	ssyncset.done $0x0;
	v53 =	vadd.s32 s2, v12  }
0x215: {  	[sflag:s8] =	ssyncadd.s32 $0xFFFFF000  }
0x216: {  	v40 =	vld.idx.msk [tilespmem:v54+s21+$0x0], $0xffff  }
0x217: {  	v41 =	vld.idx.msk [tilespmem:v55+s21+$0x0], $0xffff  }
0x218: {  	v38 =	vld.idx.msk [tilespmem:v52+s16+$0x0], $0xffff  }
0x219: {  	v39 =	vld.idx.msk [tilespmem:v53+s16+$0x0], $0xffff;
	_ =	sdelay $0x1  }
0x21a: {  	s0 =	spop (v2sf)  }
0x21b: {  	s2 =	spop (v2sf)  }
0x21c: {  	s8 =	sand.u32 $0x7F, s2  }
0x21d: {  	v38 =	vmul.f32 v40, v38;
	v39 =	vmul.f32 v41, v39;
	p2 =	slt.s32 s2, $0x1;
	s11 =	sshra.s32 s2, $0x1F;
	p1 =	sne.s32 s8, $0x0  }
0x21e: {  	s6 =	sshrl.u32 s11, $0x19;
	p0 =	por !p2, !p1  }
0x21f: {  	v38 =	vmul.f32 v38, v34;
	v39 =	vmul.f32 v39, v35;
	s8 =	simm.s32 $0x1;
	s6 =	sadd.s32 s6, s2;
	p0 =	por !p0, !p0  }
0x220: {  	s11 =	sshra.s32 s6, $0x7;
	s8 =	simm.s32 @!p0 $0x0  }
0x221: {  	v38 =	vadd.f32 v39, v38;
	s6 =	ssub.s32 s11, s8  }
0x222: {  	s14 =	rddreg [dreg:$0xe];
	p4 =	slt.s32 s0, $0x1;
	s6 =	sshll.u32 s6, $0x7  }
0x223: {  	s4 =	sshra.s32 s0, $0x1F;
	[tilespmem:s14+$0xFFFFFFE0] =	vst v38;
	s14 =	sand.u32 $0x7F, s0;
	s6 =	sand.u32 $0x1FFFFF80, s6  }
0x224: {  	p3 =	sne.s32 s14, $0x0;
	s8 =	simm.s32 $0x5400;
	s6 =	sadd.s32 s18, s6  }
0x225: {  	[tilespmem:s8], [sflag:$0x6] =	stream.strided.gather [hbm4b:s6+s16], $0x1000, s15, s16, $0x38;
	[tilespmem:$0x12700] =	vst v63  }
0x226: {  	p0 =	por !p4, !p3;
	s6 =	sshrl.u32 s4, $0x19  }
0x227: {  	p0 =	por !p0, !p0;
	s8 =	simm.s32 $0x1;
	s6 =	sadd.s32 s6, s0  }
0x228: {  	s8 =	simm.s32 @!p0 $0x0;
	s14 =	sshra.s32 s6, $0x7  }
0x229: {  	s6 =	ssub.s32 s14, s8  }
0x22a: {  	s6 =	sshll.u32 s6, $0x7  }
0x22b: {  	s6 =	sand.u32 $0x1FFFFF80, s6  }
0x22c: {  	s4 =	simm.s32 $0x7;
	s8 =	simm.s32 $0xD400;
	s6 =	sadd.s32 s10, s6  }
0x22d: {  	[tilespmem:s8], [sflag:$0x6] =	stream.strided.gather [hbm4b:s6+s16], $0x1000, s15, s16, $0x38;
	[tilespmem:$0x12700] =	vst v63  }
0x22e: {  	_ =	swait.ge [sflag:s4], $0x1000  }
0x22f: {  	[sflag:s4] =	ssyncset.done $0x0  }
0x230: {  	[sflag:s4] =	ssyncadd.s32 $0xFFFFF000  }
0x231: {  	_ =	swait.ge [sflag:s4], $0x1000  }
0x232: {  	(v2sf) =	vpush v37, $0xE  }
0x233: {  	(v2sf) =	vpush v36, $0xE;
	_ =	sdelay $0x3  }
0x234: {  	s25 =	ssub.s32 s25, s22  }
0x235: {  	v56 =	vadd.s32 s25, v13  }
0x236: {  	s26 =	ssub.s32 s26, s17;
	v57 =	vadd.s32 s25, v14  }
0x237: {  	v58 =	vadd.s32 s26, v13  }
0x238: {  	v59 =	vadd.s32 s26, v14;
	[sflag:s4] =	ssyncset.done $0x0  }
0x239: {  	[sflag:s4] =	ssyncadd.s32 $0xFFFFF000  }
0x23a: {  	v38 =	vld.idx.msk [tilespmem:v56+s16+$0x0], $0xffff  }
0x23b: {  	v39 =	vld.idx.msk [tilespmem:v57+s16+$0x0], $0xffff  }
0x23c: {  	v40 =	vld.idx.msk [tilespmem:v58+s21+$0x0], $0xffff  }
0x23d: {  	v41 =	vld.idx.msk [tilespmem:v59+s21+$0x0], $0xffff  }
0x23e: {  	s25 =	spop (v2sf)  }
0x23f: {  	s26 =	spop (v2sf)  }
0x240: {  	s4 =	sand.u32 $0x7F, s26  }
0x241: {  	p6 =	slt.s32 s26, $0x1;
	s8 =	sshra.s32 s26, $0x1F;
	p5 =	sne.s32 s4, $0x0  }
0x242: {  	v38 =	vmul.f32 v40, v38;
	v39 =	vmul.f32 v41, v39;
	s6 =	sshrl.u32 s8, $0x19;
	p0 =	por !p6, !p5  }
0x243: {  	s17 =	simm.s32 $0x1;
	s6 =	sadd.s32 s6, s26;
	p0 =	por !p0, !p0  }
0x244: {  	v38 =	vmul.f32 v38, v34;
	v39 =	vmul.f32 v39, v35;
	s8 =	sshra.s32 s6, $0x7;
	s17 =	simm.s32 @!p0 $0x0  }
0x245: {  	s6 =	ssub.s32 s8, s17  }
0x246: {  	s22 =	simm.s32 $0x6400;
	v38 =	vadd.f32 v39, v38;
	p2 =	slt.s32 s25, $0x1;
	s6 =	sshll.u32 s6, $0x7  }
0x247: {  	s4 =	sand.u32 $0x7F, s25;
	s17 =	rddreg [dreg:$0xe];
	s6 =	sand.u32 $0x1FFFFF80, s6  }
0x248: {  	p1 =	sne.s32 s4, $0x0;
	[tilespmem:s17+$0xFFFFFFF0] =	vst v38;
	s17 =	sshra.s32 s25, $0x1F;
	s6 =	sadd.s32 s18, s6  }
0x249: {  	[tilespmem:s22], [sflag:$0x7] =	stream.strided.gather [hbm4b:s6+s16], $0x1000, s15, s16, $0x38;
	[tilespmem:$0x12700] =	vst v63  }
0x24a: {  	p0 =	por !p2, !p1;
	s6 =	sshrl.u32 s17, $0x19  }
0x24b: {  	p0 =	por !p0, !p0;
	s22 =	simm.s32 $0x1;
	s6 =	sadd.s32 s6, s25  }
0x24c: {  	s22 =	simm.s32 @!p0 $0x0;
	s17 =	sshra.s32 s6, $0x7  }
0x24d: {  	s6 =	ssub.s32 s17, s22  }
0x24e: {  	s6 =	sshll.u32 s6, $0x7  }
0x24f: {  	s6 =	sand.u32 $0x1FFFFF80, s6  }
0x250: {  	s4 =	simm.s32 $0x8;
	s22 =	simm.s32 $0xE400;
	s6 =	sadd.s32 s10, s6  }
0x251: {  	[tilespmem:s22], [sflag:$0x7] =	stream.strided.gather [hbm4b:s6+s16], $0x1000, s15, s16, $0x38;
	[tilespmem:$0x12700] =	vst v63  }
0x252: {  	_ =	swait.ge [sflag:s4], $0x1000  }
0x253: {  	[sflag:s4] =	ssyncset.done $0x0  }
0x254: {  	[sflag:s4] =	ssyncadd.s32 $0xFFFFF000  }
0x255: {  	_ =	swait.ge [sflag:s4], $0x1000  }
0x256: {  	(v2sf) =	vpush v37, $0xF  }
0x257: {  	(v2sf) =	vpush v36, $0xF;
	_ =	sdelay $0x2  }
0x258: {  	s15 =	rddreg [dreg:$0x1b]  }
0x259: {  	s6 =	ssub.s32 s29, s15  }
0x25a: {  	s22 =	rddreg [dreg:$0x1d];
	v60 =	vadd.s32 s6, v15  }
0x25b: {  	s15 =	ssub.s32 s28, s22;
	v61 =	vadd.s32 s6, v17  }
0x25c: {  	v62 =	vadd.s32 s15, v15  }
0x25d: {  	[sflag:s4] =	ssyncset.done $0x0;
	v63 =	vadd.s32 s15, v17  }
0x25e: {  	[sflag:s4] =	ssyncadd.s32 $0xFFFFF000  }
0x25f: {  	v38 =	vld.idx.msk [tilespmem:v60+s16+$0x0], $0xffff  }
0x260: {  	v39 =	vld.idx.msk [tilespmem:v61+s16+$0x0], $0xffff  }
0x261: {  	v40 =	vld.idx.msk [tilespmem:v62+s21+$0x0], $0xffff  }
0x262: {  	v41 =	vld.idx.msk [tilespmem:v63+s21+$0x0], $0xffff  }
0x263: {  	s28 =	spop (v2sf)  }
0x264: {  	s29 =	spop (v2sf)  }
0x265: {  	s4 =	sand.u32 $0x7F, s29  }
0x266: {  	p4 =	slt.s32 s29, $0x1;
	s15 =	sshra.s32 s29, $0x1F;
	p3 =	sne.s32 s4, $0x0  }
0x267: {  	s21 =	smov.u32 s18;
	v38 =	vmul.f32 v40, v38;
	v39 =	vmul.f32 v41, v39;
	s6 =	sshrl.u32 s15, $0x19;
	p0 =	por !p4, !p3  }
0x268: {  	s18 =	simm.s32 $0x1;
	s6 =	sadd.s32 s6, s29;
	p0 =	por !p0, !p0  }
0x269: {  	v38 =	vmul.f32 v38, v34;
	v39 =	vmul.f32 v39, v35;
	s22 =	sshra.s32 s6, $0x7;
	s18 =	simm.s32 @!p0 $0x0  }
0x26a: {  	p6 =	slt.s32 s28, $0x1;
	s4 =	simm.s32 $0x7A1400;
	s6 =	ssub.s32 s22, s18  }
0x26b: {  	v38 =	vadd.f32 v39, v38;
	s15 =	smov.u32 s10;
	s10 =	sand.u32 $0x7F, s28;
	s6 =	sshll.u32 s6, $0x7  }
0x26c: {  	p5 =	sne.s32 s10, $0x0;
	s18 =	rddreg [dreg:$0xe];
	s6 =	sand.u32 $0x1FFFFF80, s6  }
0x26d: {  	[tilespmem:s18+$0x0] =	vst v38;
	s18 =	sshra.s32 s28, $0x1F;
	s6 =	sadd.s32 s21, s6;
	s21 =	simm.s32 $0x7400  }
0x26e: {  	[tilespmem:s21], [sflag:$0x8] =	stream.strided.gather [hbm4b:s6+s16], $0x1000, s4, s16, $0x38;
	[tilespmem:$0x12700] =	vst v63  }
0x26f: {  	p0 =	por !p6, !p5;
	s6 =	sshrl.u32 s18, $0x19  }
0x270: {  	p0 =	por !p0, !p0;
	s18 =	simm.s32 $0x1;
	s6 =	sadd.s32 s6, s28  }
0x271: {  	s18 =	simm.s32 @!p0 $0x0;
	s6 =	sshra.s32 s6, $0x7  }
0x272: {  	s18 =	ssub.s32 s6, s18  }
0x273: {  	s12 =	sadd.s32 $0x10, s12;
	s18 =	sshll.u32 s18, $0x7  }
0x274: {  	s10 =	rddreg [dreg:$0xe];
	p0 =	sne.s32 s12, $0x1F9;
	s18 =	sand.u32 $0x1FFFFF80, s18  }
.Ltmp0:
0x275: {  	s21 =	simm.s32 $0xF400;
	s18 =	sadd.s32 s15, s18;
	(pc) =	sbr.rel @p0 .LBB2_2-.Ltmp0, $4  }
0x276: {  	[tilespmem:s21], [sflag:$0x8] =	stream.strided.gather [hbm4b:s18+s16], $0x1000, s4, s16, $0x38;
	[tilespmem:$0x12700] =	vst v63  }
0x277: {  	s4 =	rddreg [dreg:$0xd]  }
0x278: {  	s10 =	sadd.s32 $0x100, s10;
	s21 =	smov.u32 s15;
	s18 =	rddreg [dreg:$0xf]  }
0x279: {  	v40 =	vmov v36;
	v39 =	vmov v37;
	s15 =	simm.s32 $0x7A1400;
	s18 =	sadd.s32 $0x10, s18;
	s4 =	sadd.s32 $0x10, s4  }
0x27a: {  	s4 =	rddreg [dreg:$0x1c];
	s18 =	simm.s32 $0x1  }
0x27b: {  	s10 =	sshll.u32 s4, $0x7;
	_ =	swait.ge [sflag:s18], $0x1000  }
0x27c: {  	s10 =	ssub.s32 s20, s10;
	s12 =	rddreg [dreg:$0x1e]  }
0x27d: {  	[sflag:s18] =	ssyncset.done $0x0;
	s12 =	sshll.u32 s12, $0x7;
	v36 =	vadd.s32 s10, v1  }
0x27e: {  	v37 =	vadd.s32 s10, v2;
	[sflag:s18] =	ssyncadd.s32 $0xFFFFF000;
	s12 =	ssub.s32 s19, s12  }
0x27f: {  	_ =	swait.ge [sflag:s18], $0x1000;
	v38 =	vadd.s32 s12, v1  }
0x280: {  	v39 =	vadd.s32 s12, v2;
	[sflag:s18] =	ssyncset.done $0x0  }
0x281: {  	[sflag:s18] =	ssyncadd.s32 $0xFFFFF000  }
0x282: {  	v36 =	vld.idx.msk [tilespmem:v36+s16+$0x0], $0xffff  }
0x283: {  	s4 =	simm.s32 $0x8400;
	v37 =	vld.idx.msk [tilespmem:v37+s16+$0x0], $0xffff  }
0x284: {  	v38 =	vld.idx.msk [tilespmem:v38+s4+$0x0], $0xffff  }
0x285: {  	v39 =	vld.idx.msk [tilespmem:v39+s4+$0x0], $0xffff;
	_ =	sdelay $0x4  }
0x286: {  	v36 =	vmul.f32 v38, v36;
	v37 =	vmul.f32 v39, v37;
	_ =	sdelay $0x1  }
0x287: {  	v36 =	vmul.f32 v36, v34;
	v37 =	vmul.f32 v37, v35;
	_ =	sdelay $0x1  }
0x288: {  	s20 =	rddreg [dreg:$0x1f];
	v36 =	vadd.f32 v37, v36  }
0x289: {  	s10 =	sshll.u32 s20, $0x7  }
0x28a: {  	s10 =	ssub.s32 s24, s10;
	s24 =	simm.s32 $0x2;
	[tilespmem:$0x12480] =	vst v36  }
0x28b: {  	_ =	swait.ge [sflag:s24], $0x1000  }
0x28c: {  	s18 =	sld [smem:$0x7F8];
	_ =	sdelay $0x2  }
0x28d: {  	v56 =	vadd.s32 s10, v3;
	[sflag:s24] =	ssyncset.done $0x0;
	s12 =	sshll.u32 s18, $0x7  }
0x28e: {  	v57 =	vadd.s32 s10, v4;
	[sflag:s24] =	ssyncadd.s32 $0xFFFFF000;
	s12 =	ssub.s32 s23, s12  }
0x28f: {  	_ =	swait.ge [sflag:s24], $0x1000;
	v58 =	vadd.s32 s12, v3  }
0x290: {  	[sflag:s24] =	ssyncset.done $0x0;
	v59 =	vadd.s32 s12, v4  }
0x291: {  	[sflag:s24] =	ssyncadd.s32 $0xFFFFF000  }
0x292: {  	v36 =	vld.idx.msk [tilespmem:v56+s16+$0x0], $0xffff  }
0x293: {  	v37 =	vld.idx.msk [tilespmem:v57+s16+$0x0], $0xffff  }
0x294: {  	v38 =	vld.idx.msk [tilespmem:v58+s4+$0x0], $0xffff  }
0x295: {  	v39 =	vld.idx.msk [tilespmem:v59+s4+$0x0], $0xffff;
	_ =	sdelay $0x4  }
0x296: {  	v36 =	vmul.f32 v38, v36;
	v37 =	vmul.f32 v39, v37;
	_ =	sdelay $0x1  }
0x297: {  	v36 =	vmul.f32 v36, v34;
	v37 =	vmul.f32 v37, v35;
	_ =	sdelay $0x1  }
0x298: {  	v36 =	vadd.f32 v37, v36;
	_ =	sdelay $0x1  }
0x299: {  	s20 =	simm.s32 $0x3;
	s19 =	sld [smem:$0x7F9];
	[tilespmem:$0x12490] =	vst v36  }
0x29a: {  	_ =	swait.ge [sflag:s20], $0x1000  }
0x29b: {  	s23 =	sld [smem:$0x7FA]  }
0x29c: {  	s10 =	sshll.u32 s19, $0x7  }
0x29d: {  	s10 =	ssub.s32 s31, s10  }
0x29e: {  	v60 =	vadd.s32 s10, v5;
	[sflag:s20] =	ssyncset.done $0x0;
	s12 =	sshll.u32 s23, $0x7  }
0x29f: {  	v61 =	vadd.s32 s10, v6;
	[sflag:s20] =	ssyncadd.s32 $0xFFFFF000;
	s12 =	ssub.s32 s30, s12  }
0x2a0: {  	_ =	swait.ge [sflag:s20], $0x1000;
	v62 =	vadd.s32 s12, v5  }
0x2a1: {  	[sflag:s20] =	ssyncset.done $0x0;
	v63 =	vadd.s32 s12, v6  }
0x2a2: {  	[sflag:s20] =	ssyncadd.s32 $0xFFFFF000  }
0x2a3: {  	v36 =	vld.idx.msk [tilespmem:v60+s16+$0x0], $0xffff  }
0x2a4: {  	v37 =	vld.idx.msk [tilespmem:v61+s16+$0x0], $0xffff  }
0x2a5: {  	v38 =	vld.idx.msk [tilespmem:v62+s4+$0x0], $0xffff  }
0x2a6: {  	v39 =	vld.idx.msk [tilespmem:v63+s4+$0x0], $0xffff;
	_ =	sdelay $0x4  }
0x2a7: {  	v36 =	vmul.f32 v38, v36;
	v37 =	vmul.f32 v39, v37;
	_ =	sdelay $0x1  }
0x2a8: {  	v36 =	vmul.f32 v36, v34;
	v37 =	vmul.f32 v37, v35;
	_ =	sdelay $0x1  }
0x2a9: {  	v36 =	vadd.f32 v37, v36;
	_ =	sdelay $0x1  }
0x2aa: {  	s24 =	sld [smem:$0x7FB];
	s30 =	simm.s32 $0x4;
	[tilespmem:$0x124A0] =	vst v36  }
0x2ab: {  	_ =	swait.ge [sflag:s30], $0x1000  }
0x2ac: {  	s31 =	sld [smem:$0x7FC]  }
0x2ad: {  	s10 =	sshll.u32 s24, $0x7  }
0x2ae: {  	s5 =	ssub.s32 s5, s10  }
0x2af: {  	v42 =	vadd.s32 s5, v7;
	[sflag:s30] =	ssyncset.done $0x0;
	s10 =	sshll.u32 s31, $0x7  }
0x2b0: {  	v43 =	vadd.s32 s5, v8;
	[sflag:s30] =	ssyncadd.s32 $0xFFFFF000;
	s3 =	ssub.s32 s3, s10  }
0x2b1: {  	_ =	swait.ge [sflag:s30], $0x1000;
	v44 =	vadd.s32 s3, v7  }
0x2b2: {  	[sflag:s30] =	ssyncset.done $0x0;
	v45 =	vadd.s32 s3, v8  }
0x2b3: {  	[sflag:s30] =	ssyncadd.s32 $0xFFFFF000  }
0x2b4: {  	v36 =	vld.idx.msk [tilespmem:v42+s16+$0x0], $0xffff  }
0x2b5: {  	v37 =	vld.idx.msk [tilespmem:v43+s16+$0x0], $0xffff  }
0x2b6: {  	v38 =	vld.idx.msk [tilespmem:v44+s4+$0x0], $0xffff  }
0x2b7: {  	v39 =	vld.idx.msk [tilespmem:v45+s4+$0x0], $0xffff;
	_ =	sdelay $0x4  }
0x2b8: {  	v36 =	vmul.f32 v38, v36;
	v37 =	vmul.f32 v39, v37;
	_ =	sdelay $0x1  }
0x2b9: {  	v36 =	vmul.f32 v36, v34;
	v37 =	vmul.f32 v37, v35  }
0x2ba: {  	s10 =	sld [smem:$0x7FD]  }
0x2bb: {  	v36 =	vadd.f32 v37, v36;
	_ =	sdelay $0x1  }
0x2bc: {  	s12 =	simm.s32 $0x5;
	s3 =	sshll.u32 s10, $0x7;
	[tilespmem:$0x124B0] =	vst v36  }
0x2bd: {  	s3 =	ssub.s32 s13, s3;
	_ =	swait.ge [sflag:s12], $0x1000  }
0x2be: {  	s1 =	sshll.u32 s1, $0x7;
	v46 =	vadd.s32 s3, v9;
	[sflag:s12] =	ssyncset.done $0x0  }
0x2bf: {  	s1 =	ssub.s32 s7, s1;
	v47 =	vadd.s32 s3, v10;
	[sflag:s12] =	ssyncadd.s32 $0xFFFFF000  }
0x2c0: {  	v48 =	vadd.s32 s1, v9;
	_ =	swait.ge [sflag:s12], $0x1000  }
0x2c1: {  	v49 =	vadd.s32 s1, v10;
	[sflag:s12] =	ssyncset.done $0x0  }
0x2c2: {  	[sflag:s12] =	ssyncadd.s32 $0xFFFFF000  }
0x2c3: {  	v36 =	vld.idx.msk [tilespmem:v46+s16+$0x0], $0xffff  }
0x2c4: {  	v37 =	vld.idx.msk [tilespmem:v47+s16+$0x0], $0xffff  }
0x2c5: {  	v38 =	vld.idx.msk [tilespmem:v48+s4+$0x0], $0xffff  }
0x2c6: {  	v39 =	vld.idx.msk [tilespmem:v49+s4+$0x0], $0xffff;
	_ =	sdelay $0x4  }
0x2c7: {  	v36 =	vmul.f32 v38, v36;
	v37 =	vmul.f32 v39, v37;
	_ =	sdelay $0x1  }
0x2c8: {  	v36 =	vmul.f32 v36, v34;
	v37 =	vmul.f32 v37, v35;
	_ =	sdelay $0x1  }
0x2c9: {  	v36 =	vadd.f32 v37, v36;
	_ =	sdelay $0x1  }
0x2ca: {  	s18 =	simm.s32 $0x6;
	s13 =	sshll.u32 s11, $0x7;
	[tilespmem:$0x124C0] =	vst v36  }
0x2cb: {  	s1 =	ssub.s32 s2, s13;
	_ =	swait.ge [sflag:s18], $0x1000  }
0x2cc: {  	s19 =	sshll.u32 s14, $0x7;
	v50 =	vadd.s32 s1, v11;
	[sflag:s18] =	ssyncset.done $0x0  }
0x2cd: {  	s0 =	ssub.s32 s0, s19;
	v51 =	vadd.s32 s1, v12;
	[sflag:s18] =	ssyncadd.s32 $0xFFFFF000  }
0x2ce: {  	v52 =	vadd.s32 s0, v11;
	_ =	swait.ge [sflag:s18], $0x1000  }
0x2cf: {  	v53 =	vadd.s32 s0, v12;
	[sflag:s18] =	ssyncset.done $0x0  }
0x2d0: {  	[sflag:s18] =	ssyncadd.s32 $0xFFFFF000  }
0x2d1: {  	v36 =	vld.idx.msk [tilespmem:v50+s16+$0x0], $0xffff  }
0x2d2: {  	v37 =	vld.idx.msk [tilespmem:v51+s16+$0x0], $0xffff  }
0x2d3: {  	v38 =	vld.idx.msk [tilespmem:v52+s4+$0x0], $0xffff  }
0x2d4: {  	v39 =	vld.idx.msk [tilespmem:v53+s4+$0x0], $0xffff;
	_ =	sdelay $0x4  }
0x2d5: {  	v36 =	vmul.f32 v38, v36;
	v37 =	vmul.f32 v39, v37;
	_ =	sdelay $0x1  }
0x2d6: {  	v36 =	vmul.f32 v36, v34;
	v37 =	vmul.f32 v37, v35;
	_ =	sdelay $0x1  }
0x2d7: {  	v36 =	vadd.f32 v37, v36;
	_ =	sdelay $0x1  }
0x2d8: {  	s23 =	simm.s32 $0x7;
	s20 =	sshll.u32 s8, $0x7;
	[tilespmem:$0x124D0] =	vst v36  }
0x2d9: {  	s0 =	ssub.s32 s26, s20;
	_ =	swait.ge [sflag:s23], $0x1000  }
0x2da: {  	s24 =	sshll.u32 s17, $0x7;
	v54 =	vadd.s32 s0, v13;
	[sflag:s23] =	ssyncset.done $0x0  }
0x2db: {  	v55 =	vadd.s32 s0, v14;
	s1 =	ssub.s32 s25, s24;
	[sflag:s23] =	ssyncadd.s32 $0xFFFFF000  }
0x2dc: {  	v56 =	vadd.s32 s1, v13;
	_ =	swait.ge [sflag:s23], $0x1000  }
0x2dd: {  	v57 =	vadd.s32 s1, v14;
	[sflag:s23] =	ssyncset.done $0x0  }
0x2de: {  	[sflag:s23] =	ssyncadd.s32 $0xFFFFF000  }
0x2df: {  	v36 =	vld.idx.msk [tilespmem:v54+s16+$0x0], $0xffff  }
0x2e0: {  	v37 =	vld.idx.msk [tilespmem:v55+s16+$0x0], $0xffff  }
0x2e1: {  	v38 =	vld.idx.msk [tilespmem:v56+s4+$0x0], $0xffff  }
0x2e2: {  	v39 =	vld.idx.msk [tilespmem:v57+s4+$0x0], $0xffff;
	_ =	sdelay $0x4  }
0x2e3: {  	v36 =	vmul.f32 v38, v36;
	v37 =	vmul.f32 v39, v37;
	_ =	sdelay $0x1  }
0x2e4: {  	v36 =	vmul.f32 v36, v34;
	v37 =	vmul.f32 v37, v35;
	_ =	sdelay $0x1  }
0x2e5: {  	v36 =	vadd.f32 v37, v36;
	_ =	sdelay $0x1  }
0x2e6: {  	s26 =	simm.s32 $0x8;
	s25 =	sshll.u32 s22, $0x7;
	[tilespmem:$0x124E0] =	vst v36  }
0x2e7: {  	s0 =	ssub.s32 s29, s25;
	_ =	swait.ge [sflag:s26], $0x1000  }
0x2e8: {  	s29 =	sshll.u32 s6, $0x7;
	v58 =	vadd.s32 s0, v15;
	[sflag:s26] =	ssyncset.done $0x0  }
0x2e9: {  	s1 =	ssub.s32 s28, s29;
	v59 =	vadd.s32 s0, v17;
	[sflag:s26] =	ssyncadd.s32 $0xFFFFF000  }
0x2ea: {  	v60 =	vadd.s32 s1, v15;
	_ =	swait.ge [sflag:s26], $0x1000  }
0x2eb: {  	v61 =	vadd.s32 s1, v17;
	[sflag:s26] =	ssyncset.done $0x0  }
0x2ec: {  	[sflag:s26] =	ssyncadd.s32 $0xFFFFF000  }
0x2ed: {  	v36 =	vld.idx.msk [tilespmem:v58+s16+$0x0], $0xffff  }
0x2ee: {  	v37 =	vld.idx.msk [tilespmem:v59+s16+$0x0], $0xffff  }
0x2ef: {  	v38 =	vld.idx.msk [tilespmem:v60+s4+$0x0], $0xffff  }
0x2f0: {  	s30 =	simm.s32 $0x0;
	v39 =	vld.idx.msk [tilespmem:v61+s4+$0x0], $0xffff  }
0x2f1: {  	v40 =	vmov s30  }
0x2f2: {  	vm1 =	veq.s32 v40, v0  }
0x2f3: {  	v62 =	vor.u32 s30, v0;
	vm1 =	vmand vm1, vm0  }
0x2f4: {  	v40 =	vshrl.u32 v62, $0x3;
	v41 =	vsel vm1, $0xFFFFFFFF, v18  }
0x2f5: {  	v63 =	vadd.s32 v41, v40;
	v36 =	vmul.f32 v38, v36;
	v37 =	vmul.f32 v39, v37  }
0x2f6: {  	v38 =	vshll.u32 v63, $0x7  }
0x2f7: {  	v42 =	vor.u32 v16, v38;
	v40 =	vmul.f32 v36, v34;
	v41 =	vmul.f32 v37, v35;
	_ =	sdelay $0x1  }
0x2f8: {  	v43 =	vor.u32 v19, v38;
	v34 =	vadd.f32 v41, v40;
	_ =	sdelay $0x1  }
0x2f9: {  	v45 =	vld [tilespmem:$0x10480];
	v44 =	vor.u32 v20, v38;
	[tilespmem:$0x124F0] =	vst v34  }
0x2fa: {  	v36 =	vld.idx.msk [tilespmem:v42+s9+$0x0], $0xffff  }
0x2fb: {  	v46 =	vor.u32 v21, v38  }
0x2fc: {  	v35 =	vld.idx.msk [tilespmem:v43+s9+$0x0], $0xffff  }
0x2fd: {  	v47 =	vor.u32 v22, v38  }
0x2fe: {  	v34 =	vld.idx.msk [tilespmem:v44+s9+$0x0], $0xffff  }
0x2ff: {  	v48 =	vor.u32 v23, v38;
	v36 =	vadd.f32 v36, v45  }
0x300: {  	v49 =	vld.idx.msk [tilespmem:v46+s9+$0x0], $0xffff  }
0x301: {  	v50 =	vor.u32 v24, v38;
	v35 =	vadd.f32 v35, v36  }
0x302: {  	v51 =	vld.idx.msk [tilespmem:v47+s9+$0x0], $0xffff  }
0x303: {  	v52 =	vor.u32 v25, v38;
	v34 =	vadd.f32 v34, v35  }
0x304: {  	v53 =	vld.idx.msk [tilespmem:v48+s9+$0x0], $0xffff  }
0x305: {  	v54 =	vor.u32 v26, v38;
	v34 =	vadd.f32 v49, v34  }
0x306: {  	v55 =	vld.idx.msk [tilespmem:v50+s9+$0x0], $0xffff  }
0x307: {  	v56 =	vor.u32 v27, v38;
	v34 =	vadd.f32 v51, v34  }
0x308: {  	v57 =	vld.idx.msk [tilespmem:v52+s9+$0x0], $0xffff  }
0x309: {  	v58 =	vor.u32 v28, v38;
	v34 =	vadd.f32 v53, v34  }
0x30a: {  	v59 =	vld.idx.msk [tilespmem:v54+s9+$0x0], $0xffff  }
0x30b: {  	v60 =	vor.u32 v29, v38;
	v34 =	vadd.f32 v55, v34  }
0x30c: {  	v61 =	vld.idx.msk [tilespmem:v56+s9+$0x0], $0xffff  }
0x30d: {  	v62 =	vor.u32 v30, v38;
	v34 =	vadd.f32 v57, v34  }
0x30e: {  	v63 =	vld.idx.msk [tilespmem:v58+s9+$0x0], $0xffff  }
0x30f: {  	v44 =	vor.u32 v31, v38;
	v34 =	vadd.f32 v59, v34  }
0x310: {  	v45 =	vld.idx.msk [tilespmem:v60+s9+$0x0], $0xffff  }
0x311: {  	v46 =	vor.u32 v32, v38;
	v34 =	vadd.f32 v61, v34  }
0x312: {  	v47 =	vld.idx.msk [tilespmem:v62+s9+$0x0], $0xffff  }
0x313: {  	v38 =	vor.u32 v33, v38;
	v34 =	vadd.f32 v63, v34  }
0x314: {  	v48 =	vld.idx.msk [tilespmem:v44+s9+$0x0], $0xffff  }
0x315: {  	v34 =	vadd.f32 v45, v34  }
0x316: {  	v49 =	vld.idx.msk [tilespmem:v46+s9+$0x0], $0xffff  }
0x317: {  	v34 =	vadd.f32 v47, v34  }
0x318: {  	v50 =	vld.idx.msk [tilespmem:v38+s9+$0x0], $0xffff  }
0x319: {  	v34 =	vadd.f32 v48, v34;
	_ =	sdelay $0x1  }
0x31a: {  	v34 =	vadd.f32 v49, v34;
	_ =	sdelay $0x1  }
0x31b: {  	v34 =	vadd.f32 v50, v34;
	_ =	sdelay $0x1  }
0x31c: {  	v34 =	vsub.f32 $0.0e+00, v34;
	_ =	sdelay $0x1  }
0x31d: {  	v34 =	vmul.f32 $1.442695020e+00, v34;
	_ =	sdelay $0x1  }
0x31e: {  	(erf) = vpow2.f32 v34;
	_ =	sdelay $0x8  }
0x31f: {  	v34 =	vpop (erf)  }
0x320: {  	v34 =	vadd.f32 $1.000000000e+00, v34  }
0x321: {  	s31 =	simm.s32 $0x10  }
0x322: {  	v51 =	vmov s31;
	(erf) = vrcp.f32 v34  }
0x323: {  	vm1 =	veq.s32 v51, v0  }
0x324: {  	v52 =	vor.u32 s31, v0;
	vm1 =	vmand vm1, vm0  }
0x325: {  	v53 =	vsel vm1, $0xFFFFFFFF, v18;
	v34 =	vshrl.u32 v52, $0x3  }
0x326: {  	v34 =	vadd.s32 v53, v34  }
0x327: {  	v34 =	vshll.u32 v34, $0x7  }
0x328: {  	v54 =	vor.u32 v16, v34;
	_ =	sdelay $0x2  }
0x329: {  	s0 =	simm.s32 $0x12500;
	v55 =	vor.u32 v19, v34;
	v56 =	vpop (erf)  }
0x32a: {  	[tilespmem:s0+$0x0] =	vst v56  }
0x32b: {  	v57 =	vor.u32 v20, v34;
	v35 =	vld.idx.msk [tilespmem:v54+s9+$0x0], $0xffff  }
0x32c: {  	v58 =	vld [tilespmem:$0x10480]  }
0x32d: {  	v59 =	vor.u32 v21, v34  }
0x32e: {  	v36 =	vld.idx.msk [tilespmem:v55+s9+$0x0], $0xffff  }
0x32f: {  	v60 =	vor.u32 v22, v34  }
0x330: {  	v37 =	vld.idx.msk [tilespmem:v57+s9+$0x0], $0xffff  }
0x331: {  	v61 =	vor.u32 v23, v34;
	v35 =	vadd.f32 v35, v58  }
0x332: {  	v62 =	vld.idx.msk [tilespmem:v59+s9+$0x0], $0xffff  }
0x333: {  	v63 =	vor.u32 v24, v34;
	v35 =	vadd.f32 v36, v35  }
0x334: {  	v44 =	vld.idx.msk [tilespmem:v60+s9+$0x0], $0xffff  }
0x335: {  	v45 =	vor.u32 v25, v34;
	v35 =	vadd.f32 v37, v35  }
0x336: {  	v46 =	vld.idx.msk [tilespmem:v61+s9+$0x0], $0xffff  }
0x337: {  	v47 =	vor.u32 v26, v34;
	v35 =	vadd.f32 v62, v35  }
0x338: {  	v48 =	vld.idx.msk [tilespmem:v63+s9+$0x0], $0xffff  }
0x339: {  	v49 =	vor.u32 v27, v34;
	v35 =	vadd.f32 v44, v35  }
0x33a: {  	v50 =	vld.idx.msk [tilespmem:v45+s9+$0x0], $0xffff  }
0x33b: {  	v51 =	vor.u32 v28, v34;
	v35 =	vadd.f32 v46, v35  }
0x33c: {  	v52 =	vld.idx.msk [tilespmem:v47+s9+$0x0], $0xffff  }
0x33d: {  	v53 =	vor.u32 v29, v34;
	v35 =	vadd.f32 v48, v35  }
0x33e: {  	v54 =	vld.idx.msk [tilespmem:v49+s9+$0x0], $0xffff  }
0x33f: {  	v55 =	vor.u32 v30, v34;
	v35 =	vadd.f32 v50, v35  }
0x340: {  	v56 =	vld.idx.msk [tilespmem:v51+s9+$0x0], $0xffff  }
0x341: {  	v57 =	vor.u32 v31, v34;
	v35 =	vadd.f32 v52, v35  }
0x342: {  	v58 =	vld.idx.msk [tilespmem:v53+s9+$0x0], $0xffff  }
0x343: {  	v59 =	vor.u32 v32, v34;
	v35 =	vadd.f32 v54, v35  }
0x344: {  	v60 =	vld.idx.msk [tilespmem:v55+s9+$0x0], $0xffff  }
0x345: {  	v34 =	vor.u32 v33, v34;
	v35 =	vadd.f32 v56, v35  }
0x346: {  	v61 =	vld.idx.msk [tilespmem:v57+s9+$0x0], $0xffff  }
0x347: {  	v35 =	vadd.f32 v58, v35  }
0x348: {  	v62 =	vld.idx.msk [tilespmem:v59+s9+$0x0], $0xffff  }
0x349: {  	v35 =	vadd.f32 v60, v35  }
0x34a: {  	v34 =	vld.idx.msk [tilespmem:v34+s9+$0x0], $0xffff  }
0x34b: {  	v35 =	vadd.f32 v61, v35;
	_ =	sdelay $0x1  }
0x34c: {  	v35 =	vadd.f32 v62, v35;
	_ =	sdelay $0x1  }
0x34d: {  	v34 =	vadd.f32 v34, v35;
	_ =	sdelay $0x1  }
0x34e: {  	v34 =	vsub.f32 $0.0e+00, v34;
	_ =	sdelay $0x1  }
0x34f: {  	v34 =	vmul.f32 $1.442695020e+00, v34;
	_ =	sdelay $0x1  }
0x350: {  	(erf) = vpow2.f32 v34;
	_ =	sdelay $0x8  }
0x351: {  	v34 =	vpop (erf)  }
0x352: {  	v63 =	vadd.f32 $1.000000000e+00, v34  }
0x353: {  	s1 =	simm.s32 $0x20  }
0x354: {  	s2 =	simm.s32 $0x30;
	v34 =	vmov s1;
	(erf) = vrcp.f32 v63  }
.LBB2_4:
0x355: {  	p0 =	sne.s32 s2, $0x1F0;
	vm1 =	veq.s32 v34, v0  }
0x356: {  	v34 =	vor.u32 s1, v0;
	s1 =	smov.u32 s2;
	vm1 =	vmand vm1, vm0  }
0x357: {  	v34 =	vshrl.u32 v34, $0x3;
	v35 =	vsel vm1, $0xFFFFFFFF, v18  }
0x358: {  	v34 =	vadd.s32 v35, v34  }
0x359: {  	v34 =	vshll.u32 v34, $0x7  }
0x35a: {  	v35 =	vor.u32 v16, v34;
	_ =	sdelay $0x1  }
0x35b: {  	v36 =	vor.u32 v19, v34  }
0x35c: {  	s0 =	sadd.s32 $0x10, s0;
	v37 =	vpop (erf)  }
0x35d: {  	v38 =	vor.u32 v20, v34;
	[tilespmem:s0+$0x0] =	vst v37  }
0x35e: {  	v35 =	vld.idx.msk [tilespmem:v35+s9+$0x0], $0xffff  }
0x35f: {  	v39 =	vor.u32 v21, v34;
	v37 =	vld [tilespmem:$0x10480]  }
0x360: {  	v36 =	vld.idx.msk [tilespmem:v36+s9+$0x0], $0xffff  }
0x361: {  	v40 =	vor.u32 v22, v34  }
0x362: {  	v38 =	vld.idx.msk [tilespmem:v38+s9+$0x0], $0xffff  }
0x363: {  	v41 =	vor.u32 v23, v34  }
0x364: {  	v35 =	vadd.f32 v35, v37;
	v37 =	vld.idx.msk [tilespmem:v39+s9+$0x0], $0xffff  }
0x365: {  	v39 =	vor.u32 v24, v34  }
0x366: {  	v35 =	vadd.f32 v36, v35;
	v36 =	vld.idx.msk [tilespmem:v40+s9+$0x0], $0xffff  }
0x367: {  	v40 =	vor.u32 v25, v34  }
0x368: {  	v35 =	vadd.f32 v38, v35;
	v38 =	vld.idx.msk [tilespmem:v41+s9+$0x0], $0xffff  }
0x369: {  	v41 =	vor.u32 v26, v34  }
0x36a: {  	v35 =	vadd.f32 v37, v35;
	v37 =	vld.idx.msk [tilespmem:v39+s9+$0x0], $0xffff  }
0x36b: {  	v39 =	vor.u32 v27, v34  }
0x36c: {  	v35 =	vadd.f32 v36, v35;
	v36 =	vld.idx.msk [tilespmem:v40+s9+$0x0], $0xffff  }
0x36d: {  	v40 =	vor.u32 v28, v34  }
0x36e: {  	v35 =	vadd.f32 v38, v35;
	v38 =	vld.idx.msk [tilespmem:v41+s9+$0x0], $0xffff  }
0x36f: {  	v41 =	vor.u32 v29, v34  }
0x370: {  	v35 =	vadd.f32 v37, v35;
	v37 =	vld.idx.msk [tilespmem:v39+s9+$0x0], $0xffff  }
0x371: {  	v39 =	vor.u32 v30, v34  }
0x372: {  	v35 =	vadd.f32 v36, v35;
	v36 =	vld.idx.msk [tilespmem:v40+s9+$0x0], $0xffff  }
0x373: {  	v40 =	vor.u32 v31, v34  }
0x374: {  	v35 =	vadd.f32 v38, v35;
	v38 =	vld.idx.msk [tilespmem:v41+s9+$0x0], $0xffff  }
0x375: {  	v41 =	vor.u32 v32, v34  }
0x376: {  	v35 =	vadd.f32 v37, v35;
	v37 =	vld.idx.msk [tilespmem:v39+s9+$0x0], $0xffff  }
0x377: {  	v34 =	vor.u32 v33, v34  }
0x378: {  	v35 =	vadd.f32 v36, v35;
	v36 =	vld.idx.msk [tilespmem:v40+s9+$0x0], $0xffff;
	_ =	sdelay $0x1  }
0x379: {  	v35 =	vadd.f32 v38, v35;
	v38 =	vld.idx.msk [tilespmem:v41+s9+$0x0], $0xffff;
	_ =	sdelay $0x1  }
0x37a: {  	v35 =	vadd.f32 v37, v35;
	v34 =	vld.idx.msk [tilespmem:v34+s9+$0x0], $0xffff;
	_ =	sdelay $0x1  }
0x37b: {  	v35 =	vadd.f32 v36, v35;
	_ =	sdelay $0x1  }
0x37c: {  	v35 =	vadd.f32 v38, v35;
	_ =	sdelay $0x1  }
0x37d: {  	v34 =	vadd.f32 v34, v35;
	_ =	sdelay $0x1  }
0x37e: {  	v34 =	vsub.f32 $0.0e+00, v34;
	_ =	sdelay $0x1  }
0x37f: {  	v34 =	vmul.f32 $1.442695020e+00, v34;
	_ =	sdelay $0x1  }
0x380: {  	(erf) = vpow2.f32 v34;
	_ =	sdelay $0x7  }
.Ltmp1:
0x381: {  	(pc) =	sbr.rel @p0 .LBB2_4-.Ltmp1, $3  }
0x382: {  	v34 =	vpop (erf)  }
0x383: {  	v35 =	vadd.f32 $1.000000000e+00, v34;
	_ =	sdelay $0x1  }
0x384: {  	s2 =	sadd.s32 $0x10, s2;
	v34 =	vmov s1;
	(erf) = vrcp.f32 v35  }
0x385: {  	vm1 =	veq.s32 v34, v0  }
0x386: {  	v60 =	vor.u32 s1, v0;
	vm1 =	vmand vm1, vm0  }
0x387: {  	v34 =	vshrl.u32 v60, $0x3;
	v35 =	vsel vm1, $0xFFFFFFFF, v18  }
0x388: {  	v34 =	vadd.s32 v35, v34  }
0x389: {  	v34 =	vshll.u32 v34, $0x7  }
0x38a: {  	v61 =	vor.u32 v16, v34;
	_ =	sdelay $0x2  }
0x38b: {  	s0 =	sadd.s32 $0x10, s0;
	v36 =	vor.u32 v19, v34;
	v37 =	vpop (erf)  }
0x38c: {  	[tilespmem:s0+$0x0] =	vst v37  }
0x38d: {  	v62 =	vor.u32 v20, v34;
	v35 =	vld.idx.msk [tilespmem:v61+s9+$0x0], $0xffff  }
0x38e: {  	v38 =	vld [tilespmem:$0x10480]  }
0x38f: {  	v39 =	vor.u32 v21, v34  }
0x390: {  	v36 =	vld.idx.msk [tilespmem:v36+s9+$0x0], $0xffff  }
0x391: {  	v40 =	vor.u32 v22, v34  }
0x392: {  	v37 =	vld.idx.msk [tilespmem:v62+s9+$0x0], $0xffff  }
0x393: {  	v41 =	vor.u32 v23, v34;
	v35 =	vadd.f32 v35, v38  }
0x394: {  	v63 =	vld.idx.msk [tilespmem:v39+s9+$0x0], $0xffff  }
0x395: {  	v44 =	vor.u32 v24, v34;
	v35 =	vadd.f32 v36, v35  }
0x396: {  	v45 =	vld.idx.msk [tilespmem:v40+s9+$0x0], $0xffff  }
0x397: {  	v46 =	vor.u32 v25, v34;
	v35 =	vadd.f32 v37, v35  }
0x398: {  	v47 =	vld.idx.msk [tilespmem:v41+s9+$0x0], $0xffff  }
0x399: {  	v48 =	vor.u32 v26, v34;
	v35 =	vadd.f32 v63, v35  }
0x39a: {  	v49 =	vld.idx.msk [tilespmem:v44+s9+$0x0], $0xffff  }
0x39b: {  	v50 =	vor.u32 v27, v34;
	v35 =	vadd.f32 v45, v35  }
0x39c: {  	v51 =	vld.idx.msk [tilespmem:v46+s9+$0x0], $0xffff  }
0x39d: {  	v52 =	vor.u32 v28, v34;
	v35 =	vadd.f32 v47, v35  }
0x39e: {  	v53 =	vld.idx.msk [tilespmem:v48+s9+$0x0], $0xffff  }
0x39f: {  	v54 =	vor.u32 v29, v34;
	v35 =	vadd.f32 v49, v35  }
0x3a0: {  	v55 =	vld.idx.msk [tilespmem:v50+s9+$0x0], $0xffff  }
0x3a1: {  	v56 =	vor.u32 v30, v34;
	v35 =	vadd.f32 v51, v35  }
0x3a2: {  	v57 =	vld.idx.msk [tilespmem:v52+s9+$0x0], $0xffff  }
0x3a3: {  	v58 =	vor.u32 v31, v34;
	v35 =	vadd.f32 v53, v35  }
0x3a4: {  	v59 =	vld.idx.msk [tilespmem:v54+s9+$0x0], $0xffff  }
0x3a5: {  	v60 =	vor.u32 v32, v34;
	v35 =	vadd.f32 v55, v35  }
0x3a6: {  	v61 =	vld.idx.msk [tilespmem:v56+s9+$0x0], $0xffff  }
0x3a7: {  	v34 =	vor.u32 v33, v34;
	v35 =	vadd.f32 v57, v35  }
0x3a8: {  	v62 =	vld.idx.msk [tilespmem:v58+s9+$0x0], $0xffff  }
0x3a9: {  	v35 =	vadd.f32 v59, v35  }
0x3aa: {  	v63 =	vld.idx.msk [tilespmem:v60+s9+$0x0], $0xffff  }
0x3ab: {  	v35 =	vadd.f32 v61, v35  }
0x3ac: {  	v34 =	vld.idx.msk [tilespmem:v34+s9+$0x0], $0xffff  }
0x3ad: {  	v35 =	vadd.f32 v62, v35;
	_ =	sdelay $0x1  }
0x3ae: {  	v35 =	vadd.f32 v63, v35;
	_ =	sdelay $0x1  }
0x3af: {  	v34 =	vadd.f32 v34, v35;
	_ =	sdelay $0x1  }
0x3b0: {  	v34 =	vsub.f32 $0.0e+00, v34;
	_ =	sdelay $0x1  }
0x3b1: {  	v34 =	vmul.f32 $1.442695020e+00, v34;
	_ =	sdelay $0x1  }
0x3b2: {  	(erf) = vpow2.f32 v34;
	_ =	sdelay $0x8  }
0x3b3: {  	v34 =	vpop (erf)  }
0x3b4: {  	v34 =	vadd.f32 $1.000000000e+00, v34;
	_ =	sdelay $0x1  }
0x3b5: {  	(erf) = vrcp.f32 v34;
	_ =	sdelay $0x8  }
0x3b6: {  	s7 =	simm.s32 $0x0;
	s0 =	sadd.s32 $0x10, s0;
	v34 =	vpop (erf)  }
0x3b7: {  	s29 =	rddreg [dreg:$0xa];
	s30 =	simm.s32 $0x12500;
	s1 =	simm.s32 $0x9;
	[tilespmem:s0+$0x0] =	vst v34  }
0x3b8: {  	[hbm4b:s29+s7] =	stream.linear.scatter [tilespmem:s30], [sflag:$0x9], $0x200, $0x38;
	[tilespmem:$0x12700] =	vst v63  }
0x3b9: {  	_ =	swait.ge [sflag:s1], $0x200  }
0x3ba: {  	s2 =	rddreg [dreg:$0xc]  }
0x3bb: {  	s31 =	rddreg [dreg:$0xb];
	s2 =	sadd.s32 $0x1, s2  }
0x3bc: {  	p0 =	sne.s32 s2, s31  }
.Ltmp2:
0x3bd: {  	_ = 	snop;
	(pc) =	sbr.rel @p0 .LBB2_1-.Ltmp2, $3  }
0x3be: {  	_ =	sdelay $0x1  }
0x3bf: {  	[sflag:s1] =	ssyncset.done $0x0  }
0x3c0: {  	[sflag:s1] =	ssyncadd.s32 $0xFFFFFE00  }
0x3c1: {  	_ =	sfence.sel $0x180000  }
0x3c2: {  	[bflag:$0x0] =	sbarrier.arrive $0xFFFF  }
0x3c3: {  	_ =	strace $0x90000047  }
0x3c4: {  	s0 =	stileid.u32;
	[bflag:$0x2] =	sbarrier.arrive $0xFFFF  }
0x3c5: {  	p0 =	sne.s32 s0, $0x0;
	s0 =	rddreg [dreg:$0x7]  }
0x3c6: {  	s0 =	sadd.s32 @!p0 $0x100000, s0  }
0x3c7: {  	[sflag:s0] =	ssyncadd.tile.s32 @!p0 $0x1;
	_ =	shalt  }
.Lfunc_end2:
_tile_overlayer_lowered:
.L_overlay_start_2:
0x3c8: {  	(tag) =	ssettag $0x2  }
0x3c9: {  	s0 =	rddreg [dreg:$0x0];
	s2 =	stileid.u32  }
0x3ca: {  	s1 =	rddreg [dreg:$0x1];
	p0 =	sne.s32 s2, $0x0  }
0x3cb: {  	s3 =	rddreg [dreg:$0x2];
	[bflag:$0x3] =	sbarrier.arrive $0xFFFF;
	s2 =	simm.s32 @!p0 $0x1C09  }
0x3cc: {  	[timem:s3], [sflag:s2] =	dma.local @!p0 [hbm:s0], s1  }
0x3cd: {  	s0 =	simm.s32 @!p0 $0x9  }
0x3ce: {  	_ =	swait.ge @!p0 [sflag:s0], s1  }
0x3cf: {  	s1 =	ssub.s32 @!p0 $0x0, s1;
	[sflag:s0] =	ssyncset.done @!p0 $0x0  }
0x3d0: {  	[sflag:s0] =	ssyncadd.s32 @!p0 s1  }
0x3d1: {  	[bflag:$0x3] =	sbarrier.arrive $0xFFFF  }
0x3d2: {  	_ =	shalt  }

</sc_bundles>
